<compile_context>
chip_gen: v7x
topology: tpu7x:2x2x1
jax: 0.10.2.dev20260603
libtpu: 0.0.44.dev20260713+nightly
codegen_flags: <defaults>
</compile_context>

<pallas_src>
import functools

import jax
import jax.numpy as jnp
from jax import lax
from jax.experimental import pallas as pl
from jax.experimental.pallas import tpu as pltpu
from jax.experimental.pallas import tpu_sc as plsc

_N = 65536
_DIM = 64
_C = 128
_K = 32
_KB = 6
_EPS = 1e-6
_MARGIN = 1.0
_B = 256
_NB = _N // _B
_NEG = -1e30
_CHUNK = 256

_NW = 32
_ROWS_PER_TILE = (_NB * _KB) // _NW


def _lanes():
  return lax.broadcasted_iota(jnp.int32, (1, _C), 1)



def _tc_a_body(x_ref, y2_ref, y0_ref,
               cp_out, cn_out, mp_out, mn_out, ut_out, un_out,
               csum_ref, cnt_ref, ut_ref, un_ref, mp_ref, mn_ref,
               cp_ref, cn_ref):
  p = pl.program_id(0)
  b = pl.program_id(1)
  lanes = _lanes()

  @pl.when(jnp.logical_and(p == 0, b == 0))
  def _init():
    csum_ref[...] = jnp.zeros((_DIM, _C), jnp.float32)
    cnt_ref[...] = jnp.zeros((1, _C), jnp.float32)

  @pl.when(p == 0)
  def _accum():
    oh = (y2_ref[...] == lanes).astype(jnp.float32)
    csum_ref[...] += lax.dot_general(
        x_ref[...], oh, (((0,), (0,)), ((), ())),
        preferred_element_type=jnp.float32)
    cnt_ref[...] += jnp.sum(oh, axis=0, keepdims=True)

  @pl.when(jnp.logical_and(p == 1, b == 0))
  def _centers():
    ut = csum_ref[...] / cnt_ref[...] + _EPS
    ut_ref[...] = ut
    un = jnp.sum(ut * ut, axis=0, keepdims=True)
    un_ref[...] = un
    ut_out[...] = ut
    un_out[...] = un

  @pl.when(p == 1)
  def _distance_block():
    x_blk = x_ref[...]
    cross = lax.dot_general(
        x_blk, ut_ref[...], (((1,), (0,)), ((), ())),
        preferred_element_type=jnp.float32)
    xnorm = jnp.sum(x_blk * x_blk, axis=1, keepdims=True)
    d2 = jnp.maximum(un_ref[...] - 2.0 * cross + xnorm, 0.0)
    ppos = jnp.where(y2_ref[...] == lanes, d2, _NEG)
    pneg = jnp.where(y0_ref[...] != lanes, -d2, _NEG)

    def extract(dst_ref, pv):
      def body(k, carry):
        pv, _ = carry
        m = jnp.max(pv, axis=0, keepdims=True)
        dst_ref[pl.ds(b * _KB + k, 1), :] = m
        return jnp.where(pv == m, _NEG, pv), m
      _, last = lax.fori_loop(0, _KB, body,
                              (pv, jnp.full((1, _C), _NEG, jnp.float32)))
      return last

    mp_ref[pl.ds(b, 1), :] = extract(cp_ref, ppos)
    mn_ref[pl.ds(b, 1), :] = extract(cn_ref, pneg)

  @pl.when(jnp.logical_and(p == 1, b == _NB - 1))
  def _emit_m():
    mp_out[...] = mp_ref[...]
    mn_out[...] = mn_ref[...]
    cp_out[...] = cp_ref[...]
    cn_out[...] = cn_ref[...]


def _tc_a(x, y2, y0):
  return pl.pallas_call(
      _tc_a_body,
      grid=(2, _NB),
      in_specs=[
          pl.BlockSpec((_B, _DIM), lambda p, b: (b, 0)),
          pl.BlockSpec((_B, 1), lambda p, b: (b, 0)),
          pl.BlockSpec((_B, 1), lambda p, b: (b, 0)),
      ],
      out_specs=[
          pl.BlockSpec((_NB * _KB, _C), lambda p, b: (0, 0)),
          pl.BlockSpec((_NB * _KB, _C), lambda p, b: (0, 0)),
          pl.BlockSpec((_NB, _C), lambda p, b: (0, 0)),
          pl.BlockSpec((_NB, _C), lambda p, b: (0, 0)),
          pl.BlockSpec((_DIM, _C), lambda p, b: (0, 0)),
          pl.BlockSpec((1, _C), lambda p, b: (0, 0)),
      ],
      out_shape=[
          jax.ShapeDtypeStruct((_NB * _KB, _C), jnp.float32),
          jax.ShapeDtypeStruct((_NB * _KB, _C), jnp.float32),
          jax.ShapeDtypeStruct((_NB, _C), jnp.float32),
          jax.ShapeDtypeStruct((_NB, _C), jnp.float32),
          jax.ShapeDtypeStruct((_DIM, _C), jnp.float32),
          jax.ShapeDtypeStruct((1, _C), jnp.float32),
      ],
      scratch_shapes=[
          pltpu.VMEM((_DIM, _C), jnp.float32),
          pltpu.VMEM((1, _C), jnp.float32),
          pltpu.VMEM((_DIM, _C), jnp.float32),
          pltpu.VMEM((1, _C), jnp.float32),
          pltpu.VMEM((_NB, _C), jnp.float32),
          pltpu.VMEM((_NB, _C), jnp.float32),
          pltpu.VMEM((_NB * _KB, _C), jnp.float32),
          pltpu.VMEM((_NB * _KB, _C), jnp.float32),
      ],
      compiler_params=pltpu.CompilerParams(
          dimension_semantics=("arbitrary", "arbitrary")),
  )(x, y2, y0)



def _s16(v):
  k, _ = plsc.sort_key_val(v, v, descending=True)
  return k


def _merge16(a, b):
  br = lax.rev(b, (0,))
  return _s16(jnp.maximum(a, br)), _s16(jnp.minimum(a, br))


def _merge32(ahi, alo, bhi, blo):
  h1 = jnp.maximum(ahi, lax.rev(blo, (0,)))
  h2 = jnp.maximum(alo, lax.rev(bhi, (0,)))
  return _s16(jnp.maximum(h1, h2)), _s16(jnp.minimum(h1, h2))


_SC_MESH = plsc.VectorSubcoreMesh(core_axis_name="c", subcore_axis_name="s")



def _sc_b1(cp, cn):
  @functools.partial(
      pl.kernel, mesh=_SC_MESH,
      out_type=[
          jax.ShapeDtypeStruct((_NW, _C, _K), jnp.float32),
          jax.ShapeDtypeStruct((_NW, _C, _K), jnp.float32),
      ],
      compiler_params=pltpu.CompilerParams(needs_layout_passes=False),
      scratch_types=[
          pltpu.VMEM((_ROWS_PER_TILE, _C), jnp.float32),
          pltpu.VMEM((_C, _K), jnp.float32),
      ],
  )
  def b1(cp_hbm, cn_hbm, pp_out, pn_out, buf, ob):
    cid = lax.axis_index("c")
    sid = lax.axis_index("s")
    wid = cid * 16 + sid
    ngrp = _ROWS_PER_TILE // 16
    rows = [lax.iota(jnp.int32, 16) + 16 * g for g in range(ngrp)]
    neg16 = jnp.full((16,), _NEG, jnp.float32)

    def one_side(src_hbm, dst_hbm):
      pltpu.sync_copy(src_hbm.at[pl.ds(wid * _ROWS_PER_TILE, _ROWS_PER_TILE), :],
                      buf)

      def cls(c, _):
        cols = jnp.full((16,), 0, jnp.int32) + c
        v = [_s16(plsc.load_gather(buf, [rows[g], cols]))
             for g in range(ngrp)]
        hi, lo = v[0], neg16
        for g in range(1, ngrp):
          hi, lo = _merge32(hi, lo, v[g], neg16)
        ob[c, pl.ds(0, 16)] = hi
        ob[c, pl.ds(16, 16)] = lo
        return 0
      lax.fori_loop(0, _C, cls, 0)
      pltpu.sync_copy(ob, dst_hbm.at[wid])

    one_side(cp_hbm, pp_out)
    one_side(cn_hbm, pn_out)

  return b1(cp, cn)



def _sc_b2(pp, pn, mp, mn):
  cpt = _C // _NW

  @functools.partial(
      pl.kernel, mesh=_SC_MESH,
      out_type=[
          jax.ShapeDtypeStruct((_C, _K), jnp.float32),
          jax.ShapeDtypeStruct((_C, _K), jnp.float32),
          jax.ShapeDtypeStruct((_NW, 16), jnp.int32),
      ],
      compiler_params=pltpu.CompilerParams(needs_layout_passes=False),
      scratch_types=[
          pltpu.VMEM((_NW, _K), jnp.float32),
          pltpu.VMEM((_NB, _C), jnp.float32),
          pltpu.VMEM((cpt, _K), jnp.float32),
          pltpu.VMEM((16,), jnp.float32),
          pltpu.VMEM((16,), jnp.int32),
          pltpu.SemaphoreType.DMA,
      ],
  )
  def b2(pp_hbm, pn_hbm, mp_hbm, mn_hbm, dp_out, dn_out, tg_out,
         lists, mbuf, obuf, tbuf, trow, sem):
    cid = lax.axis_index("c")
    sid = lax.axis_index("s")
    wid = cid * 16 + sid
    c0 = wid * cpt
    rows16 = [lax.iota(jnp.int32, 16) + 16 * g for g in range(_NB // 16)]

    def side(src_hbm, m_hbm, dst_hbm, trig_in):
      pltpu.sync_copy(m_hbm, mbuf)

      def cls(j, trig):
        c = c0 + j
        for t in range(_NW):
          pltpu.async_copy(src_hbm.at[t, c], lists.at[t], sem)
        for t in range(_NW):
          pltpu.make_async_copy(src_hbm.at[t, c], lists.at[t], sem).wait()
        hi = lists[0, pl.ds(0, 16)]
        lo = lists[0, pl.ds(16, 16)]

        def mrg(t, carry):
          hi, lo = carry
          return _merge32(hi, lo, lists[t, pl.ds(0, 16)],
                          lists[t, pl.ds(16, 16)])
        hi, lo = lax.fori_loop(1, _NW, mrg, (hi, lo))
        obuf[j, pl.ds(0, 16)] = hi
        obuf[j, pl.ds(16, 16)] = lo
        tbuf[...] = lo
        t32 = plsc.load_gather(tbuf, [jnp.full((16,), 15, jnp.int32)])
        cols = jnp.full((16,), 0, jnp.int32) + c
        acc = jnp.full((16,), _NEG, jnp.float32)
        for g in range(_NB // 16):
          acc = jnp.maximum(acc, plsc.load_gather(mbuf, [rows16[g], cols]))
        hit = (acc >= t32) & (t32 > -1e29)
        nhit = lax.reduce_max(hit.astype(jnp.int32), (0,))
        live = (c < 100).astype(jnp.int32)
        return trig | (nhit * live)
      trig = lax.fori_loop(0, cpt, cls, trig_in)
      pltpu.sync_copy(obuf, dst_hbm.at[pl.ds(c0, cpt), :])
      return trig

    trig = side(pp_hbm, mp_hbm, dp_out, 0)
    trig = side(pn_hbm, mn_hbm, dn_out, trig)
    trow[...] = jnp.full((16,), 0, jnp.int32) + trig
    pltpu.sync_copy(trow, tg_out.at[wid])

  return b2(pp, pn, mp, mn)



def _tc_c_body(x_ref, y2_ref, y0_ref, dpt_ref, dnt_ref, tg_ref,
               ut_in, un_in, out_ref,
               bp_ref, bn_ref, dp_ref, dn_ref, trig_ref):
  b = pl.program_id(0)
  lanes = _lanes()

  @pl.when(b == 0)
  def _check():
    trig_ref[0] = (jnp.sum(tg_ref[...]) > 0).astype(jnp.int32)
    d_ap = jnp.sqrt(jnp.maximum(dpt_ref[...], 0.0))
    d_an = jnp.sqrt(jnp.maximum(-dnt_ref[...], 0.0))
    hinge = jnp.maximum(d_ap - d_an + _MARGIN, 0.0)
    lo = jnp.sum(hinge, axis=1, keepdims=True) / float(_K)
    present = dpt_ref[...][:, 0:1] > -1e29
    lo = jnp.where(present, lo, 0.0)
    n_present = jnp.sum(present.astype(jnp.float32))
    out_ref[...] = jnp.sum(lo, axis=0, keepdims=True) / n_present

  @pl.when(trig_ref[0] != 0)
  def _slow_block():
    x_blk = x_ref[...]
    cross = lax.dot_general(
        x_blk, ut_in[...], (((1,), (0,)), ((), ())),
        preferred_element_type=jnp.float32)
    xnorm = jnp.sum(x_blk * x_blk, axis=1, keepdims=True)
    d2 = jnp.maximum(un_in[...] - 2.0 * cross + xnorm, 0.0)
    ppos = jnp.where(y2_ref[...] == lanes, d2, _NEG)
    pneg = jnp.where(y0_ref[...] != lanes, -d2, _NEG)

    def extract(dst_ref, base, pv):
      def body(k, carry):
        pv, _ = carry
        m = jnp.max(pv, axis=0, keepdims=True)
        dst_ref[pl.ds(base + k, 1), :] = m
        return jnp.where(pv == m, _NEG, pv), m
      lax.fori_loop(0, _K, body,
                    (pv, jnp.full((1, _C), _NEG, jnp.float32)))
    extract(bp_ref, b * _K, ppos)
    extract(bn_ref, b * _K, pneg)

  @pl.when(jnp.logical_and(b == _NB - 1, trig_ref[0] != 0))
  def _slow_finish():
    def merge(src_ref, dst_ref):
      nchunks = (_NB * _K) // _CHUNK
      def kbody(k, _):
        def cmax(ci, m):
          blk = src_ref[pl.ds(ci * _CHUNK, _CHUNK), :]
          return jnp.maximum(m, jnp.max(blk, axis=0, keepdims=True))
        m = lax.fori_loop(0, nchunks, cmax,
                          jnp.full((1, _C), _NEG, jnp.float32))
        dst_ref[pl.ds(k, 1), :] = m
        def cupd(ci, _):
          blk = src_ref[pl.ds(ci * _CHUNK, _CHUNK), :]
          src_ref[pl.ds(ci * _CHUNK, _CHUNK), :] = jnp.where(
              blk == m, _NEG, blk)
          return 0
        lax.fori_loop(0, nchunks, cupd, 0)
        return 0
      lax.fori_loop(0, _K, kbody, 0)
    merge(bp_ref, dp_ref)
    merge(bn_ref, dn_ref)
    d_ap = jnp.sqrt(jnp.maximum(dp_ref[...], 0.0))
    d_an = jnp.sqrt(jnp.maximum(-dn_ref[...], 0.0))
    hinge = jnp.maximum(d_ap - d_an + _MARGIN, 0.0)
    lo = jnp.sum(hinge, axis=0, keepdims=True) / float(_K)
    present = dp_ref[...][0:1, :] > -1e29
    lo = jnp.where(present, lo, 0.0)
    n_present = jnp.sum(present.astype(jnp.float32))
    out_ref[...] = (jnp.sum(lo, axis=1, keepdims=True) / n_present).reshape(1, 1)


def _tc_c(x, y2, y0, dpt, dnt, tg, ut, un):
  return pl.pallas_call(
      _tc_c_body,
      grid=(_NB,),
      in_specs=[
          pl.BlockSpec((_B, _DIM), lambda b: (b, 0)),
          pl.BlockSpec((_B, 1), lambda b: (b, 0)),
          pl.BlockSpec((_B, 1), lambda b: (b, 0)),
          pl.BlockSpec((_C, _K), lambda b: (0, 0)),
          pl.BlockSpec((_C, _K), lambda b: (0, 0)),
          pl.BlockSpec((_NW, 16), lambda b: (0, 0)),
          pl.BlockSpec((_DIM, _C), lambda b: (0, 0)),
          pl.BlockSpec((1, _C), lambda b: (0, 0)),
      ],
      out_specs=pl.BlockSpec((1, 1), lambda b: (0, 0)),
      out_shape=jax.ShapeDtypeStruct((1, 1), jnp.float32),
      scratch_shapes=[
          pltpu.VMEM((_NB * _K, _C), jnp.float32),
          pltpu.VMEM((_NB * _K, _C), jnp.float32),
          pltpu.VMEM((_K, _C), jnp.float32),
          pltpu.VMEM((_K, _C), jnp.float32),
          pltpu.SMEM((1,), jnp.int32),
      ],
      compiler_params=pltpu.CompilerParams(
          dimension_semantics=("arbitrary",)),
  )(x, y2, y0, dpt, dnt, tg, ut, un)


@functools.partial(jax.jit, static_argnames=())
def kernel(x, y):
  y2 = y[:, 2:3]
  y0 = y[:, 0:1]
  cp, cn, mp, mn, ut, un = _tc_a(x, y2, y0)
  pp, pn = _sc_b1(cp, cn)
  dpt, dnt, tg = _sc_b2(pp, pn, mp, mn)
  out = _tc_c(x, y2, y0, dpt, dnt, tg, ut, un)
  return out.reshape((1,))

# --- scband reference (transcript-rebuilt; emitter-appended) ---
"""Pipeline reference for scband-torch-trip-loss-11991548690923 (READ-ONLY COPY).

The authoritative reference and input builder live on the scoring server;
editing this copy changes nothing except your own understanding.
"""

import jax, jax.numpy as jnp
import numpy as np

D = 128
OVERLAP_RATIO = 0.25
NUM_OVERLAB = int(D * OVERLAP_RATIO)  # 32
DIM_OUT = 64
EPS = 1e-6
MARGIN = 1.0
N = 65536
NUM_CLASSES = 100


def setup_inputs(seed: int = 0) -> dict:
    key = jax.random.key(seed)
    k1, k2 = jax.random.split(key)
    x = jax.random.normal(k1, (N, DIM_OUT), dtype=jnp.float32)
    y = jax.random.randint(k2, (N, 3), 0, NUM_CLASSES, dtype=jnp.int32)
    return {"x": x, "y": y}


def _pdist(a, b):
    # torch.nn.PairwiseDistance(p=2) with default eps=1e-6: ||a - b + eps||_2
    return jnp.sqrt(jnp.sum((a - b + EPS) ** 2, axis=-1))


def reference(x, y):
    y2 = y[:, 2]
    y0 = y[:, 0]
    n = x.shape[0]
    row_ids = jnp.arange(n)

    def body(ct, carry):
        loss, n_present = carry
        mask = y2 == ct
        count = jnp.sum(mask)
        present = count > 0
        perm = jnp.argsort(jnp.logical_not(mask))
        x_front = x[perm, :]
        x_zeroed = jnp.where((row_ids < count)[:, None], x_front, 0.0)
        center = jnp.sum(x_zeroed, axis=0) / count
        a = jnp.tile(center.reshape(1, -1), (NUM_OVERLAB, 1))
        d_all = _pdist(center, x)
        # hard positives: farthest from center within class (by y[:,2])
        pos_key = jnp.where(mask, -d_all, jnp.inf)
        pos_id = jnp.argsort(pos_key)[:NUM_OVERLAB]
        pos_x = x[pos_id, :]
        # hard negatives: closest to center among samples with y[:,0] != ct
        neg_key = jnp.where(y0 != ct, d_all, jnp.inf)
        neg_id = jnp.argsort(neg_key)[:NUM_OVERLAB]
        neg_x = x[neg_id, :]
        # TripletMarginLoss(margin=1.0, p=2), mean reduction
        d_ap = _pdist(a, pos_x)
        d_an = _pdist(a, neg_x)
        lo = jnp.mean(jnp.maximum(d_ap - d_an + MARGIN, 0.0))
        loss = loss + jnp.where(present, lo, 0.0)
        n_present = n_present + jnp.where(present, 1, 0).astype(jnp.int32)
        return loss, n_present

    init = (jnp.zeros((1,), dtype=jnp.float32), jnp.zeros((), dtype=jnp.int32))
    loss, n_present = jax.lax.fori_loop(0, NUM_CLASSES, body, init)
    return loss / n_present

if __name__ == "__main__":
    import jax
    _d = setup_inputs()
    print(jax.jit(kernel)(*tuple(_d.values())))

</pallas_src>

<mosaic_0001>
#map = affine_map<(d0, d1) -> (0, 0)>
#map1 = affine_map<(d0, d1) -> (0, 0, 0)>
module attributes {stable_mosaic.version = 14 : i64} {
  func.func @b1(%arg0: i32, %arg1: i32, %arg2: memref<1536x128xf32, #tpu.memory_space<hbm>>, %arg3: memref<1536x128xf32, #tpu.memory_space<hbm>>, %arg4: memref<32x128x32xf32, #tpu.memory_space<hbm>>, %arg5: memref<32x128x32xf32, #tpu.memory_space<hbm>>, %arg6: memref<48x128xf32, #tpu.memory_space<vmem>>, %arg7: memref<128x32xf32, #tpu.memory_space<vmem>>) attributes {dimension_semantics = [#tpu.dimension_semantics<core_parallel>, #tpu.dimension_semantics<subcore_parallel>], iteration_bounds = array<i64: 2, 16>, scalar_prefetch = 0 : i64, scratch_operands = 2 : i64, tpu.core_type = #tpu.core_type<sc_vector_subcore>, window_params = [{transform_indices = #map}, {transform_indices = #map}, {transform_indices = #map1}, {transform_indices = #map1}]} {
    %mul3A = arith.constant 16 : i32
    %mul3A_0 = arith.muli %arg0, %mul3A : i32
    %add3A = arith.addi %mul3A_0, %arg1 : i32
    %iota3A = tpu.iota {dimensions = array<i32: 0>} : vector<16xi32>
    %add3A_1 = arith.constant 0 : i32
    %add3A_2 = vector.broadcast %add3A_1 : i32 to vector<16xi32>
    %add3A_3 = arith.addi %iota3A, %add3A_2 : vector<16xi32>
    %iota3A_4 = tpu.iota {dimensions = array<i32: 0>} : vector<16xi32>
    %add3A_5 = arith.constant 16 : i32
    %add3A_6 = vector.broadcast %add3A_5 : i32 to vector<16xi32>
    %add3A_7 = arith.addi %iota3A_4, %add3A_6 : vector<16xi32>
    %iota3A_8 = tpu.iota {dimensions = array<i32: 0>} : vector<16xi32>
    %add3A_9 = arith.constant 32 : i32
    %add3A_10 = vector.broadcast %add3A_9 : i32 to vector<16xi32>
    %add3A_11 = arith.addi %iota3A_8, %add3A_10 : vector<16xi32>
    %broadcast_in_dim3A = arith.constant -1.000000e+30 : f32
    %broadcast_in_dim3A_12 = vector.broadcast %broadcast_in_dim3A : f32 to vector<16xf32>
    %mul3A_13 = arith.constant 48 : i32
    %mul3A_14 = arith.muli %add3A, %mul3A_13 : i32
    "tpu.region"() ({
      %run_scoped3A = tpu.sem_alloc : memref<!tpu.dma_semaphore, #tpu.memory_space<semaphore_mem>>
      %dma_start3A = arith.constant 0 : i32
      %dma_start3A_30 = tpu.memref_slice %arg2[%mul3A_14, %dma_start3A] : memref<1536x128xf32, #tpu.memory_space<hbm>> -> memref<48x128xf32, #tpu.memory_space<hbm>>
      %dma_start3A_31 = arith.constant 0 : i32
      %dma_start3A_32 = tpu.memref_slice %arg2[%mul3A_14, %dma_start3A_31] : memref<1536x128xf32, #tpu.memory_space<hbm>> -> memref<48x128xf32, #tpu.memory_space<hbm>>
      tpu.enqueue_dma source(%dma_start3A_32 : memref<48x128xf32, #tpu.memory_space<hbm>>) target(%arg6 : memref<48x128xf32, #tpu.memory_space<vmem>>) target_semaphore(%run_scoped3A : memref<!tpu.dma_semaphore, #tpu.memory_space<semaphore_mem>>)
      %dma_wait3A = arith.constant 0 : i32
      %dma_wait3A_33 = tpu.memref_slice %arg2[%mul3A_14, %dma_wait3A] : memref<1536x128xf32, #tpu.memory_space<hbm>> -> memref<48x128xf32, #tpu.memory_space<hbm>>
      %dma_wait3A_34 = arith.constant 0 : i32
      %dma_wait3A_35 = tpu.memref_slice %arg2[%mul3A_14, %dma_wait3A_34] : memref<1536x128xf32, #tpu.memory_space<hbm>> -> memref<48x128xf32, #tpu.memory_space<hbm>>
      tpu.wait_dma2 semaphore(%run_scoped3A : memref<!tpu.dma_semaphore, #tpu.memory_space<semaphore_mem>>) src(%dma_wait3A_35 : memref<48x128xf32, #tpu.memory_space<hbm>>) dst(%arg6 : memref<48x128xf32, #tpu.memory_space<vmem>>)
      tpu.yield
    }) : () -> ()
    %scan3A = arith.constant 0 : i32
    %scan3A_15 = arith.constant 0 : i32
    %scan3A_16 = arith.constant 128 : i32
    %scan3A_17 = arith.addi %scan3A_15, %scan3A_16 : i32
    %scan3A_18 = arith.constant 1 : i32
    %scan3A_19 = scf.for %scan3A_30 = %scan3A_15 to %scan3A_17 step %scan3A_18 iter_args(%scan3A_31 = %scan3A) -> (i32)  : i32 {
      %broadcast_in_dim3A_32 = arith.constant 0 : i32
      %broadcast_in_dim3A_33 = vector.broadcast %broadcast_in_dim3A_32 : i32 to vector<16xi32>
      %add3A_34 = vector.broadcast %scan3A_30 : i32 to vector<16xi32>
      %add3A_35 = arith.addi %broadcast_in_dim3A_33, %add3A_34 : vector<16xi32>
      %gather3A = tpu.vector_load_idx %arg6[%add3A_3, %add3A_35] : memref<48x128xf32, #tpu.memory_space<vmem>>[vector<16xi32>, vector<16xi32>], vector<16xf32>,
      %masked_sort3A = arith.constant dense<true> : vector<16xi1>
      %masked_sort3A_36, %masked_sort3A_37, %masked_sort3A_38 = tpu.sort %gather3A, %gather3A masked %masked_sort3A {descending = true} : (vector<16xf32>, vector<16xf32>, vector<16xi1>) -> (vector<16xi1>, vector<16xf32>, vector<16xf32>)
      %gather3A_39 = tpu.vector_load_idx %arg6[%add3A_7, %add3A_35] : memref<48x128xf32, #tpu.memory_space<vmem>>[vector<16xi32>, vector<16xi32>], vector<16xf32>,
      %masked_sort3A_40 = arith.constant dense<true> : vector<16xi1>
      %masked_sort3A_41, %masked_sort3A_42, %masked_sort3A_43 = tpu.sort %gather3A_39, %gather3A_39 masked %masked_sort3A_40 {descending = true} : (vector<16xf32>, vector<16xf32>, vector<16xi1>) -> (vector<16xi1>, vector<16xf32>, vector<16xf32>)
      %gather3A_44 = tpu.vector_load_idx %arg6[%add3A_11, %add3A_35] : memref<48x128xf32, #tpu.memory_space<vmem>>[vector<16xi32>, vector<16xi32>], vector<16xf32>,
      %masked_sort3A_45 = arith.constant dense<true> : vector<16xi1>
      %masked_sort3A_46, %masked_sort3A_47, %masked_sort3A_48 = tpu.sort %gather3A_44, %gather3A_44 masked %masked_sort3A_45 {descending = true} : (vector<16xf32>, vector<16xf32>, vector<16xi1>) -> (vector<16xi1>, vector<16xf32>, vector<16xf32>)
      %rev3A = arith.constant 15 : i32
      %rev3A_49 = vector.broadcast %rev3A : i32 to vector<16xi32>
      %rev3A_50 = tpu.iota {dimensions = array<i32: 0>} : vector<16xi32>
      %rev3A_51 = arith.subi %rev3A_49, %rev3A_50 : vector<16xi32>
      %rev3A_52 = tpu.dynamic_gather %broadcast_in_dim3A_12[%rev3A_51] in [0] : vector<16xf32>, vector<16xi32> -> vector<16xf32>
      %max3A = arith.maximumf %masked_sort3A_37, %rev3A_52 : vector<16xf32>
      %rev3A_53 = arith.constant 15 : i32
      %rev3A_54 = vector.broadcast %rev3A_53 : i32 to vector<16xi32>
      %rev3A_55 = tpu.iota {dimensions = array<i32: 0>} : vector<16xi32>
      %rev3A_56 = arith.subi %rev3A_54, %rev3A_55 : vector<16xi32>
      %rev3A_57 = tpu.dynamic_gather %masked_sort3A_42[%rev3A_56] in [0] : vector<16xf32>, vector<16xi32> -> vector<16xf32>
      %max3A_58 = arith.maximumf %broadcast_in_dim3A_12, %rev3A_57 : vector<16xf32>
      %max3A_59 = arith.maximumf %max3A, %max3A_58 : vector<16xf32>
      %masked_sort3A_60 = arith.constant dense<true> : vector<16xi1>
      %masked_sort3A_61, %masked_sort3A_62, %masked_sort3A_63 = tpu.sort %max3A_59, %max3A_59 masked %masked_sort3A_60 {descending = true} : (vector<16xf32>, vector<16xf32>, vector<16xi1>) -> (vector<16xi1>, vector<16xf32>, vector<16xf32>)
      %min3A = arith.minimumf %max3A, %max3A_58 : vector<16xf32>
      %masked_sort3A_64 = arith.constant dense<true> : vector<16xi1>
      %masked_sort3A_65, %masked_sort3A_66, %masked_sort3A_67 = tpu.sort %min3A, %min3A masked %masked_sort3A_64 {descending = true} : (vector<16xf32>, vector<16xf32>, vector<16xi1>) -> (vector<16xi1>, vector<16xf32>, vector<16xf32>)
      %rev3A_68 = arith.constant 15 : i32
      %rev3A_69 = vector.broadcast %rev3A_68 : i32 to vector<16xi32>
      %rev3A_70 = tpu.iota {dimensions = array<i32: 0>} : vector<16xi32>
      %rev3A_71 = arith.subi %rev3A_69, %rev3A_70 : vector<16xi32>
      %rev3A_72 = tpu.dynamic_gather %broadcast_in_dim3A_12[%rev3A_71] in [0] : vector<16xf32>, vector<16xi32> -> vector<16xf32>
      %max3A_73 = arith.maximumf %masked_sort3A_62, %rev3A_72 : vector<16xf32>
      %rev3A_74 = arith.constant 15 : i32
      %rev3A_75 = vector.broadcast %rev3A_74 : i32 to vector<16xi32>
      %rev3A_76 = tpu.iota {dimensions = array<i32: 0>} : vector<16xi32>
      %rev3A_77 = arith.subi %rev3A_75, %rev3A_76 : vector<16xi32>
      %rev3A_78 = tpu.dynamic_gather %masked_sort3A_47[%rev3A_77] in [0] : vector<16xf32>, vector<16xi32> -> vector<16xf32>
      %max3A_79 = arith.maximumf %masked_sort3A_66, %rev3A_78 : vector<16xf32>
      %max3A_80 = arith.maximumf %max3A_73, %max3A_79 : vector<16xf32>
      %masked_sort3A_81 = arith.constant dense<true> : vector<16xi1>
      %masked_sort3A_82, %masked_sort3A_83, %masked_sort3A_84 = tpu.sort %max3A_80, %max3A_80 masked %masked_sort3A_81 {descending = true} : (vector<16xf32>, vector<16xf32>, vector<16xi1>) -> (vector<16xi1>, vector<16xf32>, vector<16xf32>)
      %min3A_85 = arith.minimumf %max3A_73, %max3A_79 : vector<16xf32>
      %masked_sort3A_86 = arith.constant dense<true> : vector<16xi1>
      %masked_sort3A_87, %masked_sort3A_88, %masked_sort3A_89 = tpu.sort %min3A_85, %min3A_85 masked %masked_sort3A_86 {descending = true} : (vector<16xf32>, vector<16xf32>, vector<16xi1>) -> (vector<16xi1>, vector<16xf32>, vector<16xf32>)
      %swap3A = arith.index_cast %scan3A_30 : i32 to index
      %swap3A_90 = arith.constant 0 : index
      %swap3A_91 = tpu.vector_load %arg7[%swap3A, %swap3A_90] {strides = array<i32>} : memref<128x32xf32, #tpu.memory_space<vmem>>, vector<16xf32>,
      tpu.vector_store %arg7[%swap3A, %swap3A_90], %masked_sort3A_83 {strides = array<i32>} : memref<128x32xf32, #tpu.memory_space<vmem>>, vector<16xf32>,
      %swap3A_92 = arith.index_cast %scan3A_30 : i32 to index
      %swap3A_93 = arith.constant 16 : index
      %swap3A_94 = tpu.vector_load %arg7[%swap3A_92, %swap3A_93] {strides = array<i32>} : memref<128x32xf32, #tpu.memory_space<vmem>>, vector<16xf32>,
      tpu.vector_store %arg7[%swap3A_92, %swap3A_93], %masked_sort3A_88 {strides = array<i32>} : memref<128x32xf32, #tpu.memory_space<vmem>>, vector<16xf32>,
      %scan3A_95 = arith.constant 0 : i32
      scf.yield %scan3A_95 : i32
    }
    %scan3A_20 = arith.constant 128 : i32
    "tpu.region"() ({
      %run_scoped3A = tpu.sem_alloc : memref<!tpu.dma_semaphore, #tpu.memory_space<semaphore_mem>>
      %dma_start3A = arith.constant 0 : i32
      %dma_start3A_30 = arith.constant 0 : i32
      %dma_start3A_31 = tpu.memref_slice %arg4[%add3A, %dma_start3A, %dma_start3A_30] : memref<32x128x32xf32, #tpu.memory_space<hbm>> -> memref<1x128x32xf32, #tpu.memory_space<hbm>>
      %dma_start3A_32 = tpu.memref_squeeze %dma_start3A_31 : memref<1x128x32xf32, #tpu.memory_space<hbm>> -> memref<128x32xf32, #tpu.memory_space<hbm>>
      %dma_start3A_33 = arith.constant 0 : i32
      %dma_start3A_34 = arith.constant 0 : i32
      %dma_start3A_35 = tpu.memref_slice %arg4[%add3A, %dma_start3A_33, %dma_start3A_34] : memref<32x128x32xf32, #tpu.memory_space<hbm>> -> memref<1x128x32xf32, #tpu.memory_space<hbm>>
      %dma_start3A_36 = tpu.memref_squeeze %dma_start3A_35 : memref<1x128x32xf32, #tpu.memory_space<hbm>> -> memref<128x32xf32, #tpu.memory_space<hbm>>
      tpu.enqueue_dma source(%arg7 : memref<128x32xf32, #tpu.memory_space<vmem>>) target(%dma_start3A_36 : memref<128x32xf32, #tpu.memory_space<hbm>>) target_semaphore(%run_scoped3A : memref<!tpu.dma_semaphore, #tpu.memory_space<semaphore_mem>>)
      %dma_wait3A = arith.constant 0 : i32
      %dma_wait3A_37 = arith.constant 0 : i32
      %dma_wait3A_38 = tpu.memref_slice %arg4[%add3A, %dma_wait3A, %dma_wait3A_37] : memref<32x128x32xf32, #tpu.memory_space<hbm>> -> memref<1x128x32xf32, #tpu.memory_space<hbm>>
      %dma_wait3A_39 = tpu.memref_squeeze %dma_wait3A_38 : memref<1x128x32xf32, #tpu.memory_space<hbm>> -> memref<128x32xf32, #tpu.memory_space<hbm>>
      %dma_wait3A_40 = arith.constant 0 : i32
      %dma_wait3A_41 = arith.constant 0 : i32
      %dma_wait3A_42 = tpu.memref_slice %arg4[%add3A, %dma_wait3A_40, %dma_wait3A_41] : memref<32x128x32xf32, #tpu.memory_space<hbm>> -> memref<1x128x32xf32, #tpu.memory_space<hbm>>
      %dma_wait3A_43 = tpu.memref_squeeze %dma_wait3A_42 : memref<1x128x32xf32, #tpu.memory_space<hbm>> -> memref<128x32xf32, #tpu.memory_space<hbm>>
      tpu.wait_dma2 semaphore(%run_scoped3A : memref<!tpu.dma_semaphore, #tpu.memory_space<semaphore_mem>>) src(%arg7 : memref<128x32xf32, #tpu.memory_space<vmem>>) dst(%dma_wait3A_43 : memref<128x32xf32, #tpu.memory_space<hbm>>)
      tpu.yield
    }) : () -> ()
    %mul3A_21 = arith.constant 48 : i32
    %mul3A_22 = arith.muli %add3A, %mul3A_21 : i32
    "tpu.region"() ({
      %run_scoped3A = tpu.sem_alloc : memref<!tpu.dma_semaphore, #tpu.memory_space<semaphore_mem>>
      %dma_start3A = arith.constant 0 : i32
      %dma_start3A_30 = tpu.memref_slice %arg3[%mul3A_22, %dma_start3A] : memref<1536x128xf32, #tpu.memory_space<hbm>> -> memref<48x128xf32, #tpu.memory_space<hbm>>
      %dma_start3A_31 = arith.constant 0 : i32
      %dma_start3A_32 = tpu.memref_slice %arg3[%mul3A_22, %dma_start3A_31] : memref<1536x128xf32, #tpu.memory_space<hbm>> -> memref<48x128xf32, #tpu.memory_space<hbm>>
      tpu.enqueue_dma source(%dma_start3A_32 : memref<48x128xf32, #tpu.memory_space<hbm>>) target(%arg6 : memref<48x128xf32, #tpu.memory_space<vmem>>) target_semaphore(%run_scoped3A : memref<!tpu.dma_semaphore, #tpu.memory_space<semaphore_mem>>)
      %dma_wait3A = arith.constant 0 : i32
      %dma_wait3A_33 = tpu.memref_slice %arg3[%mul3A_22, %dma_wait3A] : memref<1536x128xf32, #tpu.memory_space<hbm>> -> memref<48x128xf32, #tpu.memory_space<hbm>>
      %dma_wait3A_34 = arith.constant 0 : i32
      %dma_wait3A_35 = tpu.memref_slice %arg3[%mul3A_22, %dma_wait3A_34] : memref<1536x128xf32, #tpu.memory_space<hbm>> -> memref<48x128xf32, #tpu.memory_space<hbm>>
      tpu.wait_dma2 semaphore(%run_scoped3A : memref<!tpu.dma_semaphore, #tpu.memory_space<semaphore_mem>>) src(%dma_wait3A_35 : memref<48x128xf32, #tpu.memory_space<hbm>>) dst(%arg6 : memref<48x128xf32, #tpu.memory_space<vmem>>)
      tpu.yield
    }) : () -> ()
    %scan3A_23 = arith.constant 0 : i32
    %scan3A_24 = arith.constant 0 : i32
    %scan3A_25 = arith.constant 128 : i32
    %scan3A_26 = arith.addi %scan3A_24, %scan3A_25 : i32
    %scan3A_27 = arith.constant 1 : i32
    %scan3A_28 = scf.for %scan3A_30 = %scan3A_24 to %scan3A_26 step %scan3A_27 iter_args(%scan3A_31 = %scan3A_23) -> (i32)  : i32 {
      %broadcast_in_dim3A_32 = arith.constant 0 : i32
      %broadcast_in_dim3A_33 = vector.broadcast %broadcast_in_dim3A_32 : i32 to vector<16xi32>
      %add3A_34 = vector.broadcast %scan3A_30 : i32 to vector<16xi32>
      %add3A_35 = arith.addi %broadcast_in_dim3A_33, %add3A_34 : vector<16xi32>
      %gather3A = tpu.vector_load_idx %arg6[%add3A_3, %add3A_35] : memref<48x128xf32, #tpu.memory_space<vmem>>[vector<16xi32>, vector<16xi32>], vector<16xf32>,
      %masked_sort3A = arith.constant dense<true> : vector<16xi1>
      %masked_sort3A_36, %masked_sort3A_37, %masked_sort3A_38 = tpu.sort %gather3A, %gather3A masked %masked_sort3A {descending = true} : (vector<16xf32>, vector<16xf32>, vector<16xi1>) -> (vector<16xi1>, vector<16xf32>, vector<16xf32>)
      %gather3A_39 = tpu.vector_load_idx %arg6[%add3A_7, %add3A_35] : memref<48x128xf32, #tpu.memory_space<vmem>>[vector<16xi32>, vector<16xi32>], vector<16xf32>,
      %masked_sort3A_40 = arith.constant dense<true> : vector<16xi1>
      %masked_sort3A_41, %masked_sort3A_42, %masked_sort3A_43 = tpu.sort %gather3A_39, %gather3A_39 masked %masked_sort3A_40 {descending = true} : (vector<16xf32>, vector<16xf32>, vector<16xi1>) -> (vector<16xi1>, vector<16xf32>, vector<16xf32>)
      %gather3A_44 = tpu.vector_load_idx %arg6[%add3A_11, %add3A_35] : memref<48x128xf32, #tpu.memory_space<vmem>>[vector<16xi32>, vector<16xi32>], vector<16xf32>,
      %masked_sort3A_45 = arith.constant dense<true> : vector<16xi1>
      %masked_sort3A_46, %masked_sort3A_47, %masked_sort3A_48 = tpu.sort %gather3A_44, %gather3A_44 masked %masked_sort3A_45 {descending = true} : (vector<16xf32>, vector<16xf32>, vector<16xi1>) -> (vector<16xi1>, vector<16xf32>, vector<16xf32>)
      %rev3A = arith.constant 15 : i32
      %rev3A_49 = vector.broadcast %rev3A : i32 to vector<16xi32>
      %rev3A_50 = tpu.iota {dimensions = array<i32: 0>} : vector<16xi32>
      %rev3A_51 = arith.subi %rev3A_49, %rev3A_50 : vector<16xi32>
      %rev3A_52 = tpu.dynamic_gather %broadcast_in_dim3A_12[%rev3A_51] in [0] : vector<16xf32>, vector<16xi32> -> vector<16xf32>
      %max3A = arith.maximumf %masked_sort3A_37, %rev3A_52 : vector<16xf32>
      %rev3A_53 = arith.constant 15 : i32
      %rev3A_54 = vector.broadcast %rev3A_53 : i32 to vector<16xi32>
      %rev3A_55 = tpu.iota {dimensions = array<i32: 0>} : vector<16xi32>
      %rev3A_56 = arith.subi %rev3A_54, %rev3A_55 : vector<16xi32>
      %rev3A_57 = tpu.dynamic_gather %masked_sort3A_42[%rev3A_56] in [0] : vector<16xf32>, vector<16xi32> -> vector<16xf32>
      %max3A_58 = arith.maximumf %broadcast_in_dim3A_12, %rev3A_57 : vector<16xf32>
      %max3A_59 = arith.maximumf %max3A, %max3A_58 : vector<16xf32>
      %masked_sort3A_60 = arith.constant dense<true> : vector<16xi1>
      %masked_sort3A_61, %masked_sort3A_62, %masked_sort3A_63 = tpu.sort %max3A_59, %max3A_59 masked %masked_sort3A_60 {descending = true} : (vector<16xf32>, vector<16xf32>, vector<16xi1>) -> (vector<16xi1>, vector<16xf32>, vector<16xf32>)
      %min3A = arith.minimumf %max3A, %max3A_58 : vector<16xf32>
      %masked_sort3A_64 = arith.constant dense<true> : vector<16xi1>
      %masked_sort3A_65, %masked_sort3A_66, %masked_sort3A_67 = tpu.sort %min3A, %min3A masked %masked_sort3A_64 {descending = true} : (vector<16xf32>, vector<16xf32>, vector<16xi1>) -> (vector<16xi1>, vector<16xf32>, vector<16xf32>)
      %rev3A_68 = arith.constant 15 : i32
      %rev3A_69 = vector.broadcast %rev3A_68 : i32 to vector<16xi32>
      %rev3A_70 = tpu.iota {dimensions = array<i32: 0>} : vector<16xi32>
      %rev3A_71 = arith.subi %rev3A_69, %rev3A_70 : vector<16xi32>
      %rev3A_72 = tpu.dynamic_gather %broadcast_in_dim3A_12[%rev3A_71] in [0] : vector<16xf32>, vector<16xi32> -> vector<16xf32>
      %max3A_73 = arith.maximumf %masked_sort3A_62, %rev3A_72 : vector<16xf32>
      %rev3A_74 = arith.constant 15 : i32
      %rev3A_75 = vector.broadcast %rev3A_74 : i32 to vector<16xi32>
      %rev3A_76 = tpu.iota {dimensions = array<i32: 0>} : vector<16xi32>
      %rev3A_77 = arith.subi %rev3A_75, %rev3A_76 : vector<16xi32>
      %rev3A_78 = tpu.dynamic_gather %masked_sort3A_47[%rev3A_77] in [0] : vector<16xf32>, vector<16xi32> -> vector<16xf32>
      %max3A_79 = arith.maximumf %masked_sort3A_66, %rev3A_78 : vector<16xf32>
      %max3A_80 = arith.maximumf %max3A_73, %max3A_79 : vector<16xf32>
      %masked_sort3A_81 = arith.constant dense<true> : vector<16xi1>
      %masked_sort3A_82, %masked_sort3A_83, %masked_sort3A_84 = tpu.sort %max3A_80, %max3A_80 masked %masked_sort3A_81 {descending = true} : (vector<16xf32>, vector<16xf32>, vector<16xi1>) -> (vector<16xi1>, vector<16xf32>, vector<16xf32>)
      %min3A_85 = arith.minimumf %max3A_73, %max3A_79 : vector<16xf32>
      %masked_sort3A_86 = arith.constant dense<true> : vector<16xi1>
      %masked_sort3A_87, %masked_sort3A_88, %masked_sort3A_89 = tpu.sort %min3A_85, %min3A_85 masked %masked_sort3A_86 {descending = true} : (vector<16xf32>, vector<16xf32>, vector<16xi1>) -> (vector<16xi1>, vector<16xf32>, vector<16xf32>)
      %swap3A = arith.index_cast %scan3A_30 : i32 to index
      %swap3A_90 = arith.constant 0 : index
      %swap3A_91 = tpu.vector_load %arg7[%swap3A, %swap3A_90] {strides = array<i32>} : memref<128x32xf32, #tpu.memory_space<vmem>>, vector<16xf32>,
      tpu.vector_store %arg7[%swap3A, %swap3A_90], %masked_sort3A_83 {strides = array<i32>} : memref<128x32xf32, #tpu.memory_space<vmem>>, vector<16xf32>,
      %swap3A_92 = arith.index_cast %scan3A_30 : i32 to index
      %swap3A_93 = arith.constant 16 : index
      %swap3A_94 = tpu.vector_load %arg7[%swap3A_92, %swap3A_93] {strides = array<i32>} : memref<128x32xf32, #tpu.memory_space<vmem>>, vector<16xf32>,
      tpu.vector_store %arg7[%swap3A_92, %swap3A_93], %masked_sort3A_88 {strides = array<i32>} : memref<128x32xf32, #tpu.memory_space<vmem>>, vector<16xf32>,
      %scan3A_95 = arith.constant 0 : i32
      scf.yield %scan3A_95 : i32
    }
    %scan3A_29 = arith.constant 128 : i32
    "tpu.region"() ({
      %run_scoped3A = tpu.sem_alloc : memref<!tpu.dma_semaphore, #tpu.memory_space<semaphore_mem>>
      %dma_start3A = arith.constant 0 : i32
      %dma_start3A_30 = arith.constant 0 : i32
      %dma_start3A_31 = tpu.memref_slice %arg5[%add3A, %dma_start3A, %dma_start3A_30] : memref<32x128x32xf32, #tpu.memory_space<hbm>> -> memref<1x128x32xf32, #tpu.memory_space<hbm>>
      %dma_start3A_32 = tpu.memref_squeeze %dma_start3A_31 : memref<1x128x32xf32, #tpu.memory_space<hbm>> -> memref<128x32xf32, #tpu.memory_space<hbm>>
      %dma_start3A_33 = arith.constant 0 : i32
      %dma_start3A_34 = arith.constant 0 : i32
      %dma_start3A_35 = tpu.memref_slice %arg5[%add3A, %dma_start3A_33, %dma_start3A_34] : memref<32x128x32xf32, #tpu.memory_space<hbm>> -> memref<1x128x32xf32, #tpu.memory_space<hbm>>
      %dma_start3A_36 = tpu.memref_squeeze %dma_start3A_35 : memref<1x128x32xf32, #tpu.memory_space<hbm>> -> memref<128x32xf32, #tpu.memory_space<hbm>>
      tpu.enqueue_dma source(%arg7 : memref<128x32xf32, #tpu.memory_space<vmem>>) target(%dma_start3A_36 : memref<128x32xf32, #tpu.memory_space<hbm>>) target_semaphore(%run_scoped3A : memref<!tpu.dma_semaphore, #tpu.memory_space<semaphore_mem>>)
      %dma_wait3A = arith.constant 0 : i32
      %dma_wait3A_37 = arith.constant 0 : i32
      %dma_wait3A_38 = tpu.memref_slice %arg5[%add3A, %dma_wait3A, %dma_wait3A_37] : memref<32x128x32xf32, #tpu.memory_space<hbm>> -> memref<1x128x32xf32, #tpu.memory_space<hbm>>
      %dma_wait3A_39 = tpu.memref_squeeze %dma_wait3A_38 : memref<1x128x32xf32, #tpu.memory_space<hbm>> -> memref<128x32xf32, #tpu.memory_space<hbm>>
      %dma_wait3A_40 = arith.constant 0 : i32
      %dma_wait3A_41 = arith.constant 0 : i32
      %dma_wait3A_42 = tpu.memref_slice %arg5[%add3A, %dma_wait3A_40, %dma_wait3A_41] : memref<32x128x32xf32, #tpu.memory_space<hbm>> -> memref<1x128x32xf32, #tpu.memory_space<hbm>>
      %dma_wait3A_43 = tpu.memref_squeeze %dma_wait3A_42 : memref<1x128x32xf32, #tpu.memory_space<hbm>> -> memref<128x32xf32, #tpu.memory_space<hbm>>
      tpu.wait_dma2 semaphore(%run_scoped3A : memref<!tpu.dma_semaphore, #tpu.memory_space<semaphore_mem>>) src(%arg7 : memref<128x32xf32, #tpu.memory_space<vmem>>) dst(%dma_wait3A_43 : memref<128x32xf32, #tpu.memory_space<hbm>>)
      tpu.yield
    }) : () -> ()
    return
  }
}

#map = affine_map<(d0, d1) -> (0, 0, 0)>
#map1 = affine_map<(d0, d1) -> (0, 0)>
module attributes {stable_mosaic.version = 14 : i64} {
  func.func @b2(%arg0: i32, %arg1: i32, %arg2: memref<32x128x32xf32, #tpu.memory_space<hbm>>, %arg3: memref<32x128x32xf32, #tpu.memory_space<hbm>>, %arg4: memref<256x128xf32, #tpu.memory_space<hbm>>, %arg5: memref<256x128xf32, #tpu.memory_space<hbm>>, %arg6: memref<128x32xf32, #tpu.memory_space<hbm>>, %arg7: memref<128x32xf32, #tpu.memory_space<hbm>>, %arg8: memref<32x16xi32, #tpu.memory_space<hbm>>, %arg9: memref<32x32xf32, #tpu.memory_space<vmem>>, %arg10: memref<256x128xf32, #tpu.memory_space<vmem>>, %arg11: memref<4x32xf32, #tpu.memory_space<vmem>>, %arg12: memref<16xf32, #tpu.memory_space<vmem>>, %arg13: memref<16xi32, #tpu.memory_space<vmem>>, %arg14: memref<!tpu.dma_semaphore, #tpu.memory_space<semaphore_mem>>) attributes {dimension_semantics = [#tpu.dimension_semantics<core_parallel>, #tpu.dimension_semantics<subcore_parallel>], iteration_bounds = array<i64: 2, 16>, scalar_prefetch = 0 : i64, scratch_operands = 6 : i64, tpu.core_type = #tpu.core_type<sc_vector_subcore>, window_params = [{transform_indices = #map}, {transform_indices = #map}, {transform_indices = #map1}, {transform_indices = #map1}, {transform_indices = #map1}, {transform_indices = #map1}, {transform_indices = #map1}]} {
    %mul3A = arith.constant 16 : i32
    %mul3A_0 = arith.muli %arg0, %mul3A : i32
    %add3A = arith.addi %mul3A_0, %arg1 : i32
    %mul3A_1 = arith.constant 4 : i32
    %mul3A_2 = arith.muli %add3A, %mul3A_1 : i32
    %iota3A = tpu.iota {dimensions = array<i32: 0>} : vector<16xi32>
    %add3A_3 = arith.constant 0 : i32
    %add3A_4 = vector.broadcast %add3A_3 : i32 to vector<16xi32>
    %add3A_5 = arith.addi %iota3A, %add3A_4 : vector<16xi32>
    %iota3A_6 = tpu.iota {dimensions = array<i32: 0>} : vector<16xi32>
    %add3A_7 = arith.constant 16 : i32
    %add3A_8 = vector.broadcast %add3A_7 : i32 to vector<16xi32>
    %add3A_9 = arith.addi %iota3A_6, %add3A_8 : vector<16xi32>
    %iota3A_10 = tpu.iota {dimensions = array<i32: 0>} : vector<16xi32>
    %add3A_11 = arith.constant 32 : i32
    %add3A_12 = vector.broadcast %add3A_11 : i32 to vector<16xi32>
    %add3A_13 = arith.addi %iota3A_10, %add3A_12 : vector<16xi32>
    %iota3A_14 = tpu.iota {dimensions = array<i32: 0>} : vector<16xi32>
    %add3A_15 = arith.constant 48 : i32
    %add3A_16 = vector.broadcast %add3A_15 : i32 to vector<16xi32>
    %add3A_17 = arith.addi %iota3A_14, %add3A_16 : vector<16xi32>
    %iota3A_18 = tpu.iota {dimensions = array<i32: 0>} : vector<16xi32>
    %add3A_19 = arith.constant 64 : i32
    %add3A_20 = vector.broadcast %add3A_19 : i32 to vector<16xi32>
    %add3A_21 = arith.addi %iota3A_18, %add3A_20 : vector<16xi32>
    %iota3A_22 = tpu.iota {dimensions = array<i32: 0>} : vector<16xi32>
    %add3A_23 = arith.constant 80 : i32
    %add3A_24 = vector.broadcast %add3A_23 : i32 to vector<16xi32>
    %add3A_25 = arith.addi %iota3A_22, %add3A_24 : vector<16xi32>
    %iota3A_26 = tpu.iota {dimensions = array<i32: 0>} : vector<16xi32>
    %add3A_27 = arith.constant 96 : i32
    %add3A_28 = vector.broadcast %add3A_27 : i32 to vector<16xi32>
    %add3A_29 = arith.addi %iota3A_26, %add3A_28 : vector<16xi32>
    %iota3A_30 = tpu.iota {dimensions = array<i32: 0>} : vector<16xi32>
    %add3A_31 = arith.constant 112 : i32
    %add3A_32 = vector.broadcast %add3A_31 : i32 to vector<16xi32>
    %add3A_33 = arith.addi %iota3A_30, %add3A_32 : vector<16xi32>
    %iota3A_34 = tpu.iota {dimensions = array<i32: 0>} : vector<16xi32>
    %add3A_35 = arith.constant 128 : i32
    %add3A_36 = vector.broadcast %add3A_35 : i32 to vector<16xi32>
    %add3A_37 = arith.addi %iota3A_34, %add3A_36 : vector<16xi32>
    %iota3A_38 = tpu.iota {dimensions = array<i32: 0>} : vector<16xi32>
    %add3A_39 = arith.constant 144 : i32
    %add3A_40 = vector.broadcast %add3A_39 : i32 to vector<16xi32>
    %add3A_41 = arith.addi %iota3A_38, %add3A_40 : vector<16xi32>
    %iota3A_42 = tpu.iota {dimensions = array<i32: 0>} : vector<16xi32>
    %add3A_43 = arith.constant 160 : i32
    %add3A_44 = vector.broadcast %add3A_43 : i32 to vector<16xi32>
    %add3A_45 = arith.addi %iota3A_42, %add3A_44 : vector<16xi32>
    %iota3A_46 = tpu.iota {dimensions = array<i32: 0>} : vector<16xi32>
    %add3A_47 = arith.constant 176 : i32
    %add3A_48 = vector.broadcast %add3A_47 : i32 to vector<16xi32>
    %add3A_49 = arith.addi %iota3A_46, %add3A_48 : vector<16xi32>
    %iota3A_50 = tpu.iota {dimensions = array<i32: 0>} : vector<16xi32>
    %add3A_51 = arith.constant 192 : i32
    %add3A_52 = vector.broadcast %add3A_51 : i32 to vector<16xi32>
    %add3A_53 = arith.addi %iota3A_50, %add3A_52 : vector<16xi32>
    %iota3A_54 = tpu.iota {dimensions = array<i32: 0>} : vector<16xi32>
    %add3A_55 = arith.constant 208 : i32
    %add3A_56 = vector.broadcast %add3A_55 : i32 to vector<16xi32>
    %add3A_57 = arith.addi %iota3A_54, %add3A_56 : vector<16xi32>
    %iota3A_58 = tpu.iota {dimensions = array<i32: 0>} : vector<16xi32>
    %add3A_59 = arith.constant 224 : i32
    %add3A_60 = vector.broadcast %add3A_59 : i32 to vector<16xi32>
    %add3A_61 = arith.addi %iota3A_58, %add3A_60 : vector<16xi32>
    %iota3A_62 = tpu.iota {dimensions = array<i32: 0>} : vector<16xi32>
    %add3A_63 = arith.constant 240 : i32
    %add3A_64 = vector.broadcast %add3A_63 : i32 to vector<16xi32>
    %add3A_65 = arith.addi %iota3A_62, %add3A_64 : vector<16xi32>
    "tpu.region"() ({
      %run_scoped3A = tpu.sem_alloc : memref<!tpu.dma_semaphore, #tpu.memory_space<semaphore_mem>>
      tpu.enqueue_dma source(%arg4 : memref<256x128xf32, #tpu.memory_space<hbm>>) target(%arg10 : memref<256x128xf32, #tpu.memory_space<vmem>>) target_semaphore(%run_scoped3A : memref<!tpu.dma_semaphore, #tpu.memory_space<semaphore_mem>>)
      tpu.wait_dma2 semaphore(%run_scoped3A : memref<!tpu.dma_semaphore, #tpu.memory_space<semaphore_mem>>) src(%arg4 : memref<256x128xf32, #tpu.memory_space<hbm>>) dst(%arg10 : memref<256x128xf32, #tpu.memory_space<vmem>>)
      tpu.yield
    }) : () -> ()
    %scan3A = arith.constant 0 : i32
    %scan3A_66 = arith.constant 0 : i32
    %scan3A_67 = arith.constant 4 : i32
    %scan3A_68 = arith.addi %scan3A_66, %scan3A_67 : i32
    %scan3A_69 = arith.constant 1 : i32
    %scan3A_70 = scf.for %scan3A_82 = %scan3A_66 to %scan3A_68 step %scan3A_69 iter_args(%scan3A_83 = %scan3A) -> (i32)  : i32 {
      %add3A_84 = arith.addi %mul3A_2, %scan3A_82 : i32
      %dma_start3A = arith.constant 0 : i32
      %dma_start3A_85 = arith.constant 0 : i32
      %dma_start3A_86 = arith.constant 0 : i32
      %dma_start3A_87 = tpu.memref_slice %arg9[%dma_start3A_85, %dma_start3A_86] : memref<32x32xf32, #tpu.memory_space<vmem>> -> memref<1x32xf32, #tpu.memory_space<vmem>>
      %dma_start3A_88 = tpu.memref_squeeze %dma_start3A_87 : memref<1x32xf32, #tpu.memory_space<vmem>> -> memref<32xf32, #tpu.memory_space<vmem>>
      %dma_start3A_89 = arith.constant 0 : i32
      %dma_start3A_90 = tpu.memref_slice %arg2[%dma_start3A, %add3A_84, %dma_start3A_89] : memref<32x128x32xf32, #tpu.memory_space<hbm>> -> memref<1x1x32xf32, #tpu.memory_space<hbm>>
      %dma_start3A_91 = tpu.memref_squeeze %dma_start3A_90 : memref<1x1x32xf32, #tpu.memory_space<hbm>> -> memref<32xf32, #tpu.memory_space<hbm>>
      %dma_start3A_92 = arith.constant 0 : i32
      %dma_start3A_93 = tpu.memref_slice %arg9[%dma_start3A_85, %dma_start3A_92] : memref<32x32xf32, #tpu.memory_space<vmem>> -> memref<1x32xf32, #tpu.memory_space<vmem>>
      %dma_start3A_94 = tpu.memref_squeeze %dma_start3A_93 : memref<1x32xf32, #tpu.memory_space<vmem>> -> memref<32xf32, #tpu.memory_space<vmem>>
      %dma_start3A_95 = arith.constant 0 : i32
      %dma_start3A_96 = tpu.memref_slice %arg2[%dma_start3A, %add3A_84, %dma_start3A_95] : memref<32x128x32xf32, #tpu.memory_space<hbm>> -> memref<1x1x32xf32, #tpu.memory_space<hbm>>
      %dma_start3A_97 = tpu.memref_squeeze %dma_start3A_96 : memref<1x1x32xf32, #tpu.memory_space<hbm>> -> memref<32xf32, #tpu.memory_space<hbm>>
      tpu.enqueue_dma source(%dma_start3A_97 : memref<32xf32, #tpu.memory_space<hbm>>) target(%dma_start3A_94 : memref<32xf32, #tpu.memory_space<vmem>>) target_semaphore(%arg14 : memref<!tpu.dma_semaphore, #tpu.memory_space<semaphore_mem>>)
      %dma_start3A_98 = arith.constant 1 : i32
      %dma_start3A_99 = arith.constant 1 : i32
      %dma_start3A_100 = arith.constant 0 : i32
      %dma_start3A_101 = tpu.memref_slice %arg9[%dma_start3A_99, %dma_start3A_100] : memref<32x32xf32, #tpu.memory_space<vmem>> -> memref<1x32xf32, #tpu.memory_space<vmem>>
      %dma_start3A_102 = tpu.memref_squeeze %dma_start3A_101 : memref<1x32xf32, #tpu.memory_space<vmem>> -> memref<32xf32, #tpu.memory_space<vmem>>
      %dma_start3A_103 = arith.constant 0 : i32
      %dma_start3A_104 = tpu.memref_slice %arg2[%dma_start3A_98, %add3A_84, %dma_start3A_103] : memref<32x128x32xf32, #tpu.memory_space<hbm>> -> memref<1x1x32xf32, #tpu.memory_space<hbm>>
      %dma_start3A_105 = tpu.memref_squeeze %dma_start3A_104 : memref<1x1x32xf32, #tpu.memory_space<hbm>> -> memref<32xf32, #tpu.memory_space<hbm>>
      %dma_start3A_106 = arith.constant 0 : i32
      %dma_start3A_107 = tpu.memref_slice %arg9[%dma_start3A_99, %dma_start3A_106] : memref<32x32xf32, #tpu.memory_space<vmem>> -> memref<1x32xf32, #tpu.memory_space<vmem>>
      %dma_start3A_108 = tpu.memref_squeeze %dma_start3A_107 : memref<1x32xf32, #tpu.memory_space<vmem>> -> memref<32xf32, #tpu.memory_space<vmem>>
      %dma_start3A_109 = arith.constant 0 : i32
      %dma_start3A_110 = tpu.memref_slice %arg2[%dma_start3A_98, %add3A_84, %dma_start3A_109] : memref<32x128x32xf32, #tpu.memory_space<hbm>> -> memref<1x1x32xf32, #tpu.memory_space<hbm>>
      %dma_start3A_111 = tpu.memref_squeeze %dma_start3A_110 : memref<1x1x32xf32, #tpu.memory_space<hbm>> -> memref<32xf32, #tpu.memory_space<hbm>>
      tpu.enqueue_dma source(%dma_start3A_111 : memref<32xf32, #tpu.memory_space<hbm>>) target(%dma_start3A_108 : memref<32xf32, #tpu.memory_space<vmem>>) target_semaphore(%arg14 : memref<!tpu.dma_semaphore, #tpu.memory_space<semaphore_mem>>)
      %dma_start3A_112 = arith.constant 2 : i32
      %dma_start3A_113 = arith.constant 2 : i32
      %dma_start3A_114 = arith.constant 0 : i32
      %dma_start3A_115 = tpu.memref_slice %arg9[%dma_start3A_113, %dma_start3A_114] : memref<32x32xf32, #tpu.memory_space<vmem>> -> memref<1x32xf32, #tpu.memory_space<vmem>>
      %dma_start3A_116 = tpu.memref_squeeze %dma_start3A_115 : memref<1x32xf32, #tpu.memory_space<vmem>> -> memref<32xf32, #tpu.memory_space<vmem>>
      %dma_start3A_117 = arith.constant 0 : i32
      %dma_start3A_118 = tpu.memref_slice %arg2[%dma_start3A_112, %add3A_84, %dma_start3A_117] : memref<32x128x32xf32, #tpu.memory_space<hbm>> -> memref<1x1x32xf32, #tpu.memory_space<hbm>>
      %dma_start3A_119 = tpu.memref_squeeze %dma_start3A_118 : memref<1x1x32xf32, #tpu.memory_space<hbm>> -> memref<32xf32, #tpu.memory_space<hbm>>
      %dma_start3A_120 = arith.constant 0 : i32
      %dma_start3A_121 = tpu.memref_slice %arg9[%dma_start3A_113, %dma_start3A_120] : memref<32x32xf32, #tpu.memory_space<vmem>> -> memref<1x32xf32, #tpu.memory_space<vmem>>
      %dma_start3A_122 = tpu.memref_squeeze %dma_start3A_121 : memref<1x32xf32, #tpu.memory_space<vmem>> -> memref<32xf32, #tpu.memory_space<vmem>>
      %dma_start3A_123 = arith.constant 0 : i32
      %dma_start3A_124 = tpu.memref_slice %arg2[%dma_start3A_112, %add3A_84, %dma_start3A_123] : memref<32x128x32xf32, #tpu.memory_space<hbm>> -> memref<1x1x32xf32, #tpu.memory_space<hbm>>
      %dma_start3A_125 = tpu.memref_squeeze %dma_start3A_124 : memref<1x1x32xf32, #tpu.memory_space<hbm>> -> memref<32xf32, #tpu.memory_space<hbm>>
      tpu.enqueue_dma source(%dma_start3A_125 : memref<32xf32, #tpu.memory_space<hbm>>) target(%dma_start3A_122 : memref<32xf32, #tpu.memory_space<vmem>>) target_semaphore(%arg14 : memref<!tpu.dma_semaphore, #tpu.memory_space<semaphore_mem>>)
      %dma_start3A_126 = arith.constant 3 : i32
      %dma_start3A_127 = arith.constant 3 : i32
      %dma_start3A_128 = arith.constant 0 : i32
      %dma_start3A_129 = tpu.memref_slice %arg9[%dma_start3A_127, %dma_start3A_128] : memref<32x32xf32, #tpu.memory_space<vmem>> -> memref<1x32xf32, #tpu.memory_space<vmem>>
      %dma_start3A_130 = tpu.memref_squeeze %dma_start3A_129 : memref<1x32xf32, #tpu.memory_space<vmem>> -> memref<32xf32, #tpu.memory_space<vmem>>
      %dma_start3A_131 = arith.constant 0 : i32
      %dma_start3A_132 = tpu.memref_slice %arg2[%dma_start3A_126, %add3A_84, %dma_start3A_131] : memref<32x128x32xf32, #tpu.memory_space<hbm>> -> memref<1x1x32xf32, #tpu.memory_space<hbm>>
      %dma_start3A_133 = tpu.memref_squeeze %dma_start3A_132 : memref<1x1x32xf32, #tpu.memory_space<hbm>> -> memref<32xf32, #tpu.memory_space<hbm>>
      %dma_start3A_134 = arith.constant 0 : i32
      %dma_start3A_135 = tpu.memref_slice %arg9[%dma_start3A_127, %dma_start3A_134] : memref<32x32xf32, #tpu.memory_space<vmem>> -> memref<1x32xf32, #tpu.memory_space<vmem>>
      %dma_start3A_136 = tpu.memref_squeeze %dma_start3A_135 : memref<1x32xf32, #tpu.memory_space<vmem>> -> memref<32xf32, #tpu.memory_space<vmem>>
      %dma_start3A_137 = arith.constant 0 : i32
      %dma_start3A_138 = tpu.memref_slice %arg2[%dma_start3A_126, %add3A_84, %dma_start3A_137] : memref<32x128x32xf32, #tpu.memory_space<hbm>> -> memref<1x1x32xf32, #tpu.memory_space<hbm>>
      %dma_start3A_139 = tpu.memref_squeeze %dma_start3A_138 : memref<1x1x32xf32, #tpu.memory_space<hbm>> -> memref<32xf32, #tpu.memory_space<hbm>>
      tpu.enqueue_dma source(%dma_start3A_139 : memref<32xf32, #tpu.memory_space<hbm>>) target(%dma_start3A_136 : memref<32xf32, #tpu.memory_space<vmem>>) target_semaphore(%arg14 : memref<!tpu.dma_semaphore, #tpu.memory_space<semaphore_mem>>)
      %dma_start3A_140 = arith.constant 4 : i32
      %dma_start3A_141 = arith.constant 4 : i32
      %dma_start3A_142 = arith.constant 0 : i32
      %dma_start3A_143 = tpu.memref_slice %arg9[%dma_start3A_141, %dma_start3A_142] : memref<32x32xf32, #tpu.memory_space<vmem>> -> memref<1x32xf32, #tpu.memory_space<vmem>>
      %dma_start3A_144 = tpu.memref_squeeze %dma_start3A_143 : memref<1x32xf32, #tpu.memory_space<vmem>> -> memref<32xf32, #tpu.memory_space<vmem>>
      %dma_start3A_145 = arith.constant 0 : i32
      %dma_start3A_146 = tpu.memref_slice %arg2[%dma_start3A_140, %add3A_84, %dma_start3A_145] : memref<32x128x32xf32, #tpu.memory_space<hbm>> -> memref<1x1x32xf32, #tpu.memory_space<hbm>>
      %dma_start3A_147 = tpu.memref_squeeze %dma_start3A_146 : memref<1x1x32xf32, #tpu.memory_space<hbm>> -> memref<32xf32, #tpu.memory_space<hbm>>
      %dma_start3A_148 = arith.constant 0 : i32
      %dma_start3A_149 = tpu.memref_slice %arg9[%dma_start3A_141, %dma_start3A_148] : memref<32x32xf32, #tpu.memory_space<vmem>> -> memref<1x32xf32, #tpu.memory_space<vmem>>
      %dma_start3A_150 = tpu.memref_squeeze %dma_start3A_149 : memref<1x32xf32, #tpu.memory_space<vmem>> -> memref<32xf32, #tpu.memory_space<vmem>>
      %dma_start3A_151 = arith.constant 0 : i32
      %dma_start3A_152 = tpu.memref_slice %arg2[%dma_start3A_140, %add3A_84, %dma_start3A_151] : memref<32x128x32xf32, #tpu.memory_space<hbm>> -> memref<1x1x32xf32, #tpu.memory_space<hbm>>
      %dma_start3A_153 = tpu.memref_squeeze %dma_start3A_152 : memref<1x1x32xf32, #tpu.memory_space<hbm>> -> memref<32xf32, #tpu.memory_space<hbm>>
      tpu.enqueue_dma source(%dma_start3A_153 : memref<32xf32, #tpu.memory_space<hbm>>) target(%dma_start3A_150 : memref<32xf32, #tpu.memory_space<vmem>>) target_semaphore(%arg14 : memref<!tpu.dma_semaphore, #tpu.memory_space<semaphore_mem>>)
      %dma_start3A_154 = arith.constant 5 : i32
      %dma_start3A_155 = arith.constant 5 : i32
      %dma_start3A_156 = arith.constant 0 : i32
      %dma_start3A_157 = tpu.memref_slice %arg9[%dma_start3A_155, %dma_start3A_156] : memref<32x32xf32, #tpu.memory_space<vmem>> -> memref<1x32xf32, #tpu.memory_space<vmem>>
      %dma_start3A_158 = tpu.memref_squeeze %dma_start3A_157 : memref<1x32xf32, #tpu.memory_space<vmem>> -> memref<32xf32, #tpu.memory_space<vmem>>
      %dma_start3A_159 = arith.constant 0 : i32
      %dma_start3A_160 = tpu.memref_slice %arg2[%dma_start3A_154, %add3A_84, %dma_start3A_159] : memref<32x128x32xf32, #tpu.memory_space<hbm>> -> memref<1x1x32xf32, #tpu.memory_space<hbm>>
      %dma_start3A_161 = tpu.memref_squeeze %dma_start3A_160 : memref<1x1x32xf32, #tpu.memory_space<hbm>> -> memref<32xf32, #tpu.memory_space<hbm>>
      %dma_start3A_162 = arith.constant 0 : i32
      %dma_start3A_163 = tpu.memref_slice %arg9[%dma_start3A_155, %dma_start3A_162] : memref<32x32xf32, #tpu.memory_space<vmem>> -> memref<1x32xf32, #tpu.memory_space<vmem>>
      %dma_start3A_164 = tpu.memref_squeeze %dma_start3A_163 : memref<1x32xf32, #tpu.memory_space<vmem>> -> memref<32xf32, #tpu.memory_space<vmem>>
      %dma_start3A_165 = arith.constant 0 : i32
      %dma_start3A_166 = tpu.memref_slice %arg2[%dma_start3A_154, %add3A_84, %dma_start3A_165] : memref<32x128x32xf32, #tpu.memory_space<hbm>> -> memref<1x1x32xf32, #tpu.memory_space<hbm>>
      %dma_start3A_167 = tpu.memref_squeeze %dma_start3A_166 : memref<1x1x32xf32, #tpu.memory_space<hbm>> -> memref<32xf32, #tpu.memory_space<hbm>>
      tpu.enqueue_dma source(%dma_start3A_167 : memref<32xf32, #tpu.memory_space<hbm>>) target(%dma_start3A_164 : memref<32xf32, #tpu.memory_space<vmem>>) target_semaphore(%arg14 : memref<!tpu.dma_semaphore, #tpu.memory_space<semaphore_mem>>)
      %dma_start3A_168 = arith.constant 6 : i32
      %dma_start3A_169 = arith.constant 6 : i32
      %dma_start3A_170 = arith.constant 0 : i32
      %dma_start3A_171 = tpu.memref_slice %arg9[%dma_start3A_169, %dma_start3A_170] : memref<32x32xf32, #tpu.memory_space<vmem>> -> memref<1x32xf32, #tpu.memory_space<vmem>>
      %dma_start3A_172 = tpu.memref_squeeze %dma_start3A_171 : memref<1x32xf32, #tpu.memory_space<vmem>> -> memref<32xf32, #tpu.memory_space<vmem>>
      %dma_start3A_173 = arith.constant 0 : i32
      %dma_start3A_174 = tpu.memref_slice %arg2[%dma_start3A_168, %add3A_84, %dma_start3A_173] : memref<32x128x32xf32, #tpu.memory_space<hbm>> -> memref<1x1x32xf32, #tpu.memory_space<hbm>>
      %dma_start3A_175 = tpu.memref_squeeze %dma_start3A_174 : memref<1x1x32xf32, #tpu.memory_space<hbm>> -> memref<32xf32, #tpu.memory_space<hbm>>
      %dma_start3A_176 = arith.constant 0 : i32
      %dma_start3A_177 = tpu.memref_slice %arg9[%dma_start3A_169, %dma_start3A_176] : memref<32x32xf32, #tpu.memory_space<vmem>> -> memref<1x32xf32, #tpu.memory_space<vmem>>
      %dma_start3A_178 = tpu.memref_squeeze %dma_start3A_177 : memref<1x32xf32, #tpu.memory_space<vmem>> -> memref<32xf32, #tpu.memory_space<vmem>>
      %dma_start3A_179 = arith.constant 0 : i32
      %dma_start3A_180 = tpu.memref_slice %arg2[%dma_start3A_168, %add3A_84, %dma_start3A_179] : memref<32x128x32xf32, #tpu.memory_space<hbm>> -> memref<1x1x32xf32, #tpu.memory_space<hbm>>
      %dma_start3A_181 = tpu.memref_squeeze %dma_start3A_180 : memref<1x1x32xf32, #tpu.memory_space<hbm>> -> memref<32xf32, #tpu.memory_space<hbm>>
      tpu.enqueue_dma source(%dma_start3A_181 : memref<32xf32, #tpu.memory_space<hbm>>) target(%dma_start3A_178 : memref<32xf32, #tpu.memory_space<vmem>>) target_semaphore(%arg14 : memref<!tpu.dma_semaphore, #tpu.memory_space<semaphore_mem>>)
      %dma_start3A_182 = arith.constant 7 : i32
      %dma_start3A_183 = arith.constant 7 : i32
      %dma_start3A_184 = arith.constant 0 : i32
      %dma_start3A_185 = tpu.memref_slice %arg9[%dma_start3A_183, %dma_start3A_184] : memref<32x32xf32, #tpu.memory_space<vmem>> -> memref<1x32xf32, #tpu.memory_space<vmem>>
      %dma_start3A_186 = tpu.memref_squeeze %dma_start3A_185 : memref<1x32xf32, #tpu.memory_space<vmem>> -> memref<32xf32, #tpu.memory_space<vmem>>
      %dma_start3A_187 = arith.constant 0 : i32
      %dma_start3A_188 = tpu.memref_slice %arg2[%dma_start3A_182, %add3A_84, %dma_start3A_187] : memref<32x128x32xf32, #tpu.memory_space<hbm>> -> memref<1x1x32xf32, #tpu.memory_space<hbm>>
      %dma_start3A_189 = tpu.memref_squeeze %dma_start3A_188 : memref<1x1x32xf32, #tpu.memory_space<hbm>> -> memref<32xf32, #tpu.memory_space<hbm>>
      %dma_start3A_190 = arith.constant 0 : i32
      %dma_start3A_191 = tpu.memref_slice %arg9[%dma_start3A_183, %dma_start3A_190] : memref<32x32xf32, #tpu.memory_space<vmem>> -> memref<1x32xf32, #tpu.memory_space<vmem>>
      %dma_start3A_192 = tpu.memref_squeeze %dma_start3A_191 : memref<1x32xf32, #tpu.memory_space<vmem>> -> memref<32xf32, #tpu.memory_space<vmem>>
      %dma_start3A_193 = arith.constant 0 : i32
      %dma_start3A_194 = tpu.memref_slice %arg2[%dma_start3A_182, %add3A_84, %dma_start3A_193] : memref<32x128x32xf32, #tpu.memory_space<hbm>> -> memref<1x1x32xf32, #tpu.memory_space<hbm>>
      %dma_start3A_195 = tpu.memref_squeeze %dma_start3A_194 : memref<1x1x32xf32, #tpu.memory_space<hbm>> -> memref<32xf32, #tpu.memory_space<hbm>>
      tpu.enqueue_dma source(%dma_start3A_195 : memref<32xf32, #tpu.memory_space<hbm>>) target(%dma_start3A_192 : memref<32xf32, #tpu.memory_space<vmem>>) target_semaphore(%arg14 : memref<!tpu.dma_semaphore, #tpu.memory_space<semaphore_mem>>)
      %dma_start3A_196 = arith.constant 8 : i32
      %dma_start3A_197 = arith.constant 8 : i32
      %dma_start3A_198 = arith.constant 0 : i32
      %dma_start3A_199 = tpu.memref_slice %arg9[%dma_start3A_197, %dma_start3A_198] : memref<32x32xf32, #tpu.memory_space<vmem>> -> memref<1x32xf32, #tpu.memory_space<vmem>>
      %dma_start3A_200 = tpu.memref_squeeze %dma_start3A_199 : memref<1x32xf32, #tpu.memory_space<vmem>> -> memref<32xf32, #tpu.memory_space<vmem>>
      %dma_start3A_201 = arith.constant 0 : i32
      %dma_start3A_202 = tpu.memref_slice %arg2[%dma_start3A_196, %add3A_84, %dma_start3A_201] : memref<32x128x32xf32, #tpu.memory_space<hbm>> -> memref<1x1x32xf32, #tpu.memory_space<hbm>>
      %dma_start3A_203 = tpu.memref_squeeze %dma_start3A_202 : memref<1x1x32xf32, #tpu.memory_space<hbm>> -> memref<32xf32, #tpu.memory_space<hbm>>
      %dma_start3A_204 = arith.constant 0 : i32
      %dma_start3A_205 = tpu.memref_slice %arg9[%dma_start3A_197, %dma_start3A_204] : memref<32x32xf32, #tpu.memory_space<vmem>> -> memref<1x32xf32, #tpu.memory_space<vmem>>
      %dma_start3A_206 = tpu.memref_squeeze %dma_start3A_205 : memref<1x32xf32, #tpu.memory_space<vmem>> -> memref<32xf32, #tpu.memory_space<vmem>>
      %dma_start3A_207 = arith.constant 0 : i32
      %dma_start3A_208 = tpu.memref_slice %arg2[%dma_start3A_196, %add3A_84, %dma_start3A_207] : memref<32x128x32xf32, #tpu.memory_space<hbm>> -> memref<1x1x32xf32, #tpu.memory_space<hbm>>
      %dma_start3A_209 = tpu.memref_squeeze %dma_start3A_208 : memref<1x1x32xf32, #tpu.memory_space<hbm>> -> memref<32xf32, #tpu.memory_space<hbm>>
      tpu.enqueue_dma source(%dma_start3A_209 : memref<32xf32, #tpu.memory_space<hbm>>) target(%dma_start3A_206 : memref<32xf32, #tpu.memory_space<vmem>>) target_semaphore(%arg14 : memref<!tpu.dma_semaphore, #tpu.memory_space<semaphore_mem>>)
      %dma_start3A_210 = arith.constant 9 : i32
      %dma_start3A_211 = arith.constant 9 : i32
      %dma_start3A_212 = arith.constant 0 : i32
      %dma_start3A_213 = tpu.memref_slice %arg9[%dma_start3A_211, %dma_start3A_212] : memref<32x32xf32, #tpu.memory_space<vmem>> -> memref<1x32xf32, #tpu.memory_space<vmem>>
      %dma_start3A_214 = tpu.memref_squeeze %dma_start3A_213 : memref<1x32xf32, #tpu.memory_space<vmem>> -> memref<32xf32, #tpu.memory_space<vmem>>
      %dma_start3A_215 = arith.constant 0 : i32
      %dma_start3A_216 = tpu.memref_slice %arg2[%dma_start3A_210, %add3A_84, %dma_start3A_215] : memref<32x128x32xf32, #tpu.memory_space<hbm>> -> memref<1x1x32xf32, #tpu.memory_space<hbm>>
      %dma_start3A_217 = tpu.memref_squeeze %dma_start3A_216 : memref<1x1x32xf32, #tpu.memory_space<hbm>> -> memref<32xf32, #tpu.memory_space<hbm>>
      %dma_start3A_218 = arith.constant 0 : i32
      %dma_start3A_219 = tpu.memref_slice %arg9[%dma_start3A_211, %dma_start3A_218] : memref<32x32xf32, #tpu.memory_space<vmem>> -> memref<1x32xf32, #tpu.memory_space<vmem>>
      %dma_start3A_220 = tpu.memref_squeeze %dma_start3A_219 : memref<1x32xf32, #tpu.memory_space<vmem>> -> memref<32xf32, #tpu.memory_space<vmem>>
      %dma_start3A_221 = arith.constant 0 : i32
      %dma_start3A_222 = tpu.memref_slice %arg2[%dma_start3A_210, %add3A_84, %dma_start3A_221] : memref<32x128x32xf32, #tpu.memory_space<hbm>> -> memref<1x1x32xf32, #tpu.memory_space<hbm>>
      %dma_start3A_223 = tpu.memref_squeeze %dma_start3A_222 : memref<1x1x32xf32, #tpu.memory_space<hbm>> -> memref<32xf32, #tpu.memory_space<hbm>>
      tpu.enqueue_dma source(%dma_start3A_223 : memref<32xf32, #tpu.memory_space<hbm>>) target(%dma_start3A_220 : memref<32xf32, #tpu.memory_space<vmem>>) target_semaphore(%arg14 : memref<!tpu.dma_semaphore, #tpu.memory_space<semaphore_mem>>)
      %dma_start3A_224 = arith.constant 10 : i32
      %dma_start3A_225 = arith.constant 10 : i32
      %dma_start3A_226 = arith.constant 0 : i32
      %dma_start3A_227 = tpu.memref_slice %arg9[%dma_start3A_225, %dma_start3A_226] : memref<32x32xf32, #tpu.memory_space<vmem>> -> memref<1x32xf32, #tpu.memory_space<vmem>>
      %dma_start3A_228 = tpu.memref_squeeze %dma_start3A_227 : memref<1x32xf32, #tpu.memory_space<vmem>> -> memref<32xf32, #tpu.memory_space<vmem>>
      %dma_start3A_229 = arith.constant 0 : i32
      %dma_start3A_230 = tpu.memref_slice %arg2[%dma_start3A_224, %add3A_84, %dma_start3A_229] : memref<32x128x32xf32, #tpu.memory_space<hbm>> -> memref<1x1x32xf32, #tpu.memory_space<hbm>>
      %dma_start3A_231 = tpu.memref_squeeze %dma_start3A_230 : memref<1x1x32xf32, #tpu.memory_space<hbm>> -> memref<32xf32, #tpu.memory_space<hbm>>
      %dma_start3A_232 = arith.constant 0 : i32
      %dma_start3A_233 = tpu.memref_slice %arg9[%dma_start3A_225, %dma_start3A_232] : memref<32x32xf32, #tpu.memory_space<vmem>> -> memref<1x32xf32, #tpu.memory_space<vmem>>
      %dma_start3A_234 = tpu.memref_squeeze %dma_start3A_233 : memref<1x32xf32, #tpu.memory_space<vmem>> -> memref<32xf32, #tpu.memory_space<vmem>>
      %dma_start3A_235 = arith.constant 0 : i32
      %dma_start3A_236 = tpu.memref_slice %arg2[%dma_start3A_224, %add3A_84, %dma_start3A_235] : memref<32x128x32xf32, #tpu.memory_space<hbm>> -> memref<1x1x32xf32, #tpu.memory_space<hbm>>
      %dma_start3A_237 = tpu.memref_squeeze %dma_start3A_236 : memref<1x1x32xf32, #tpu.memory_space<hbm>> -> memref<32xf32, #tpu.memory_space<hbm>>
      tpu.enqueue_dma source(%dma_start3A_237 : memref<32xf32, #tpu.memory_space<hbm>>) target(%dma_start3A_234 : memref<32xf32, #tpu.memory_space<vmem>>) target_semaphore(%arg14 : memref<!tpu.dma_semaphore, #tpu.memory_space<semaphore_mem>>)
      %dma_start3A_238 = arith.constant 11 : i32
      %dma_start3A_239 = arith.constant 11 : i32
      %dma_start3A_240 = arith.constant 0 : i32
      %dma_start3A_241 = tpu.memref_slice %arg9[%dma_start3A_239, %dma_start3A_240] : memref<32x32xf32, #tpu.memory_space<vmem>> -> memref<1x32xf32, #tpu.memory_space<vmem>>
      %dma_start3A_242 = tpu.memref_squeeze %dma_start3A_241 : memref<1x32xf32, #tpu.memory_space<vmem>> -> memref<32xf32, #tpu.memory_space<vmem>>
      %dma_start3A_243 = arith.constant 0 : i32
      %dma_start3A_244 = tpu.memref_slice %arg2[%dma_start3A_238, %add3A_84, %dma_start3A_243] : memref<32x128x32xf32, #tpu.memory_space<hbm>> -> memref<1x1x32xf32, #tpu.memory_space<hbm>>
      %dma_start3A_245 = tpu.memref_squeeze %dma_start3A_244 : memref<1x1x32xf32, #tpu.memory_space<hbm>> -> memref<32xf32, #tpu.memory_space<hbm>>
      %dma_start3A_246 = arith.constant 0 : i32
      %dma_start3A_247 = tpu.memref_slice %arg9[%dma_start3A_239, %dma_start3A_246] : memref<32x32xf32, #tpu.memory_space<vmem>> -> memref<1x32xf32, #tpu.memory_space<vmem>>
      %dma_start3A_248 = tpu.memref_squeeze %dma_start3A_247 : memref<1x32xf32, #tpu.memory_space<vmem>> -> memref<32xf32, #tpu.memory_space<vmem>>
      %dma_start3A_249 = arith.constant 0 : i32
      %dma_start3A_250 = tpu.memref_slice %arg2[%dma_start3A_238, %add3A_84, %dma_start3A_249] : memref<32x128x32xf32, #tpu.memory_space<hbm>> -> memref<1x1x32xf32, #tpu.memory_space<hbm>>
      %dma_start3A_251 = tpu.memref_squeeze %dma_start3A_250 : memref<1x1x32xf32, #tpu.memory_space<hbm>> -> memref<32xf32, #tpu.memory_space<hbm>>
      tpu.enqueue_dma source(%dma_start3A_251 : memref<32xf32, #tpu.memory_space<hbm>>) target(%dma_start3A_248 : memref<32xf32, #tpu.memory_space<vmem>>) target_semaphore(%arg14 : memref<!tpu.dma_semaphore, #tpu.memory_space<semaphore_mem>>)
      %dma_start3A_252 = arith.constant 12 : i32
      %dma_start3A_253 = arith.constant 12 : i32
      %dma_start3A_254 = arith.constant 0 : i32
      %dma_start3A_255 = tpu.memref_slice %arg9[%dma_start3A_253, %dma_start3A_254] : memref<32x32xf32, #tpu.memory_space<vmem>> -> memref<1x32xf32, #tpu.memory_space<vmem>>
      %dma_start3A_256 = tpu.memref_squeeze %dma_start3A_255 : memref<1x32xf32, #tpu.memory_space<vmem>> -> memref<32xf32, #tpu.memory_space<vmem>>
      %dma_start3A_257 = arith.constant 0 : i32
      %dma_start3A_258 = tpu.memref_slice %arg2[%dma_start3A_252, %add3A_84, %dma_start3A_257] : memref<32x128x32xf32, #tpu.memory_space<hbm>> -> memref<1x1x32xf32, #tpu.memory_space<hbm>>
      %dma_start3A_259 = tpu.memref_squeeze %dma_start3A_258 : memref<1x1x32xf32, #tpu.memory_space<hbm>> -> memref<32xf32, #tpu.memory_space<hbm>>
      %dma_start3A_260 = arith.constant 0 : i32
      %dma_start3A_261 = tpu.memref_slice %arg9[%dma_start3A_253, %dma_start3A_260] : memref<32x32xf32, #tpu.memory_space<vmem>> -> memref<1x32xf32, #tpu.memory_space<vmem>>
      %dma_start3A_262 = tpu.memref_squeeze %dma_start3A_261 : memref<1x32xf32, #tpu.memory_space<vmem>> -> memref<32xf32, #tpu.memory_space<vmem>>
      %dma_start3A_263 = arith.constant 0 : i32
      %dma_start3A_264 = tpu.memref_slice %arg2[%dma_start3A_252, %add3A_84, %dma_start3A_263] : memref<32x128x32xf32, #tpu.memory_space<hbm>> -> memref<1x1x32xf32, #tpu.memory_space<hbm>>
      %dma_start3A_265 = tpu.memref_squeeze %dma_start3A_264 : memref<1x1x32xf32, #tpu.memory_space<hbm>> -> memref<32xf32, #tpu.memory_space<hbm>>
      tpu.enqueue_dma source(%dma_start3A_265 : memref<32xf32, #tpu.memory_space<hbm>>) target(%dma_start3A_262 : memref<32xf32, #tpu.memory_space<vmem>>) target_semaphore(%arg14 : memref<!tpu.dma_semaphore, #tpu.memory_space<semaphore_mem>>)
      %dma_start3A_266 = arith.constant 13 : i32
      %dma_start3A_267 = arith.constant 13 : i32
      %dma_start3A_268 = arith.constant 0 : i32
      %dma_start3A_269 = tpu.memref_slice %arg9[%dma_start3A_267, %dma_start3A_268] : memref<32x32xf32, #tpu.memory_space<vmem>> -> memref<1x32xf32, #tpu.memory_space<vmem>>
      %dma_start3A_270 = tpu.memref_squeeze %dma_start3A_269 : memref<1x32xf32, #tpu.memory_space<vmem>> -> memref<32xf32, #tpu.memory_space<vmem>>
      %dma_start3A_271 = arith.constant 0 : i32
      %dma_start3A_272 = tpu.memref_slice %arg2[%dma_start3A_266, %add3A_84, %dma_start3A_271] : memref<32x128x32xf32, #tpu.memory_space<hbm>> -> memref<1x1x32xf32, #tpu.memory_space<hbm>>
      %dma_start3A_273 = tpu.memref_squeeze %dma_start3A_272 : memref<1x1x32xf32, #tpu.memory_space<hbm>> -> memref<32xf32, #tpu.memory_space<hbm>>
      %dma_start3A_274 = arith.constant 0 : i32
      %dma_start3A_275 = tpu.memref_slice %arg9[%dma_start3A_267, %dma_start3A_274] : memref<32x32xf32, #tpu.memory_space<vmem>> -> memref<1x32xf32, #tpu.memory_space<vmem>>
      %dma_start3A_276 = tpu.memref_squeeze %dma_start3A_275 : memref<1x32xf32, #tpu.memory_space<vmem>> -> memref<32xf32, #tpu.memory_space<vmem>>
      %dma_start3A_277 = arith.constant 0 : i32
      %dma_start3A_278 = tpu.memref_slice %arg2[%dma_start3A_266, %add3A_84, %dma_start3A_277] : memref<32x128x32xf32, #tpu.memory_space<hbm>> -> memref<1x1x32xf32, #tpu.memory_space<hbm>>
      %dma_start3A_279 = tpu.memref_squeeze %dma_start3A_278 : memref<1x1x32xf32, #tpu.memory_space<hbm>> -> memref<32xf32, #tpu.memory_space<hbm>>
      tpu.enqueue_dma source(%dma_start3A_279 : memref<32xf32, #tpu.memory_space<hbm>>) target(%dma_start3A_276 : memref<32xf32, #tpu.memory_space<vmem>>) target_semaphore(%arg14 : memref<!tpu.dma_semaphore, #tpu.memory_space<semaphore_mem>>)
      %dma_start3A_280 = arith.constant 14 : i32
      %dma_start3A_281 = arith.constant 14 : i32
      %dma_start3A_282 = arith.constant 0 : i32
      %dma_start3A_283 = tpu.memref_slice %arg9[%dma_start3A_281, %dma_start3A_282] : memref<32x32xf32, #tpu.memory_space<vmem>> -> memref<1x32xf32, #tpu.memory_space<vmem>>
      %dma_start3A_284 = tpu.memref_squeeze %dma_start3A_283 : memref<1x32xf32, #tpu.memory_space<vmem>> -> memref<32xf32, #tpu.memory_space<vmem>>
      %dma_start3A_285 = arith.constant 0 : i32
      %dma_start3A_286 = tpu.memref_slice %arg2[%dma_start3A_280, %add3A_84, %dma_start3A_285] : memref<32x128x32xf32, #tpu.memory_space<hbm>> -> memref<1x1x32xf32, #tpu.memory_space<hbm>>
      %dma_start3A_287 = tpu.memref_squeeze %dma_start3A_286 : memref<1x1x32xf32, #tpu.memory_space<hbm>> -> memref<32xf32, #tpu.memory_space<hbm>>
      %dma_start3A_288 = arith.constant 0 : i32
      %dma_start3A_289 = tpu.memref_slice %arg9[%dma_start3A_281, %dma_start3A_288] : memref<32x32xf32, #tpu.memory_space<vmem>> -> memref<1x32xf32, #tpu.memory_space<vmem>>
      %dma_start3A_290 = tpu.memref_squeeze %dma_start3A_289 : memref<1x32xf32, #tpu.memory_space<vmem>> -> memref<32xf32, #tpu.memory_space<vmem>>
      %dma_start3A_291 = arith.constant 0 : i32
      %dma_start3A_292 = tpu.memref_slice %arg2[%dma_start3A_280, %add3A_84, %dma_start3A_291] : memref<32x128x32xf32, #tpu.memory_space<hbm>> -> memref<1x1x32xf32, #tpu.memory_space<hbm>>
      %dma_start3A_293 = tpu.memref_squeeze %dma_start3A_292 : memref<1x1x32xf32, #tpu.memory_space<hbm>> -> memref<32xf32, #tpu.memory_space<hbm>>
      tpu.enqueue_dma source(%dma_start3A_293 : memref<32xf32, #tpu.memory_space<hbm>>) target(%dma_start3A_290 : memref<32xf32, #tpu.memory_space<vmem>>) target_semaphore(%arg14 : memref<!tpu.dma_semaphore, #tpu.memory_space<semaphore_mem>>)
      %dma_start3A_294 = arith.constant 15 : i32
      %dma_start3A_295 = arith.constant 15 : i32
      %dma_start3A_296 = arith.constant 0 : i32
      %dma_start3A_297 = tpu.memref_slice %arg9[%dma_start3A_295, %dma_start3A_296] : memref<32x32xf32, #tpu.memory_space<vmem>> -> memref<1x32xf32, #tpu.memory_space<vmem>>
      %dma_start3A_298 = tpu.memref_squeeze %dma_start3A_297 : memref<1x32xf32, #tpu.memory_space<vmem>> -> memref<32xf32, #tpu.memory_space<vmem>>
      %dma_start3A_299 = arith.constant 0 : i32
      %dma_start3A_300 = tpu.memref_slice %arg2[%dma_start3A_294, %add3A_84, %dma_start3A_299] : memref<32x128x32xf32, #tpu.memory_space<hbm>> -> memref<1x1x32xf32, #tpu.memory_space<hbm>>
      %dma_start3A_301 = tpu.memref_squeeze %dma_start3A_300 : memref<1x1x32xf32, #tpu.memory_space<hbm>> -> memref<32xf32, #tpu.memory_space<hbm>>
      %dma_start3A_302 = arith.constant 0 : i32
      %dma_start3A_303 = tpu.memref_slice %arg9[%dma_start3A_295, %dma_start3A_302] : memref<32x32xf32, #tpu.memory_space<vmem>> -> memref<1x32xf32, #tpu.memory_space<vmem>>
      %dma_start3A_304 = tpu.memref_squeeze %dma_start3A_303 : memref<1x32xf32, #tpu.memory_space<vmem>> -> memref<32xf32, #tpu.memory_space<vmem>>
      %dma_start3A_305 = arith.constant 0 : i32
      %dma_start3A_306 = tpu.memref_slice %arg2[%dma_start3A_294, %add3A_84, %dma_start3A_305] : memref<32x128x32xf32, #tpu.memory_space<hbm>> -> memref<1x1x32xf32, #tpu.memory_space<hbm>>
      %dma_start3A_307 = tpu.memref_squeeze %dma_start3A_306 : memref<1x1x32xf32, #tpu.memory_space<hbm>> -> memref<32xf32, #tpu.memory_space<hbm>>
      tpu.enqueue_dma source(%dma_start3A_307 : memref<32xf32, #tpu.memory_space<hbm>>) target(%dma_start3A_304 : memref<32xf32, #tpu.memory_space<vmem>>) target_semaphore(%arg14 : memref<!tpu.dma_semaphore, #tpu.memory_space<semaphore_mem>>)
      %dma_start3A_308 = arith.constant 16 : i32
      %dma_start3A_309 = arith.constant 16 : i32
      %dma_start3A_310 = arith.constant 0 : i32
      %dma_start3A_311 = tpu.memref_slice %arg9[%dma_start3A_309, %dma_start3A_310] : memref<32x32xf32, #tpu.memory_space<vmem>> -> memref<1x32xf32, #tpu.memory_space<vmem>>
      %dma_start3A_312 = tpu.memref_squeeze %dma_start3A_311 : memref<1x32xf32, #tpu.memory_space<vmem>> -> memref<32xf32, #tpu.memory_space<vmem>>
      %dma_start3A_313 = arith.constant 0 : i32
      %dma_start3A_314 = tpu.memref_slice %arg2[%dma_start3A_308, %add3A_84, %dma_start3A_313] : memref<32x128x32xf32, #tpu.memory_space<hbm>> -> memref<1x1x32xf32, #tpu.memory_space<hbm>>
      %dma_start3A_315 = tpu.memref_squeeze %dma_start3A_314 : memref<1x1x32xf32, #tpu.memory_space<hbm>> -> memref<32xf32, #tpu.memory_space<hbm>>
      %dma_start3A_316 = arith.constant 0 : i32
      %dma_start3A_317 = tpu.memref_slice %arg9[%dma_start3A_309, %dma_start3A_316] : memref<32x32xf32, #tpu.memory_space<vmem>> -> memref<1x32xf32, #tpu.memory_space<vmem>>
      %dma_start3A_318 = tpu.memref_squeeze %dma_start3A_317 : memref<1x32xf32, #tpu.memory_space<vmem>> -> memref<32xf32, #tpu.memory_space<vmem>>
      %dma_start3A_319 = arith.constant 0 : i32
      %dma_start3A_320 = tpu.memref_slice %arg2[%dma_start3A_308, %add3A_84, %dma_start3A_319] : memref<32x128x32xf32, #tpu.memory_space<hbm>> -> memref<1x1x32xf32, #tpu.memory_space<hbm>>
      %dma_start3A_321 = tpu.memref_squeeze %dma_start3A_320 : memref<1x1x32xf32, #tpu.memory_space<hbm>> -> memref<32xf32, #tpu.memory_space<hbm>>
      tpu.enqueue_dma source(%dma_start3A_321 : memref<32xf32, #tpu.memory_space<hbm>>) target(%dma_start3A_318 : memref<32xf32, #tpu.memory_space<vmem>>) target_semaphore(%arg14 : memref<!tpu.dma_semaphore, #tpu.memory_space<semaphore_mem>>)
      %dma_start3A_322 = arith.constant 17 : i32
      %dma_start3A_323 = arith.constant 17 : i32
      %dma_start3A_324 = arith.constant 0 : i32
      %dma_start3A_325 = tpu.memref_slice %arg9[%dma_start3A_323, %dma_start3A_324] : memref<32x32xf32, #tpu.memory_space<vmem>> -> memref<1x32xf32, #tpu.memory_space<vmem>>
      %dma_start3A_326 = tpu.memref_squeeze %dma_start3A_325 : memref<1x32xf32, #tpu.memory_space<vmem>> -> memref<32xf32, #tpu.memory_space<vmem>>
      %dma_start3A_327 = arith.constant 0 : i32
      %dma_start3A_328 = tpu.memref_slice %arg2[%dma_start3A_322, %add3A_84, %dma_start3A_327] : memref<32x128x32xf32, #tpu.memory_space<hbm>> -> memref<1x1x32xf32, #tpu.memory_space<hbm>>
      %dma_start3A_329 = tpu.memref_squeeze %dma_start3A_328 : memref<1x1x32xf32, #tpu.memory_space<hbm>> -> memref<32xf32, #tpu.memory_space<hbm>>
      %dma_start3A_330 = arith.constant 0 : i32
      %dma_start3A_331 = tpu.memref_slice %arg9[%dma_start3A_323, %dma_start3A_330] : memref<32x32xf32, #tpu.memory_space<vmem>> -> memref<1x32xf32, #tpu.memory_space<vmem>>
      %dma_start3A_332 = tpu.memref_squeeze %dma_start3A_331 : memref<1x32xf32, #tpu.memory_space<vmem>> -> memref<32xf32, #tpu.memory_space<vmem>>
      %dma_start3A_333 = arith.constant 0 : i32
      %dma_start3A_334 = tpu.memref_slice %arg2[%dma_start3A_322, %add3A_84, %dma_start3A_333] : memref<32x128x32xf32, #tpu.memory_space<hbm>> -> memref<1x1x32xf32, #tpu.memory_space<hbm>>
      %dma_start3A_335 = tpu.memref_squeeze %dma_start3A_334 : memref<1x1x32xf32, #tpu.memory_space<hbm>> -> memref<32xf32, #tpu.memory_space<hbm>>
      tpu.enqueue_dma source(%dma_start3A_335 : memref<32xf32, #tpu.memory_space<hbm>>) target(%dma_start3A_332 : memref<32xf32, #tpu.memory_space<vmem>>) target_semaphore(%arg14 : memref<!tpu.dma_semaphore, #tpu.memory_space<semaphore_mem>>)
      %dma_start3A_336 = arith.constant 18 : i32
      %dma_start3A_337 = arith.constant 18 : i32
      %dma_start3A_338 = arith.constant 0 : i32
      %dma_start3A_339 = tpu.memref_slice %arg9[%dma_start3A_337, %dma_start3A_338] : memref<32x32xf32, #tpu.memory_space<vmem>> -> memref<1x32xf32, #tpu.memory_space<vmem>>
      %dma_start3A_340 = tpu.memref_squeeze %dma_start3A_339 : memref<1x32xf32, #tpu.memory_space<vmem>> -> memref<32xf32, #tpu.memory_space<vmem>>
      %dma_start3A_341 = arith.constant 0 : i32
      %dma_start3A_342 = tpu.memref_slice %arg2[%dma_start3A_336, %add3A_84, %dma_start3A_341] : memref<32x128x32xf32, #tpu.memory_space<hbm>> -> memref<1x1x32xf32, #tpu.memory_space<hbm>>
      %dma_start3A_343 = tpu.memref_squeeze %dma_start3A_342 : memref<1x1x32xf32, #tpu.memory_space<hbm>> -> memref<32xf32, #tpu.memory_space<hbm>>
      %dma_start3A_344 = arith.constant 0 : i32
      %dma_start3A_345 = tpu.memref_slice %arg9[%dma_start3A_337, %dma_start3A_344] : memref<32x32xf32, #tpu.memory_space<vmem>> -> memref<1x32xf32, #tpu.memory_space<vmem>>
      %dma_start3A_346 = tpu.memref_squeeze %dma_start3A_345 : memref<1x32xf32, #tpu.memory_space<vmem>> -> memref<32xf32, #tpu.memory_space<vmem>>
      %dma_start3A_347 = arith.constant 0 : i32
      %dma_start3A_348 = tpu.memref_slice %arg2[%dma_start3A_336, %add3A_84, %dma_start3A_347] : memref<32x128x32xf32, #tpu.memory_space<hbm>> -> memref<1x1x32xf32, #tpu.memory_space<hbm>>
      %dma_start3A_349 = tpu.memref_squeeze %dma_start3A_348 : memref<1x1x32xf32, #tpu.memory_space<hbm>> -> memref<32xf32, #tpu.memory_space<hbm>>
      tpu.enqueue_dma source(%dma_start3A_349 : memref<32xf32, #tpu.memory_space<hbm>>) target(%dma_start3A_346 : memref<32xf32, #tpu.memory_space<vmem>>) target_semaphore(%arg14 : memref<!tpu.dma_semaphore, #tpu.memory_space<semaphore_mem>>)
      %dma_start3A_350 = arith.constant 19 : i32
      %dma_start3A_351 = arith.constant 19 : i32
      %dma_start3A_352 = arith.constant 0 : i32
      %dma_start3A_353 = tpu.memref_slice %arg9[%dma_start3A_351, %dma_start3A_352] : memref<32x32xf32, #tpu.memory_space<vmem>> -> memref<1x32xf32, #tpu.memory_space<vmem>>
      %dma_start3A_354 = tpu.memref_squeeze %dma_start3A_353 : memref<1x32xf32, #tpu.memory_space<vmem>> -> memref<32xf32, #tpu.memory_space<vmem>>
      %dma_start3A_355 = arith.constant 0 : i32
      %dma_start3A_356 = tpu.memref_slice %arg2[%dma_start3A_350, %add3A_84, %dma_start3A_355] : memref<32x128x32xf32, #tpu.memory_space<hbm>> -> memref<1x1x32xf32, #tpu.memory_space<hbm>>
      %dma_start3A_357 = tpu.memref_squeeze %dma_start3A_356 : memref<1x1x32xf32, #tpu.memory_space<hbm>> -> memref<32xf32, #tpu.memory_space<hbm>>
      %dma_start3A_358 = arith.constant 0 : i32
      %dma_start3A_359 = tpu.memref_slice %arg9[%dma_start3A_351, %dma_start3A_358] : memref<32x32xf32, #tpu.memory_space<vmem>> -> memref<1x32xf32, #tpu.memory_space<vmem>>
      %dma_start3A_360 = tpu.memref_squeeze %dma_start3A_359 : memref<1x32xf32, #tpu.memory_space<vmem>> -> memref<32xf32, #tpu.memory_space<vmem>>
      %dma_start3A_361 = arith.constant 0 : i32
      %dma_start3A_362 = tpu.memref_slice %arg2[%dma_start3A_350, %add3A_84, %dma_start3A_361] : memref<32x128x32xf32, #tpu.memory_space<hbm>> -> memref<1x1x32xf32, #tpu.memory_space<hbm>>
      %dma_start3A_363 = tpu.memref_squeeze %dma_start3A_362 : memref<1x1x32xf32, #tpu.memory_space<hbm>> -> memref<32xf32, #tpu.memory_space<hbm>>
      tpu.enqueue_dma source(%dma_start3A_363 : memref<32xf32, #tpu.memory_space<hbm>>) target(%dma_start3A_360 : memref<32xf32, #tpu.memory_space<vmem>>) target_semaphore(%arg14 : memref<!tpu.dma_semaphore, #tpu.memory_space<semaphore_mem>>)
      %dma_start3A_364 = arith.constant 20 : i32
      %dma_start3A_365 = arith.constant 20 : i32
      %dma_start3A_366 = arith.constant 0 : i32
      %dma_start3A_367 = tpu.memref_slice %arg9[%dma_start3A_365, %dma_start3A_366] : memref<32x32xf32, #tpu.memory_space<vmem>> -> memref<1x32xf32, #tpu.memory_space<vmem>>
      %dma_start3A_368 = tpu.memref_squeeze %dma_start3A_367 : memref<1x32xf32, #tpu.memory_space<vmem>> -> memref<32xf32, #tpu.memory_space<vmem>>
      %dma_start3A_369 = arith.constant 0 : i32
      %dma_start3A_370 = tpu.memref_slice %arg2[%dma_start3A_364, %add3A_84, %dma_start3A_369] : memref<32x128x32xf32, #tpu.memory_space<hbm>> -> memref<1x1x32xf32, #tpu.memory_space<hbm>>
      %dma_start3A_371 = tpu.memref_squeeze %dma_start3A_370 : memref<1x1x32xf32, #tpu.memory_space<hbm>> -> memref<32xf32, #tpu.memory_space<hbm>>
      %dma_start3A_372 = arith.constant 0 : i32
      %dma_start3A_373 = tpu.memref_slice %arg9[%dma_start3A_365, %dma_start3A_372] : memref<32x32xf32, #tpu.memory_space<vmem>> -> memref<1x32xf32, #tpu.memory_space<vmem>>
      %dma_start3A_374 = tpu.memref_squeeze %dma_start3A_373 : memref<1x32xf32, #tpu.memory_space<vmem>> -> memref<32xf32, #tpu.memory_space<vmem>>
      %dma_start3A_375 = arith.constant 0 : i32
      %dma_start3A_376 = tpu.memref_slice %arg2[%dma_start3A_364, %add3A_84, %dma_start3A_375] : memref<32x128x32xf32, #tpu.memory_space<hbm>> -> memref<1x1x32xf32, #tpu.memory_space<hbm>>
      %dma_start3A_377 = tpu.memref_squeeze %dma_start3A_376 : memref<1x1x32xf32, #tpu.memory_space<hbm>> -> memref<32xf32, #tpu.memory_space<hbm>>
      tpu.enqueue_dma source(%dma_start3A_377 : memref<32xf32, #tpu.memory_space<hbm>>) target(%dma_start3A_374 : memref<32xf32, #tpu.memory_space<vmem>>) target_semaphore(%arg14 : memref<!tpu.dma_semaphore, #tpu.memory_space<semaphore_mem>>)
      %dma_start3A_378 = arith.constant 21 : i32
      %dma_start3A_379 = arith.constant 21 : i32
      %dma_start3A_380 = arith.constant 0 : i32
      %dma_start3A_381 = tpu.memref_slice %arg9[%dma_start3A_379, %dma_start3A_380] : memref<32x32xf32, #tpu.memory_space<vmem>> -> memref<1x32xf32, #tpu.memory_space<vmem>>
      %dma_start3A_382 = tpu.memref_squeeze %dma_start3A_381 : memref<1x32xf32, #tpu.memory_space<vmem>> -> memref<32xf32, #tpu.memory_space<vmem>>
      %dma_start3A_383 = arith.constant 0 : i32
      %dma_start3A_384 = tpu.memref_slice %arg2[%dma_start3A_378, %add3A_84, %dma_start3A_383] : memref<32x128x32xf32, #tpu.memory_space<hbm>> -> memref<1x1x32xf32, #tpu.memory_space<hbm>>
      %dma_start3A_385 = tpu.memref_squeeze %dma_start3A_384 : memref<1x1x32xf32, #tpu.memory_space<hbm>> -> memref<32xf32, #tpu.memory_space<hbm>>
      %dma_start3A_386 = arith.constant 0 : i32
      %dma_start3A_387 = tpu.memref_slice %arg9[%dma_start3A_379, %dma_start3A_386] : memref<32x32xf32, #tpu.memory_space<vmem>> -> memref<1x32xf32, #tpu.memory_space<vmem>>
      %dma_start3A_388 = tpu.memref_squeeze %dma_start3A_387 : memref<1x32xf32, #tpu.memory_space<vmem>> -> memref<32xf32, #tpu.memory_space<vmem>>
      %dma_start3A_389 = arith.constant 0 : i32
      %dma_start3A_390 = tpu.memref_slice %arg2[%dma_start3A_378, %add3A_84, %dma_start3A_389] : memref<32x128x32xf32, #tpu.memory_space<hbm>> -> memref<1x1x32xf32, #tpu.memory_space<hbm>>
      %dma_start3A_391 = tpu.memref_squeeze %dma_start3A_390 : memref<1x1x32xf32, #tpu.memory_space<hbm>> -> memref<32xf32, #tpu.memory_space<hbm>>
      tpu.enqueue_dma source(%dma_start3A_391 : memref<32xf32, #tpu.memory_space<hbm>>) target(%dma_start3A_388 : memref<32xf32, #tpu.memory_space<vmem>>) target_semaphore(%arg14 : memref<!tpu.dma_semaphore, #tpu.memory_space<semaphore_mem>>)
      %dma_start3A_392 = arith.constant 22 : i32
      %dma_start3A_393 = arith.constant 22 : i32
      %dma_start3A_394 = arith.constant 0 : i32
      %dma_start3A_395 = tpu.memref_slice %arg9[%dma_start3A_393, %dma_start3A_394] : memref<32x32xf32, #tpu.memory_space<vmem>> -> memref<1x32xf32, #tpu.memory_space<vmem>>
      %dma_start3A_396 = tpu.memref_squeeze %dma_start3A_395 : memref<1x32xf32, #tpu.memory_space<vmem>> -> memref<32xf32, #tpu.memory_space<vmem>>
      %dma_start3A_397 = arith.constant 0 : i32
      %dma_start3A_398 = tpu.memref_slice %arg2[%dma_start3A_392, %add3A_84, %dma_start3A_397] : memref<32x128x32xf32, #tpu.memory_space<hbm>> -> memref<1x1x32xf32, #tpu.memory_space<hbm>>
      %dma_start3A_399 = tpu.memref_squeeze %dma_start3A_398 : memref<1x1x32xf32, #tpu.memory_space<hbm>> -> memref<32xf32, #tpu.memory_space<hbm>>
      %dma_start3A_400 = arith.constant 0 : i32
      %dma_start3A_401 = tpu.memref_slice %arg9[%dma_start3A_393, %dma_start3A_400] : memref<32x32xf32, #tpu.memory_space<vmem>> -> memref<1x32xf32, #tpu.memory_space<vmem>>
      %dma_start3A_402 = tpu.memref_squeeze %dma_start3A_401 : memref<1x32xf32, #tpu.memory_space<vmem>> -> memref<32xf32, #tpu.memory_space<vmem>>
      %dma_start3A_403 = arith.constant 0 : i32
      %dma_start3A_404 = tpu.memref_slice %arg2[%dma_start3A_392, %add3A_84, %dma_start3A_403] : memref<32x128x32xf32, #tpu.memory_space<hbm>> -> memref<1x1x32xf32, #tpu.memory_space<hbm>>
      %dma_start3A_405 = tpu.memref_squeeze %dma_start3A_404 : memref<1x1x32xf32, #tpu.memory_space<hbm>> -> memref<32xf32, #tpu.memory_space<hbm>>
      tpu.enqueue_dma source(%dma_start3A_405 : memref<32xf32, #tpu.memory_space<hbm>>) target(%dma_start3A_402 : memref<32xf32, #tpu.memory_space<vmem>>) target_semaphore(%arg14 : memref<!tpu.dma_semaphore, #tpu.memory_space<semaphore_mem>>)
      %dma_start3A_406 = arith.constant 23 : i32
      %dma_start3A_407 = arith.constant 23 : i32
      %dma_start3A_408 = arith.constant 0 : i32
      %dma_start3A_409 = tpu.memref_slice %arg9[%dma_start3A_407, %dma_start3A_408] : memref<32x32xf32, #tpu.memory_space<vmem>> -> memref<1x32xf32, #tpu.memory_space<vmem>>
      %dma_start3A_410 = tpu.memref_squeeze %dma_start3A_409 : memref<1x32xf32, #tpu.memory_space<vmem>> -> memref<32xf32, #tpu.memory_space<vmem>>
      %dma_start3A_411 = arith.constant 0 : i32
      %dma_start3A_412 = tpu.memref_slice %arg2[%dma_start3A_406, %add3A_84, %dma_start3A_411] : memref<32x128x32xf32, #tpu.memory_space<hbm>> -> memref<1x1x32xf32, #tpu.memory_space<hbm>>
      %dma_start3A_413 = tpu.memref_squeeze %dma_start3A_412 : memref<1x1x32xf32, #tpu.memory_space<hbm>> -> memref<32xf32, #tpu.memory_space<hbm>>
      %dma_start3A_414 = arith.constant 0 : i32
      %dma_start3A_415 = tpu.memref_slice %arg9[%dma_start3A_407, %dma_start3A_414] : memref<32x32xf32, #tpu.memory_space<vmem>> -> memref<1x32xf32, #tpu.memory_space<vmem>>
      %dma_start3A_416 = tpu.memref_squeeze %dma_start3A_415 : memref<1x32xf32, #tpu.memory_space<vmem>> -> memref<32xf32, #tpu.memory_space<vmem>>
      %dma_start3A_417 = arith.constant 0 : i32
      %dma_start3A_418 = tpu.memref_slice %arg2[%dma_start3A_406, %add3A_84, %dma_start3A_417] : memref<32x128x32xf32, #tpu.memory_space<hbm>> -> memref<1x1x32xf32, #tpu.memory_space<hbm>>
      %dma_start3A_419 = tpu.memref_squeeze %dma_start3A_418 : memref<1x1x32xf32, #tpu.memory_space<hbm>> -> memref<32xf32, #tpu.memory_space<hbm>>
      tpu.enqueue_dma source(%dma_start3A_419 : memref<32xf32, #tpu.memory_space<hbm>>) target(%dma_start3A_416 : memref<32xf32, #tpu.memory_space<vmem>>) target_semaphore(%arg14 : memref<!tpu.dma_semaphore, #tpu.memory_space<semaphore_mem>>)
      %dma_start3A_420 = arith.constant 24 : i32
      %dma_start3A_421 = arith.constant 24 : i32
      %dma_start3A_422 = arith.constant 0 : i32
      %dma_start3A_423 = tpu.memref_slice %arg9[%dma_start3A_421, %dma_start3A_422] : memref<32x32xf32, #tpu.memory_space<vmem>> -> memref<1x32xf32, #tpu.memory_space<vmem>>
      %dma_start3A_424 = tpu.memref_squeeze %dma_start3A_423 : memref<1x32xf32, #tpu.memory_space<vmem>> -> memref<32xf32, #tpu.memory_space<vmem>>
      %dma_start3A_425 = arith.constant 0 : i32
      %dma_start3A_426 = tpu.memref_slice %arg2[%dma_start3A_420, %add3A_84, %dma_start3A_425] : memref<32x128x32xf32, #tpu.memory_space<hbm>> -> memref<1x1x32xf32, #tpu.memory_space<hbm>>
      %dma_start3A_427 = tpu.memref_squeeze %dma_start3A_426 : memref<1x1x32xf32, #tpu.memory_space<hbm>> -> memref<32xf32, #tpu.memory_space<hbm>>
      %dma_start3A_428 = arith.constant 0 : i32
      %dma_start3A_429 = tpu.memref_slice %arg9[%dma_start3A_421, %dma_start3A_428] : memref<32x32xf32, #tpu.memory_space<vmem>> -> memref<1x32xf32, #tpu.memory_space<vmem>>
      %dma_start3A_430 = tpu.memref_squeeze %dma_start3A_429 : memref<1x32xf32, #tpu.memory_space<vmem>> -> memref<32xf32, #tpu.memory_space<vmem>>
      %dma_start3A_431 = arith.constant 0 : i32
      %dma_start3A_432 = tpu.memref_slice %arg2[%dma_start3A_420, %add3A_84, %dma_start3A_431] : memref<32x128x32xf32, #tpu.memory_space<hbm>> -> memref<1x1x32xf32, #tpu.memory_space<hbm>>
      %dma_start3A_433 = tpu.memref_squeeze %dma_start3A_432 : memref<1x1x32xf32, #tpu.memory_space<hbm>> -> memref<32xf32, #tpu.memory_space<hbm>>
      tpu.enqueue_dma source(%dma_start3A_433 : memref<32xf32, #tpu.memory_space<hbm>>) target(%dma_start3A_430 : memref<32xf32, #tpu.memory_space<vmem>>) target_semaphore(%arg14 : memref<!tpu.dma_semaphore, #tpu.memory_space<semaphore_mem>>)
      %dma_start3A_434 = arith.constant 25 : i32
      %dma_start3A_435 = arith.constant 25 : i32
      %dma_start3A_436 = arith.constant 0 : i32
      %dma_start3A_437 = tpu.memref_slice %arg9[%dma_start3A_435, %dma_start3A_436] : memref<32x32xf32, #tpu.memory_space<vmem>> -> memref<1x32xf32, #tpu.memory_space<vmem>>
      %dma_start3A_438 = tpu.memref_squeeze %dma_start3A_437 : memref<1x32xf32, #tpu.memory_space<vmem>> -> memref<32xf32, #tpu.memory_space<vmem>>
      %dma_start3A_439 = arith.constant 0 : i32
      %dma_start3A_440 = tpu.memref_slice %arg2[%dma_start3A_434, %add3A_84, %dma_start3A_439] : memref<32x128x32xf32, #tpu.memory_space<hbm>> -> memref<1x1x32xf32, #tpu.memory_space<hbm>>
      %dma_start3A_441 = tpu.memref_squeeze %dma_start3A_440 : memref<1x1x32xf32, #tpu.memory_space<hbm>> -> memref<32xf32, #tpu.memory_space<hbm>>
      %dma_start3A_442 = arith.constant 0 : i32
      %dma_start3A_443 = tpu.memref_slice %arg9[%dma_start3A_435, %dma_start3A_442] : memref<32x32xf32, #tpu.memory_space<vmem>> -> memref<1x32xf32, #tpu.memory_space<vmem>>
      %dma_start3A_444 = tpu.memref_squeeze %dma_start3A_443 : memref<1x32xf32, #tpu.memory_space<vmem>> -> memref<32xf32, #tpu.memory_space<vmem>>
      %dma_start3A_445 = arith.constant 0 : i32
      %dma_start3A_446 = tpu.memref_slice %arg2[%dma_start3A_434, %add3A_84, %dma_start3A_445] : memref<32x128x32xf32, #tpu.memory_space<hbm>> -> memref<1x1x32xf32, #tpu.memory_space<hbm>>
      %dma_start3A_447 = tpu.memref_squeeze %dma_start3A_446 : memref<1x1x32xf32, #tpu.memory_space<hbm>> -> memref<32xf32, #tpu.memory_space<hbm>>
      tpu.enqueue_dma source(%dma_start3A_447 : memref<32xf32, #tpu.memory_space<hbm>>) target(%dma_start3A_444 : memref<32xf32, #tpu.memory_space<vmem>>) target_semaphore(%arg14 : memref<!tpu.dma_semaphore, #tpu.memory_space<semaphore_mem>>)
      %dma_start3A_448 = arith.constant 26 : i32
      %dma_start3A_449 = arith.constant 26 : i32
      %dma_start3A_450 = arith.constant 0 : i32
      %dma_start3A_451 = tpu.memref_slice %arg9[%dma_start3A_449, %dma_start3A_450] : memref<32x32xf32, #tpu.memory_space<vmem>> -> memref<1x32xf32, #tpu.memory_space<vmem>>
      %dma_start3A_452 = tpu.memref_squeeze %dma_start3A_451 : memref<1x32xf32, #tpu.memory_space<vmem>> -> memref<32xf32, #tpu.memory_space<vmem>>
      %dma_start3A_453 = arith.constant 0 : i32
      %dma_start3A_454 = tpu.memref_slice %arg2[%dma_start3A_448, %add3A_84, %dma_start3A_453] : memref<32x128x32xf32, #tpu.memory_space<hbm>> -> memref<1x1x32xf32, #tpu.memory_space<hbm>>
      %dma_start3A_455 = tpu.memref_squeeze %dma_start3A_454 : memref<1x1x32xf32, #tpu.memory_space<hbm>> -> memref<32xf32, #tpu.memory_space<hbm>>
      %dma_start3A_456 = arith.constant 0 : i32
      %dma_start3A_457 = tpu.memref_slice %arg9[%dma_start3A_449, %dma_start3A_456] : memref<32x32xf32, #tpu.memory_space<vmem>> -> memref<1x32xf32, #tpu.memory_space<vmem>>
      %dma_start3A_458 = tpu.memref_squeeze %dma_start3A_457 : memref<1x32xf32, #tpu.memory_space<vmem>> -> memref<32xf32, #tpu.memory_space<vmem>>
      %dma_start3A_459 = arith.constant 0 : i32
      %dma_start3A_460 = tpu.memref_slice %arg2[%dma_start3A_448, %add3A_84, %dma_start3A_459] : memref<32x128x32xf32, #tpu.memory_space<hbm>> -> memref<1x1x32xf32, #tpu.memory_space<hbm>>
      %dma_start3A_461 = tpu.memref_squeeze %dma_start3A_460 : memref<1x1x32xf32, #tpu.memory_space<hbm>> -> memref<32xf32, #tpu.memory_space<hbm>>
      tpu.enqueue_dma source(%dma_start3A_461 : memref<32xf32, #tpu.memory_space<hbm>>) target(%dma_start3A_458 : memref<32xf32, #tpu.memory_space<vmem>>) target_semaphore(%arg14 : memref<!tpu.dma_semaphore, #tpu.memory_space<semaphore_mem>>)
      %dma_start3A_462 = arith.constant 27 : i32
      %dma_start3A_463 = arith.constant 27 : i32
      %dma_start3A_464 = arith.constant 0 : i32
      %dma_start3A_465 = tpu.memref_slice %arg9[%dma_start3A_463, %dma_start3A_464] : memref<32x32xf32, #tpu.memory_space<vmem>> -> memref<1x32xf32, #tpu.memory_space<vmem>>
      %dma_start3A_466 = tpu.memref_squeeze %dma_start3A_465 : memref<1x32xf32, #tpu.memory_space<vmem>> -> memref<32xf32, #tpu.memory_space<vmem>>
      %dma_start3A_467 = arith.constant 0 : i32
      %dma_start3A_468 = tpu.memref_slice %arg2[%dma_start3A_462, %add3A_84, %dma_start3A_467] : memref<32x128x32xf32, #tpu.memory_space<hbm>> -> memref<1x1x32xf32, #tpu.memory_space<hbm>>
      %dma_start3A_469 = tpu.memref_squeeze %dma_start3A_468 : memref<1x1x32xf32, #tpu.memory_space<hbm>> -> memref<32xf32, #tpu.memory_space<hbm>>
      %dma_start3A_470 = arith.constant 0 : i32
      %dma_start3A_471 = tpu.memref_slice %arg9[%dma_start3A_463, %dma_start3A_470] : memref<32x32xf32, #tpu.memory_space<vmem>> -> memref<1x32xf32, #tpu.memory_space<vmem>>
      %dma_start3A_472 = tpu.memref_squeeze %dma_start3A_471 : memref<1x32xf32, #tpu.memory_space<vmem>> -> memref<32xf32, #tpu.memory_space<vmem>>
      %dma_start3A_473 = arith.constant 0 : i32
      %dma_start3A_474 = tpu.memref_slice %arg2[%dma_start3A_462, %add3A_84, %dma_start3A_473] : memref<32x128x32xf32, #tpu.memory_space<hbm>> -> memref<1x1x32xf32, #tpu.memory_space<hbm>>
      %dma_start3A_475 = tpu.memref_squeeze %dma_start3A_474 : memref<1x1x32xf32, #tpu.memory_space<hbm>> -> memref<32xf32, #tpu.memory_space<hbm>>
      tpu.enqueue_dma source(%dma_start3A_475 : memref<32xf32, #tpu.memory_space<hbm>>) target(%dma_start3A_472 : memref<32xf32, #tpu.memory_space<vmem>>) target_semaphore(%arg14 : memref<!tpu.dma_semaphore, #tpu.memory_space<semaphore_mem>>)
      %dma_start3A_476 = arith.constant 28 : i32
      %dma_start3A_477 = arith.constant 28 : i32
      %dma_start3A_478 = arith.constant 0 : i32
      %dma_start3A_479 = tpu.memref_slice %arg9[%dma_start3A_477, %dma_start3A_478] : memref<32x32xf32, #tpu.memory_space<vmem>> -> memref<1x32xf32, #tpu.memory_space<vmem>>
      %dma_start3A_480 = tpu.memref_squeeze %dma_start3A_479 : memref<1x32xf32, #tpu.memory_space<vmem>> -> memref<32xf32, #tpu.memory_space<vmem>>
      %dma_start3A_481 = arith.constant 0 : i32
      %dma_start3A_482 = tpu.memref_slice %arg2[%dma_start3A_476, %add3A_84, %dma_start3A_481] : memref<32x128x32xf32, #tpu.memory_space<hbm>> -> memref<1x1x32xf32, #tpu.memory_space<hbm>>
      %dma_start3A_483 = tpu.memref_squeeze %dma_start3A_482 : memref<1x1x32xf32, #tpu.memory_space<hbm>> -> memref<32xf32, #tpu.memory_space<hbm>>
      %dma_start3A_484 = arith.constant 0 : i32
      %dma_start3A_485 = tpu.memref_slice %arg9[%dma_start3A_477, %dma_start3A_484] : memref<32x32xf32, #tpu.memory_space<vmem>> -> memref<1x32xf32, #tpu.memory_space<vmem>>
      %dma_start3A_486 = tpu.memref_squeeze %dma_start3A_485 : memref<1x32xf32, #tpu.memory_space<vmem>> -> memref<32xf32, #tpu.memory_space<vmem>>
      %dma_start3A_487 = arith.constant 0 : i32
      %dma_start3A_488 = tpu.memref_slice %arg2[%dma_start3A_476, %add3A_84, %dma_start3A_487] : memref<32x128x32xf32, #tpu.memory_space<hbm>> -> memref<1x1x32xf32, #tpu.memory_space<hbm>>
      %dma_start3A_489 = tpu.memref_squeeze %dma_start3A_488 : memref<1x1x32xf32, #tpu.memory_space<hbm>> -> memref<32xf32, #tpu.memory_space<hbm>>
      tpu.enqueue_dma source(%dma_start3A_489 : memref<32xf32, #tpu.memory_space<hbm>>) target(%dma_start3A_486 : memref<32xf32, #tpu.memory_space<vmem>>) target_semaphore(%arg14 : memref<!tpu.dma_semaphore, #tpu.memory_space<semaphore_mem>>)
      %dma_start3A_490 = arith.constant 29 : i32
      %dma_start3A_491 = arith.constant 29 : i32
      %dma_start3A_492 = arith.constant 0 : i32
      %dma_start3A_493 = tpu.memref_slice %arg9[%dma_start3A_491, %dma_start3A_492] : memref<32x32xf32, #tpu.memory_space<vmem>> -> memref<1x32xf32, #tpu.memory_space<vmem>>
      %dma_start3A_494 = tpu.memref_squeeze %dma_start3A_493 : memref<1x32xf32, #tpu.memory_space<vmem>> -> memref<32xf32, #tpu.memory_space<vmem>>
      %dma_start3A_495 = arith.constant 0 : i32
      %dma_start3A_496 = tpu.memref_slice %arg2[%dma_start3A_490, %add3A_84, %dma_start3A_495] : memref<32x128x32xf32, #tpu.memory_space<hbm>> -> memref<1x1x32xf32, #tpu.memory_space<hbm>>
      %dma_start3A_497 = tpu.memref_squeeze %dma_start3A_496 : memref<1x1x32xf32, #tpu.memory_space<hbm>> -> memref<32xf32, #tpu.memory_space<hbm>>
      %dma_start3A_498 = arith.constant 0 : i32
      %dma_start3A_499 = tpu.memref_slice %arg9[%dma_start3A_491, %dma_start3A_498] : memref<32x32xf32, #tpu.memory_space<vmem>> -> memref<1x32xf32, #tpu.memory_space<vmem>>
      %dma_start3A_500 = tpu.memref_squeeze %dma_start3A_499 : memref<1x32xf32, #tpu.memory_space<vmem>> -> memref<32xf32, #tpu.memory_space<vmem>>
      %dma_start3A_501 = arith.constant 0 : i32
      %dma_start3A_502 = tpu.memref_slice %arg2[%dma_start3A_490, %add3A_84, %dma_start3A_501] : memref<32x128x32xf32, #tpu.memory_space<hbm>> -> memref<1x1x32xf32, #tpu.memory_space<hbm>>
      %dma_start3A_503 = tpu.memref_squeeze %dma_start3A_502 : memref<1x1x32xf32, #tpu.memory_space<hbm>> -> memref<32xf32, #tpu.memory_space<hbm>>
      tpu.enqueue_dma source(%dma_start3A_503 : memref<32xf32, #tpu.memory_space<hbm>>) target(%dma_start3A_500 : memref<32xf32, #tpu.memory_space<vmem>>) target_semaphore(%arg14 : memref<!tpu.dma_semaphore, #tpu.memory_space<semaphore_mem>>)
      %dma_start3A_504 = arith.constant 30 : i32
      %dma_start3A_505 = arith.constant 30 : i32
      %dma_start3A_506 = arith.constant 0 : i32
      %dma_start3A_507 = tpu.memref_slice %arg9[%dma_start3A_505, %dma_start3A_506] : memref<32x32xf32, #tpu.memory_space<vmem>> -> memref<1x32xf32, #tpu.memory_space<vmem>>
      %dma_start3A_508 = tpu.memref_squeeze %dma_start3A_507 : memref<1x32xf32, #tpu.memory_space<vmem>> -> memref<32xf32, #tpu.memory_space<vmem>>
      %dma_start3A_509 = arith.constant 0 : i32
      %dma_start3A_510 = tpu.memref_slice %arg2[%dma_start3A_504, %add3A_84, %dma_start3A_509] : memref<32x128x32xf32, #tpu.memory_space<hbm>> -> memref<1x1x32xf32, #tpu.memory_space<hbm>>
      %dma_start3A_511 = tpu.memref_squeeze %dma_start3A_510 : memref<1x1x32xf32, #tpu.memory_space<hbm>> -> memref<32xf32, #tpu.memory_space<hbm>>
      %dma_start3A_512 = arith.constant 0 : i32
      %dma_start3A_513 = tpu.memref_slice %arg9[%dma_start3A_505, %dma_start3A_512] : memref<32x32xf32, #tpu.memory_space<vmem>> -> memref<1x32xf32, #tpu.memory_space<vmem>>
      %dma_start3A_514 = tpu.memref_squeeze %dma_start3A_513 : memref<1x32xf32, #tpu.memory_space<vmem>> -> memref<32xf32, #tpu.memory_space<vmem>>
      %dma_start3A_515 = arith.constant 0 : i32
      %dma_start3A_516 = tpu.memref_slice %arg2[%dma_start3A_504, %add3A_84, %dma_start3A_515] : memref<32x128x32xf32, #tpu.memory_space<hbm>> -> memref<1x1x32xf32, #tpu.memory_space<hbm>>
      %dma_start3A_517 = tpu.memref_squeeze %dma_start3A_516 : memref<1x1x32xf32, #tpu.memory_space<hbm>> -> memref<32xf32, #tpu.memory_space<hbm>>
      tpu.enqueue_dma source(%dma_start3A_517 : memref<32xf32, #tpu.memory_space<hbm>>) target(%dma_start3A_514 : memref<32xf32, #tpu.memory_space<vmem>>) target_semaphore(%arg14 : memref<!tpu.dma_semaphore, #tpu.memory_space<semaphore_mem>>)
      %dma_start3A_518 = arith.constant 31 : i32
      %dma_start3A_519 = arith.constant 31 : i32
      %dma_start3A_520 = arith.constant 0 : i32
      %dma_start3A_521 = tpu.memref_slice %arg9[%dma_start3A_519, %dma_start3A_520] : memref<32x32xf32, #tpu.memory_space<vmem>> -> memref<1x32xf32, #tpu.memory_space<vmem>>
      %dma_start3A_522 = tpu.memref_squeeze %dma_start3A_521 : memref<1x32xf32, #tpu.memory_space<vmem>> -> memref<32xf32, #tpu.memory_space<vmem>>
      %dma_start3A_523 = arith.constant 0 : i32
      %dma_start3A_524 = tpu.memref_slice %arg2[%dma_start3A_518, %add3A_84, %dma_start3A_523] : memref<32x128x32xf32, #tpu.memory_space<hbm>> -> memref<1x1x32xf32, #tpu.memory_space<hbm>>
      %dma_start3A_525 = tpu.memref_squeeze %dma_start3A_524 : memref<1x1x32xf32, #tpu.memory_space<hbm>> -> memref<32xf32, #tpu.memory_space<hbm>>
      %dma_start3A_526 = arith.constant 0 : i32
      %dma_start3A_527 = tpu.memref_slice %arg9[%dma_start3A_519, %dma_start3A_526] : memref<32x32xf32, #tpu.memory_space<vmem>> -> memref<1x32xf32, #tpu.memory_space<vmem>>
      %dma_start3A_528 = tpu.memref_squeeze %dma_start3A_527 : memref<1x32xf32, #tpu.memory_space<vmem>> -> memref<32xf32, #tpu.memory_space<vmem>>
      %dma_start3A_529 = arith.constant 0 : i32
      %dma_start3A_530 = tpu.memref_slice %arg2[%dma_start3A_518, %add3A_84, %dma_start3A_529] : memref<32x128x32xf32, #tpu.memory_space<hbm>> -> memref<1x1x32xf32, #tpu.memory_space<hbm>>
      %dma_start3A_531 = tpu.memref_squeeze %dma_start3A_530 : memref<1x1x32xf32, #tpu.memory_space<hbm>> -> memref<32xf32, #tpu.memory_space<hbm>>
      tpu.enqueue_dma source(%dma_start3A_531 : memref<32xf32, #tpu.memory_space<hbm>>) target(%dma_start3A_528 : memref<32xf32, #tpu.memory_space<vmem>>) target_semaphore(%arg14 : memref<!tpu.dma_semaphore, #tpu.memory_space<semaphore_mem>>)
      %dma_wait3A = arith.constant 0 : i32
      %dma_wait3A_532 = arith.constant 0 : i32
      %dma_wait3A_533 = arith.constant 0 : i32
      %dma_wait3A_534 = tpu.memref_slice %arg9[%dma_wait3A_532, %dma_wait3A_533] : memref<32x32xf32, #tpu.memory_space<vmem>> -> memref<1x32xf32, #tpu.memory_space<vmem>>
      %dma_wait3A_535 = tpu.memref_squeeze %dma_wait3A_534 : memref<1x32xf32, #tpu.memory_space<vmem>> -> memref<32xf32, #tpu.memory_space<vmem>>
      %dma_wait3A_536 = arith.constant 0 : i32
      %dma_wait3A_537 = tpu.memref_slice %arg2[%dma_wait3A, %add3A_84, %dma_wait3A_536] : memref<32x128x32xf32, #tpu.memory_space<hbm>> -> memref<1x1x32xf32, #tpu.memory_space<hbm>>
      %dma_wait3A_538 = tpu.memref_squeeze %dma_wait3A_537 : memref<1x1x32xf32, #tpu.memory_space<hbm>> -> memref<32xf32, #tpu.memory_space<hbm>>
      %dma_wait3A_539 = arith.constant 0 : i32
      %dma_wait3A_540 = tpu.memref_slice %arg9[%dma_wait3A_532, %dma_wait3A_539] : memref<32x32xf32, #tpu.memory_space<vmem>> -> memref<1x32xf32, #tpu.memory_space<vmem>>
      %dma_wait3A_541 = tpu.memref_squeeze %dma_wait3A_540 : memref<1x32xf32, #tpu.memory_space<vmem>> -> memref<32xf32, #tpu.memory_space<vmem>>
      %dma_wait3A_542 = arith.constant 0 : i32
      %dma_wait3A_543 = tpu.memref_slice %arg2[%dma_wait3A, %add3A_84, %dma_wait3A_542] : memref<32x128x32xf32, #tpu.memory_space<hbm>> -> memref<1x1x32xf32, #tpu.memory_space<hbm>>
      %dma_wait3A_544 = tpu.memref_squeeze %dma_wait3A_543 : memref<1x1x32xf32, #tpu.memory_space<hbm>> -> memref<32xf32, #tpu.memory_space<hbm>>
      tpu.wait_dma2 semaphore(%arg14 : memref<!tpu.dma_semaphore, #tpu.memory_space<semaphore_mem>>) src(%dma_wait3A_544 : memref<32xf32, #tpu.memory_space<hbm>>) dst(%dma_wait3A_541 : memref<32xf32, #tpu.memory_space<vmem>>)
      %dma_wait3A_545 = arith.constant 1 : i32
      %dma_wait3A_546 = arith.constant 1 : i32
      %dma_wait3A_547 = arith.constant 0 : i32
      %dma_wait3A_548 = tpu.memref_slice %arg9[%dma_wait3A_546, %dma_wait3A_547] : memref<32x32xf32, #tpu.memory_space<vmem>> -> memref<1x32xf32, #tpu.memory_space<vmem>>
      %dma_wait3A_549 = tpu.memref_squeeze %dma_wait3A_548 : memref<1x32xf32, #tpu.memory_space<vmem>> -> memref<32xf32, #tpu.memory_space<vmem>>
      %dma_wait3A_550 = arith.constant 0 : i32
      %dma_wait3A_551 = tpu.memref_slice %arg2[%dma_wait3A_545, %add3A_84, %dma_wait3A_550] : memref<32x128x32xf32, #tpu.memory_space<hbm>> -> memref<1x1x32xf32, #tpu.memory_space<hbm>>
      %dma_wait3A_552 = tpu.memref_squeeze %dma_wait3A_551 : memref<1x1x32xf32, #tpu.memory_space<hbm>> -> memref<32xf32, #tpu.memory_space<hbm>>
      %dma_wait3A_553 = arith.constant 0 : i32
      %dma_wait3A_554 = tpu.memref_slice %arg9[%dma_wait3A_546, %dma_wait3A_553] : memref<32x32xf32, #tpu.memory_space<vmem>> -> memref<1x32xf32, #tpu.memory_space<vmem>>
      %dma_wait3A_555 = tpu.memref_squeeze %dma_wait3A_554 : memref<1x32xf32, #tpu.memory_space<vmem>> -> memref<32xf32, #tpu.memory_space<vmem>>
      %dma_wait3A_556 = arith.constant 0 : i32
      %dma_wait3A_557 = tpu.memref_slice %arg2[%dma_wait3A_545, %add3A_84, %dma_wait3A_556] : memref<32x128x32xf32, #tpu.memory_space<hbm>> -> memref<1x1x32xf32, #tpu.memory_space<hbm>>
      %dma_wait3A_558 = tpu.memref_squeeze %dma_wait3A_557 : memref<1x1x32xf32, #tpu.memory_space<hbm>> -> memref<32xf32, #tpu.memory_space<hbm>>
      tpu.wait_dma2 semaphore(%arg14 : memref<!tpu.dma_semaphore, #tpu.memory_space<semaphore_mem>>) src(%dma_wait3A_558 : memref<32xf32, #tpu.memory_space<hbm>>) dst(%dma_wait3A_555 : memref<32xf32, #tpu.memory_space<vmem>>)
      %dma_wait3A_559 = arith.constant 2 : i32
      %dma_wait3A_560 = arith.constant 2 : i32
      %dma_wait3A_561 = arith.constant 0 : i32
      %dma_wait3A_562 = tpu.memref_slice %arg9[%dma_wait3A_560, %dma_wait3A_561] : memref<32x32xf32, #tpu.memory_space<vmem>> -> memref<1x32xf32, #tpu.memory_space<vmem>>
      %dma_wait3A_563 = tpu.memref_squeeze %dma_wait3A_562 : memref<1x32xf32, #tpu.memory_space<vmem>> -> memref<32xf32, #tpu.memory_space<vmem>>
      %dma_wait3A_564 = arith.constant 0 : i32
      %dma_wait3A_565 = tpu.memref_slice %arg2[%dma_wait3A_559, %add3A_84, %dma_wait3A_564] : memref<32x128x32xf32, #tpu.memory_space<hbm>> -> memref<1x1x32xf32, #tpu.memory_space<hbm>>
      %dma_wait3A_566 = tpu.memref_squeeze %dma_wait3A_565 : memref<1x1x32xf32, #tpu.memory_space<hbm>> -> memref<32xf32, #tpu.memory_space<hbm>>
      %dma_wait3A_567 = arith.constant 0 : i32
      %dma_wait3A_568 = tpu.memref_slice %arg9[%dma_wait3A_560, %dma_wait3A_567] : memref<32x32xf32, #tpu.memory_space<vmem>> -> memref<1x32xf32, #tpu.memory_space<vmem>>
      %dma_wait3A_569 = tpu.memref_squeeze %dma_wait3A_568 : memref<1x32xf32, #tpu.memory_space<vmem>> -> memref<32xf32, #tpu.memory_space<vmem>>
      %dma_wait3A_570 = arith.constant 0 : i32
      %dma_wait3A_571 = tpu.memref_slice %arg2[%dma_wait3A_559, %add3A_84, %dma_wait3A_570] : memref<32x128x32xf32, #tpu.memory_space<hbm>> -> memref<1x1x32xf32, #tpu.memory_space<hbm>>
      %dma_wait3A_572 = tpu.memref_squeeze %dma_wait3A_571 : memref<1x1x32xf32, #tpu.memory_space<hbm>> -> memref<32xf32, #tpu.memory_space<hbm>>
      tpu.wait_dma2 semaphore(%arg14 : memref<!tpu.dma_semaphore, #tpu.memory_space<semaphore_mem>>) src(%dma_wait3A_572 : memref<32xf32, #tpu.memory_space<hbm>>) dst(%dma_wait3A_569 : memref<32xf32, #tpu.memory_space<vmem>>)
      %dma_wait3A_573 = arith.constant 3 : i32
      %dma_wait3A_574 = arith.constant 3 : i32
      %dma_wait3A_575 = arith.constant 0 : i32
      %dma_wait3A_576 = tpu.memref_slice %arg9[%dma_wait3A_574, %dma_wait3A_575] : memref<32x32xf32, #tpu.memory_space<vmem>> -> memref<1x32xf32, #tpu.memory_space<vmem>>
      %dma_wait3A_577 = tpu.memref_squeeze %dma_wait3A_576 : memref<1x32xf32, #tpu.memory_space<vmem>> -> memref<32xf32, #tpu.memory_space<vmem>>
      %dma_wait3A_578 = arith.constant 0 : i32
      %dma_wait3A_579 = tpu.memref_slice %arg2[%dma_wait3A_573, %add3A_84, %dma_wait3A_578] : memref<32x128x32xf32, #tpu.memory_space<hbm>> -> memref<1x1x32xf32, #tpu.memory_space<hbm>>
      %dma_wait3A_580 = tpu.memref_squeeze %dma_wait3A_579 : memref<1x1x32xf32, #tpu.memory_space<hbm>> -> memref<32xf32, #tpu.memory_space<hbm>>
      %dma_wait3A_581 = arith.constant 0 : i32
      %dma_wait3A_582 = tpu.memref_slice %arg9[%dma_wait3A_574, %dma_wait3A_581] : memref<32x32xf32, #tpu.memory_space<vmem>> -> memref<1x32xf32, #tpu.memory_space<vmem>>
      %dma_wait3A_583 = tpu.memref_squeeze %dma_wait3A_582 : memref<1x32xf32, #tpu.memory_space<vmem>> -> memref<32xf32, #tpu.memory_space<vmem>>
      %dma_wait3A_584 = arith.constant 0 : i32
      %dma_wait3A_585 = tpu.memref_slice %arg2[%dma_wait3A_573, %add3A_84, %dma_wait3A_584] : memref<32x128x32xf32, #tpu.memory_space<hbm>> -> memref<1x1x32xf32, #tpu.memory_space<hbm>>
      %dma_wait3A_586 = tpu.memref_squeeze %dma_wait3A_585 : memref<1x1x32xf32, #tpu.memory_space<hbm>> -> memref<32xf32, #tpu.memory_space<hbm>>
      tpu.wait_dma2 semaphore(%arg14 : memref<!tpu.dma_semaphore, #tpu.memory_space<semaphore_mem>>) src(%dma_wait3A_586 : memref<32xf32, #tpu.memory_space<hbm>>) dst(%dma_wait3A_583 : memref<32xf32, #tpu.memory_space<vmem>>)
      %dma_wait3A_587 = arith.constant 4 : i32
      %dma_wait3A_588 = arith.constant 4 : i32
      %dma_wait3A_589 = arith.constant 0 : i32
      %dma_wait3A_590 = tpu.memref_slice %arg9[%dma_wait3A_588, %dma_wait3A_589] : memref<32x32xf32, #tpu.memory_space<vmem>> -> memref<1x32xf32, #tpu.memory_space<vmem>>
      %dma_wait3A_591 = tpu.memref_squeeze %dma_wait3A_590 : memref<1x32xf32, #tpu.memory_space<vmem>> -> memref<32xf32, #tpu.memory_space<vmem>>
      %dma_wait3A_592 = arith.constant 0 : i32
      %dma_wait3A_593 = tpu.memref_slice %arg2[%dma_wait3A_587, %add3A_84, %dma_wait3A_592] : memref<32x128x32xf32, #tpu.memory_space<hbm>> -> memref<1x1x32xf32, #tpu.memory_space<hbm>>
      %dma_wait3A_594 = tpu.memref_squeeze %dma_wait3A_593 : memref<1x1x32xf32, #tpu.memory_space<hbm>> -> memref<32xf32, #tpu.memory_space<hbm>>
      %dma_wait3A_595 = arith.constant 0 : i32
      %dma_wait3A_596 = tpu.memref_slice %arg9[%dma_wait3A_588, %dma_wait3A_595] : memref<32x32xf32, #tpu.memory_space<vmem>> -> memref<1x32xf32, #tpu.memory_space<vmem>>
      %dma_wait3A_597 = tpu.memref_squeeze %dma_wait3A_596 : memref<1x32xf32, #tpu.memory_space<vmem>> -> memref<32xf32, #tpu.memory_space<vmem>>
      %dma_wait3A_598 = arith.constant 0 : i32
      %dma_wait3A_599 = tpu.memref_slice %arg2[%dma_wait3A_587, %add3A_84, %dma_wait3A_598] : memref<32x128x32xf32, #tpu.memory_space<hbm>> -> memref<1x1x32xf32, #tpu.memory_space<hbm>>
      %dma_wait3A_600 = tpu.memref_squeeze %dma_wait3A_599 : memref<1x1x32xf32, #tpu.memory_space<hbm>> -> memref<32xf32, #tpu.memory_space<hbm>>
      tpu.wait_dma2 semaphore(%arg14 : memref<!tpu.dma_semaphore, #tpu.memory_space<semaphore_mem>>) src(%dma_wait3A_600 : memref<32xf32, #tpu.memory_space<hbm>>) dst(%dma_wait3A_597 : memref<32xf32, #tpu.memory_space<vmem>>)
      %dma_wait3A_601 = arith.constant 5 : i32
      %dma_wait3A_602 = arith.constant 5 : i32
      %dma_wait3A_603 = arith.constant 0 : i32
      %dma_wait3A_604 = tpu.memref_slice %arg9[%dma_wait3A_602, %dma_wait3A_603] : memref<32x32xf32, #tpu.memory_space<vmem>> -> memref<1x32xf32, #tpu.memory_space<vmem>>
      %dma_wait3A_605 = tpu.memref_squeeze %dma_wait3A_604 : memref<1x32xf32, #tpu.memory_space<vmem>> -> memref<32xf32, #tpu.memory_space<vmem>>
      %dma_wait3A_606 = arith.constant 0 : i32
      %dma_wait3A_607 = tpu.memref_slice %arg2[%dma_wait3A_601, %add3A_84, %dma_wait3A_606] : memref<32x128x32xf32, #tpu.memory_space<hbm>> -> memref<1x1x32xf32, #tpu.memory_space<hbm>>
      %dma_wait3A_608 = tpu.memref_squeeze %dma_wait3A_607 : memref<1x1x32xf32, #tpu.memory_space<hbm>> -> memref<32xf32, #tpu.memory_space<hbm>>
      %dma_wait3A_609 = arith.constant 0 : i32
      %dma_wait3A_610 = tpu.memref_slice %arg9[%dma_wait3A_602, %dma_wait3A_609] : memref<32x32xf32, #tpu.memory_space<vmem>> -> memref<1x32xf32, #tpu.memory_space<vmem>>
      %dma_wait3A_611 = tpu.memref_squeeze %dma_wait3A_610 : memref<1x32xf32, #tpu.memory_space<vmem>> -> memref<32xf32, #tpu.memory_space<vmem>>
      %dma_wait3A_612 = arith.constant 0 : i32
      %dma_wait3A_613 = tpu.memref_slice %arg2[%dma_wait3A_601, %add3A_84, %dma_wait3A_612] : memref<32x128x32xf32, #tpu.memory_space<hbm>> -> memref<1x1x32xf32, #tpu.memory_space<hbm>>
      %dma_wait3A_614 = tpu.memref_squeeze %dma_wait3A_613 : memref<1x1x32xf32, #tpu.memory_space<hbm>> -> memref<32xf32, #tpu.memory_space<hbm>>
      tpu.wait_dma2 semaphore(%arg14 : memref<!tpu.dma_semaphore, #tpu.memory_space<semaphore_mem>>) src(%dma_wait3A_614 : memref<32xf32, #tpu.memory_space<hbm>>) dst(%dma_wait3A_611 : memref<32xf32, #tpu.memory_space<vmem>>)
      %dma_wait3A_615 = arith.constant 6 : i32
      %dma_wait3A_616 = arith.constant 6 : i32
      %dma_wait3A_617 = arith.constant 0 : i32
      %dma_wait3A_618 = tpu.memref_slice %arg9[%dma_wait3A_616, %dma_wait3A_617] : memref<32x32xf32, #tpu.memory_space<vmem>> -> memref<1x32xf32, #tpu.memory_space<vmem>>
      %dma_wait3A_619 = tpu.memref_squeeze %dma_wait3A_618 : memref<1x32xf32, #tpu.memory_space<vmem>> -> memref<32xf32, #tpu.memory_space<vmem>>
      %dma_wait3A_620 = arith.constant 0 : i32
      %dma_wait3A_621 = tpu.memref_slice %arg2[%dma_wait3A_615, %add3A_84, %dma_wait3A_620] : memref<32x128x32xf32, #tpu.memory_space<hbm>> -> memref<1x1x32xf32, #tpu.memory_space<hbm>>
      %dma_wait3A_622 = tpu.memref_squeeze %dma_wait3A_621 : memref<1x1x32xf32, #tpu.memory_space<hbm>> -> memref<32xf32, #tpu.memory_space<hbm>>
      %dma_wait3A_623 = arith.constant 0 : i32
      %dma_wait3A_624 = tpu.memref_slice %arg9[%dma_wait3A_616, %dma_wait3A_623] : memref<32x32xf32, #tpu.memory_space<vmem>> -> memref<1x32xf32, #tpu.memory_space<vmem>>
      %dma_wait3A_625 = tpu.memref_squeeze %dma_wait3A_624 : memref<1x32xf32, #tpu.memory_space<vmem>> -> memref<32xf32, #tpu.memory_space<vmem>>
      %dma_wait3A_626 = arith.constant 0 : i32
      %dma_wait3A_627 = tpu.memref_slice %arg2[%dma_wait3A_615, %add3A_84, %dma_wait3A_626] : memref<32x128x32xf32, #tpu.memory_space<hbm>> -> memref<1x1x32xf32, #tpu.memory_space<hbm>>
      %dma_wait3A_628 = tpu.memref_squeeze %dma_wait3A_627 : memref<1x1x32xf32, #tpu.memory_space<hbm>> -> memref<32xf32, #tpu.memory_space<hbm>>
      tpu.wait_dma2 semaphore(%arg14 : memref<!tpu.dma_semaphore, #tpu.memory_space<semaphore_mem>>) src(%dma_wait3A_628 : memref<32xf32, #tpu.memory_space<hbm>>) dst(%dma_wait3A_625 : memref<32xf32, #tpu.memory_space<vmem>>)
      %dma_wait3A_629 = arith.constant 7 : i32
      %dma_wait3A_630 = arith.constant 7 : i32
      %dma_wait3A_631 = arith.constant 0 : i32
      %dma_wait3A_632 = tpu.memref_slice %arg9[%dma_wait3A_630, %dma_wait3A_631] : memref<32x32xf32, #tpu.memory_space<vmem>> -> memref<1x32xf32, #tpu.memory_space<vmem>>
      %dma_wait3A_633 = tpu.memref_squeeze %dma_wait3A_632 : memref<1x32xf32, #tpu.memory_space<vmem>> -> memref<32xf32, #tpu.memory_space<vmem>>
      %dma_wait3A_634 = arith.constant 0 : i32
      %dma_wait3A_635 = tpu.memref_slice %arg2[%dma_wait3A_629, %add3A_84, %dma_wait3A_634] : memref<32x128x32xf32, #tpu.memory_space<hbm>> -> memref<1x1x32xf32, #tpu.memory_space<hbm>>
      %dma_wait3A_636 = tpu.memref_squeeze %dma_wait3A_635 : memref<1x1x32xf32, #tpu.memory_space<hbm>> -> memref<32xf32, #tpu.memory_space<hbm>>
      %dma_wait3A_637 = arith.constant 0 : i32
      %dma_wait3A_638 = tpu.memref_slice %arg9[%dma_wait3A_630, %dma_wait3A_637] : memref<32x32xf32, #tpu.memory_space<vmem>> -> memref<1x32xf32, #tpu.memory_space<vmem>>
      %dma_wait3A_639 = tpu.memref_squeeze %dma_wait3A_638 : memref<1x32xf32, #tpu.memory_space<vmem>> -> memref<32xf32, #tpu.memory_space<vmem>>
      %dma_wait3A_640 = arith.constant 0 : i32
      %dma_wait3A_641 = tpu.memref_slice %arg2[%dma_wait3A_629, %add3A_84, %dma_wait3A_640] : memref<32x128x32xf32, #tpu.memory_space<hbm>> -> memref<1x1x32xf32, #tpu.memory_space<hbm>>
      %dma_wait3A_642 = tpu.memref_squeeze %dma_wait3A_641 : memref<1x1x32xf32, #tpu.memory_space<hbm>> -> memref<32xf32, #tpu.memory_space<hbm>>
      tpu.wait_dma2 semaphore(%arg14 : memref<!tpu.dma_semaphore, #tpu.memory_space<semaphore_mem>>) src(%dma_wait3A_642 : memref<32xf32, #tpu.memory_space<hbm>>) dst(%dma_wait3A_639 : memref<32xf32, #tpu.memory_space<vmem>>)
      %dma_wait3A_643 = arith.constant 8 : i32
      %dma_wait3A_644 = arith.constant 8 : i32
      %dma_wait3A_645 = arith.constant 0 : i32
      %dma_wait3A_646 = tpu.memref_slice %arg9[%dma_wait3A_644, %dma_wait3A_645] : memref<32x32xf32, #tpu.memory_space<vmem>> -> memref<1x32xf32, #tpu.memory_space<vmem>>
      %dma_wait3A_647 = tpu.memref_squeeze %dma_wait3A_646 : memref<1x32xf32, #tpu.memory_space<vmem>> -> memref<32xf32, #tpu.memory_space<vmem>>
      %dma_wait3A_648 = arith.constant 0 : i32
      %dma_wait3A_649 = tpu.memref_slice %arg2[%dma_wait3A_643, %add3A_84, %dma_wait3A_648] : memref<32x128x32xf32, #tpu.memory_space<hbm>> -> memref<1x1x32xf32, #tpu.memory_space<hbm>>
      %dma_wait3A_650 = tpu.memref_squeeze %dma_wait3A_649 : memref<1x1x32xf32, #tpu.memory_space<hbm>> -> memref<32xf32, #tpu.memory_space<hbm>>
      %dma_wait3A_651 = arith.constant 0 : i32
      %dma_wait3A_652 = tpu.memref_slice %arg9[%dma_wait3A_644, %dma_wait3A_651] : memref<32x32xf32, #tpu.memory_space<vmem>> -> memref<1x32xf32, #tpu.memory_space<vmem>>
      %dma_wait3A_653 = tpu.memref_squeeze %dma_wait3A_652 : memref<1x32xf32, #tpu.memory_space<vmem>> -> memref<32xf32, #tpu.memory_space<vmem>>
      %dma_wait3A_654 = arith.constant 0 : i32
      %dma_wait3A_655 = tpu.memref_slice %arg2[%dma_wait3A_643, %add3A_84, %dma_wait3A_654] : memref<32x128x32xf32, #tpu.memory_space<hbm>> -> memref<1x1x32xf32, #tpu.memory_space<hbm>>
      %dma_wait3A_656 = tpu.memref_squeeze %dma_wait3A_655 : memref<1x1x32xf32, #tpu.memory_space<hbm>> -> memref<32xf32, #tpu.memory_space<hbm>>
      tpu.wait_dma2 semaphore(%arg14 : memref<!tpu.dma_semaphore, #tpu.memory_space<semaphore_mem>>) src(%dma_wait3A_656 : memref<32xf32, #tpu.memory_space<hbm>>) dst(%dma_wait3A_653 : memref<32xf32, #tpu.memory_space<vmem>>)
      %dma_wait3A_657 = arith.constant 9 : i32
      %dma_wait3A_658 = arith.constant 9 : i32
      %dma_wait3A_659 = arith.constant 0 : i32
      %dma_wait3A_660 = tpu.memref_slice %arg9[%dma_wait3A_658, %dma_wait3A_659] : memref<32x32xf32, #tpu.memory_space<vmem>> -> memref<1x32xf32, #tpu.memory_space<vmem>>
      %dma_wait3A_661 = tpu.memref_squeeze %dma_wait3A_660 : memref<1x32xf32, #tpu.memory_space<vmem>> -> memref<32xf32, #tpu.memory_space<vmem>>
      %dma_wait3A_662 = arith.constant 0 : i32
      %dma_wait3A_663 = tpu.memref_slice %arg2[%dma_wait3A_657, %add3A_84, %dma_wait3A_662] : memref<32x128x32xf32, #tpu.memory_space<hbm>> -> memref<1x1x32xf32, #tpu.memory_space<hbm>>
      %dma_wait3A_664 = tpu.memref_squeeze %dma_wait3A_663 : memref<1x1x32xf32, #tpu.memory_space<hbm>> -> memref<32xf32, #tpu.memory_space<hbm>>
      %dma_wait3A_665 = arith.constant 0 : i32
      %dma_wait3A_666 = tpu.memref_slice %arg9[%dma_wait3A_658, %dma_wait3A_665] : memref<32x32xf32, #tpu.memory_space<vmem>> -> memref<1x32xf32, #tpu.memory_space<vmem>>
      %dma_wait3A_667 = tpu.memref_squeeze %dma_wait3A_666 : memref<1x32xf32, #tpu.memory_space<vmem>> -> memref<32xf32, #tpu.memory_space<vmem>>
      %dma_wait3A_668 = arith.constant 0 : i32
      %dma_wait3A_669 = tpu.memref_slice %arg2[%dma_wait3A_657, %add3A_84, %dma_wait3A_668] : memref<32x128x32xf32, #tpu.memory_space<hbm>> -> memref<1x1x32xf32, #tpu.memory_space<hbm>>
      %dma_wait3A_670 = tpu.memref_squeeze %dma_wait3A_669 : memref<1x1x32xf32, #tpu.memory_space<hbm>> -> memref<32xf32, #tpu.memory_space<hbm>>
      tpu.wait_dma2 semaphore(%arg14 : memref<!tpu.dma_semaphore, #tpu.memory_space<semaphore_mem>>) src(%dma_wait3A_670 : memref<32xf32, #tpu.memory_space<hbm>>) dst(%dma_wait3A_667 : memref<32xf32, #tpu.memory_space<vmem>>)
      %dma_wait3A_671 = arith.constant 10 : i32
      %dma_wait3A_672 = arith.constant 10 : i32
      %dma_wait3A_673 = arith.constant 0 : i32
      %dma_wait3A_674 = tpu.memref_slice %arg9[%dma_wait3A_672, %dma_wait3A_673] : memref<32x32xf32, #tpu.memory_space<vmem>> -> memref<1x32xf32, #tpu.memory_space<vmem>>
      %dma_wait3A_675 = tpu.memref_squeeze %dma_wait3A_674 : memref<1x32xf32, #tpu.memory_space<vmem>> -> memref<32xf32, #tpu.memory_space<vmem>>
      %dma_wait3A_676 = arith.constant 0 : i32
      %dma_wait3A_677 = tpu.memref_slice %arg2[%dma_wait3A_671, %add3A_84, %dma_wait3A_676] : memref<32x128x32xf32, #tpu.memory_space<hbm>> -> memref<1x1x32xf32, #tpu.memory_space<hbm>>
      %dma_wait3A_678 = tpu.memref_squeeze %dma_wait3A_677 : memref<1x1x32xf32, #tpu.memory_space<hbm>> -> memref<32xf32, #tpu.memory_space<hbm>>
      %dma_wait3A_679 = arith.constant 0 : i32
      %dma_wait3A_680 = tpu.memref_slice %arg9[%dma_wait3A_672, %dma_wait3A_679] : memref<32x32xf32, #tpu.memory_space<vmem>> -> memref<1x32xf32, #tpu.memory_space<vmem>>
      %dma_wait3A_681 = tpu.memref_squeeze %dma_wait3A_680 : memref<1x32xf32, #tpu.memory_space<vmem>> -> memref<32xf32, #tpu.memory_space<vmem>>
      %dma_wait3A_682 = arith.constant 0 : i32
      %dma_wait3A_683 = tpu.memref_slice %arg2[%dma_wait3A_671, %add3A_84, %dma_wait3A_682] : memref<32x128x32xf32, #tpu.memory_space<hbm>> -> memref<1x1x32xf32, #tpu.memory_space<hbm>>
      %dma_wait3A_684 = tpu.memref_squeeze %dma_wait3A_683 : memref<1x1x32xf32, #tpu.memory_space<hbm>> -> memref<32xf32, #tpu.memory_space<hbm>>
      tpu.wait_dma2 semaphore(%arg14 : memref<!tpu.dma_semaphore, #tpu.memory_space<semaphore_mem>>) src(%dma_wait3A_684 : memref<32xf32, #tpu.memory_space<hbm>>) dst(%dma_wait3A_681 : memref<32xf32, #tpu.memory_space<vmem>>)
      %dma_wait3A_685 = arith.constant 11 : i32
      %dma_wait3A_686 = arith.constant 11 : i32
      %dma_wait3A_687 = arith.constant 0 : i32
      %dma_wait3A_688 = tpu.memref_slice %arg9[%dma_wait3A_686, %dma_wait3A_687] : memref<32x32xf32, #tpu.memory_space<vmem>> -> memref<1x32xf32, #tpu.memory_space<vmem>>
      %dma_wait3A_689 = tpu.memref_squeeze %dma_wait3A_688 : memref<1x32xf32, #tpu.memory_space<vmem>> -> memref<32xf32, #tpu.memory_space<vmem>>
      %dma_wait3A_690 = arith.constant 0 : i32
      %dma_wait3A_691 = tpu.memref_slice %arg2[%dma_wait3A_685, %add3A_84, %dma_wait3A_690] : memref<32x128x32xf32, #tpu.memory_space<hbm>> -> memref<1x1x32xf32, #tpu.memory_space<hbm>>
      %dma_wait3A_692 = tpu.memref_squeeze %dma_wait3A_691 : memref<1x1x32xf32, #tpu.memory_space<hbm>> -> memref<32xf32, #tpu.memory_space<hbm>>
      %dma_wait3A_693 = arith.constant 0 : i32
      %dma_wait3A_694 = tpu.memref_slice %arg9[%dma_wait3A_686, %dma_wait3A_693] : memref<32x32xf32, #tpu.memory_space<vmem>> -> memref<1x32xf32, #tpu.memory_space<vmem>>
      %dma_wait3A_695 = tpu.memref_squeeze %dma_wait3A_694 : memref<1x32xf32, #tpu.memory_space<vmem>> -> memref<32xf32, #tpu.memory_space<vmem>>
      %dma_wait3A_696 = arith.constant 0 : i32
      %dma_wait3A_697 = tpu.memref_slice %arg2[%dma_wait3A_685, %add3A_84, %dma_wait3A_696] : memref<32x128x32xf32, #tpu.memory_space<hbm>> -> memref<1x1x32xf32, #tpu.memory_space<hbm>>
      %dma_wait3A_698 = tpu.memref_squeeze %dma_wait3A_697 : memref<1x1x32xf32, #tpu.memory_space<hbm>> -> memref<32xf32, #tpu.memory_space<hbm>>
      tpu.wait_dma2 semaphore(%arg14 : memref<!tpu.dma_semaphore, #tpu.memory_space<semaphore_mem>>) src(%dma_wait3A_698 : memref<32xf32, #tpu.memory_space<hbm>>) dst(%dma_wait3A_695 : memref<32xf32, #tpu.memory_space<vmem>>)
      %dma_wait3A_699 = arith.constant 12 : i32
      %dma_wait3A_700 = arith.constant 12 : i32
      %dma_wait3A_701 = arith.constant 0 : i32
      %dma_wait3A_702 = tpu.memref_slice %arg9[%dma_wait3A_700, %dma_wait3A_701] : memref<32x32xf32, #tpu.memory_space<vmem>> -> memref<1x32xf32, #tpu.memory_space<vmem>>
      %dma_wait3A_703 = tpu.memref_squeeze %dma_wait3A_702 : memref<1x32xf32, #tpu.memory_space<vmem>> -> memref<32xf32, #tpu.memory_space<vmem>>
      %dma_wait3A_704 = arith.constant 0 : i32
      %dma_wait3A_705 = tpu.memref_slice %arg2[%dma_wait3A_699, %add3A_84, %dma_wait3A_704] : memref<32x128x32xf32, #tpu.memory_space<hbm>> -> memref<1x1x32xf32, #tpu.memory_space<hbm>>
      %dma_wait3A_706 = tpu.memref_squeeze %dma_wait3A_705 : memref<1x1x32xf32, #tpu.memory_space<hbm>> -> memref<32xf32, #tpu.memory_space<hbm>>
      %dma_wait3A_707 = arith.constant 0 : i32
      %dma_wait3A_708 = tpu.memref_slice %arg9[%dma_wait3A_700, %dma_wait3A_707] : memref<32x32xf32, #tpu.memory_space<vmem>> -> memref<1x32xf32, #tpu.memory_space<vmem>>
      %dma_wait3A_709 = tpu.memref_squeeze %dma_wait3A_708 : memref<1x32xf32, #tpu.memory_space<vmem>> -> memref<32xf32, #tpu.memory_space<vmem>>
      %dma_wait3A_710 = arith.constant 0 : i32
      %dma_wait3A_711 = tpu.memref_slice %arg2[%dma_wait3A_699, %add3A_84, %dma_wait3A_710] : memref<32x128x32xf32, #tpu.memory_space<hbm>> -> memref<1x1x32xf32, #tpu.memory_space<hbm>>
      %dma_wait3A_712 = tpu.memref_squeeze %dma_wait3A_711 : memref<1x1x32xf32, #tpu.memory_space<hbm>> -> memref<32xf32, #tpu.memory_space<hbm>>
      tpu.wait_dma2 semaphore(%arg14 : memref<!tpu.dma_semaphore, #tpu.memory_space<semaphore_mem>>) src(%dma_wait3A_712 : memref<32xf32, #tpu.memory_space<hbm>>) dst(%dma_wait3A_709 : memref<32xf32, #tpu.memory_space<vmem>>)
      %dma_wait3A_713 = arith.constant 13 : i32
      %dma_wait3A_714 = arith.constant 13 : i32
      %dma_wait3A_715 = arith.constant 0 : i32
      %dma_wait3A_716 = tpu.memref_slice %arg9[%dma_wait3A_714, %dma_wait3A_715] : memref<32x32xf32, #tpu.memory_space<vmem>> -> memref<1x32xf32, #tpu.memory_space<vmem>>
      %dma_wait3A_717 = tpu.memref_squeeze %dma_wait3A_716 : memref<1x32xf32, #tpu.memory_space<vmem>> -> memref<32xf32, #tpu.memory_space<vmem>>
      %dma_wait3A_718 = arith.constant 0 : i32
      %dma_wait3A_719 = tpu.memref_slice %arg2[%dma_wait3A_713, %add3A_84, %dma_wait3A_718] : memref<32x128x32xf32, #tpu.memory_space<hbm>> -> memref<1x1x32xf32, #tpu.memory_space<hbm>>
      %dma_wait3A_720 = tpu.memref_squeeze %dma_wait3A_719 : memref<1x1x32xf32, #tpu.memory_space<hbm>> -> memref<32xf32, #tpu.memory_space<hbm>>
      %dma_wait3A_721 = arith.constant 0 : i32
      %dma_wait3A_722 = tpu.memref_slice %arg9[%dma_wait3A_714, %dma_wait3A_721] : memref<32x32xf32, #tpu.memory_space<vmem>> -> memref<1x32xf32, #tpu.memory_space<vmem>>
      %dma_wait3A_723 = tpu.memref_squeeze %dma_wait3A_722 : memref<1x32xf32, #tpu.memory_space<vmem>> -> memref<32xf32, #tpu.memory_space<vmem>>
      %dma_wait3A_724 = arith.constant 0 : i32
      %dma_wait3A_725 = tpu.memref_slice %arg2[%dma_wait3A_713, %add3A_84, %dma_wait3A_724] : memref<32x128x32xf32, #tpu.memory_space<hbm>> -> memref<1x1x32xf32, #tpu.memory_space<hbm>>
      %dma_wait3A_726 = tpu.memref_squeeze %dma_wait3A_725 : memref<1x1x32xf32, #tpu.memory_space<hbm>> -> memref<32xf32, #tpu.memory_space<hbm>>
      tpu.wait_dma2 semaphore(%arg14 : memref<!tpu.dma_semaphore, #tpu.memory_space<semaphore_mem>>) src(%dma_wait3A_726 : memref<32xf32, #tpu.memory_space<hbm>>) dst(%dma_wait3A_723 : memref<32xf32, #tpu.memory_space<vmem>>)
      %dma_wait3A_727 = arith.constant 14 : i32
      %dma_wait3A_728 = arith.constant 14 : i32
      %dma_wait3A_729 = arith.constant 0 : i32
      %dma_wait3A_730 = tpu.memref_slice %arg9[%dma_wait3A_728, %dma_wait3A_729] : memref<32x32xf32, #tpu.memory_space<vmem>> -> memref<1x32xf32, #tpu.memory_space<vmem>>
      %dma_wait3A_731 = tpu.memref_squeeze %dma_wait3A_730 : memref<1x32xf32, #tpu.memory_space<vmem>> -> memref<32xf32, #tpu.memory_space<vmem>>
      %dma_wait3A_732 = arith.constant 0 : i32
      %dma_wait3A_733 = tpu.memref_slice %arg2[%dma_wait3A_727, %add3A_84, %dma_wait3A_732] : memref<32x128x32xf32, #tpu.memory_space<hbm>> -> memref<1x1x32xf32, #tpu.memory_space<hbm>>
      %dma_wait3A_734 = tpu.memref_squeeze %dma_wait3A_733 : memref<1x1x32xf32, #tpu.memory_space<hbm>> -> memref<32xf32, #tpu.memory_space<hbm>>
      %dma_wait3A_735 = arith.constant 0 : i32
      %dma_wait3A_736 = tpu.memref_slice %arg9[%dma_wait3A_728, %dma_wait3A_735] : memref<32x32xf32, #tpu.memory_space<vmem>> -> memref<1x32xf32, #tpu.memory_space<vmem>>
      %dma_wait3A_737 = tpu.memref_squeeze %dma_wait3A_736 : memref<1x32xf32, #tpu.memory_space<vmem>> -> memref<32xf32, #tpu.memory_space<vmem>>
      %dma_wait3A_738 = arith.constant 0 : i32
      %dma_wait3A_739 = tpu.memref_slice %arg2[%dma_wait3A_727, %add3A_84, %dma_wait3A_738] : memref<32x128x32xf32, #tpu.memory_space<hbm>> -> memref<1x1x32xf32, #tpu.memory_space<hbm>>
      %dma_wait3A_740 = tpu.memref_squeeze %dma_wait3A_739 : memref<1x1x32xf32, #tpu.memory_space<hbm>> -> memref<32xf32, #tpu.memory_space<hbm>>
      tpu.wait_dma2 semaphore(%arg14 : memref<!tpu.dma_semaphore, #tpu.memory_space<semaphore_mem>>) src(%dma_wait3A_740 : memref<32xf32, #tpu.memory_space<hbm>>) dst(%dma_wait3A_737 : memref<32xf32, #tpu.memory_space<vmem>>)
      %dma_wait3A_741 = arith.constant 15 : i32
      %dma_wait3A_742 = arith.constant 15 : i32
      %dma_wait3A_743 = arith.constant 0 : i32
      %dma_wait3A_744 = tpu.memref_slice %arg9[%dma_wait3A_742, %dma_wait3A_743] : memref<32x32xf32, #tpu.memory_space<vmem>> -> memref<1x32xf32, #tpu.memory_space<vmem>>
      %dma_wait3A_745 = tpu.memref_squeeze %dma_wait3A_744 : memref<1x32xf32, #tpu.memory_space<vmem>> -> memref<32xf32, #tpu.memory_space<vmem>>
      %dma_wait3A_746 = arith.constant 0 : i32
      %dma_wait3A_747 = tpu.memref_slice %arg2[%dma_wait3A_741, %add3A_84, %dma_wait3A_746] : memref<32x128x32xf32, #tpu.memory_space<hbm>> -> memref<1x1x32xf32, #tpu.memory_space<hbm>>
      %dma_wait3A_748 = tpu.memref_squeeze %dma_wait3A_747 : memref<1x1x32xf32, #tpu.memory_space<hbm>> -> memref<32xf32, #tpu.memory_space<hbm>>
      %dma_wait3A_749 = arith.constant 0 : i32
      %dma_wait3A_750 = tpu.memref_slice %arg9[%dma_wait3A_742, %dma_wait3A_749] : memref<32x32xf32, #tpu.memory_space<vmem>> -> memref<1x32xf32, #tpu.memory_space<vmem>>
      %dma_wait3A_751 = tpu.memref_squeeze %dma_wait3A_750 : memref<1x32xf32, #tpu.memory_space<vmem>> -> memref<32xf32, #tpu.memory_space<vmem>>
      %dma_wait3A_752 = arith.constant 0 : i32
      %dma_wait3A_753 = tpu.memref_slice %arg2[%dma_wait3A_741, %add3A_84, %dma_wait3A_752] : memref<32x128x32xf32, #tpu.memory_space<hbm>> -> memref<1x1x32xf32, #tpu.memory_space<hbm>>
      %dma_wait3A_754 = tpu.memref_squeeze %dma_wait3A_753 : memref<1x1x32xf32, #tpu.memory_space<hbm>> -> memref<32xf32, #tpu.memory_space<hbm>>
      tpu.wait_dma2 semaphore(%arg14 : memref<!tpu.dma_semaphore, #tpu.memory_space<semaphore_mem>>) src(%dma_wait3A_754 : memref<32xf32, #tpu.memory_space<hbm>>) dst(%dma_wait3A_751 : memref<32xf32, #tpu.memory_space<vmem>>)
      %dma_wait3A_755 = arith.constant 16 : i32
      %dma_wait3A_756 = arith.constant 16 : i32
      %dma_wait3A_757 = arith.constant 0 : i32
      %dma_wait3A_758 = tpu.memref_slice %arg9[%dma_wait3A_756, %dma_wait3A_757] : memref<32x32xf32, #tpu.memory_space<vmem>> -> memref<1x32xf32, #tpu.memory_space<vmem>>
      %dma_wait3A_759 = tpu.memref_squeeze %dma_wait3A_758 : memref<1x32xf32, #tpu.memory_space<vmem>> -> memref<32xf32, #tpu.memory_space<vmem>>
      %dma_wait3A_760 = arith.constant 0 : i32
      %dma_wait3A_761 = tpu.memref_slice %arg2[%dma_wait3A_755, %add3A_84, %dma_wait3A_760] : memref<32x128x32xf32, #tpu.memory_space<hbm>> -> memref<1x1x32xf32, #tpu.memory_space<hbm>>
      %dma_wait3A_762 = tpu.memref_squeeze %dma_wait3A_761 : memref<1x1x32xf32, #tpu.memory_space<hbm>> -> memref<32xf32, #tpu.memory_space<hbm>>
      %dma_wait3A_763 = arith.constant 0 : i32
      %dma_wait3A_764 = tpu.memref_slice %arg9[%dma_wait3A_756, %dma_wait3A_763] : memref<32x32xf32, #tpu.memory_space<vmem>> -> memref<1x32xf32, #tpu.memory_space<vmem>>
      %dma_wait3A_765 = tpu.memref_squeeze %dma_wait3A_764 : memref<1x32xf32, #tpu.memory_space<vmem>> -> memref<32xf32, #tpu.memory_space<vmem>>
      %dma_wait3A_766 = arith.constant 0 : i32
      %dma_wait3A_767 = tpu.memref_slice %arg2[%dma_wait3A_755, %add3A_84, %dma_wait3A_766] : memref<32x128x32xf32, #tpu.memory_space<hbm>> -> memref<1x1x32xf32, #tpu.memory_space<hbm>>
      %dma_wait3A_768 = tpu.memref_squeeze %dma_wait3A_767 : memref<1x1x32xf32, #tpu.memory_space<hbm>> -> memref<32xf32, #tpu.memory_space<hbm>>
      tpu.wait_dma2 semaphore(%arg14 : memref<!tpu.dma_semaphore, #tpu.memory_space<semaphore_mem>>) src(%dma_wait3A_768 : memref<32xf32, #tpu.memory_space<hbm>>) dst(%dma_wait3A_765 : memref<32xf32, #tpu.memory_space<vmem>>)
      %dma_wait3A_769 = arith.constant 17 : i32
      %dma_wait3A_770 = arith.constant 17 : i32
      %dma_wait3A_771 = arith.constant 0 : i32
      %dma_wait3A_772 = tpu.memref_slice %arg9[%dma_wait3A_770, %dma_wait3A_771] : memref<32x32xf32, #tpu.memory_space<vmem>> -> memref<1x32xf32, #tpu.memory_space<vmem>>
      %dma_wait3A_773 = tpu.memref_squeeze %dma_wait3A_772 : memref<1x32xf32, #tpu.memory_space<vmem>> -> memref<32xf32, #tpu.memory_space<vmem>>
      %dma_wait3A_774 = arith.constant 0 : i32
      %dma_wait3A_775 = tpu.memref_slice %arg2[%dma_wait3A_769, %add3A_84, %dma_wait3A_774] : memref<32x128x32xf32, #tpu.memory_space<hbm>> -> memref<1x1x32xf32, #tpu.memory_space<hbm>>
      %dma_wait3A_776 = tpu.memref_squeeze %dma_wait3A_775 : memref<1x1x32xf32, #tpu.memory_space<hbm>> -> memref<32xf32, #tpu.memory_space<hbm>>
      %dma_wait3A_777 = arith.constant 0 : i32
      %dma_wait3A_778 = tpu.memref_slice %arg9[%dma_wait3A_770, %dma_wait3A_777] : memref<32x32xf32, #tpu.memory_space<vmem>> -> memref<1x32xf32, #tpu.memory_space<vmem>>
      %dma_wait3A_779 = tpu.memref_squeeze %dma_wait3A_778 : memref<1x32xf32, #tpu.memory_space<vmem>> -> memref<32xf32, #tpu.memory_space<vmem>>
      %dma_wait3A_780 = arith.constant 0 : i32
      %dma_wait3A_781 = tpu.memref_slice %arg2[%dma_wait3A_769, %add3A_84, %dma_wait3A_780] : memref<32x128x32xf32, #tpu.memory_space<hbm>> -> memref<1x1x32xf32, #tpu.memory_space<hbm>>
      %dma_wait3A_782 = tpu.memref_squeeze %dma_wait3A_781 : memref<1x1x32xf32, #tpu.memory_space<hbm>> -> memref<32xf32, #tpu.memory_space<hbm>>
      tpu.wait_dma2 semaphore(%arg14 : memref<!tpu.dma_semaphore, #tpu.memory_space<semaphore_mem>>) src(%dma_wait3A_782 : memref<32xf32, #tpu.memory_space<hbm>>) dst(%dma_wait3A_779 : memref<32xf32, #tpu.memory_space<vmem>>)
      %dma_wait3A_783 = arith.constant 18 : i32
      %dma_wait3A_784 = arith.constant 18 : i32
      %dma_wait3A_785 = arith.constant 0 : i32
      %dma_wait3A_786 = tpu.memref_slice %arg9[%dma_wait3A_784, %dma_wait3A_785] : memref<32x32xf32, #tpu.memory_space<vmem>> -> memref<1x32xf32, #tpu.memory_space<vmem>>
      %dma_wait3A_787 = tpu.memref_squeeze %dma_wait3A_786 : memref<1x32xf32, #tpu.memory_space<vmem>> -> memref<32xf32, #tpu.memory_space<vmem>>
      %dma_wait3A_788 = arith.constant 0 : i32
      %dma_wait3A_789 = tpu.memref_slice %arg2[%dma_wait3A_783, %add3A_84, %dma_wait3A_788] : memref<32x128x32xf32, #tpu.memory_space<hbm>> -> memref<1x1x32xf32, #tpu.memory_space<hbm>>
      %dma_wait3A_790 = tpu.memref_squeeze %dma_wait3A_789 : memref<1x1x32xf32, #tpu.memory_space<hbm>> -> memref<32xf32, #tpu.memory_space<hbm>>
      %dma_wait3A_791 = arith.constant 0 : i32
      %dma_wait3A_792 = tpu.memref_slice %arg9[%dma_wait3A_784, %dma_wait3A_791] : memref<32x32xf32, #tpu.memory_space<vmem>> -> memref<1x32xf32, #tpu.memory_space<vmem>>
      %dma_wait3A_793 = tpu.memref_squeeze %dma_wait3A_792 : memref<1x32xf32, #tpu.memory_space<vmem>> -> memref<32xf32, #tpu.memory_space<vmem>>
      %dma_wait3A_794 = arith.constant 0 : i32
      %dma_wait3A_795 = tpu.memref_slice %arg2[%dma_wait3A_783, %add3A_84, %dma_wait3A_794] : memref<32x128x32xf32, #tpu.memory_space<hbm>> -> memref<1x1x32xf32, #tpu.memory_space<hbm>>
      %dma_wait3A_796 = tpu.memref_squeeze %dma_wait3A_795 : memref<1x1x32xf32, #tpu.memory_space<hbm>> -> memref<32xf32, #tpu.memory_space<hbm>>
      tpu.wait_dma2 semaphore(%arg14 : memref<!tpu.dma_semaphore, #tpu.memory_space<semaphore_mem>>) src(%dma_wait3A_796 : memref<32xf32, #tpu.memory_space<hbm>>) dst(%dma_wait3A_793 : memref<32xf32, #tpu.memory_space<vmem>>)
      %dma_wait3A_797 = arith.constant 19 : i32
      %dma_wait3A_798 = arith.constant 19 : i32
      %dma_wait3A_799 = arith.constant 0 : i32
      %dma_wait3A_800 = tpu.memref_slice %arg9[%dma_wait3A_798, %dma_wait3A_799] : memref<32x32xf32, #tpu.memory_space<vmem>> -> memref<1x32xf32, #tpu.memory_space<vmem>>
      %dma_wait3A_801 = tpu.memref_squeeze %dma_wait3A_800 : memref<1x32xf32, #tpu.memory_space<vmem>> -> memref<32xf32, #tpu.memory_space<vmem>>
      %dma_wait3A_802 = arith.constant 0 : i32
      %dma_wait3A_803 = tpu.memref_slice %arg2[%dma_wait3A_797, %add3A_84, %dma_wait3A_802] : memref<32x128x32xf32, #tpu.memory_space<hbm>> -> memref<1x1x32xf32, #tpu.memory_space<hbm>>
      %dma_wait3A_804 = tpu.memref_squeeze %dma_wait3A_803 : memref<1x1x32xf32, #tpu.memory_space<hbm>> -> memref<32xf32, #tpu.memory_space<hbm>>
      %dma_wait3A_805 = arith.constant 0 : i32
      %dma_wait3A_806 = tpu.memref_slice %arg9[%dma_wait3A_798, %dma_wait3A_805] : memref<32x32xf32, #tpu.memory_space<vmem>> -> memref<1x32xf32, #tpu.memory_space<vmem>>
      %dma_wait3A_807 = tpu.memref_squeeze %dma_wait3A_806 : memref<1x32xf32, #tpu.memory_space<vmem>> -> memref<32xf32, #tpu.memory_space<vmem>>
      %dma_wait3A_808 = arith.constant 0 : i32
      %dma_wait3A_809 = tpu.memref_slice %arg2[%dma_wait3A_797, %add3A_84, %dma_wait3A_808] : memref<32x128x32xf32, #tpu.memory_space<hbm>> -> memref<1x1x32xf32, #tpu.memory_space<hbm>>
      %dma_wait3A_810 = tpu.memref_squeeze %dma_wait3A_809 : memref<1x1x32xf32, #tpu.memory_space<hbm>> -> memref<32xf32, #tpu.memory_space<hbm>>
      tpu.wait_dma2 semaphore(%arg14 : memref<!tpu.dma_semaphore, #tpu.memory_space<semaphore_mem>>) src(%dma_wait3A_810 : memref<32xf32, #tpu.memory_space<hbm>>) dst(%dma_wait3A_807 : memref<32xf32, #tpu.memory_space<vmem>>)
      %dma_wait3A_811 = arith.constant 20 : i32
      %dma_wait3A_812 = arith.constant 20 : i32
      %dma_wait3A_813 = arith.constant 0 : i32
      %dma_wait3A_814 = tpu.memref_slice %arg9[%dma_wait3A_812, %dma_wait3A_813] : memref<32x32xf32, #tpu.memory_space<vmem>> -> memref<1x32xf32, #tpu.memory_space<vmem>>
      %dma_wait3A_815 = tpu.memref_squeeze %dma_wait3A_814 : memref<1x32xf32, #tpu.memory_space<vmem>> -> memref<32xf32, #tpu.memory_space<vmem>>
      %dma_wait3A_816 = arith.constant 0 : i32
      %dma_wait3A_817 = tpu.memref_slice %arg2[%dma_wait3A_811, %add3A_84, %dma_wait3A_816] : memref<32x128x32xf32, #tpu.memory_space<hbm>> -> memref<1x1x32xf32, #tpu.memory_space<hbm>>
      %dma_wait3A_818 = tpu.memref_squeeze %dma_wait3A_817 : memref<1x1x32xf32, #tpu.memory_space<hbm>> -> memref<32xf32, #tpu.memory_space<hbm>>
      %dma_wait3A_819 = arith.constant 0 : i32
      %dma_wait3A_820 = tpu.memref_slice %arg9[%dma_wait3A_812, %dma_wait3A_819] : memref<32x32xf32, #tpu.memory_space<vmem>> -> memref<1x32xf32, #tpu.memory_space<vmem>>
      %dma_wait3A_821 = tpu.memref_squeeze %dma_wait3A_820 : memref<1x32xf32, #tpu.memory_space<vmem>> -> memref<32xf32, #tpu.memory_space<vmem>>
      %dma_wait3A_822 = arith.constant 0 : i32
      %dma_wait3A_823 = tpu.memref_slice %arg2[%dma_wait3A_811, %add3A_84, %dma_wait3A_822] : memref<32x128x32xf32, #tpu.memory_space<hbm>> -> memref<1x1x32xf32, #tpu.memory_space<hbm>>
      %dma_wait3A_824 = tpu.memref_squeeze %dma_wait3A_823 : memref<1x1x32xf32, #tpu.memory_space<hbm>> -> memref<32xf32, #tpu.memory_space<hbm>>
      tpu.wait_dma2 semaphore(%arg14 : memref<!tpu.dma_semaphore, #tpu.memory_space<semaphore_mem>>) src(%dma_wait3A_824 : memref<32xf32, #tpu.memory_space<hbm>>) dst(%dma_wait3A_821 : memref<32xf32, #tpu.memory_space<vmem>>)
      %dma_wait3A_825 = arith.constant 21 : i32
      %dma_wait3A_826 = arith.constant 21 : i32
      %dma_wait3A_827 = arith.constant 0 : i32
      %dma_wait3A_828 = tpu.memref_slice %arg9[%dma_wait3A_826, %dma_wait3A_827] : memref<32x32xf32, #tpu.memory_space<vmem>> -> memref<1x32xf32, #tpu.memory_space<vmem>>
      %dma_wait3A_829 = tpu.memref_squeeze %dma_wait3A_828 : memref<1x32xf32, #tpu.memory_space<vmem>> -> memref<32xf32, #tpu.memory_space<vmem>>
      %dma_wait3A_830 = arith.constant 0 : i32
      %dma_wait3A_831 = tpu.memref_slice %arg2[%dma_wait3A_825, %add3A_84, %dma_wait3A_830] : memref<32x128x32xf32, #tpu.memory_space<hbm>> -> memref<1x1x32xf32, #tpu.memory_space<hbm>>
      %dma_wait3A_832 = tpu.memref_squeeze %dma_wait3A_831 : memref<1x1x32xf32, #tpu.memory_space<hbm>> -> memref<32xf32, #tpu.memory_space<hbm>>
      %dma_wait3A_833 = arith.constant 0 : i32
      %dma_wait3A_834 = tpu.memref_slice %arg9[%dma_wait3A_826, %dma_wait3A_833] : memref<32x32xf32, #tpu.memory_space<vmem>> -> memref<1x32xf32, #tpu.memory_space<vmem>>
      %dma_wait3A_835 = tpu.memref_squeeze %dma_wait3A_834 : memref<1x32xf32, #tpu.memory_space<vmem>> -> memref<32xf32, #tpu.memory_space<vmem>>
      %dma_wait3A_836 = arith.constant 0 : i32
      %dma_wait3A_837 = tpu.memref_slice %arg2[%dma_wait3A_825, %add3A_84, %dma_wait3A_836] : memref<32x128x32xf32, #tpu.memory_space<hbm>> -> memref<1x1x32xf32, #tpu.memory_space<hbm>>
      %dma_wait3A_838 = tpu.memref_squeeze %dma_wait3A_837 : memref<1x1x32xf32, #tpu.memory_space<hbm>> -> memref<32xf32, #tpu.memory_space<hbm>>
      tpu.wait_dma2 semaphore(%arg14 : memref<!tpu.dma_semaphore, #tpu.memory_space<semaphore_mem>>) src(%dma_wait3A_838 : memref<32xf32, #tpu.memory_space<hbm>>) dst(%dma_wait3A_835 : memref<32xf32, #tpu.memory_space<vmem>>)
      %dma_wait3A_839 = arith.constant 22 : i32
      %dma_wait3A_840 = arith.constant 22 : i32
      %dma_wait3A_841 = arith.constant 0 : i32
      %dma_wait3A_842 = tpu.memref_slice %arg9[%dma_wait3A_840, %dma_wait3A_841] : memref<32x32xf32, #tpu.memory_space<vmem>> -> memref<1x32xf32, #tpu.memory_space<vmem>>
      %dma_wait3A_843 = tpu.memref_squeeze %dma_wait3A_842 : memref<1x32xf32, #tpu.memory_space<vmem>> -> memref<32xf32, #tpu.memory_space<vmem>>
      %dma_wait3A_844 = arith.constant 0 : i32
      %dma_wait3A_845 = tpu.memref_slice %arg2[%dma_wait3A_839, %add3A_84, %dma_wait3A_844] : memref<32x128x32xf32, #tpu.memory_space<hbm>> -> memref<1x1x32xf32, #tpu.memory_space<hbm>>
      %dma_wait3A_846 = tpu.memref_squeeze %dma_wait3A_845 : memref<1x1x32xf32, #tpu.memory_space<hbm>> -> memref<32xf32, #tpu.memory_space<hbm>>
      %dma_wait3A_847 = arith.constant 0 : i32
      %dma_wait3A_848 = tpu.memref_slice %arg9[%dma_wait3A_840, %dma_wait3A_847] : memref<32x32xf32, #tpu.memory_space<vmem>> -> memref<1x32xf32, #tpu.memory_space<vmem>>
      %dma_wait3A_849 = tpu.memref_squeeze %dma_wait3A_848 : memref<1x32xf32, #tpu.memory_space<vmem>> -> memref<32xf32, #tpu.memory_space<vmem>>
      %dma_wait3A_850 = arith.constant 0 : i32
      %dma_wait3A_851 = tpu.memref_slice %arg2[%dma_wait3A_839, %add3A_84, %dma_wait3A_850] : memref<32x128x32xf32, #tpu.memory_space<hbm>> -> memref<1x1x32xf32, #tpu.memory_space<hbm>>
      %dma_wait3A_852 = tpu.memref_squeeze %dma_wait3A_851 : memref<1x1x32xf32, #tpu.memory_space<hbm>> -> memref<32xf32, #tpu.memory_space<hbm>>
      tpu.wait_dma2 semaphore(%arg14 : memref<!tpu.dma_semaphore, #tpu.memory_space<semaphore_mem>>) src(%dma_wait3A_852 : memref<32xf32, #tpu.memory_space<hbm>>) dst(%dma_wait3A_849 : memref<32xf32, #tpu.memory_space<vmem>>)
      %dma_wait3A_853 = arith.constant 23 : i32
      %dma_wait3A_854 = arith.constant 23 : i32
      %dma_wait3A_855 = arith.constant 0 : i32
      %dma_wait3A_856 = tpu.memref_slice %arg9[%dma_wait3A_854, %dma_wait3A_855] : memref<32x32xf32, #tpu.memory_space<vmem>> -> memref<1x32xf32, #tpu.memory_space<vmem>>
      %dma_wait3A_857 = tpu.memref_squeeze %dma_wait3A_856 : memref<1x32xf32, #tpu.memory_space<vmem>> -> memref<32xf32, #tpu.memory_space<vmem>>
      %dma_wait3A_858 = arith.constant 0 : i32
      %dma_wait3A_859 = tpu.memref_slice %arg2[%dma_wait3A_853, %add3A_84, %dma_wait3A_858] : memref<32x128x32xf32, #tpu.memory_space<hbm>> -> memref<1x1x32xf32, #tpu.memory_space<hbm>>
      %dma_wait3A_860 = tpu.memref_squeeze %dma_wait3A_859 : memref<1x1x32xf32, #tpu.memory_space<hbm>> -> memref<32xf32, #tpu.memory_space<hbm>>
      %dma_wait3A_861 = arith.constant 0 : i32
      %dma_wait3A_862 = tpu.memref_slice %arg9[%dma_wait3A_854, %dma_wait3A_861] : memref<32x32xf32, #tpu.memory_space<vmem>> -> memref<1x32xf32, #tpu.memory_space<vmem>>
      %dma_wait3A_863 = tpu.memref_squeeze %dma_wait3A_862 : memref<1x32xf32, #tpu.memory_space<vmem>> -> memref<32xf32, #tpu.memory_space<vmem>>
      %dma_wait3A_864 = arith.constant 0 : i32
      %dma_wait3A_865 = tpu.memref_slice %arg2[%dma_wait3A_853, %add3A_84, %dma_wait3A_864] : memref<32x128x32xf32, #tpu.memory_space<hbm>> -> memref<1x1x32xf32, #tpu.memory_space<hbm>>
      %dma_wait3A_866 = tpu.memref_squeeze %dma_wait3A_865 : memref<1x1x32xf32, #tpu.memory_space<hbm>> -> memref<32xf32, #tpu.memory_space<hbm>>
      tpu.wait_dma2 semaphore(%arg14 : memref<!tpu.dma_semaphore, #tpu.memory_space<semaphore_mem>>) src(%dma_wait3A_866 : memref<32xf32, #tpu.memory_space<hbm>>) dst(%dma_wait3A_863 : memref<32xf32, #tpu.memory_space<vmem>>)
      %dma_wait3A_867 = arith.constant 24 : i32
      %dma_wait3A_868 = arith.constant 24 : i32
      %dma_wait3A_869 = arith.constant 0 : i32
      %dma_wait3A_870 = tpu.memref_slice %arg9[%dma_wait3A_868, %dma_wait3A_869] : memref<32x32xf32, #tpu.memory_space<vmem>> -> memref<1x32xf32, #tpu.memory_space<vmem>>
      %dma_wait3A_871 = tpu.memref_squeeze %dma_wait3A_870 : memref<1x32xf32, #tpu.memory_space<vmem>> -> memref<32xf32, #tpu.memory_space<vmem>>
      %dma_wait3A_872 = arith.constant 0 : i32
      %dma_wait3A_873 = tpu.memref_slice %arg2[%dma_wait3A_867, %add3A_84, %dma_wait3A_872] : memref<32x128x32xf32, #tpu.memory_space<hbm>> -> memref<1x1x32xf32, #tpu.memory_space<hbm>>
      %dma_wait3A_874 = tpu.memref_squeeze %dma_wait3A_873 : memref<1x1x32xf32, #tpu.memory_space<hbm>> -> memref<32xf32, #tpu.memory_space<hbm>>
      %dma_wait3A_875 = arith.constant 0 : i32
      %dma_wait3A_876 = tpu.memref_slice %arg9[%dma_wait3A_868, %dma_wait3A_875] : memref<32x32xf32, #tpu.memory_space<vmem>> -> memref<1x32xf32, #tpu.memory_space<vmem>>
      %dma_wait3A_877 = tpu.memref_squeeze %dma_wait3A_876 : memref<1x32xf32, #tpu.memory_space<vmem>> -> memref<32xf32, #tpu.memory_space<vmem>>
      %dma_wait3A_878 = arith.constant 0 : i32
      %dma_wait3A_879 = tpu.memref_slice %arg2[%dma_wait3A_867, %add3A_84, %dma_wait3A_878] : memref<32x128x32xf32, #tpu.memory_space<hbm>> -> memref<1x1x32xf32, #tpu.memory_space<hbm>>
      %dma_wait3A_880 = tpu.memref_squeeze %dma_wait3A_879 : memref<1x1x32xf32, #tpu.memory_space<hbm>> -> memref<32xf32, #tpu.memory_space<hbm>>
      tpu.wait_dma2 semaphore(%arg14 : memref<!tpu.dma_semaphore, #tpu.memory_space<semaphore_mem>>) src(%dma_wait3A_880 : memref<32xf32, #tpu.memory_space<hbm>>) dst(%dma_wait3A_877 : memref<32xf32, #tpu.memory_space<vmem>>)
      %dma_wait3A_881 = arith.constant 25 : i32
      %dma_wait3A_882 = arith.constant 25 : i32
      %dma_wait3A_883 = arith.constant 0 : i32
      %dma_wait3A_884 = tpu.memref_slice %arg9[%dma_wait3A_882, %dma_wait3A_883] : memref<32x32xf32, #tpu.memory_space<vmem>> -> memref<1x32xf32, #tpu.memory_space<vmem>>
      %dma_wait3A_885 = tpu.memref_squeeze %dma_wait3A_884 : memref<1x32xf32, #tpu.memory_space<vmem>> -> memref<32xf32, #tpu.memory_space<vmem>>
      %dma_wait3A_886 = arith.constant 0 : i32
      %dma_wait3A_887 = tpu.memref_slice %arg2[%dma_wait3A_881, %add3A_84, %dma_wait3A_886] : memref<32x128x32xf32, #tpu.memory_space<hbm>> -> memref<1x1x32xf32, #tpu.memory_space<hbm>>
      %dma_wait3A_888 = tpu.memref_squeeze %dma_wait3A_887 : memref<1x1x32xf32, #tpu.memory_space<hbm>> -> memref<32xf32, #tpu.memory_space<hbm>>
      %dma_wait3A_889 = arith.constant 0 : i32
      %dma_wait3A_890 = tpu.memref_slice %arg9[%dma_wait3A_882, %dma_wait3A_889] : memref<32x32xf32, #tpu.memory_space<vmem>> -> memref<1x32xf32, #tpu.memory_space<vmem>>
      %dma_wait3A_891 = tpu.memref_squeeze %dma_wait3A_890 : memref<1x32xf32, #tpu.memory_space<vmem>> -> memref<32xf32, #tpu.memory_space<vmem>>
      %dma_wait3A_892 = arith.constant 0 : i32
      %dma_wait3A_893 = tpu.memref_slice %arg2[%dma_wait3A_881, %add3A_84, %dma_wait3A_892] : memref<32x128x32xf32, #tpu.memory_space<hbm>> -> memref<1x1x32xf32, #tpu.memory_space<hbm>>
      %dma_wait3A_894 = tpu.memref_squeeze %dma_wait3A_893 : memref<1x1x32xf32, #tpu.memory_space<hbm>> -> memref<32xf32, #tpu.memory_space<hbm>>
      tpu.wait_dma2 semaphore(%arg14 : memref<!tpu.dma_semaphore, #tpu.memory_space<semaphore_mem>>) src(%dma_wait3A_894 : memref<32xf32, #tpu.memory_space<hbm>>) dst(%dma_wait3A_891 : memref<32xf32, #tpu.memory_space<vmem>>)
      %dma_wait3A_895 = arith.constant 26 : i32
      %dma_wait3A_896 = arith.constant 26 : i32
      %dma_wait3A_897 = arith.constant 0 : i32
      %dma_wait3A_898 = tpu.memref_slice %arg9[%dma_wait3A_896, %dma_wait3A_897] : memref<32x32xf32, #tpu.memory_space<vmem>> -> memref<1x32xf32, #tpu.memory_space<vmem>>
      %dma_wait3A_899 = tpu.memref_squeeze %dma_wait3A_898 : memref<1x32xf32, #tpu.memory_space<vmem>> -> memref<32xf32, #tpu.memory_space<vmem>>
      %dma_wait3A_900 = arith.constant 0 : i32
      %dma_wait3A_901 = tpu.memref_slice %arg2[%dma_wait3A_895, %add3A_84, %dma_wait3A_900] : memref<32x128x32xf32, #tpu.memory_space<hbm>> -> memref<1x1x32xf32, #tpu.memory_space<hbm>>
      %dma_wait3A_902 = tpu.memref_squeeze %dma_wait3A_901 : memref<1x1x32xf32, #tpu.memory_space<hbm>> -> memref<32xf32, #tpu.memory_space<hbm>>
      %dma_wait3A_903 = arith.constant 0 : i32
      %dma_wait3A_904 = tpu.memref_slice %arg9[%dma_wait3A_896, %dma_wait3A_903] : memref<32x32xf32, #tpu.memory_space<vmem>> -> memref<1x32xf32, #tpu.memory_space<vmem>>
      %dma_wait3A_905 = tpu.memref_squeeze %dma_wait3A_904 : memref<1x32xf32, #tpu.memory_space<vmem>> -> memref<32xf32, #tpu.memory_space<vmem>>
      %dma_wait3A_906 = arith.constant 0 : i32
      %dma_wait3A_907 = tpu.memref_slice %arg2[%dma_wait3A_895, %add3A_84, %dma_wait3A_906] : memref<32x128x32xf32, #tpu.memory_space<hbm>> -> memref<1x1x32xf32, #tpu.memory_space<hbm>>
      %dma_wait3A_908 = tpu.memref_squeeze %dma_wait3A_907 : memref<1x1x32xf32, #tpu.memory_space<hbm>> -> memref<32xf32, #tpu.memory_space<hbm>>
      tpu.wait_dma2 semaphore(%arg14 : memref<!tpu.dma_semaphore, #tpu.memory_space<semaphore_mem>>) src(%dma_wait3A_908 : memref<32xf32, #tpu.memory_space<hbm>>) dst(%dma_wait3A_905 : memref<32xf32, #tpu.memory_space<vmem>>)
      %dma_wait3A_909 = arith.constant 27 : i32
      %dma_wait3A_910 = arith.constant 27 : i32
      %dma_wait3A_911 = arith.constant 0 : i32
      %dma_wait3A_912 = tpu.memref_slice %arg9[%dma_wait3A_910, %dma_wait3A_911] : memref<32x32xf32, #tpu.memory_space<vmem>> -> memref<1x32xf32, #tpu.memory_space<vmem>>
      %dma_wait3A_913 = tpu.memref_squeeze %dma_wait3A_912 : memref<1x32xf32, #tpu.memory_space<vmem>> -> memref<32xf32, #tpu.memory_space<vmem>>
      %dma_wait3A_914 = arith.constant 0 : i32
      %dma_wait3A_915 = tpu.memref_slice %arg2[%dma_wait3A_909, %add3A_84, %dma_wait3A_914] : memref<32x128x32xf32, #tpu.memory_space<hbm>> -> memref<1x1x32xf32, #tpu.memory_space<hbm>>
      %dma_wait3A_916 = tpu.memref_squeeze %dma_wait3A_915 : memref<1x1x32xf32, #tpu.memory_space<hbm>> -> memref<32xf32, #tpu.memory_space<hbm>>
      %dma_wait3A_917 = arith.constant 0 : i32
      %dma_wait3A_918 = tpu.memref_slice %arg9[%dma_wait3A_910, %dma_wait3A_917] : memref<32x32xf32, #tpu.memory_space<vmem>> -> memref<1x32xf32, #tpu.memory_space<vmem>>
      %dma_wait3A_919 = tpu.memref_squeeze %dma_wait3A_918 : memref<1x32xf32, #tpu.memory_space<vmem>> -> memref<32xf32, #tpu.memory_space<vmem>>
      %dma_wait3A_920 = arith.constant 0 : i32
      %dma_wait3A_921 = tpu.memref_slice %arg2[%dma_wait3A_909, %add3A_84, %dma_wait3A_920] : memref<32x128x32xf32, #tpu.memory_space<hbm>> -> memref<1x1x32xf32, #tpu.memory_space<hbm>>
      %dma_wait3A_922 = tpu.memref_squeeze %dma_wait3A_921 : memref<1x1x32xf32, #tpu.memory_space<hbm>> -> memref<32xf32, #tpu.memory_space<hbm>>
      tpu.wait_dma2 semaphore(%arg14 : memref<!tpu.dma_semaphore, #tpu.memory_space<semaphore_mem>>) src(%dma_wait3A_922 : memref<32xf32, #tpu.memory_space<hbm>>) dst(%dma_wait3A_919 : memref<32xf32, #tpu.memory_space<vmem>>)
      %dma_wait3A_923 = arith.constant 28 : i32
      %dma_wait3A_924 = arith.constant 28 : i32
      %dma_wait3A_925 = arith.constant 0 : i32
      %dma_wait3A_926 = tpu.memref_slice %arg9[%dma_wait3A_924, %dma_wait3A_925] : memref<32x32xf32, #tpu.memory_space<vmem>> -> memref<1x32xf32, #tpu.memory_space<vmem>>
      %dma_wait3A_927 = tpu.memref_squeeze %dma_wait3A_926 : memref<1x32xf32, #tpu.memory_space<vmem>> -> memref<32xf32, #tpu.memory_space<vmem>>
      %dma_wait3A_928 = arith.constant 0 : i32
      %dma_wait3A_929 = tpu.memref_slice %arg2[%dma_wait3A_923, %add3A_84, %dma_wait3A_928] : memref<32x128x32xf32, #tpu.memory_space<hbm>> -> memref<1x1x32xf32, #tpu.memory_space<hbm>>
      %dma_wait3A_930 = tpu.memref_squeeze %dma_wait3A_929 : memref<1x1x32xf32, #tpu.memory_space<hbm>> -> memref<32xf32, #tpu.memory_space<hbm>>
      %dma_wait3A_931 = arith.constant 0 : i32
      %dma_wait3A_932 = tpu.memref_slice %arg9[%dma_wait3A_924, %dma_wait3A_931] : memref<32x32xf32, #tpu.memory_space<vmem>> -> memref<1x32xf32, #tpu.memory_space<vmem>>
      %dma_wait3A_933 = tpu.memref_squeeze %dma_wait3A_932 : memref<1x32xf32, #tpu.memory_space<vmem>> -> memref<32xf32, #tpu.memory_space<vmem>>
      %dma_wait3A_934 = arith.constant 0 : i32
      %dma_wait3A_935 = tpu.memref_slice %arg2[%dma_wait3A_923, %add3A_84, %dma_wait3A_934] : memref<32x128x32xf32, #tpu.memory_space<hbm>> -> memref<1x1x32xf32, #tpu.memory_space<hbm>>
      %dma_wait3A_936 = tpu.memref_squeeze %dma_wait3A_935 : memref<1x1x32xf32, #tpu.memory_space<hbm>> -> memref<32xf32, #tpu.memory_space<hbm>>
      tpu.wait_dma2 semaphore(%arg14 : memref<!tpu.dma_semaphore, #tpu.memory_space<semaphore_mem>>) src(%dma_wait3A_936 : memref<32xf32, #tpu.memory_space<hbm>>) dst(%dma_wait3A_933 : memref<32xf32, #tpu.memory_space<vmem>>)
      %dma_wait3A_937 = arith.constant 29 : i32
      %dma_wait3A_938 = arith.constant 29 : i32
      %dma_wait3A_939 = arith.constant 0 : i32
      %dma_wait3A_940 = tpu.memref_slice %arg9[%dma_wait3A_938, %dma_wait3A_939] : memref<32x32xf32, #tpu.memory_space<vmem>> -> memref<1x32xf32, #tpu.memory_space<vmem>>
      %dma_wait3A_941 = tpu.memref_squeeze %dma_wait3A_940 : memref<1x32xf32, #tpu.memory_space<vmem>> -> memref<32xf32, #tpu.memory_space<vmem>>
      %dma_wait3A_942 = arith.constant 0 : i32
      %dma_wait3A_943 = tpu.memref_slice %arg2[%dma_wait3A_937, %add3A_84, %dma_wait3A_942] : memref<32x128x32xf32, #tpu.memory_space<hbm>> -> memref<1x1x32xf32, #tpu.memory_space<hbm>>
      %dma_wait3A_944 = tpu.memref_squeeze %dma_wait3A_943 : memref<1x1x32xf32, #tpu.memory_space<hbm>> -> memref<32xf32, #tpu.memory_space<hbm>>
      %dma_wait3A_945 = arith.constant 0 : i32
      %dma_wait3A_946 = tpu.memref_slice %arg9[%dma_wait3A_938, %dma_wait3A_945] : memref<32x32xf32, #tpu.memory_space<vmem>> -> memref<1x32xf32, #tpu.memory_space<vmem>>
      %dma_wait3A_947 = tpu.memref_squeeze %dma_wait3A_946 : memref<1x32xf32, #tpu.memory_space<vmem>> -> memref<32xf32, #tpu.memory_space<vmem>>
      %dma_wait3A_948 = arith.constant 0 : i32
      %dma_wait3A_949 = tpu.memref_slice %arg2[%dma_wait3A_937, %add3A_84, %dma_wait3A_948] : memref<32x128x32xf32, #tpu.memory_space<hbm>> -> memref<1x1x32xf32, #tpu.memory_space<hbm>>
      %dma_wait3A_950 = tpu.memref_squeeze %dma_wait3A_949 : memref<1x1x32xf32, #tpu.memory_space<hbm>> -> memref<32xf32, #tpu.memory_space<hbm>>
      tpu.wait_dma2 semaphore(%arg14 : memref<!tpu.dma_semaphore, #tpu.memory_space<semaphore_mem>>) src(%dma_wait3A_950 : memref<32xf32, #tpu.memory_space<hbm>>) dst(%dma_wait3A_947 : memref<32xf32, #tpu.memory_space<vmem>>)
      %dma_wait3A_951 = arith.constant 30 : i32
      %dma_wait3A_952 = arith.constant 30 : i32
      %dma_wait3A_953 = arith.constant 0 : i32
      %dma_wait3A_954 = tpu.memref_slice %arg9[%dma_wait3A_952, %dma_wait3A_953] : memref<32x32xf32, #tpu.memory_space<vmem>> -> memref<1x32xf32, #tpu.memory_space<vmem>>
      %dma_wait3A_955 = tpu.memref_squeeze %dma_wait3A_954 : memref<1x32xf32, #tpu.memory_space<vmem>> -> memref<32xf32, #tpu.memory_space<vmem>>
      %dma_wait3A_956 = arith.constant 0 : i32
      %dma_wait3A_957 = tpu.memref_slice %arg2[%dma_wait3A_951, %add3A_84, %dma_wait3A_956] : memref<32x128x32xf32, #tpu.memory_space<hbm>> -> memref<1x1x32xf32, #tpu.memory_space<hbm>>
      %dma_wait3A_958 = tpu.memref_squeeze %dma_wait3A_957 : memref<1x1x32xf32, #tpu.memory_space<hbm>> -> memref<32xf32, #tpu.memory_space<hbm>>
      %dma_wait3A_959 = arith.constant 0 : i32
      %dma_wait3A_960 = tpu.memref_slice %arg9[%dma_wait3A_952, %dma_wait3A_959] : memref<32x32xf32, #tpu.memory_space<vmem>> -> memref<1x32xf32, #tpu.memory_space<vmem>>
      %dma_wait3A_961 = tpu.memref_squeeze %dma_wait3A_960 : memref<1x32xf32, #tpu.memory_space<vmem>> -> memref<32xf32, #tpu.memory_space<vmem>>
      %dma_wait3A_962 = arith.constant 0 : i32
      %dma_wait3A_963 = tpu.memref_slice %arg2[%dma_wait3A_951, %add3A_84, %dma_wait3A_962] : memref<32x128x32xf32, #tpu.memory_space<hbm>> -> memref<1x1x32xf32, #tpu.memory_space<hbm>>
      %dma_wait3A_964 = tpu.memref_squeeze %dma_wait3A_963 : memref<1x1x32xf32, #tpu.memory_space<hbm>> -> memref<32xf32, #tpu.memory_space<hbm>>
      tpu.wait_dma2 semaphore(%arg14 : memref<!tpu.dma_semaphore, #tpu.memory_space<semaphore_mem>>) src(%dma_wait3A_964 : memref<32xf32, #tpu.memory_space<hbm>>) dst(%dma_wait3A_961 : memref<32xf32, #tpu.memory_space<vmem>>)
      %dma_wait3A_965 = arith.constant 31 : i32
      %dma_wait3A_966 = arith.constant 31 : i32
      %dma_wait3A_967 = arith.constant 0 : i32
      %dma_wait3A_968 = tpu.memref_slice %arg9[%dma_wait3A_966, %dma_wait3A_967] : memref<32x32xf32, #tpu.memory_space<vmem>> -> memref<1x32xf32, #tpu.memory_space<vmem>>
      %dma_wait3A_969 = tpu.memref_squeeze %dma_wait3A_968 : memref<1x32xf32, #tpu.memory_space<vmem>> -> memref<32xf32, #tpu.memory_space<vmem>>
      %dma_wait3A_970 = arith.constant 0 : i32
      %dma_wait3A_971 = tpu.memref_slice %arg2[%dma_wait3A_965, %add3A_84, %dma_wait3A_970] : memref<32x128x32xf32, #tpu.memory_space<hbm>> -> memref<1x1x32xf32, #tpu.memory_space<hbm>>
      %dma_wait3A_972 = tpu.memref_squeeze %dma_wait3A_971 : memref<1x1x32xf32, #tpu.memory_space<hbm>> -> memref<32xf32, #tpu.memory_space<hbm>>
      %dma_wait3A_973 = arith.constant 0 : i32
      %dma_wait3A_974 = tpu.memref_slice %arg9[%dma_wait3A_966, %dma_wait3A_973] : memref<32x32xf32, #tpu.memory_space<vmem>> -> memref<1x32xf32, #tpu.memory_space<vmem>>
      %dma_wait3A_975 = tpu.memref_squeeze %dma_wait3A_974 : memref<1x32xf32, #tpu.memory_space<vmem>> -> memref<32xf32, #tpu.memory_space<vmem>>
      %dma_wait3A_976 = arith.constant 0 : i32
      %dma_wait3A_977 = tpu.memref_slice %arg2[%dma_wait3A_965, %add3A_84, %dma_wait3A_976] : memref<32x128x32xf32, #tpu.memory_space<hbm>> -> memref<1x1x32xf32, #tpu.memory_space<hbm>>
      %dma_wait3A_978 = tpu.memref_squeeze %dma_wait3A_977 : memref<1x1x32xf32, #tpu.memory_space<hbm>> -> memref<32xf32, #tpu.memory_space<hbm>>
      tpu.wait_dma2 semaphore(%arg14 : memref<!tpu.dma_semaphore, #tpu.memory_space<semaphore_mem>>) src(%dma_wait3A_978 : memref<32xf32, #tpu.memory_space<hbm>>) dst(%dma_wait3A_975 : memref<32xf32, #tpu.memory_space<vmem>>)
      %get3A = arith.constant 0 : i32
      %get3A_979 = arith.index_cast %get3A : i32 to index
      %get3A_980 = arith.constant 0 : index
      %get3A_981 = tpu.vector_load %arg9[%get3A_979, %get3A_980] {strides = array<i32>} : memref<32x32xf32, #tpu.memory_space<vmem>>, vector<16xf32>,
      %get3A_982 = arith.constant 0 : i32
      %get3A_983 = arith.index_cast %get3A_982 : i32 to index
      %get3A_984 = arith.constant 16 : index
      %get3A_985 = tpu.vector_load %arg9[%get3A_983, %get3A_984] {strides = array<i32>} : memref<32x32xf32, #tpu.memory_space<vmem>>, vector<16xf32>,
      %scan3A_986 = arith.constant 1 : i32
      %scan3A_987 = arith.constant 31 : i32
      %scan3A_988 = arith.addi %scan3A_986, %scan3A_987 : i32
      %scan3A_989 = arith.constant 1 : i32
      %scan3A_990:2 = scf.for %scan3A_1051 = %scan3A_986 to %scan3A_988 step %scan3A_989 iter_args(%scan3A_1052 = %get3A_981, %scan3A_1053 = %get3A_985) -> (vector<16xf32>, vector<16xf32>)  : i32 {
        %get3A_1054 = arith.index_cast %scan3A_1051 : i32 to index
        %get3A_1055 = arith.constant 0 : index
        %get3A_1056 = tpu.vector_load %arg9[%get3A_1054, %get3A_1055] {strides = array<i32>} : memref<32x32xf32, #tpu.memory_space<vmem>>, vector<16xf32>,
        %get3A_1057 = arith.index_cast %scan3A_1051 : i32 to index
        %get3A_1058 = arith.constant 16 : index
        %get3A_1059 = tpu.vector_load %arg9[%get3A_1057, %get3A_1058] {strides = array<i32>} : memref<32x32xf32, #tpu.memory_space<vmem>>, vector<16xf32>,
        %rev3A = arith.constant 15 : i32
        %rev3A_1060 = vector.broadcast %rev3A : i32 to vector<16xi32>
        %rev3A_1061 = tpu.iota {dimensions = array<i32: 0>} : vector<16xi32>
        %rev3A_1062 = arith.subi %rev3A_1060, %rev3A_1061 : vector<16xi32>
        %rev3A_1063 = tpu.dynamic_gather %get3A_1059[%rev3A_1062] in [0] : vector<16xf32>, vector<16xi32> -> vector<16xf32>
        %max3A_1064 = arith.maximumf %scan3A_1052, %rev3A_1063 : vector<16xf32>
        %rev3A_1065 = arith.constant 15 : i32
        %rev3A_1066 = vector.broadcast %rev3A_1065 : i32 to vector<16xi32>
        %rev3A_1067 = tpu.iota {dimensions = array<i32: 0>} : vector<16xi32>
        %rev3A_1068 = arith.subi %rev3A_1066, %rev3A_1067 : vector<16xi32>
        %rev3A_1069 = tpu.dynamic_gather %get3A_1056[%rev3A_1068] in [0] : vector<16xf32>, vector<16xi32> -> vector<16xf32>
        %max3A_1070 = arith.maximumf %scan3A_1053, %rev3A_1069 : vector<16xf32>
        %max3A_1071 = arith.maximumf %max3A_1064, %max3A_1070 : vector<16xf32>
        %masked_sort3A = arith.constant dense<true> : vector<16xi1>
        %masked_sort3A_1072, %masked_sort3A_1073, %masked_sort3A_1074 = tpu.sort %max3A_1071, %max3A_1071 masked %masked_sort3A {descending = true} : (vector<16xf32>, vector<16xf32>, vector<16xi1>) -> (vector<16xi1>, vector<16xf32>, vector<16xf32>)
        %min3A = arith.minimumf %max3A_1064, %max3A_1070 : vector<16xf32>
        %masked_sort3A_1075 = arith.constant dense<true> : vector<16xi1>
        %masked_sort3A_1076, %masked_sort3A_1077, %masked_sort3A_1078 = tpu.sort %min3A, %min3A masked %masked_sort3A_1075 {descending = true} : (vector<16xf32>, vector<16xf32>, vector<16xi1>) -> (vector<16xi1>, vector<16xf32>, vector<16xf32>)
        scf.yield %masked_sort3A_1073, %masked_sort3A_1077 : vector<16xf32>, vector<16xf32>
      }
      %scan3A_991 = arith.constant 31 : i32
      %swap3A_992 = arith.index_cast %scan3A_82 : i32 to index
      %swap3A_993 = arith.constant 0 : index
      %swap3A_994 = tpu.vector_load %arg11[%swap3A_992, %swap3A_993] {strides = array<i32>} : memref<4x32xf32, #tpu.memory_space<vmem>>, vector<16xf32>,
      tpu.vector_store %arg11[%swap3A_992, %swap3A_993], %scan3A_990#0 {strides = array<i32>} : memref<4x32xf32, #tpu.memory_space<vmem>>, vector<16xf32>,
      %swap3A_995 = arith.index_cast %scan3A_82 : i32 to index
      %swap3A_996 = arith.constant 16 : index
      %swap3A_997 = tpu.vector_load %arg11[%swap3A_995, %swap3A_996] {strides = array<i32>} : memref<4x32xf32, #tpu.memory_space<vmem>>, vector<16xf32>,
      tpu.vector_store %arg11[%swap3A_995, %swap3A_996], %scan3A_990#1 {strides = array<i32>} : memref<4x32xf32, #tpu.memory_space<vmem>>, vector<16xf32>,
      %swap3A_998 = arith.constant 0 : index
      %swap3A_999 = tpu.vector_load %arg12[%swap3A_998] {strides = array<i32>} : memref<16xf32, #tpu.memory_space<vmem>>, vector<16xf32>,
      tpu.vector_store %arg12[%swap3A_998], %scan3A_990#1 {strides = array<i32>} : memref<16xf32, #tpu.memory_space<vmem>>, vector<16xf32>,
      %broadcast_in_dim3A_1000 = arith.constant 15 : i32
      %broadcast_in_dim3A_1001 = vector.broadcast %broadcast_in_dim3A_1000 : i32 to vector<16xi32>
      %gather3A = tpu.vector_load_idx %arg12[%broadcast_in_dim3A_1001] : memref<16xf32, #tpu.memory_space<vmem>>[vector<16xi32>], vector<16xf32>,
      %broadcast_in_dim3A_1002 = arith.constant 0 : i32
      %broadcast_in_dim3A_1003 = vector.broadcast %broadcast_in_dim3A_1002 : i32 to vector<16xi32>
      %add3A_1004 = vector.broadcast %add3A_84 : i32 to vector<16xi32>
      %add3A_1005 = arith.addi %broadcast_in_dim3A_1003, %add3A_1004 : vector<16xi32>
      %broadcast_in_dim3A_1006 = arith.constant -1.000000e+30 : f32
      %broadcast_in_dim3A_1007 = vector.broadcast %broadcast_in_dim3A_1006 : f32 to vector<16xf32>
      %gather3A_1008 = tpu.vector_load_idx %arg10[%add3A_5, %add3A_1005] : memref<256x128xf32, #tpu.memory_space<vmem>>[vector<16xi32>, vector<16xi32>], vector<16xf32>,
      %max3A = arith.maximumf %broadcast_in_dim3A_1007, %gather3A_1008 : vector<16xf32>
      %gather3A_1009 = tpu.vector_load_idx %arg10[%add3A_9, %add3A_1005] : memref<256x128xf32, #tpu.memory_space<vmem>>[vector<16xi32>, vector<16xi32>], vector<16xf32>,
      %max3A_1010 = arith.maximumf %max3A, %gather3A_1009 : vector<16xf32>
      %gather3A_1011 = tpu.vector_load_idx %arg10[%add3A_13, %add3A_1005] : memref<256x128xf32, #tpu.memory_space<vmem>>[vector<16xi32>, vector<16xi32>], vector<16xf32>,
      %max3A_1012 = arith.maximumf %max3A_1010, %gather3A_1011 : vector<16xf32>
      %gather3A_1013 = tpu.vector_load_idx %arg10[%add3A_17, %add3A_1005] : memref<256x128xf32, #tpu.memory_space<vmem>>[vector<16xi32>, vector<16xi32>], vector<16xf32>,
      %max3A_1014 = arith.maximumf %max3A_1012, %gather3A_1013 : vector<16xf32>
      %gather3A_1015 = tpu.vector_load_idx %arg10[%add3A_21, %add3A_1005] : memref<256x128xf32, #tpu.memory_space<vmem>>[vector<16xi32>, vector<16xi32>], vector<16xf32>,
      %max3A_1016 = arith.maximumf %max3A_1014, %gather3A_1015 : vector<16xf32>
      %gather3A_1017 = tpu.vector_load_idx %arg10[%add3A_25, %add3A_1005] : memref<256x128xf32, #tpu.memory_space<vmem>>[vector<16xi32>, vector<16xi32>], vector<16xf32>,
      %max3A_1018 = arith.maximumf %max3A_1016, %gather3A_1017 : vector<16xf32>
      %gather3A_1019 = tpu.vector_load_idx %arg10[%add3A_29, %add3A_1005] : memref<256x128xf32, #tpu.memory_space<vmem>>[vector<16xi32>, vector<16xi32>], vector<16xf32>,
      %max3A_1020 = arith.maximumf %max3A_1018, %gather3A_1019 : vector<16xf32>
      %gather3A_1021 = tpu.vector_load_idx %arg10[%add3A_33, %add3A_1005] : memref<256x128xf32, #tpu.memory_space<vmem>>[vector<16xi32>, vector<16xi32>], vector<16xf32>,
      %max3A_1022 = arith.maximumf %max3A_1020, %gather3A_1021 : vector<16xf32>
      %gather3A_1023 = tpu.vector_load_idx %arg10[%add3A_37, %add3A_1005] : memref<256x128xf32, #tpu.memory_space<vmem>>[vector<16xi32>, vector<16xi32>], vector<16xf32>,
      %max3A_1024 = arith.maximumf %max3A_1022, %gather3A_1023 : vector<16xf32>
      %gather3A_1025 = tpu.vector_load_idx %arg10[%add3A_41, %add3A_1005] : memref<256x128xf32, #tpu.memory_space<vmem>>[vector<16xi32>, vector<16xi32>], vector<16xf32>,
      %max3A_1026 = arith.maximumf %max3A_1024, %gather3A_1025 : vector<16xf32>
      %gather3A_1027 = tpu.vector_load_idx %arg10[%add3A_45, %add3A_1005] : memref<256x128xf32, #tpu.memory_space<vmem>>[vector<16xi32>, vector<16xi32>], vector<16xf32>,
      %max3A_1028 = arith.maximumf %max3A_1026, %gather3A_1027 : vector<16xf32>
      %gather3A_1029 = tpu.vector_load_idx %arg10[%add3A_49, %add3A_1005] : memref<256x128xf32, #tpu.memory_space<vmem>>[vector<16xi32>, vector<16xi32>], vector<16xf32>,
      %max3A_1030 = arith.maximumf %max3A_1028, %gather3A_1029 : vector<16xf32>
      %gather3A_1031 = tpu.vector_load_idx %arg10[%add3A_53, %add3A_1005] : memref<256x128xf32, #tpu.memory_space<vmem>>[vector<16xi32>, vector<16xi32>], vector<16xf32>,
      %max3A_1032 = arith.maximumf %max3A_1030, %gather3A_1031 : vector<16xf32>
      %gather3A_1033 = tpu.vector_load_idx %arg10[%add3A_57, %add3A_1005] : memref<256x128xf32, #tpu.memory_space<vmem>>[vector<16xi32>, vector<16xi32>], vector<16xf32>,
      %max3A_1034 = arith.maximumf %max3A_1032, %gather3A_1033 : vector<16xf32>
      %gather3A_1035 = tpu.vector_load_idx %arg10[%add3A_61, %add3A_1005] : memref<256x128xf32, #tpu.memory_space<vmem>>[vector<16xi32>, vector<16xi32>], vector<16xf32>,
      %max3A_1036 = arith.maximumf %max3A_1034, %gather3A_1035 : vector<16xf32>
      %gather3A_1037 = tpu.vector_load_idx %arg10[%add3A_65, %add3A_1005] : memref<256x128xf32, #tpu.memory_space<vmem>>[vector<16xi32>, vector<16xi32>], vector<16xf32>,
      %max3A_1038 = arith.maximumf %max3A_1036, %gather3A_1037 : vector<16xf32>
      %ge3A = arith.cmpf oge, %max3A_1038, %gather3A : vector<16xf32>
      %gt3A = arith.constant -1.000000e+29 : f32
      %gt3A_1039 = vector.broadcast %gt3A : f32 to vector<16xf32>
      %gt3A_1040 = arith.cmpf ogt, %gather3A, %gt3A_1039 : vector<16xf32>
      %and3A = arith.andi %ge3A, %gt3A_1040 : vector<16xi1>
      %convert_element_type3A = arith.extui %and3A : vector<16xi1> to vector<16xi32>
      %reduce_max3A = arith.constant true
      %reduce_max3A_1041 = vector.broadcast %reduce_max3A : i1 to vector<16xi1>
      %reduce_max3A_1042 = arith.constant -2147483648 : i32
      %reduce_max3A_1043 = vector.broadcast %reduce_max3A_1042 : i32 to vector<16xi32>
      %reduce_max3A_1044 = arith.xori %convert_element_type3A, %reduce_max3A_1043 : vector<16xi32>
      %reduce_max3A_1045 = tpu.scan <max>, %reduce_max3A_1044 masked %reduce_max3A_1041 : vector<16xi32>, vector<16xi1> -> vector<16xi32>
      %reduce_max3A_1046 = arith.xori %reduce_max3A_1045, %reduce_max3A_1043 : vector<16xi32>
      %reduce_max3A_1047 = vector.extract %reduce_max3A_1046[15] : i32 from vector<16xi32>
      %lt3A = arith.constant 100 : i32
      %lt3A_1048 = arith.cmpi slt, %add3A_84, %lt3A : i32
      %convert_element_type3A_1049 = arith.extui %lt3A_1048 : i1 to i32
      %mul3A_1050 = arith.muli %reduce_max3A_1047, %convert_element_type3A_1049 : i32
      %or3A = arith.ori %scan3A_83, %mul3A_1050 : i32
      scf.yield %or3A : i32
    }
    %scan3A_71 = arith.constant 4 : i32
    "tpu.region"() ({
      %run_scoped3A = tpu.sem_alloc : memref<!tpu.dma_semaphore, #tpu.memory_space<semaphore_mem>>
      %dma_start3A = arith.constant 0 : i32
      %dma_start3A_82 = tpu.memref_slice %arg6[%mul3A_2, %dma_start3A] : memref<128x32xf32, #tpu.memory_space<hbm>> -> memref<4x32xf32, #tpu.memory_space<hbm>>
      %dma_start3A_83 = arith.constant 0 : i32
      %dma_start3A_84 = tpu.memref_slice %arg6[%mul3A_2, %dma_start3A_83] : memref<128x32xf32, #tpu.memory_space<hbm>> -> memref<4x32xf32, #tpu.memory_space<hbm>>
      tpu.enqueue_dma source(%arg11 : memref<4x32xf32, #tpu.memory_space<vmem>>) target(%dma_start3A_84 : memref<4x32xf32, #tpu.memory_space<hbm>>) target_semaphore(%run_scoped3A : memref<!tpu.dma_semaphore, #tpu.memory_space<semaphore_mem>>)
      %dma_wait3A = arith.constant 0 : i32
      %dma_wait3A_85 = tpu.memref_slice %arg6[%mul3A_2, %dma_wait3A] : memref<128x32xf32, #tpu.memory_space<hbm>> -> memref<4x32xf32, #tpu.memory_space<hbm>>
      %dma_wait3A_86 = arith.constant 0 : i32
      %dma_wait3A_87 = tpu.memref_slice %arg6[%mul3A_2, %dma_wait3A_86] : memref<128x32xf32, #tpu.memory_space<hbm>> -> memref<4x32xf32, #tpu.memory_space<hbm>>
      tpu.wait_dma2 semaphore(%run_scoped3A : memref<!tpu.dma_semaphore, #tpu.memory_space<semaphore_mem>>) src(%arg11 : memref<4x32xf32, #tpu.memory_space<vmem>>) dst(%dma_wait3A_87 : memref<4x32xf32, #tpu.memory_space<hbm>>)
      tpu.yield
    }) : () -> ()
    "tpu.region"() ({
      %run_scoped3A = tpu.sem_alloc : memref<!tpu.dma_semaphore, #tpu.memory_space<semaphore_mem>>
      tpu.enqueue_dma source(%arg5 : memref<256x128xf32, #tpu.memory_space<hbm>>) target(%arg10 : memref<256x128xf32, #tpu.memory_space<vmem>>) target_semaphore(%run_scoped3A : memref<!tpu.dma_semaphore, #tpu.memory_space<semaphore_mem>>)
      tpu.wait_dma2 semaphore(%run_scoped3A : memref<!tpu.dma_semaphore, #tpu.memory_space<semaphore_mem>>) src(%arg5 : memref<256x128xf32, #tpu.memory_space<hbm>>) dst(%arg10 : memref<256x128xf32, #tpu.memory_space<vmem>>)
      tpu.yield
    }) : () -> ()
    %scan3A_72 = arith.constant 0 : i32
    %scan3A_73 = arith.constant 4 : i32
    %scan3A_74 = arith.addi %scan3A_72, %scan3A_73 : i32
    %scan3A_75 = arith.constant 1 : i32
    %scan3A_76 = scf.for %scan3A_82 = %scan3A_72 to %scan3A_74 step %scan3A_75 iter_args(%scan3A_83 = %scan3A_70) -> (i32)  : i32 {
      %add3A_84 = arith.addi %mul3A_2, %scan3A_82 : i32
      %dma_start3A = arith.constant 0 : i32
      %dma_start3A_85 = arith.constant 0 : i32
      %dma_start3A_86 = arith.constant 0 : i32
      %dma_start3A_87 = tpu.memref_slice %arg9[%dma_start3A_85, %dma_start3A_86] : memref<32x32xf32, #tpu.memory_space<vmem>> -> memref<1x32xf32, #tpu.memory_space<vmem>>
      %dma_start3A_88 = tpu.memref_squeeze %dma_start3A_87 : memref<1x32xf32, #tpu.memory_space<vmem>> -> memref<32xf32, #tpu.memory_space<vmem>>
      %dma_start3A_89 = arith.constant 0 : i32
      %dma_start3A_90 = tpu.memref_slice %arg3[%dma_start3A, %add3A_84, %dma_start3A_89] : memref<32x128x32xf32, #tpu.memory_space<hbm>> -> memref<1x1x32xf32, #tpu.memory_space<hbm>>
      %dma_start3A_91 = tpu.memref_squeeze %dma_start3A_90 : memref<1x1x32xf32, #tpu.memory_space<hbm>> -> memref<32xf32, #tpu.memory_space<hbm>>
      %dma_start3A_92 = arith.constant 0 : i32
      %dma_start3A_93 = tpu.memref_slice %arg9[%dma_start3A_85, %dma_start3A_92] : memref<32x32xf32, #tpu.memory_space<vmem>> -> memref<1x32xf32, #tpu.memory_space<vmem>>
      %dma_start3A_94 = tpu.memref_squeeze %dma_start3A_93 : memref<1x32xf32, #tpu.memory_space<vmem>> -> memref<32xf32, #tpu.memory_space<vmem>>
      %dma_start3A_95 = arith.constant 0 : i32
      %dma_start3A_96 = tpu.memref_slice %arg3[%dma_start3A, %add3A_84, %dma_start3A_95] : memref<32x128x32xf32, #tpu.memory_space<hbm>> -> memref<1x1x32xf32, #tpu.memory_space<hbm>>
      %dma_start3A_97 = tpu.memref_squeeze %dma_start3A_96 : memref<1x1x32xf32, #tpu.memory_space<hbm>> -> memref<32xf32, #tpu.memory_space<hbm>>
      tpu.enqueue_dma source(%dma_start3A_97 : memref<32xf32, #tpu.memory_space<hbm>>) target(%dma_start3A_94 : memref<32xf32, #tpu.memory_space<vmem>>) target_semaphore(%arg14 : memref<!tpu.dma_semaphore, #tpu.memory_space<semaphore_mem>>)
      %dma_start3A_98 = arith.constant 1 : i32
      %dma_start3A_99 = arith.constant 1 : i32
      %dma_start3A_100 = arith.constant 0 : i32
      %dma_start3A_101 = tpu.memref_slice %arg9[%dma_start3A_99, %dma_start3A_100] : memref<32x32xf32, #tpu.memory_space<vmem>> -> memref<1x32xf32, #tpu.memory_space<vmem>>
      %dma_start3A_102 = tpu.memref_squeeze %dma_start3A_101 : memref<1x32xf32, #tpu.memory_space<vmem>> -> memref<32xf32, #tpu.memory_space<vmem>>
      %dma_start3A_103 = arith.constant 0 : i32
      %dma_start3A_104 = tpu.memref_slice %arg3[%dma_start3A_98, %add3A_84, %dma_start3A_103] : memref<32x128x32xf32, #tpu.memory_space<hbm>> -> memref<1x1x32xf32, #tpu.memory_space<hbm>>
      %dma_start3A_105 = tpu.memref_squeeze %dma_start3A_104 : memref<1x1x32xf32, #tpu.memory_space<hbm>> -> memref<32xf32, #tpu.memory_space<hbm>>
      %dma_start3A_106 = arith.constant 0 : i32
      %dma_start3A_107 = tpu.memref_slice %arg9[%dma_start3A_99, %dma_start3A_106] : memref<32x32xf32, #tpu.memory_space<vmem>> -> memref<1x32xf32, #tpu.memory_space<vmem>>
      %dma_start3A_108 = tpu.memref_squeeze %dma_start3A_107 : memref<1x32xf32, #tpu.memory_space<vmem>> -> memref<32xf32, #tpu.memory_space<vmem>>
      %dma_start3A_109 = arith.constant 0 : i32
      %dma_start3A_110 = tpu.memref_slice %arg3[%dma_start3A_98, %add3A_84, %dma_start3A_109] : memref<32x128x32xf32, #tpu.memory_space<hbm>> -> memref<1x1x32xf32, #tpu.memory_space<hbm>>
      %dma_start3A_111 = tpu.memref_squeeze %dma_start3A_110 : memref<1x1x32xf32, #tpu.memory_space<hbm>> -> memref<32xf32, #tpu.memory_space<hbm>>
      tpu.enqueue_dma source(%dma_start3A_111 : memref<32xf32, #tpu.memory_space<hbm>>) target(%dma_start3A_108 : memref<32xf32, #tpu.memory_space<vmem>>) target_semaphore(%arg14 : memref<!tpu.dma_semaphore, #tpu.memory_space<semaphore_mem>>)
      %dma_start3A_112 = arith.constant 2 : i32
      %dma_start3A_113 = arith.constant 2 : i32
      %dma_start3A_114 = arith.constant 0 : i32
      %dma_start3A_115 = tpu.memref_slice %arg9[%dma_start3A_113, %dma_start3A_114] : memref<32x32xf32, #tpu.memory_space<vmem>> -> memref<1x32xf32, #tpu.memory_space<vmem>>
      %dma_start3A_116 = tpu.memref_squeeze %dma_start3A_115 : memref<1x32xf32, #tpu.memory_space<vmem>> -> memref<32xf32, #tpu.memory_space<vmem>>
      %dma_start3A_117 = arith.constant 0 : i32
      %dma_start3A_118 = tpu.memref_slice %arg3[%dma_start3A_112, %add3A_84, %dma_start3A_117] : memref<32x128x32xf32, #tpu.memory_space<hbm>> -> memref<1x1x32xf32, #tpu.memory_space<hbm>>
      %dma_start3A_119 = tpu.memref_squeeze %dma_start3A_118 : memref<1x1x32xf32, #tpu.memory_space<hbm>> -> memref<32xf32, #tpu.memory_space<hbm>>
      %dma_start3A_120 = arith.constant 0 : i32
      %dma_start3A_121 = tpu.memref_slice %arg9[%dma_start3A_113, %dma_start3A_120] : memref<32x32xf32, #tpu.memory_space<vmem>> -> memref<1x32xf32, #tpu.memory_space<vmem>>
      %dma_start3A_122 = tpu.memref_squeeze %dma_start3A_121 : memref<1x32xf32, #tpu.memory_space<vmem>> -> memref<32xf32, #tpu.memory_space<vmem>>
      %dma_start3A_123 = arith.constant 0 : i32
      %dma_start3A_124 = tpu.memref_slice %arg3[%dma_start3A_112, %add3A_84, %dma_start3A_123] : memref<32x128x32xf32, #tpu.memory_space<hbm>> -> memref<1x1x32xf32, #tpu.memory_space<hbm>>
      %dma_start3A_125 = tpu.memref_squeeze %dma_start3A_124 : memref<1x1x32xf32, #tpu.memory_space<hbm>> -> memref<32xf32, #tpu.memory_space<hbm>>
      tpu.enqueue_dma source(%dma_start3A_125 : memref<32xf32, #tpu.memory_space<hbm>>) target(%dma_start3A_122 : memref<32xf32, #tpu.memory_space<vmem>>) target_semaphore(%arg14 : memref<!tpu.dma_semaphore, #tpu.memory_space<semaphore_mem>>)
      %dma_start3A_126 = arith.constant 3 : i32
      %dma_start3A_127 = arith.constant 3 : i32
      %dma_start3A_128 = arith.constant 0 : i32
      %dma_start3A_129 = tpu.memref_slice %arg9[%dma_start3A_127, %dma_start3A_128] : memref<32x32xf32, #tpu.memory_space<vmem>> -> memref<1x32xf32, #tpu.memory_space<vmem>>
      %dma_start3A_130 = tpu.memref_squeeze %dma_start3A_129 : memref<1x32xf32, #tpu.memory_space<vmem>> -> memref<32xf32, #tpu.memory_space<vmem>>
      %dma_start3A_131 = arith.constant 0 : i32
      %dma_start3A_132 = tpu.memref_slice %arg3[%dma_start3A_126, %add3A_84, %dma_start3A_131] : memref<32x128x32xf32, #tpu.memory_space<hbm>> -> memref<1x1x32xf32, #tpu.memory_space<hbm>>
      %dma_start3A_133 = tpu.memref_squeeze %dma_start3A_132 : memref<1x1x32xf32, #tpu.memory_space<hbm>> -> memref<32xf32, #tpu.memory_space<hbm>>
      %dma_start3A_134 = arith.constant 0 : i32
      %dma_start3A_135 = tpu.memref_slice %arg9[%dma_start3A_127, %dma_start3A_134] : memref<32x32xf32, #tpu.memory_space<vmem>> -> memref<1x32xf32, #tpu.memory_space<vmem>>
      %dma_start3A_136 = tpu.memref_squeeze %dma_start3A_135 : memref<1x32xf32, #tpu.memory_space<vmem>> -> memref<32xf32, #tpu.memory_space<vmem>>
      %dma_start3A_137 = arith.constant 0 : i32
      %dma_start3A_138 = tpu.memref_slice %arg3[%dma_start3A_126, %add3A_84, %dma_start3A_137] : memref<32x128x32xf32, #tpu.memory_space<hbm>> -> memref<1x1x32xf32, #tpu.memory_space<hbm>>
      %dma_start3A_139 = tpu.memref_squeeze %dma_start3A_138 : memref<1x1x32xf32, #tpu.memory_space<hbm>> -> memref<32xf32, #tpu.memory_space<hbm>>
      tpu.enqueue_dma source(%dma_start3A_139 : memref<32xf32, #tpu.memory_space<hbm>>) target(%dma_start3A_136 : memref<32xf32, #tpu.memory_space<vmem>>) target_semaphore(%arg14 : memref<!tpu.dma_semaphore, #tpu.memory_space<semaphore_mem>>)
      %dma_start3A_140 = arith.constant 4 : i32
      %dma_start3A_141 = arith.constant 4 : i32
      %dma_start3A_142 = arith.constant 0 : i32
      %dma_start3A_143 = tpu.memref_slice %arg9[%dma_start3A_141, %dma_start3A_142] : memref<32x32xf32, #tpu.memory_space<vmem>> -> memref<1x32xf32, #tpu.memory_space<vmem>>
      %dma_start3A_144 = tpu.memref_squeeze %dma_start3A_143 : memref<1x32xf32, #tpu.memory_space<vmem>> -> memref<32xf32, #tpu.memory_space<vmem>>
      %dma_start3A_145 = arith.constant 0 : i32
      %dma_start3A_146 = tpu.memref_slice %arg3[%dma_start3A_140, %add3A_84, %dma_start3A_145] : memref<32x128x32xf32, #tpu.memory_space<hbm>> -> memref<1x1x32xf32, #tpu.memory_space<hbm>>
      %dma_start3A_147 = tpu.memref_squeeze %dma_start3A_146 : memref<1x1x32xf32, #tpu.memory_space<hbm>> -> memref<32xf32, #tpu.memory_space<hbm>>
      %dma_start3A_148 = arith.constant 0 : i32
      %dma_start3A_149 = tpu.memref_slice %arg9[%dma_start3A_141, %dma_start3A_148] : memref<32x32xf32, #tpu.memory_space<vmem>> -> memref<1x32xf32, #tpu.memory_space<vmem>>
      %dma_start3A_150 = tpu.memref_squeeze %dma_start3A_149 : memref<1x32xf32, #tpu.memory_space<vmem>> -> memref<32xf32, #tpu.memory_space<vmem>>
      %dma_start3A_151 = arith.constant 0 : i32
      %dma_start3A_152 = tpu.memref_slice %arg3[%dma_start3A_140, %add3A_84, %dma_start3A_151] : memref<32x128x32xf32, #tpu.memory_space<hbm>> -> memref<1x1x32xf32, #tpu.memory_space<hbm>>
      %dma_start3A_153 = tpu.memref_squeeze %dma_start3A_152 : memref<1x1x32xf32, #tpu.memory_space<hbm>> -> memref<32xf32, #tpu.memory_space<hbm>>
      tpu.enqueue_dma source(%dma_start3A_153 : memref<32xf32, #tpu.memory_space<hbm>>) target(%dma_start3A_150 : memref<32xf32, #tpu.memory_space<vmem>>) target_semaphore(%arg14 : memref<!tpu.dma_semaphore, #tpu.memory_space<semaphore_mem>>)
      %dma_start3A_154 = arith.constant 5 : i32
      %dma_start3A_155 = arith.constant 5 : i32
      %dma_start3A_156 = arith.constant 0 : i32
      %dma_start3A_157 = tpu.memref_slice %arg9[%dma_start3A_155, %dma_start3A_156] : memref<32x32xf32, #tpu.memory_space<vmem>> -> memref<1x32xf32, #tpu.memory_space<vmem>>
      %dma_start3A_158 = tpu.memref_squeeze %dma_start3A_157 : memref<1x32xf32, #tpu.memory_space<vmem>> -> memref<32xf32, #tpu.memory_space<vmem>>
      %dma_start3A_159 = arith.constant 0 : i32
      %dma_start3A_160 = tpu.memref_slice %arg3[%dma_start3A_154, %add3A_84, %dma_start3A_159] : memref<32x128x32xf32, #tpu.memory_space<hbm>> -> memref<1x1x32xf32, #tpu.memory_space<hbm>>
      %dma_start3A_161 = tpu.memref_squeeze %dma_start3A_160 : memref<1x1x32xf32, #tpu.memory_space<hbm>> -> memref<32xf32, #tpu.memory_space<hbm>>
      %dma_start3A_162 = arith.constant 0 : i32
      %dma_start3A_163 = tpu.memref_slice %arg9[%dma_start3A_155, %dma_start3A_162] : memref<32x32xf32, #tpu.memory_space<vmem>> -> memref<1x32xf32, #tpu.memory_space<vmem>>
      %dma_start3A_164 = tpu.memref_squeeze %dma_start3A_163 : memref<1x32xf32, #tpu.memory_space<vmem>> -> memref<32xf32, #tpu.memory_space<vmem>>
      %dma_start3A_165 = arith.constant 0 : i32
      %dma_start3A_166 = tpu.memref_slice %arg3[%dma_start3A_154, %add3A_84, %dma_start3A_165] : memref<32x128x32xf32, #tpu.memory_space<hbm>> -> memref<1x1x32xf32, #tpu.memory_space<hbm>>
      %dma_start3A_167 = tpu.memref_squeeze %dma_start3A_166 : memref<1x1x32xf32, #tpu.memory_space<hbm>> -> memref<32xf32, #tpu.memory_space<hbm>>
      tpu.enqueue_dma source(%dma_start3A_167 : memref<32xf32, #tpu.memory_space<hbm>>) target(%dma_start3A_164 : memref<32xf32, #tpu.memory_space<vmem>>) target_semaphore(%arg14 : memref<!tpu.dma_semaphore, #tpu.memory_space<semaphore_mem>>)
      %dma_start3A_168 = arith.constant 6 : i32
      %dma_start3A_169 = arith.constant 6 : i32
      %dma_start3A_170 = arith.constant 0 : i32
      %dma_start3A_171 = tpu.memref_slice %arg9[%dma_start3A_169, %dma_start3A_170] : memref<32x32xf32, #tpu.memory_space<vmem>> -> memref<1x32xf32, #tpu.memory_space<vmem>>
      %dma_start3A_172 = tpu.memref_squeeze %dma_start3A_171 : memref<1x32xf32, #tpu.memory_space<vmem>> -> memref<32xf32, #tpu.memory_space<vmem>>
      %dma_start3A_173 = arith.constant 0 : i32
      %dma_start3A_174 = tpu.memref_slice %arg3[%dma_start3A_168, %add3A_84, %dma_start3A_173] : memref<32x128x32xf32, #tpu.memory_space<hbm>> -> memref<1x1x32xf32, #tpu.memory_space<hbm>>
      %dma_start3A_175 = tpu.memref_squeeze %dma_start3A_174 : memref<1x1x32xf32, #tpu.memory_space<hbm>> -> memref<32xf32, #tpu.memory_space<hbm>>
      %dma_start3A_176 = arith.constant 0 : i32
      %dma_start3A_177 = tpu.memref_slice %arg9[%dma_start3A_169, %dma_start3A_176] : memref<32x32xf32, #tpu.memory_space<vmem>> -> memref<1x32xf32, #tpu.memory_space<vmem>>
      %dma_start3A_178 = tpu.memref_squeeze %dma_start3A_177 : memref<1x32xf32, #tpu.memory_space<vmem>> -> memref<32xf32, #tpu.memory_space<vmem>>
      %dma_start3A_179 = arith.constant 0 : i32
      %dma_start3A_180 = tpu.memref_slice %arg3[%dma_start3A_168, %add3A_84, %dma_start3A_179] : memref<32x128x32xf32, #tpu.memory_space<hbm>> -> memref<1x1x32xf32, #tpu.memory_space<hbm>>
      %dma_start3A_181 = tpu.memref_squeeze %dma_start3A_180 : memref<1x1x32xf32, #tpu.memory_space<hbm>> -> memref<32xf32, #tpu.memory_space<hbm>>
      tpu.enqueue_dma source(%dma_start3A_181 : memref<32xf32, #tpu.memory_space<hbm>>) target(%dma_start3A_178 : memref<32xf32, #tpu.memory_space<vmem>>) target_semaphore(%arg14 : memref<!tpu.dma_semaphore, #tpu.memory_space<semaphore_mem>>)
      %dma_start3A_182 = arith.constant 7 : i32
      %dma_start3A_183 = arith.constant 7 : i32
      %dma_start3A_184 = arith.constant 0 : i32
      %dma_start3A_185 = tpu.memref_slice %arg9[%dma_start3A_183, %dma_start3A_184] : memref<32x32xf32, #tpu.memory_space<vmem>> -> memref<1x32xf32, #tpu.memory_space<vmem>>
      %dma_start3A_186 = tpu.memref_squeeze %dma_start3A_185 : memref<1x32xf32, #tpu.memory_space<vmem>> -> memref<32xf32, #tpu.memory_space<vmem>>
      %dma_start3A_187 = arith.constant 0 : i32
      %dma_start3A_188 = tpu.memref_slice %arg3[%dma_start3A_182, %add3A_84, %dma_start3A_187] : memref<32x128x32xf32, #tpu.memory_space<hbm>> -> memref<1x1x32xf32, #tpu.memory_space<hbm>>
      %dma_start3A_189 = tpu.memref_squeeze %dma_start3A_188 : memref<1x1x32xf32, #tpu.memory_space<hbm>> -> memref<32xf32, #tpu.memory_space<hbm>>
      %dma_start3A_190 = arith.constant 0 : i32
      %dma_start3A_191 = tpu.memref_slice %arg9[%dma_start3A_183, %dma_start3A_190] : memref<32x32xf32, #tpu.memory_space<vmem>> -> memref<1x32xf32, #tpu.memory_space<vmem>>
      %dma_start3A_192 = tpu.memref_squeeze %dma_start3A_191 : memref<1x32xf32, #tpu.memory_space<vmem>> -> memref<32xf32, #tpu.memory_space<vmem>>
      %dma_start3A_193 = arith.constant 0 : i32
      %dma_start3A_194 = tpu.memref_slice %arg3[%dma_start3A_182, %add3A_84, %dma_start3A_193] : memref<32x128x32xf32, #tpu.memory_space<hbm>> -> memref<1x1x32xf32, #tpu.memory_space<hbm>>
      %dma_start3A_195 = tpu.memref_squeeze %dma_start3A_194 : memref<1x1x32xf32, #tpu.memory_space<hbm>> -> memref<32xf32, #tpu.memory_space<hbm>>
      tpu.enqueue_dma source(%dma_start3A_195 : memref<32xf32, #tpu.memory_space<hbm>>) target(%dma_start3A_192 : memref<32xf32, #tpu.memory_space<vmem>>) target_semaphore(%arg14 : memref<!tpu.dma_semaphore, #tpu.memory_space<semaphore_mem>>)
      %dma_start3A_196 = arith.constant 8 : i32
      %dma_start3A_197 = arith.constant 8 : i32
      %dma_start3A_198 = arith.constant 0 : i32
      %dma_start3A_199 = tpu.memref_slice %arg9[%dma_start3A_197, %dma_start3A_198] : memref<32x32xf32, #tpu.memory_space<vmem>> -> memref<1x32xf32, #tpu.memory_space<vmem>>
      %dma_start3A_200 = tpu.memref_squeeze %dma_start3A_199 : memref<1x32xf32, #tpu.memory_space<vmem>> -> memref<32xf32, #tpu.memory_space<vmem>>
      %dma_start3A_201 = arith.constant 0 : i32
      %dma_start3A_202 = tpu.memref_slice %arg3[%dma_start3A_196, %add3A_84, %dma_start3A_201] : memref<32x128x32xf32, #tpu.memory_space<hbm>> -> memref<1x1x32xf32, #tpu.memory_space<hbm>>
      %dma_start3A_203 = tpu.memref_squeeze %dma_start3A_202 : memref<1x1x32xf32, #tpu.memory_space<hbm>> -> memref<32xf32, #tpu.memory_space<hbm>>
      %dma_start3A_204 = arith.constant 0 : i32
      %dma_start3A_205 = tpu.memref_slice %arg9[%dma_start3A_197, %dma_start3A_204] : memref<32x32xf32, #tpu.memory_space<vmem>> -> memref<1x32xf32, #tpu.memory_space<vmem>>
      %dma_start3A_206 = tpu.memref_squeeze %dma_start3A_205 : memref<1x32xf32, #tpu.memory_space<vmem>> -> memref<32xf32, #tpu.memory_space<vmem>>
      %dma_start3A_207 = arith.constant 0 : i32
      %dma_start3A_208 = tpu.memref_slice %arg3[%dma_start3A_196, %add3A_84, %dma_start3A_207] : memref<32x128x32xf32, #tpu.memory_space<hbm>> -> memref<1x1x32xf32, #tpu.memory_space<hbm>>
      %dma_start3A_209 = tpu.memref_squeeze %dma_start3A_208 : memref<1x1x32xf32, #tpu.memory_space<hbm>> -> memref<32xf32, #tpu.memory_space<hbm>>
      tpu.enqueue_dma source(%dma_start3A_209 : memref<32xf32, #tpu.memory_space<hbm>>) target(%dma_start3A_206 : memref<32xf32, #tpu.memory_space<vmem>>) target_semaphore(%arg14 : memref<!tpu.dma_semaphore, #tpu.memory_space<semaphore_mem>>)
      %dma_start3A_210 = arith.constant 9 : i32
      %dma_start3A_211 = arith.constant 9 : i32
      %dma_start3A_212 = arith.constant 0 : i32
      %dma_start3A_213 = tpu.memref_slice %arg9[%dma_start3A_211, %dma_start3A_212] : memref<32x32xf32, #tpu.memory_space<vmem>> -> memref<1x32xf32, #tpu.memory_space<vmem>>
      %dma_start3A_214 = tpu.memref_squeeze %dma_start3A_213 : memref<1x32xf32, #tpu.memory_space<vmem>> -> memref<32xf32, #tpu.memory_space<vmem>>
      %dma_start3A_215 = arith.constant 0 : i32
      %dma_start3A_216 = tpu.memref_slice %arg3[%dma_start3A_210, %add3A_84, %dma_start3A_215] : memref<32x128x32xf32, #tpu.memory_space<hbm>> -> memref<1x1x32xf32, #tpu.memory_space<hbm>>
      %dma_start3A_217 = tpu.memref_squeeze %dma_start3A_216 : memref<1x1x32xf32, #tpu.memory_space<hbm>> -> memref<32xf32, #tpu.memory_space<hbm>>
      %dma_start3A_218 = arith.constant 0 : i32
      %dma_start3A_219 = tpu.memref_slice %arg9[%dma_start3A_211, %dma_start3A_218] : memref<32x32xf32, #tpu.memory_space<vmem>> -> memref<1x32xf32, #tpu.memory_space<vmem>>
      %dma_start3A_220 = tpu.memref_squeeze %dma_start3A_219 : memref<1x32xf32, #tpu.memory_space<vmem>> -> memref<32xf32, #tpu.memory_space<vmem>>
      %dma_start3A_221 = arith.constant 0 : i32
      %dma_start3A_222 = tpu.memref_slice %arg3[%dma_start3A_210, %add3A_84, %dma_start3A_221] : memref<32x128x32xf32, #tpu.memory_space<hbm>> -> memref<1x1x32xf32, #tpu.memory_space<hbm>>
      %dma_start3A_223 = tpu.memref_squeeze %dma_start3A_222 : memref<1x1x32xf32, #tpu.memory_space<hbm>> -> memref<32xf32, #tpu.memory_space<hbm>>
      tpu.enqueue_dma source(%dma_start3A_223 : memref<32xf32, #tpu.memory_space<hbm>>) target(%dma_start3A_220 : memref<32xf32, #tpu.memory_space<vmem>>) target_semaphore(%arg14 : memref<!tpu.dma_semaphore, #tpu.memory_space<semaphore_mem>>)
      %dma_start3A_224 = arith.constant 10 : i32
      %dma_start3A_225 = arith.constant 10 : i32
      %dma_start3A_226 = arith.constant 0 : i32
      %dma_start3A_227 = tpu.memref_slice %arg9[%dma_start3A_225, %dma_start3A_226] : memref<32x32xf32, #tpu.memory_space<vmem>> -> memref<1x32xf32, #tpu.memory_space<vmem>>
      %dma_start3A_228 = tpu.memref_squeeze %dma_start3A_227 : memref<1x32xf32, #tpu.memory_space<vmem>> -> memref<32xf32, #tpu.memory_space<vmem>>
      %dma_start3A_229 = arith.constant 0 : i32
      %dma_start3A_230 = tpu.memref_slice %arg3[%dma_start3A_224, %add3A_84, %dma_start3A_229] : memref<32x128x32xf32, #tpu.memory_space<hbm>> -> memref<1x1x32xf32, #tpu.memory_space<hbm>>
      %dma_start3A_231 = tpu.memref_squeeze %dma_start3A_230 : memref<1x1x32xf32, #tpu.memory_space<hbm>> -> memref<32xf32, #tpu.memory_space<hbm>>
      %dma_start3A_232 = arith.constant 0 : i32
      %dma_start3A_233 = tpu.memref_slice %arg9[%dma_start3A_225, %dma_start3A_232] : memref<32x32xf32, #tpu.memory_space<vmem>> -> memref<1x32xf32, #tpu.memory_space<vmem>>
      %dma_start3A_234 = tpu.memref_squeeze %dma_start3A_233 : memref<1x32xf32, #tpu.memory_space<vmem>> -> memref<32xf32, #tpu.memory_space<vmem>>
      %dma_start3A_235 = arith.constant 0 : i32
      %dma_start3A_236 = tpu.memref_slice %arg3[%dma_start3A_224, %add3A_84, %dma_start3A_235] : memref<32x128x32xf32, #tpu.memory_space<hbm>> -> memref<1x1x32xf32, #tpu.memory_space<hbm>>
      %dma_start3A_237 = tpu.memref_squeeze %dma_start3A_236 : memref<1x1x32xf32, #tpu.memory_space<hbm>> -> memref<32xf32, #tpu.memory_space<hbm>>
      tpu.enqueue_dma source(%dma_start3A_237 : memref<32xf32, #tpu.memory_space<hbm>>) target(%dma_start3A_234 : memref<32xf32, #tpu.memory_space<vmem>>) target_semaphore(%arg14 : memref<!tpu.dma_semaphore, #tpu.memory_space<semaphore_mem>>)
      %dma_start3A_238 = arith.constant 11 : i32
      %dma_start3A_239 = arith.constant 11 : i32
      %dma_start3A_240 = arith.constant 0 : i32
      %dma_start3A_241 = tpu.memref_slice %arg9[%dma_start3A_239, %dma_start3A_240] : memref<32x32xf32, #tpu.memory_space<vmem>> -> memref<1x32xf32, #tpu.memory_space<vmem>>
      %dma_start3A_242 = tpu.memref_squeeze %dma_start3A_241 : memref<1x32xf32, #tpu.memory_space<vmem>> -> memref<32xf32, #tpu.memory_space<vmem>>
      %dma_start3A_243 = arith.constant 0 : i32
      %dma_start3A_244 = tpu.memref_slice %arg3[%dma_start3A_238, %add3A_84, %dma_start3A_243] : memref<32x128x32xf32, #tpu.memory_space<hbm>> -> memref<1x1x32xf32, #tpu.memory_space<hbm>>
      %dma_start3A_245 = tpu.memref_squeeze %dma_start3A_244 : memref<1x1x32xf32, #tpu.memory_space<hbm>> -> memref<32xf32, #tpu.memory_space<hbm>>
      %dma_start3A_246 = arith.constant 0 : i32
      %dma_start3A_247 = tpu.memref_slice %arg9[%dma_start3A_239, %dma_start3A_246] : memref<32x32xf32, #tpu.memory_space<vmem>> -> memref<1x32xf32, #tpu.memory_space<vmem>>
      %dma_start3A_248 = tpu.memref_squeeze %dma_start3A_247 : memref<1x32xf32, #tpu.memory_space<vmem>> -> memref<32xf32, #tpu.memory_space<vmem>>
      %dma_start3A_249 = arith.constant 0 : i32
      %dma_start3A_250 = tpu.memref_slice %arg3[%dma_start3A_238, %add3A_84, %dma_start3A_249] : memref<32x128x32xf32, #tpu.memory_space<hbm>> -> memref<1x1x32xf32, #tpu.memory_space<hbm>>
      %dma_start3A_251 = tpu.memref_squeeze %dma_start3A_250 : memref<1x1x32xf32, #tpu.memory_space<hbm>> -> memref<32xf32, #tpu.memory_space<hbm>>
      tpu.enqueue_dma source(%dma_start3A_251 : memref<32xf32, #tpu.memory_space<hbm>>) target(%dma_start3A_248 : memref<32xf32, #tpu.memory_space<vmem>>) target_semaphore(%arg14 : memref<!tpu.dma_semaphore, #tpu.memory_space<semaphore_mem>>)
      %dma_start3A_252 = arith.constant 12 : i32
      %dma_start3A_253 = arith.constant 12 : i32
      %dma_start3A_254 = arith.constant 0 : i32
      %dma_start3A_255 = tpu.memref_slice %arg9[%dma_start3A_253, %dma_start3A_254] : memref<32x32xf32, #tpu.memory_space<vmem>> -> memref<1x32xf32, #tpu.memory_space<vmem>>
      %dma_start3A_256 = tpu.memref_squeeze %dma_start3A_255 : memref<1x32xf32, #tpu.memory_space<vmem>> -> memref<32xf32, #tpu.memory_space<vmem>>
      %dma_start3A_257 = arith.constant 0 : i32
      %dma_start3A_258 = tpu.memref_slice %arg3[%dma_start3A_252, %add3A_84, %dma_start3A_257] : memref<32x128x32xf32, #tpu.memory_space<hbm>> -> memref<1x1x32xf32, #tpu.memory_space<hbm>>
      %dma_start3A_259 = tpu.memref_squeeze %dma_start3A_258 : memref<1x1x32xf32, #tpu.memory_space<hbm>> -> memref<32xf32, #tpu.memory_space<hbm>>
      %dma_start3A_260 = arith.constant 0 : i32
      %dma_start3A_261 = tpu.memref_slice %arg9[%dma_start3A_253, %dma_start3A_260] : memref<32x32xf32, #tpu.memory_space<vmem>> -> memref<1x32xf32, #tpu.memory_space<vmem>>
      %dma_start3A_262 = tpu.memref_squeeze %dma_start3A_261 : memref<1x32xf32, #tpu.memory_space<vmem>> -> memref<32xf32, #tpu.memory_space<vmem>>
      %dma_start3A_263 = arith.constant 0 : i32
      %dma_start3A_264 = tpu.memref_slice %arg3[%dma_start3A_252, %add3A_84, %dma_start3A_263] : memref<32x128x32xf32, #tpu.memory_space<hbm>> -> memref<1x1x32xf32, #tpu.memory_space<hbm>>
      %dma_start3A_265 = tpu.memref_squeeze %dma_start3A_264 : memref<1x1x32xf32, #tpu.memory_space<hbm>> -> memref<32xf32, #tpu.memory_space<hbm>>
      tpu.enqueue_dma source(%dma_start3A_265 : memref<32xf32, #tpu.memory_space<hbm>>) target(%dma_start3A_262 : memref<32xf32, #tpu.memory_space<vmem>>) target_semaphore(%arg14 : memref<!tpu.dma_semaphore, #tpu.memory_space<semaphore_mem>>)
      %dma_start3A_266 = arith.constant 13 : i32
      %dma_start3A_267 = arith.constant 13 : i32
      %dma_start3A_268 = arith.constant 0 : i32
      %dma_start3A_269 = tpu.memref_slice %arg9[%dma_start3A_267, %dma_start3A_268] : memref<32x32xf32, #tpu.memory_space<vmem>> -> memref<1x32xf32, #tpu.memory_space<vmem>>
      %dma_start3A_270 = tpu.memref_squeeze %dma_start3A_269 : memref<1x32xf32, #tpu.memory_space<vmem>> -> memref<32xf32, #tpu.memory_space<vmem>>
      %dma_start3A_271 = arith.constant 0 : i32
      %dma_start3A_272 = tpu.memref_slice %arg3[%dma_start3A_266, %add3A_84, %dma_start3A_271] : memref<32x128x32xf32, #tpu.memory_space<hbm>> -> memref<1x1x32xf32, #tpu.memory_space<hbm>>
      %dma_start3A_273 = tpu.memref_squeeze %dma_start3A_272 : memref<1x1x32xf32, #tpu.memory_space<hbm>> -> memref<32xf32, #tpu.memory_space<hbm>>
      %dma_start3A_274 = arith.constant 0 : i32
      %dma_start3A_275 = tpu.memref_slice %arg9[%dma_start3A_267, %dma_start3A_274] : memref<32x32xf32, #tpu.memory_space<vmem>> -> memref<1x32xf32, #tpu.memory_space<vmem>>
      %dma_start3A_276 = tpu.memref_squeeze %dma_start3A_275 : memref<1x32xf32, #tpu.memory_space<vmem>> -> memref<32xf32, #tpu.memory_space<vmem>>
      %dma_start3A_277 = arith.constant 0 : i32
      %dma_start3A_278 = tpu.memref_slice %arg3[%dma_start3A_266, %add3A_84, %dma_start3A_277] : memref<32x128x32xf32, #tpu.memory_space<hbm>> -> memref<1x1x32xf32, #tpu.memory_space<hbm>>
      %dma_start3A_279 = tpu.memref_squeeze %dma_start3A_278 : memref<1x1x32xf32, #tpu.memory_space<hbm>> -> memref<32xf32, #tpu.memory_space<hbm>>
      tpu.enqueue_dma source(%dma_start3A_279 : memref<32xf32, #tpu.memory_space<hbm>>) target(%dma_start3A_276 : memref<32xf32, #tpu.memory_space<vmem>>) target_semaphore(%arg14 : memref<!tpu.dma_semaphore, #tpu.memory_space<semaphore_mem>>)
      %dma_start3A_280 = arith.constant 14 : i32
      %dma_start3A_281 = arith.constant 14 : i32
      %dma_start3A_282 = arith.constant 0 : i32
      %dma_start3A_283 = tpu.memref_slice %arg9[%dma_start3A_281, %dma_start3A_282] : memref<32x32xf32, #tpu.memory_space<vmem>> -> memref<1x32xf32, #tpu.memory_space<vmem>>
      %dma_start3A_284 = tpu.memref_squeeze %dma_start3A_283 : memref<1x32xf32, #tpu.memory_space<vmem>> -> memref<32xf32, #tpu.memory_space<vmem>>
      %dma_start3A_285 = arith.constant 0 : i32
      %dma_start3A_286 = tpu.memref_slice %arg3[%dma_start3A_280, %add3A_84, %dma_start3A_285] : memref<32x128x32xf32, #tpu.memory_space<hbm>> -> memref<1x1x32xf32, #tpu.memory_space<hbm>>
      %dma_start3A_287 = tpu.memref_squeeze %dma_start3A_286 : memref<1x1x32xf32, #tpu.memory_space<hbm>> -> memref<32xf32, #tpu.memory_space<hbm>>
      %dma_start3A_288 = arith.constant 0 : i32
      %dma_start3A_289 = tpu.memref_slice %arg9[%dma_start3A_281, %dma_start3A_288] : memref<32x32xf32, #tpu.memory_space<vmem>> -> memref<1x32xf32, #tpu.memory_space<vmem>>
      %dma_start3A_290 = tpu.memref_squeeze %dma_start3A_289 : memref<1x32xf32, #tpu.memory_space<vmem>> -> memref<32xf32, #tpu.memory_space<vmem>>
      %dma_start3A_291 = arith.constant 0 : i32
      %dma_start3A_292 = tpu.memref_slice %arg3[%dma_start3A_280, %add3A_84, %dma_start3A_291] : memref<32x128x32xf32, #tpu.memory_space<hbm>> -> memref<1x1x32xf32, #tpu.memory_space<hbm>>
      %dma_start3A_293 = tpu.memref_squeeze %dma_start3A_292 : memref<1x1x32xf32, #tpu.memory_space<hbm>> -> memref<32xf32, #tpu.memory_space<hbm>>
      tpu.enqueue_dma source(%dma_start3A_293 : memref<32xf32, #tpu.memory_space<hbm>>) target(%dma_start3A_290 : memref<32xf32, #tpu.memory_space<vmem>>) target_semaphore(%arg14 : memref<!tpu.dma_semaphore, #tpu.memory_space<semaphore_mem>>)
      %dma_start3A_294 = arith.constant 15 : i32
      %dma_start3A_295 = arith.constant 15 : i32
      %dma_start3A_296 = arith.constant 0 : i32
      %dma_start3A_297 = tpu.memref_slice %arg9[%dma_start3A_295, %dma_start3A_296] : memref<32x32xf32, #tpu.memory_space<vmem>> -> memref<1x32xf32, #tpu.memory_space<vmem>>
      %dma_start3A_298 = tpu.memref_squeeze %dma_start3A_297 : memref<1x32xf32, #tpu.memory_space<vmem>> -> memref<32xf32, #tpu.memory_space<vmem>>
      %dma_start3A_299 = arith.constant 0 : i32
      %dma_start3A_300 = tpu.memref_slice %arg3[%dma_start3A_294, %add3A_84, %dma_start3A_299] : memref<32x128x32xf32, #tpu.memory_space<hbm>> -> memref<1x1x32xf32, #tpu.memory_space<hbm>>
      %dma_start3A_301 = tpu.memref_squeeze %dma_start3A_300 : memref<1x1x32xf32, #tpu.memory_space<hbm>> -> memref<32xf32, #tpu.memory_space<hbm>>
      %dma_start3A_302 = arith.constant 0 : i32
      %dma_start3A_303 = tpu.memref_slice %arg9[%dma_start3A_295, %dma_start3A_302] : memref<32x32xf32, #tpu.memory_space<vmem>> -> memref<1x32xf32, #tpu.memory_space<vmem>>
      %dma_start3A_304 = tpu.memref_squeeze %dma_start3A_303 : memref<1x32xf32, #tpu.memory_space<vmem>> -> memref<32xf32, #tpu.memory_space<vmem>>
      %dma_start3A_305 = arith.constant 0 : i32
      %dma_start3A_306 = tpu.memref_slice %arg3[%dma_start3A_294, %add3A_84, %dma_start3A_305] : memref<32x128x32xf32, #tpu.memory_space<hbm>> -> memref<1x1x32xf32, #tpu.memory_space<hbm>>
      %dma_start3A_307 = tpu.memref_squeeze %dma_start3A_306 : memref<1x1x32xf32, #tpu.memory_space<hbm>> -> memref<32xf32, #tpu.memory_space<hbm>>
      tpu.enqueue_dma source(%dma_start3A_307 : memref<32xf32, #tpu.memory_space<hbm>>) target(%dma_start3A_304 : memref<32xf32, #tpu.memory_space<vmem>>) target_semaphore(%arg14 : memref<!tpu.dma_semaphore, #tpu.memory_space<semaphore_mem>>)
      %dma_start3A_308 = arith.constant 16 : i32
      %dma_start3A_309 = arith.constant 16 : i32
      %dma_start3A_310 = arith.constant 0 : i32
      %dma_start3A_311 = tpu.memref_slice %arg9[%dma_start3A_309, %dma_start3A_310] : memref<32x32xf32, #tpu.memory_space<vmem>> -> memref<1x32xf32, #tpu.memory_space<vmem>>
      %dma_start3A_312 = tpu.memref_squeeze %dma_start3A_311 : memref<1x32xf32, #tpu.memory_space<vmem>> -> memref<32xf32, #tpu.memory_space<vmem>>
      %dma_start3A_313 = arith.constant 0 : i32
      %dma_start3A_314 = tpu.memref_slice %arg3[%dma_start3A_308, %add3A_84, %dma_start3A_313] : memref<32x128x32xf32, #tpu.memory_space<hbm>> -> memref<1x1x32xf32, #tpu.memory_space<hbm>>
      %dma_start3A_315 = tpu.memref_squeeze %dma_start3A_314 : memref<1x1x32xf32, #tpu.memory_space<hbm>> -> memref<32xf32, #tpu.memory_space<hbm>>
      %dma_start3A_316 = arith.constant 0 : i32
      %dma_start3A_317 = tpu.memref_slice %arg9[%dma_start3A_309, %dma_start3A_316] : memref<32x32xf32, #tpu.memory_space<vmem>> -> memref<1x32xf32, #tpu.memory_space<vmem>>
      %dma_start3A_318 = tpu.memref_squeeze %dma_start3A_317 : memref<1x32xf32, #tpu.memory_space<vmem>> -> memref<32xf32, #tpu.memory_space<vmem>>
      %dma_start3A_319 = arith.constant 0 : i32
      %dma_start3A_320 = tpu.memref_slice %arg3[%dma_start3A_308, %add3A_84, %dma_start3A_319] : memref<32x128x32xf32, #tpu.memory_space<hbm>> -> memref<1x1x32xf32, #tpu.memory_space<hbm>>
      %dma_start3A_321 = tpu.memref_squeeze %dma_start3A_320 : memref<1x1x32xf32, #tpu.memory_space<hbm>> -> memref<32xf32, #tpu.memory_space<hbm>>
      tpu.enqueue_dma source(%dma_start3A_321 : memref<32xf32, #tpu.memory_space<hbm>>) target(%dma_start3A_318 : memref<32xf32, #tpu.memory_space<vmem>>) target_semaphore(%arg14 : memref<!tpu.dma_semaphore, #tpu.memory_space<semaphore_mem>>)
      %dma_start3A_322 = arith.constant 17 : i32
      %dma_start3A_323 = arith.constant 17 : i32
      %dma_start3A_324 = arith.constant 0 : i32
      %dma_start3A_325 = tpu.memref_slice %arg9[%dma_start3A_323, %dma_start3A_324] : memref<32x32xf32, #tpu.memory_space<vmem>> -> memref<1x32xf32, #tpu.memory_space<vmem>>
      %dma_start3A_326 = tpu.memref_squeeze %dma_start3A_325 : memref<1x32xf32, #tpu.memory_space<vmem>> -> memref<32xf32, #tpu.memory_space<vmem>>
      %dma_start3A_327 = arith.constant 0 : i32
      %dma_start3A_328 = tpu.memref_slice %arg3[%dma_start3A_322, %add3A_84, %dma_start3A_327] : memref<32x128x32xf32, #tpu.memory_space<hbm>> -> memref<1x1x32xf32, #tpu.memory_space<hbm>>
      %dma_start3A_329 = tpu.memref_squeeze %dma_start3A_328 : memref<1x1x32xf32, #tpu.memory_space<hbm>> -> memref<32xf32, #tpu.memory_space<hbm>>
      %dma_start3A_330 = arith.constant 0 : i32
      %dma_start3A_331 = tpu.memref_slice %arg9[%dma_start3A_323, %dma_start3A_330] : memref<32x32xf32, #tpu.memory_space<vmem>> -> memref<1x32xf32, #tpu.memory_space<vmem>>
      %dma_start3A_332 = tpu.memref_squeeze %dma_start3A_331 : memref<1x32xf32, #tpu.memory_space<vmem>> -> memref<32xf32, #tpu.memory_space<vmem>>
      %dma_start3A_333 = arith.constant 0 : i32
      %dma_start3A_334 = tpu.memref_slice %arg3[%dma_start3A_322, %add3A_84, %dma_start3A_333] : memref<32x128x32xf32, #tpu.memory_space<hbm>> -> memref<1x1x32xf32, #tpu.memory_space<hbm>>
      %dma_start3A_335 = tpu.memref_squeeze %dma_start3A_334 : memref<1x1x32xf32, #tpu.memory_space<hbm>> -> memref<32xf32, #tpu.memory_space<hbm>>
      tpu.enqueue_dma source(%dma_start3A_335 : memref<32xf32, #tpu.memory_space<hbm>>) target(%dma_start3A_332 : memref<32xf32, #tpu.memory_space<vmem>>) target_semaphore(%arg14 : memref<!tpu.dma_semaphore, #tpu.memory_space<semaphore_mem>>)
      %dma_start3A_336 = arith.constant 18 : i32
      %dma_start3A_337 = arith.constant 18 : i32
      %dma_start3A_338 = arith.constant 0 : i32
      %dma_start3A_339 = tpu.memref_slice %arg9[%dma_start3A_337, %dma_start3A_338] : memref<32x32xf32, #tpu.memory_space<vmem>> -> memref<1x32xf32, #tpu.memory_space<vmem>>
      %dma_start3A_340 = tpu.memref_squeeze %dma_start3A_339 : memref<1x32xf32, #tpu.memory_space<vmem>> -> memref<32xf32, #tpu.memory_space<vmem>>
      %dma_start3A_341 = arith.constant 0 : i32
      %dma_start3A_342 = tpu.memref_slice %arg3[%dma_start3A_336, %add3A_84, %dma_start3A_341] : memref<32x128x32xf32, #tpu.memory_space<hbm>> -> memref<1x1x32xf32, #tpu.memory_space<hbm>>
      %dma_start3A_343 = tpu.memref_squeeze %dma_start3A_342 : memref<1x1x32xf32, #tpu.memory_space<hbm>> -> memref<32xf32, #tpu.memory_space<hbm>>
      %dma_start3A_344 = arith.constant 0 : i32
      %dma_start3A_345 = tpu.memref_slice %arg9[%dma_start3A_337, %dma_start3A_344] : memref<32x32xf32, #tpu.memory_space<vmem>> -> memref<1x32xf32, #tpu.memory_space<vmem>>
      %dma_start3A_346 = tpu.memref_squeeze %dma_start3A_345 : memref<1x32xf32, #tpu.memory_space<vmem>> -> memref<32xf32, #tpu.memory_space<vmem>>
      %dma_start3A_347 = arith.constant 0 : i32
      %dma_start3A_348 = tpu.memref_slice %arg3[%dma_start3A_336, %add3A_84, %dma_start3A_347] : memref<32x128x32xf32, #tpu.memory_space<hbm>> -> memref<1x1x32xf32, #tpu.memory_space<hbm>>
      %dma_start3A_349 = tpu.memref_squeeze %dma_start3A_348 : memref<1x1x32xf32, #tpu.memory_space<hbm>> -> memref<32xf32, #tpu.memory_space<hbm>>
      tpu.enqueue_dma source(%dma_start3A_349 : memref<32xf32, #tpu.memory_space<hbm>>) target(%dma_start3A_346 : memref<32xf32, #tpu.memory_space<vmem>>) target_semaphore(%arg14 : memref<!tpu.dma_semaphore, #tpu.memory_space<semaphore_mem>>)
      %dma_start3A_350 = arith.constant 19 : i32
      %dma_start3A_351 = arith.constant 19 : i32
      %dma_start3A_352 = arith.constant 0 : i32
      %dma_start3A_353 = tpu.memref_slice %arg9[%dma_start3A_351, %dma_start3A_352] : memref<32x32xf32, #tpu.memory_space<vmem>> -> memref<1x32xf32, #tpu.memory_space<vmem>>
      %dma_start3A_354 = tpu.memref_squeeze %dma_start3A_353 : memref<1x32xf32, #tpu.memory_space<vmem>> -> memref<32xf32, #tpu.memory_space<vmem>>
      %dma_start3A_355 = arith.constant 0 : i32
      %dma_start3A_356 = tpu.memref_slice %arg3[%dma_start3A_350, %add3A_84, %dma_start3A_355] : memref<32x128x32xf32, #tpu.memory_space<hbm>> -> memref<1x1x32xf32, #tpu.memory_space<hbm>>
      %dma_start3A_357 = tpu.memref_squeeze %dma_start3A_356 : memref<1x1x32xf32, #tpu.memory_space<hbm>> -> memref<32xf32, #tpu.memory_space<hbm>>
      %dma_start3A_358 = arith.constant 0 : i32
      %dma_start3A_359 = tpu.memref_slice %arg9[%dma_start3A_351, %dma_start3A_358] : memref<32x32xf32, #tpu.memory_space<vmem>> -> memref<1x32xf32, #tpu.memory_space<vmem>>
      %dma_start3A_360 = tpu.memref_squeeze %dma_start3A_359 : memref<1x32xf32, #tpu.memory_space<vmem>> -> memref<32xf32, #tpu.memory_space<vmem>>
      %dma_start3A_361 = arith.constant 0 : i32
      %dma_start3A_362 = tpu.memref_slice %arg3[%dma_start3A_350, %add3A_84, %dma_start3A_361] : memref<32x128x32xf32, #tpu.memory_space<hbm>> -> memref<1x1x32xf32, #tpu.memory_space<hbm>>
      %dma_start3A_363 = tpu.memref_squeeze %dma_start3A_362 : memref<1x1x32xf32, #tpu.memory_space<hbm>> -> memref<32xf32, #tpu.memory_space<hbm>>
      tpu.enqueue_dma source(%dma_start3A_363 : memref<32xf32, #tpu.memory_space<hbm>>) target(%dma_start3A_360 : memref<32xf32, #tpu.memory_space<vmem>>) target_semaphore(%arg14 : memref<!tpu.dma_semaphore, #tpu.memory_space<semaphore_mem>>)
      %dma_start3A_364 = arith.constant 20 : i32
      %dma_start3A_365 = arith.constant 20 : i32
      %dma_start3A_366 = arith.constant 0 : i32
      %dma_start3A_367 = tpu.memref_slice %arg9[%dma_start3A_365, %dma_start3A_366] : memref<32x32xf32, #tpu.memory_space<vmem>> -> memref<1x32xf32, #tpu.memory_space<vmem>>
      %dma_start3A_368 = tpu.memref_squeeze %dma_start3A_367 : memref<1x32xf32, #tpu.memory_space<vmem>> -> memref<32xf32, #tpu.memory_space<vmem>>
      %dma_start3A_369 = arith.constant 0 : i32
      %dma_start3A_370 = tpu.memref_slice %arg3[%dma_start3A_364, %add3A_84, %dma_start3A_369] : memref<32x128x32xf32, #tpu.memory_space<hbm>> -> memref<1x1x32xf32, #tpu.memory_space<hbm>>
      %dma_start3A_371 = tpu.memref_squeeze %dma_start3A_370 : memref<1x1x32xf32, #tpu.memory_space<hbm>> -> memref<32xf32, #tpu.memory_space<hbm>>
      %dma_start3A_372 = arith.constant 0 : i32
      %dma_start3A_373 = tpu.memref_slice %arg9[%dma_start3A_365, %dma_start3A_372] : memref<32x32xf32, #tpu.memory_space<vmem>> -> memref<1x32xf32, #tpu.memory_space<vmem>>
      %dma_start3A_374 = tpu.memref_squeeze %dma_start3A_373 : memref<1x32xf32, #tpu.memory_space<vmem>> -> memref<32xf32, #tpu.memory_space<vmem>>
      %dma_start3A_375 = arith.constant 0 : i32
      %dma_start3A_376 = tpu.memref_slice %arg3[%dma_start3A_364, %add3A_84, %dma_start3A_375] : memref<32x128x32xf32, #tpu.memory_space<hbm>> -> memref<1x1x32xf32, #tpu.memory_space<hbm>>
      %dma_start3A_377 = tpu.memref_squeeze %dma_start3A_376 : memref<1x1x32xf32, #tpu.memory_space<hbm>> -> memref<32xf32, #tpu.memory_space<hbm>>
      tpu.enqueue_dma source(%dma_start3A_377 : memref<32xf32, #tpu.memory_space<hbm>>) target(%dma_start3A_374 : memref<32xf32, #tpu.memory_space<vmem>>) target_semaphore(%arg14 : memref<!tpu.dma_semaphore, #tpu.memory_space<semaphore_mem>>)
      %dma_start3A_378 = arith.constant 21 : i32
      %dma_start3A_379 = arith.constant 21 : i32
      %dma_start3A_380 = arith.constant 0 : i32
      %dma_start3A_381 = tpu.memref_slice %arg9[%dma_start3A_379, %dma_start3A_380] : memref<32x32xf32, #tpu.memory_space<vmem>> -> memref<1x32xf32, #tpu.memory_space<vmem>>
      %dma_start3A_382 = tpu.memref_squeeze %dma_start3A_381 : memref<1x32xf32, #tpu.memory_space<vmem>> -> memref<32xf32, #tpu.memory_space<vmem>>
      %dma_start3A_383 = arith.constant 0 : i32
      %dma_start3A_384 = tpu.memref_slice %arg3[%dma_start3A_378, %add3A_84, %dma_start3A_383] : memref<32x128x32xf32, #tpu.memory_space<hbm>> -> memref<1x1x32xf32, #tpu.memory_space<hbm>>
      %dma_start3A_385 = tpu.memref_squeeze %dma_start3A_384 : memref<1x1x32xf32, #tpu.memory_space<hbm>> -> memref<32xf32, #tpu.memory_space<hbm>>
      %dma_start3A_386 = arith.constant 0 : i32
      %dma_start3A_387 = tpu.memref_slice %arg9[%dma_start3A_379, %dma_start3A_386] : memref<32x32xf32, #tpu.memory_space<vmem>> -> memref<1x32xf32, #tpu.memory_space<vmem>>
      %dma_start3A_388 = tpu.memref_squeeze %dma_start3A_387 : memref<1x32xf32, #tpu.memory_space<vmem>> -> memref<32xf32, #tpu.memory_space<vmem>>
      %dma_start3A_389 = arith.constant 0 : i32
      %dma_start3A_390 = tpu.memref_slice %arg3[%dma_start3A_378, %add3A_84, %dma_start3A_389] : memref<32x128x32xf32, #tpu.memory_space<hbm>> -> memref<1x1x32xf32, #tpu.memory_space<hbm>>
      %dma_start3A_391 = tpu.memref_squeeze %dma_start3A_390 : memref<1x1x32xf32, #tpu.memory_space<hbm>> -> memref<32xf32, #tpu.memory_space<hbm>>
      tpu.enqueue_dma source(%dma_start3A_391 : memref<32xf32, #tpu.memory_space<hbm>>) target(%dma_start3A_388 : memref<32xf32, #tpu.memory_space<vmem>>) target_semaphore(%arg14 : memref<!tpu.dma_semaphore, #tpu.memory_space<semaphore_mem>>)
      %dma_start3A_392 = arith.constant 22 : i32
      %dma_start3A_393 = arith.constant 22 : i32
      %dma_start3A_394 = arith.constant 0 : i32
      %dma_start3A_395 = tpu.memref_slice %arg9[%dma_start3A_393, %dma_start3A_394] : memref<32x32xf32, #tpu.memory_space<vmem>> -> memref<1x32xf32, #tpu.memory_space<vmem>>
      %dma_start3A_396 = tpu.memref_squeeze %dma_start3A_395 : memref<1x32xf32, #tpu.memory_space<vmem>> -> memref<32xf32, #tpu.memory_space<vmem>>
      %dma_start3A_397 = arith.constant 0 : i32
      %dma_start3A_398 = tpu.memref_slice %arg3[%dma_start3A_392, %add3A_84, %dma_start3A_397] : memref<32x128x32xf32, #tpu.memory_space<hbm>> -> memref<1x1x32xf32, #tpu.memory_space<hbm>>
      %dma_start3A_399 = tpu.memref_squeeze %dma_start3A_398 : memref<1x1x32xf32, #tpu.memory_space<hbm>> -> memref<32xf32, #tpu.memory_space<hbm>>
      %dma_start3A_400 = arith.constant 0 : i32
      %dma_start3A_401 = tpu.memref_slice %arg9[%dma_start3A_393, %dma_start3A_400] : memref<32x32xf32, #tpu.memory_space<vmem>> -> memref<1x32xf32, #tpu.memory_space<vmem>>
      %dma_start3A_402 = tpu.memref_squeeze %dma_start3A_401 : memref<1x32xf32, #tpu.memory_space<vmem>> -> memref<32xf32, #tpu.memory_space<vmem>>
      %dma_start3A_403 = arith.constant 0 : i32
      %dma_start3A_404 = tpu.memref_slice %arg3[%dma_start3A_392, %add3A_84, %dma_start3A_403] : memref<32x128x32xf32, #tpu.memory_space<hbm>> -> memref<1x1x32xf32, #tpu.memory_space<hbm>>
      %dma_start3A_405 = tpu.memref_squeeze %dma_start3A_404 : memref<1x1x32xf32, #tpu.memory_space<hbm>> -> memref<32xf32, #tpu.memory_space<hbm>>
      tpu.enqueue_dma source(%dma_start3A_405 : memref<32xf32, #tpu.memory_space<hbm>>) target(%dma_start3A_402 : memref<32xf32, #tpu.memory_space<vmem>>) target_semaphore(%arg14 : memref<!tpu.dma_semaphore, #tpu.memory_space<semaphore_mem>>)
      %dma_start3A_406 = arith.constant 23 : i32
      %dma_start3A_407 = arith.constant 23 : i32
      %dma_start3A_408 = arith.constant 0 : i32
      %dma_start3A_409 = tpu.memref_slice %arg9[%dma_start3A_407, %dma_start3A_408] : memref<32x32xf32, #tpu.memory_space<vmem>> -> memref<1x32xf32, #tpu.memory_space<vmem>>
      %dma_start3A_410 = tpu.memref_squeeze %dma_start3A_409 : memref<1x32xf32, #tpu.memory_space<vmem>> -> memref<32xf32, #tpu.memory_space<vmem>>
      %dma_start3A_411 = arith.constant 0 : i32
      %dma_start3A_412 = tpu.memref_slice %arg3[%dma_start3A_406, %add3A_84, %dma_start3A_411] : memref<32x128x32xf32, #tpu.memory_space<hbm>> -> memref<1x1x32xf32, #tpu.memory_space<hbm>>
      %dma_start3A_413 = tpu.memref_squeeze %dma_start3A_412 : memref<1x1x32xf32, #tpu.memory_space<hbm>> -> memref<32xf32, #tpu.memory_space<hbm>>
      %dma_start3A_414 = arith.constant 0 : i32
      %dma_start3A_415 = tpu.memref_slice %arg9[%dma_start3A_407, %dma_start3A_414] : memref<32x32xf32, #tpu.memory_space<vmem>> -> memref<1x32xf32, #tpu.memory_space<vmem>>
      %dma_start3A_416 = tpu.memref_squeeze %dma_start3A_415 : memref<1x32xf32, #tpu.memory_space<vmem>> -> memref<32xf32, #tpu.memory_space<vmem>>
      %dma_start3A_417 = arith.constant 0 : i32
      %dma_start3A_418 = tpu.memref_slice %arg3[%dma_start3A_406, %add3A_84, %dma_start3A_417] : memref<32x128x32xf32, #tpu.memory_space<hbm>> -> memref<1x1x32xf32, #tpu.memory_space<hbm>>
      %dma_start3A_419 = tpu.memref_squeeze %dma_start3A_418 : memref<1x1x32xf32, #tpu.memory_space<hbm>> -> memref<32xf32, #tpu.memory_space<hbm>>
      tpu.enqueue_dma source(%dma_start3A_419 : memref<32xf32, #tpu.memory_space<hbm>>) target(%dma_start3A_416 : memref<32xf32, #tpu.memory_space<vmem>>) target_semaphore(%arg14 : memref<!tpu.dma_semaphore, #tpu.memory_space<semaphore_mem>>)
      %dma_start3A_420 = arith.constant 24 : i32
      %dma_start3A_421 = arith.constant 24 : i32
      %dma_start3A_422 = arith.constant 0 : i32
      %dma_start3A_423 = tpu.memref_slice %arg9[%dma_start3A_421, %dma_start3A_422] : memref<32x32xf32, #tpu.memory_space<vmem>> -> memref<1x32xf32, #tpu.memory_space<vmem>>
      %dma_start3A_424 = tpu.memref_squeeze %dma_start3A_423 : memref<1x32xf32, #tpu.memory_space<vmem>> -> memref<32xf32, #tpu.memory_space<vmem>>
      %dma_start3A_425 = arith.constant 0 : i32
      %dma_start3A_426 = tpu.memref_slice %arg3[%dma_start3A_420, %add3A_84, %dma_start3A_425] : memref<32x128x32xf32, #tpu.memory_space<hbm>> -> memref<1x1x32xf32, #tpu.memory_space<hbm>>
      %dma_start3A_427 = tpu.memref_squeeze %dma_start3A_426 : memref<1x1x32xf32, #tpu.memory_space<hbm>> -> memref<32xf32, #tpu.memory_space<hbm>>
      %dma_start3A_428 = arith.constant 0 : i32
      %dma_start3A_429 = tpu.memref_slice %arg9[%dma_start3A_421, %dma_start3A_428] : memref<32x32xf32, #tpu.memory_space<vmem>> -> memref<1x32xf32, #tpu.memory_space<vmem>>
      %dma_start3A_430 = tpu.memref_squeeze %dma_start3A_429 : memref<1x32xf32, #tpu.memory_space<vmem>> -> memref<32xf32, #tpu.memory_space<vmem>>
      %dma_start3A_431 = arith.constant 0 : i32
      %dma_start3A_432 = tpu.memref_slice %arg3[%dma_start3A_420, %add3A_84, %dma_start3A_431] : memref<32x128x32xf32, #tpu.memory_space<hbm>> -> memref<1x1x32xf32, #tpu.memory_space<hbm>>
      %dma_start3A_433 = tpu.memref_squeeze %dma_start3A_432 : memref<1x1x32xf32, #tpu.memory_space<hbm>> -> memref<32xf32, #tpu.memory_space<hbm>>
      tpu.enqueue_dma source(%dma_start3A_433 : memref<32xf32, #tpu.memory_space<hbm>>) target(%dma_start3A_430 : memref<32xf32, #tpu.memory_space<vmem>>) target_semaphore(%arg14 : memref<!tpu.dma_semaphore, #tpu.memory_space<semaphore_mem>>)
      %dma_start3A_434 = arith.constant 25 : i32
      %dma_start3A_435 = arith.constant 25 : i32
      %dma_start3A_436 = arith.constant 0 : i32
      %dma_start3A_437 = tpu.memref_slice %arg9[%dma_start3A_435, %dma_start3A_436] : memref<32x32xf32, #tpu.memory_space<vmem>> -> memref<1x32xf32, #tpu.memory_space<vmem>>
      %dma_start3A_438 = tpu.memref_squeeze %dma_start3A_437 : memref<1x32xf32, #tpu.memory_space<vmem>> -> memref<32xf32, #tpu.memory_space<vmem>>
      %dma_start3A_439 = arith.constant 0 : i32
      %dma_start3A_440 = tpu.memref_slice %arg3[%dma_start3A_434, %add3A_84, %dma_start3A_439] : memref<32x128x32xf32, #tpu.memory_space<hbm>> -> memref<1x1x32xf32, #tpu.memory_space<hbm>>
      %dma_start3A_441 = tpu.memref_squeeze %dma_start3A_440 : memref<1x1x32xf32, #tpu.memory_space<hbm>> -> memref<32xf32, #tpu.memory_space<hbm>>
      %dma_start3A_442 = arith.constant 0 : i32
      %dma_start3A_443 = tpu.memref_slice %arg9[%dma_start3A_435, %dma_start3A_442] : memref<32x32xf32, #tpu.memory_space<vmem>> -> memref<1x32xf32, #tpu.memory_space<vmem>>
      %dma_start3A_444 = tpu.memref_squeeze %dma_start3A_443 : memref<1x32xf32, #tpu.memory_space<vmem>> -> memref<32xf32, #tpu.memory_space<vmem>>
      %dma_start3A_445 = arith.constant 0 : i32
      %dma_start3A_446 = tpu.memref_slice %arg3[%dma_start3A_434, %add3A_84, %dma_start3A_445] : memref<32x128x32xf32, #tpu.memory_space<hbm>> -> memref<1x1x32xf32, #tpu.memory_space<hbm>>
      %dma_start3A_447 = tpu.memref_squeeze %dma_start3A_446 : memref<1x1x32xf32, #tpu.memory_space<hbm>> -> memref<32xf32, #tpu.memory_space<hbm>>
      tpu.enqueue_dma source(%dma_start3A_447 : memref<32xf32, #tpu.memory_space<hbm>>) target(%dma_start3A_444 : memref<32xf32, #tpu.memory_space<vmem>>) target_semaphore(%arg14 : memref<!tpu.dma_semaphore, #tpu.memory_space<semaphore_mem>>)
      %dma_start3A_448 = arith.constant 26 : i32
      %dma_start3A_449 = arith.constant 26 : i32
      %dma_start3A_450 = arith.constant 0 : i32
      %dma_start3A_451 = tpu.memref_slice %arg9[%dma_start3A_449, %dma_start3A_450] : memref<32x32xf32, #tpu.memory_space<vmem>> -> memref<1x32xf32, #tpu.memory_space<vmem>>
      %dma_start3A_452 = tpu.memref_squeeze %dma_start3A_451 : memref<1x32xf32, #tpu.memory_space<vmem>> -> memref<32xf32, #tpu.memory_space<vmem>>
      %dma_start3A_453 = arith.constant 0 : i32
      %dma_start3A_454 = tpu.memref_slice %arg3[%dma_start3A_448, %add3A_84, %dma_start3A_453] : memref<32x128x32xf32, #tpu.memory_space<hbm>> -> memref<1x1x32xf32, #tpu.memory_space<hbm>>
      %dma_start3A_455 = tpu.memref_squeeze %dma_start3A_454 : memref<1x1x32xf32, #tpu.memory_space<hbm>> -> memref<32xf32, #tpu.memory_space<hbm>>
      %dma_start3A_456 = arith.constant 0 : i32
      %dma_start3A_457 = tpu.memref_slice %arg9[%dma_start3A_449, %dma_start3A_456] : memref<32x32xf32, #tpu.memory_space<vmem>> -> memref<1x32xf32, #tpu.memory_space<vmem>>
      %dma_start3A_458 = tpu.memref_squeeze %dma_start3A_457 : memref<1x32xf32, #tpu.memory_space<vmem>> -> memref<32xf32, #tpu.memory_space<vmem>>
      %dma_start3A_459 = arith.constant 0 : i32
      %dma_start3A_460 = tpu.memref_slice %arg3[%dma_start3A_448, %add3A_84, %dma_start3A_459] : memref<32x128x32xf32, #tpu.memory_space<hbm>> -> memref<1x1x32xf32, #tpu.memory_space<hbm>>
      %dma_start3A_461 = tpu.memref_squeeze %dma_start3A_460 : memref<1x1x32xf32, #tpu.memory_space<hbm>> -> memref<32xf32, #tpu.memory_space<hbm>>
      tpu.enqueue_dma source(%dma_start3A_461 : memref<32xf32, #tpu.memory_space<hbm>>) target(%dma_start3A_458 : memref<32xf32, #tpu.memory_space<vmem>>) target_semaphore(%arg14 : memref<!tpu.dma_semaphore, #tpu.memory_space<semaphore_mem>>)
      %dma_start3A_462 = arith.constant 27 : i32
      %dma_start3A_463 = arith.constant 27 : i32
      %dma_start3A_464 = arith.constant 0 : i32
      %dma_start3A_465 = tpu.memref_slice %arg9[%dma_start3A_463, %dma_start3A_464] : memref<32x32xf32, #tpu.memory_space<vmem>> -> memref<1x32xf32, #tpu.memory_space<vmem>>
      %dma_start3A_466 = tpu.memref_squeeze %dma_start3A_465 : memref<1x32xf32, #tpu.memory_space<vmem>> -> memref<32xf32, #tpu.memory_space<vmem>>
      %dma_start3A_467 = arith.constant 0 : i32
      %dma_start3A_468 = tpu.memref_slice %arg3[%dma_start3A_462, %add3A_84, %dma_start3A_467] : memref<32x128x32xf32, #tpu.memory_space<hbm>> -> memref<1x1x32xf32, #tpu.memory_space<hbm>>
      %dma_start3A_469 = tpu.memref_squeeze %dma_start3A_468 : memref<1x1x32xf32, #tpu.memory_space<hbm>> -> memref<32xf32, #tpu.memory_space<hbm>>
      %dma_start3A_470 = arith.constant 0 : i32
      %dma_start3A_471 = tpu.memref_slice %arg9[%dma_start3A_463, %dma_start3A_470] : memref<32x32xf32, #tpu.memory_space<vmem>> -> memref<1x32xf32, #tpu.memory_space<vmem>>
      %dma_start3A_472 = tpu.memref_squeeze %dma_start3A_471 : memref<1x32xf32, #tpu.memory_space<vmem>> -> memref<32xf32, #tpu.memory_space<vmem>>
      %dma_start3A_473 = arith.constant 0 : i32
      %dma_start3A_474 = tpu.memref_slice %arg3[%dma_start3A_462, %add3A_84, %dma_start3A_473] : memref<32x128x32xf32, #tpu.memory_space<hbm>> -> memref<1x1x32xf32, #tpu.memory_space<hbm>>
      %dma_start3A_475 = tpu.memref_squeeze %dma_start3A_474 : memref<1x1x32xf32, #tpu.memory_space<hbm>> -> memref<32xf32, #tpu.memory_space<hbm>>
      tpu.enqueue_dma source(%dma_start3A_475 : memref<32xf32, #tpu.memory_space<hbm>>) target(%dma_start3A_472 : memref<32xf32, #tpu.memory_space<vmem>>) target_semaphore(%arg14 : memref<!tpu.dma_semaphore, #tpu.memory_space<semaphore_mem>>)
      %dma_start3A_476 = arith.constant 28 : i32
      %dma_start3A_477 = arith.constant 28 : i32
      %dma_start3A_478 = arith.constant 0 : i32
      %dma_start3A_479 = tpu.memref_slice %arg9[%dma_start3A_477, %dma_start3A_478] : memref<32x32xf32, #tpu.memory_space<vmem>> -> memref<1x32xf32, #tpu.memory_space<vmem>>
      %dma_start3A_480 = tpu.memref_squeeze %dma_start3A_479 : memref<1x32xf32, #tpu.memory_space<vmem>> -> memref<32xf32, #tpu.memory_space<vmem>>
      %dma_start3A_481 = arith.constant 0 : i32
      %dma_start3A_482 = tpu.memref_slice %arg3[%dma_start3A_476, %add3A_84, %dma_start3A_481] : memref<32x128x32xf32, #tpu.memory_space<hbm>> -> memref<1x1x32xf32, #tpu.memory_space<hbm>>
      %dma_start3A_483 = tpu.memref_squeeze %dma_start3A_482 : memref<1x1x32xf32, #tpu.memory_space<hbm>> -> memref<32xf32, #tpu.memory_space<hbm>>
      %dma_start3A_484 = arith.constant 0 : i32
      %dma_start3A_485 = tpu.memref_slice %arg9[%dma_start3A_477, %dma_start3A_484] : memref<32x32xf32, #tpu.memory_space<vmem>> -> memref<1x32xf32, #tpu.memory_space<vmem>>
      %dma_start3A_486 = tpu.memref_squeeze %dma_start3A_485 : memref<1x32xf32, #tpu.memory_space<vmem>> -> memref<32xf32, #tpu.memory_space<vmem>>
      %dma_start3A_487 = arith.constant 0 : i32
      %dma_start3A_488 = tpu.memref_slice %arg3[%dma_start3A_476, %add3A_84, %dma_start3A_487] : memref<32x128x32xf32, #tpu.memory_space<hbm>> -> memref<1x1x32xf32, #tpu.memory_space<hbm>>
      %dma_start3A_489 = tpu.memref_squeeze %dma_start3A_488 : memref<1x1x32xf32, #tpu.memory_space<hbm>> -> memref<32xf32, #tpu.memory_space<hbm>>
      tpu.enqueue_dma source(%dma_start3A_489 : memref<32xf32, #tpu.memory_space<hbm>>) target(%dma_start3A_486 : memref<32xf32, #tpu.memory_space<vmem>>) target_semaphore(%arg14 : memref<!tpu.dma_semaphore, #tpu.memory_space<semaphore_mem>>)
      %dma_start3A_490 = arith.constant 29 : i32
      %dma_start3A_491 = arith.constant 29 : i32
      %dma_start3A_492 = arith.constant 0 : i32
      %dma_start3A_493 = tpu.memref_slice %arg9[%dma_start3A_491, %dma_start3A_492] : memref<32x32xf32, #tpu.memory_space<vmem>> -> memref<1x32xf32, #tpu.memory_space<vmem>>
      %dma_start3A_494 = tpu.memref_squeeze %dma_start3A_493 : memref<1x32xf32, #tpu.memory_space<vmem>> -> memref<32xf32, #tpu.memory_space<vmem>>
      %dma_start3A_495 = arith.constant 0 : i32
      %dma_start3A_496 = tpu.memref_slice %arg3[%dma_start3A_490, %add3A_84, %dma_start3A_495] : memref<32x128x32xf32, #tpu.memory_space<hbm>> -> memref<1x1x32xf32, #tpu.memory_space<hbm>>
      %dma_start3A_497 = tpu.memref_squeeze %dma_start3A_496 : memref<1x1x32xf32, #tpu.memory_space<hbm>> -> memref<32xf32, #tpu.memory_space<hbm>>
      %dma_start3A_498 = arith.constant 0 : i32
      %dma_start3A_499 = tpu.memref_slice %arg9[%dma_start3A_491, %dma_start3A_498] : memref<32x32xf32, #tpu.memory_space<vmem>> -> memref<1x32xf32, #tpu.memory_space<vmem>>
      %dma_start3A_500 = tpu.memref_squeeze %dma_start3A_499 : memref<1x32xf32, #tpu.memory_space<vmem>> -> memref<32xf32, #tpu.memory_space<vmem>>
      %dma_start3A_501 = arith.constant 0 : i32
      %dma_start3A_502 = tpu.memref_slice %arg3[%dma_start3A_490, %add3A_84, %dma_start3A_501] : memref<32x128x32xf32, #tpu.memory_space<hbm>> -> memref<1x1x32xf32, #tpu.memory_space<hbm>>
      %dma_start3A_503 = tpu.memref_squeeze %dma_start3A_502 : memref<1x1x32xf32, #tpu.memory_space<hbm>> -> memref<32xf32, #tpu.memory_space<hbm>>
      tpu.enqueue_dma source(%dma_start3A_503 : memref<32xf32, #tpu.memory_space<hbm>>) target(%dma_start3A_500 : memref<32xf32, #tpu.memory_space<vmem>>) target_semaphore(%arg14 : memref<!tpu.dma_semaphore, #tpu.memory_space<semaphore_mem>>)
      %dma_start3A_504 = arith.constant 30 : i32
      %dma_start3A_505 = arith.constant 30 : i32
      %dma_start3A_506 = arith.constant 0 : i32
      %dma_start3A_507 = tpu.memref_slice %arg9[%dma_start3A_505, %dma_start3A_506] : memref<32x32xf32, #tpu.memory_space<vmem>> -> memref<1x32xf32, #tpu.memory_space<vmem>>
      %dma_start3A_508 = tpu.memref_squeeze %dma_start3A_507 : memref<1x32xf32, #tpu.memory_space<vmem>> -> memref<32xf32, #tpu.memory_space<vmem>>
      %dma_start3A_509 = arith.constant 0 : i32
      %dma_start3A_510 = tpu.memref_slice %arg3[%dma_start3A_504, %add3A_84, %dma_start3A_509] : memref<32x128x32xf32, #tpu.memory_space<hbm>> -> memref<1x1x32xf32, #tpu.memory_space<hbm>>
      %dma_start3A_511 = tpu.memref_squeeze %dma_start3A_510 : memref<1x1x32xf32, #tpu.memory_space<hbm>> -> memref<32xf32, #tpu.memory_space<hbm>>
      %dma_start3A_512 = arith.constant 0 : i32
      %dma_start3A_513 = tpu.memref_slice %arg9[%dma_start3A_505, %dma_start3A_512] : memref<32x32xf32, #tpu.memory_space<vmem>> -> memref<1x32xf32, #tpu.memory_space<vmem>>
      %dma_start3A_514 = tpu.memref_squeeze %dma_start3A_513 : memref<1x32xf32, #tpu.memory_space<vmem>> -> memref<32xf32, #tpu.memory_space<vmem>>
      %dma_start3A_515 = arith.constant 0 : i32
      %dma_start3A_516 = tpu.memref_slice %arg3[%dma_start3A_504, %add3A_84, %dma_start3A_515] : memref<32x128x32xf32, #tpu.memory_space<hbm>> -> memref<1x1x32xf32, #tpu.memory_space<hbm>>
      %dma_start3A_517 = tpu.memref_squeeze %dma_start3A_516 : memref<1x1x32xf32, #tpu.memory_space<hbm>> -> memref<32xf32, #tpu.memory_space<hbm>>
      tpu.enqueue_dma source(%dma_start3A_517 : memref<32xf32, #tpu.memory_space<hbm>>) target(%dma_start3A_514 : memref<32xf32, #tpu.memory_space<vmem>>) target_semaphore(%arg14 : memref<!tpu.dma_semaphore, #tpu.memory_space<semaphore_mem>>)
      %dma_start3A_518 = arith.constant 31 : i32
      %dma_start3A_519 = arith.constant 31 : i32
      %dma_start3A_520 = arith.constant 0 : i32
      %dma_start3A_521 = tpu.memref_slice %arg9[%dma_start3A_519, %dma_start3A_520] : memref<32x32xf32, #tpu.memory_space<vmem>> -> memref<1x32xf32, #tpu.memory_space<vmem>>
      %dma_start3A_522 = tpu.memref_squeeze %dma_start3A_521 : memref<1x32xf32, #tpu.memory_space<vmem>> -> memref<32xf32, #tpu.memory_space<vmem>>
      %dma_start3A_523 = arith.constant 0 : i32
      %dma_start3A_524 = tpu.memref_slice %arg3[%dma_start3A_518, %add3A_84, %dma_start3A_523] : memref<32x128x32xf32, #tpu.memory_space<hbm>> -> memref<1x1x32xf32, #tpu.memory_space<hbm>>
      %dma_start3A_525 = tpu.memref_squeeze %dma_start3A_524 : memref<1x1x32xf32, #tpu.memory_space<hbm>> -> memref<32xf32, #tpu.memory_space<hbm>>
      %dma_start3A_526 = arith.constant 0 : i32
      %dma_start3A_527 = tpu.memref_slice %arg9[%dma_start3A_519, %dma_start3A_526] : memref<32x32xf32, #tpu.memory_space<vmem>> -> memref<1x32xf32, #tpu.memory_space<vmem>>
      %dma_start3A_528 = tpu.memref_squeeze %dma_start3A_527 : memref<1x32xf32, #tpu.memory_space<vmem>> -> memref<32xf32, #tpu.memory_space<vmem>>
      %dma_start3A_529 = arith.constant 0 : i32
      %dma_start3A_530 = tpu.memref_slice %arg3[%dma_start3A_518, %add3A_84, %dma_start3A_529] : memref<32x128x32xf32, #tpu.memory_space<hbm>> -> memref<1x1x32xf32, #tpu.memory_space<hbm>>
      %dma_start3A_531 = tpu.memref_squeeze %dma_start3A_530 : memref<1x1x32xf32, #tpu.memory_space<hbm>> -> memref<32xf32, #tpu.memory_space<hbm>>
      tpu.enqueue_dma source(%dma_start3A_531 : memref<32xf32, #tpu.memory_space<hbm>>) target(%dma_start3A_528 : memref<32xf32, #tpu.memory_space<vmem>>) target_semaphore(%arg14 : memref<!tpu.dma_semaphore, #tpu.memory_space<semaphore_mem>>)
      %dma_wait3A = arith.constant 0 : i32
      %dma_wait3A_532 = arith.constant 0 : i32
      %dma_wait3A_533 = arith.constant 0 : i32
      %dma_wait3A_534 = tpu.memref_slice %arg9[%dma_wait3A_532, %dma_wait3A_533] : memref<32x32xf32, #tpu.memory_space<vmem>> -> memref<1x32xf32, #tpu.memory_space<vmem>>
      %dma_wait3A_535 = tpu.memref_squeeze %dma_wait3A_534 : memref<1x32xf32, #tpu.memory_space<vmem>> -> memref<32xf32, #tpu.memory_space<vmem>>
      %dma_wait3A_536 = arith.constant 0 : i32
      %dma_wait3A_537 = tpu.memref_slice %arg3[%dma_wait3A, %add3A_84, %dma_wait3A_536] : memref<32x128x32xf32, #tpu.memory_space<hbm>> -> memref<1x1x32xf32, #tpu.memory_space<hbm>>
      %dma_wait3A_538 = tpu.memref_squeeze %dma_wait3A_537 : memref<1x1x32xf32, #tpu.memory_space<hbm>> -> memref<32xf32, #tpu.memory_space<hbm>>
      %dma_wait3A_539 = arith.constant 0 : i32
      %dma_wait3A_540 = tpu.memref_slice %arg9[%dma_wait3A_532, %dma_wait3A_539] : memref<32x32xf32, #tpu.memory_space<vmem>> -> memref<1x32xf32, #tpu.memory_space<vmem>>
      %dma_wait3A_541 = tpu.memref_squeeze %dma_wait3A_540 : memref<1x32xf32, #tpu.memory_space<vmem>> -> memref<32xf32, #tpu.memory_space<vmem>>
      %dma_wait3A_542 = arith.constant 0 : i32
      %dma_wait3A_543 = tpu.memref_slice %arg3[%dma_wait3A, %add3A_84, %dma_wait3A_542] : memref<32x128x32xf32, #tpu.memory_space<hbm>> -> memref<1x1x32xf32, #tpu.memory_space<hbm>>
      %dma_wait3A_544 = tpu.memref_squeeze %dma_wait3A_543 : memref<1x1x32xf32, #tpu.memory_space<hbm>> -> memref<32xf32, #tpu.memory_space<hbm>>
      tpu.wait_dma2 semaphore(%arg14 : memref<!tpu.dma_semaphore, #tpu.memory_space<semaphore_mem>>) src(%dma_wait3A_544 : memref<32xf32, #tpu.memory_space<hbm>>) dst(%dma_wait3A_541 : memref<32xf32, #tpu.memory_space<vmem>>)
      %dma_wait3A_545 = arith.constant 1 : i32
      %dma_wait3A_546 = arith.constant 1 : i32
      %dma_wait3A_547 = arith.constant 0 : i32
      %dma_wait3A_548 = tpu.memref_slice %arg9[%dma_wait3A_546, %dma_wait3A_547] : memref<32x32xf32, #tpu.memory_space<vmem>> -> memref<1x32xf32, #tpu.memory_space<vmem>>
      %dma_wait3A_549 = tpu.memref_squeeze %dma_wait3A_548 : memref<1x32xf32, #tpu.memory_space<vmem>> -> memref<32xf32, #tpu.memory_space<vmem>>
      %dma_wait3A_550 = arith.constant 0 : i32
      %dma_wait3A_551 = tpu.memref_slice %arg3[%dma_wait3A_545, %add3A_84, %dma_wait3A_550] : memref<32x128x32xf32, #tpu.memory_space<hbm>> -> memref<1x1x32xf32, #tpu.memory_space<hbm>>
      %dma_wait3A_552 = tpu.memref_squeeze %dma_wait3A_551 : memref<1x1x32xf32, #tpu.memory_space<hbm>> -> memref<32xf32, #tpu.memory_space<hbm>>
      %dma_wait3A_553 = arith.constant 0 : i32
      %dma_wait3A_554 = tpu.memref_slice %arg9[%dma_wait3A_546, %dma_wait3A_553] : memref<32x32xf32, #tpu.memory_space<vmem>> -> memref<1x32xf32, #tpu.memory_space<vmem>>
      %dma_wait3A_555 = tpu.memref_squeeze %dma_wait3A_554 : memref<1x32xf32, #tpu.memory_space<vmem>> -> memref<32xf32, #tpu.memory_space<vmem>>
      %dma_wait3A_556 = arith.constant 0 : i32
      %dma_wait3A_557 = tpu.memref_slice %arg3[%dma_wait3A_545, %add3A_84, %dma_wait3A_556] : memref<32x128x32xf32, #tpu.memory_space<hbm>> -> memref<1x1x32xf32, #tpu.memory_space<hbm>>
      %dma_wait3A_558 = tpu.memref_squeeze %dma_wait3A_557 : memref<1x1x32xf32, #tpu.memory_space<hbm>> -> memref<32xf32, #tpu.memory_space<hbm>>
      tpu.wait_dma2 semaphore(%arg14 : memref<!tpu.dma_semaphore, #tpu.memory_space<semaphore_mem>>) src(%dma_wait3A_558 : memref<32xf32, #tpu.memory_space<hbm>>) dst(%dma_wait3A_555 : memref<32xf32, #tpu.memory_space<vmem>>)
      %dma_wait3A_559 = arith.constant 2 : i32
      %dma_wait3A_560 = arith.constant 2 : i32
      %dma_wait3A_561 = arith.constant 0 : i32
      %dma_wait3A_562 = tpu.memref_slice %arg9[%dma_wait3A_560, %dma_wait3A_561] : memref<32x32xf32, #tpu.memory_space<vmem>> -> memref<1x32xf32, #tpu.memory_space<vmem>>
      %dma_wait3A_563 = tpu.memref_squeeze %dma_wait3A_562 : memref<1x32xf32, #tpu.memory_space<vmem>> -> memref<32xf32, #tpu.memory_space<vmem>>
      %dma_wait3A_564 = arith.constant 0 : i32
      %dma_wait3A_565 = tpu.memref_slice %arg3[%dma_wait3A_559, %add3A_84, %dma_wait3A_564] : memref<32x128x32xf32, #tpu.memory_space<hbm>> -> memref<1x1x32xf32, #tpu.memory_space<hbm>>
      %dma_wait3A_566 = tpu.memref_squeeze %dma_wait3A_565 : memref<1x1x32xf32, #tpu.memory_space<hbm>> -> memref<32xf32, #tpu.memory_space<hbm>>
      %dma_wait3A_567 = arith.constant 0 : i32
      %dma_wait3A_568 = tpu.memref_slice %arg9[%dma_wait3A_560, %dma_wait3A_567] : memref<32x32xf32, #tpu.memory_space<vmem>> -> memref<1x32xf32, #tpu.memory_space<vmem>>
      %dma_wait3A_569 = tpu.memref_squeeze %dma_wait3A_568 : memref<1x32xf32, #tpu.memory_space<vmem>> -> memref<32xf32, #tpu.memory_space<vmem>>
      %dma_wait3A_570 = arith.constant 0 : i32
      %dma_wait3A_571 = tpu.memref_slice %arg3[%dma_wait3A_559, %add3A_84, %dma_wait3A_570] : memref<32x128x32xf32, #tpu.memory_space<hbm>> -> memref<1x1x32xf32, #tpu.memory_space<hbm>>
      %dma_wait3A_572 = tpu.memref_squeeze %dma_wait3A_571 : memref<1x1x32xf32, #tpu.memory_space<hbm>> -> memref<32xf32, #tpu.memory_space<hbm>>
      tpu.wait_dma2 semaphore(%arg14 : memref<!tpu.dma_semaphore, #tpu.memory_space<semaphore_mem>>) src(%dma_wait3A_572 : memref<32xf32, #tpu.memory_space<hbm>>) dst(%dma_wait3A_569 : memref<32xf32, #tpu.memory_space<vmem>>)
      %dma_wait3A_573 = arith.constant 3 : i32
      %dma_wait3A_574 = arith.constant 3 : i32
      %dma_wait3A_575 = arith.constant 0 : i32
      %dma_wait3A_576 = tpu.memref_slice %arg9[%dma_wait3A_574, %dma_wait3A_575] : memref<32x32xf32, #tpu.memory_space<vmem>> -> memref<1x32xf32, #tpu.memory_space<vmem>>
      %dma_wait3A_577 = tpu.memref_squeeze %dma_wait3A_576 : memref<1x32xf32, #tpu.memory_space<vmem>> -> memref<32xf32, #tpu.memory_space<vmem>>
      %dma_wait3A_578 = arith.constant 0 : i32
      %dma_wait3A_579 = tpu.memref_slice %arg3[%dma_wait3A_573, %add3A_84, %dma_wait3A_578] : memref<32x128x32xf32, #tpu.memory_space<hbm>> -> memref<1x1x32xf32, #tpu.memory_space<hbm>>
      %dma_wait3A_580 = tpu.memref_squeeze %dma_wait3A_579 : memref<1x1x32xf32, #tpu.memory_space<hbm>> -> memref<32xf32, #tpu.memory_space<hbm>>
      %dma_wait3A_581 = arith.constant 0 : i32
      %dma_wait3A_582 = tpu.memref_slice %arg9[%dma_wait3A_574, %dma_wait3A_581] : memref<32x32xf32, #tpu.memory_space<vmem>> -> memref<1x32xf32, #tpu.memory_space<vmem>>
      %dma_wait3A_583 = tpu.memref_squeeze %dma_wait3A_582 : memref<1x32xf32, #tpu.memory_space<vmem>> -> memref<32xf32, #tpu.memory_space<vmem>>
      %dma_wait3A_584 = arith.constant 0 : i32
      %dma_wait3A_585 = tpu.memref_slice %arg3[%dma_wait3A_573, %add3A_84, %dma_wait3A_584] : memref<32x128x32xf32, #tpu.memory_space<hbm>> -> memref<1x1x32xf32, #tpu.memory_space<hbm>>
      %dma_wait3A_586 = tpu.memref_squeeze %dma_wait3A_585 : memref<1x1x32xf32, #tpu.memory_space<hbm>> -> memref<32xf32, #tpu.memory_space<hbm>>
      tpu.wait_dma2 semaphore(%arg14 : memref<!tpu.dma_semaphore, #tpu.memory_space<semaphore_mem>>) src(%dma_wait3A_586 : memref<32xf32, #tpu.memory_space<hbm>>) dst(%dma_wait3A_583 : memref<32xf32, #tpu.memory_space<vmem>>)
      %dma_wait3A_587 = arith.constant 4 : i32
      %dma_wait3A_588 = arith.constant 4 : i32
      %dma_wait3A_589 = arith.constant 0 : i32
      %dma_wait3A_590 = tpu.memref_slice %arg9[%dma_wait3A_588, %dma_wait3A_589] : memref<32x32xf32, #tpu.memory_space<vmem>> -> memref<1x32xf32, #tpu.memory_space<vmem>>
      %dma_wait3A_591 = tpu.memref_squeeze %dma_wait3A_590 : memref<1x32xf32, #tpu.memory_space<vmem>> -> memref<32xf32, #tpu.memory_space<vmem>>
      %dma_wait3A_592 = arith.constant 0 : i32
      %dma_wait3A_593 = tpu.memref_slice %arg3[%dma_wait3A_587, %add3A_84, %dma_wait3A_592] : memref<32x128x32xf32, #tpu.memory_space<hbm>> -> memref<1x1x32xf32, #tpu.memory_space<hbm>>
      %dma_wait3A_594 = tpu.memref_squeeze %dma_wait3A_593 : memref<1x1x32xf32, #tpu.memory_space<hbm>> -> memref<32xf32, #tpu.memory_space<hbm>>
      %dma_wait3A_595 = arith.constant 0 : i32
      %dma_wait3A_596 = tpu.memref_slice %arg9[%dma_wait3A_588, %dma_wait3A_595] : memref<32x32xf32, #tpu.memory_space<vmem>> -> memref<1x32xf32, #tpu.memory_space<vmem>>
      %dma_wait3A_597 = tpu.memref_squeeze %dma_wait3A_596 : memref<1x32xf32, #tpu.memory_space<vmem>> -> memref<32xf32, #tpu.memory_space<vmem>>
      %dma_wait3A_598 = arith.constant 0 : i32
      %dma_wait3A_599 = tpu.memref_slice %arg3[%dma_wait3A_587, %add3A_84, %dma_wait3A_598] : memref<32x128x32xf32, #tpu.memory_space<hbm>> -> memref<1x1x32xf32, #tpu.memory_space<hbm>>
      %dma_wait3A_600 = tpu.memref_squeeze %dma_wait3A_599 : memref<1x1x32xf32, #tpu.memory_space<hbm>> -> memref<32xf32, #tpu.memory_space<hbm>>
      tpu.wait_dma2 semaphore(%arg14 : memref<!tpu.dma_semaphore, #tpu.memory_space<semaphore_mem>>) src(%dma_wait3A_600 : memref<32xf32, #tpu.memory_space<hbm>>) dst(%dma_wait3A_597 : memref<32xf32, #tpu.memory_space<vmem>>)
      %dma_wait3A_601 = arith.constant 5 : i32
      %dma_wait3A_602 = arith.constant 5 : i32
      %dma_wait3A_603 = arith.constant 0 : i32
      %dma_wait3A_604 = tpu.memref_slice %arg9[%dma_wait3A_602, %dma_wait3A_603] : memref<32x32xf32, #tpu.memory_space<vmem>> -> memref<1x32xf32, #tpu.memory_space<vmem>>
      %dma_wait3A_605 = tpu.memref_squeeze %dma_wait3A_604 : memref<1x32xf32, #tpu.memory_space<vmem>> -> memref<32xf32, #tpu.memory_space<vmem>>
      %dma_wait3A_606 = arith.constant 0 : i32
      %dma_wait3A_607 = tpu.memref_slice %arg3[%dma_wait3A_601, %add3A_84, %dma_wait3A_606] : memref<32x128x32xf32, #tpu.memory_space<hbm>> -> memref<1x1x32xf32, #tpu.memory_space<hbm>>
      %dma_wait3A_608 = tpu.memref_squeeze %dma_wait3A_607 : memref<1x1x32xf32, #tpu.memory_space<hbm>> -> memref<32xf32, #tpu.memory_space<hbm>>
      %dma_wait3A_609 = arith.constant 0 : i32
      %dma_wait3A_610 = tpu.memref_slice %arg9[%dma_wait3A_602, %dma_wait3A_609] : memref<32x32xf32, #tpu.memory_space<vmem>> -> memref<1x32xf32, #tpu.memory_space<vmem>>
      %dma_wait3A_611 = tpu.memref_squeeze %dma_wait3A_610 : memref<1x32xf32, #tpu.memory_space<vmem>> -> memref<32xf32, #tpu.memory_space<vmem>>
      %dma_wait3A_612 = arith.constant 0 : i32
      %dma_wait3A_613 = tpu.memref_slice %arg3[%dma_wait3A_601, %add3A_84, %dma_wait3A_612] : memref<32x128x32xf32, #tpu.memory_space<hbm>> -> memref<1x1x32xf32, #tpu.memory_space<hbm>>
      %dma_wait3A_614 = tpu.memref_squeeze %dma_wait3A_613 : memref<1x1x32xf32, #tpu.memory_space<hbm>> -> memref<32xf32, #tpu.memory_space<hbm>>
      tpu.wait_dma2 semaphore(%arg14 : memref<!tpu.dma_semaphore, #tpu.memory_space<semaphore_mem>>) src(%dma_wait3A_614 : memref<32xf32, #tpu.memory_space<hbm>>) dst(%dma_wait3A_611 : memref<32xf32, #tpu.memory_space<vmem>>)
      %dma_wait3A_615 = arith.constant 6 : i32
      %dma_wait3A_616 = arith.constant 6 : i32
      %dma_wait3A_617 = arith.constant 0 : i32
      %dma_wait3A_618 = tpu.memref_slice %arg9[%dma_wait3A_616, %dma_wait3A_617] : memref<32x32xf32, #tpu.memory_space<vmem>> -> memref<1x32xf32, #tpu.memory_space<vmem>>
      %dma_wait3A_619 = tpu.memref_squeeze %dma_wait3A_618 : memref<1x32xf32, #tpu.memory_space<vmem>> -> memref<32xf32, #tpu.memory_space<vmem>>
      %dma_wait3A_620 = arith.constant 0 : i32
      %dma_wait3A_621 = tpu.memref_slice %arg3[%dma_wait3A_615, %add3A_84, %dma_wait3A_620] : memref<32x128x32xf32, #tpu.memory_space<hbm>> -> memref<1x1x32xf32, #tpu.memory_space<hbm>>
      %dma_wait3A_622 = tpu.memref_squeeze %dma_wait3A_621 : memref<1x1x32xf32, #tpu.memory_space<hbm>> -> memref<32xf32, #tpu.memory_space<hbm>>
      %dma_wait3A_623 = arith.constant 0 : i32
      %dma_wait3A_624 = tpu.memref_slice %arg9[%dma_wait3A_616, %dma_wait3A_623] : memref<32x32xf32, #tpu.memory_space<vmem>> -> memref<1x32xf32, #tpu.memory_space<vmem>>
      %dma_wait3A_625 = tpu.memref_squeeze %dma_wait3A_624 : memref<1x32xf32, #tpu.memory_space<vmem>> -> memref<32xf32, #tpu.memory_space<vmem>>
      %dma_wait3A_626 = arith.constant 0 : i32
      %dma_wait3A_627 = tpu.memref_slice %arg3[%dma_wait3A_615, %add3A_84, %dma_wait3A_626] : memref<32x128x32xf32, #tpu.memory_space<hbm>> -> memref<1x1x32xf32, #tpu.memory_space<hbm>>
      %dma_wait3A_628 = tpu.memref_squeeze %dma_wait3A_627 : memref<1x1x32xf32, #tpu.memory_space<hbm>> -> memref<32xf32, #tpu.memory_space<hbm>>
      tpu.wait_dma2 semaphore(%arg14 : memref<!tpu.dma_semaphore, #tpu.memory_space<semaphore_mem>>) src(%dma_wait3A_628 : memref<32xf32, #tpu.memory_space<hbm>>) dst(%dma_wait3A_625 : memref<32xf32, #tpu.memory_space<vmem>>)
      %dma_wait3A_629 = arith.constant 7 : i32
      %dma_wait3A_630 = arith.constant 7 : i32
      %dma_wait3A_631 = arith.constant 0 : i32
      %dma_wait3A_632 = tpu.memref_slice %arg9[%dma_wait3A_630, %dma_wait3A_631] : memref<32x32xf32, #tpu.memory_space<vmem>> -> memref<1x32xf32, #tpu.memory_space<vmem>>
      %dma_wait3A_633 = tpu.memref_squeeze %dma_wait3A_632 : memref<1x32xf32, #tpu.memory_space<vmem>> -> memref<32xf32, #tpu.memory_space<vmem>>
      %dma_wait3A_634 = arith.constant 0 : i32
      %dma_wait3A_635 = tpu.memref_slice %arg3[%dma_wait3A_629, %add3A_84, %dma_wait3A_634] : memref<32x128x32xf32, #tpu.memory_space<hbm>> -> memref<1x1x32xf32, #tpu.memory_space<hbm>>
      %dma_wait3A_636 = tpu.memref_squeeze %dma_wait3A_635 : memref<1x1x32xf32, #tpu.memory_space<hbm>> -> memref<32xf32, #tpu.memory_space<hbm>>
      %dma_wait3A_637 = arith.constant 0 : i32
      %dma_wait3A_638 = tpu.memref_slice %arg9[%dma_wait3A_630, %dma_wait3A_637] : memref<32x32xf32, #tpu.memory_space<vmem>> -> memref<1x32xf32, #tpu.memory_space<vmem>>
      %dma_wait3A_639 = tpu.memref_squeeze %dma_wait3A_638 : memref<1x32xf32, #tpu.memory_space<vmem>> -> memref<32xf32, #tpu.memory_space<vmem>>
      %dma_wait3A_640 = arith.constant 0 : i32
      %dma_wait3A_641 = tpu.memref_slice %arg3[%dma_wait3A_629, %add3A_84, %dma_wait3A_640] : memref<32x128x32xf32, #tpu.memory_space<hbm>> -> memref<1x1x32xf32, #tpu.memory_space<hbm>>
      %dma_wait3A_642 = tpu.memref_squeeze %dma_wait3A_641 : memref<1x1x32xf32, #tpu.memory_space<hbm>> -> memref<32xf32, #tpu.memory_space<hbm>>
      tpu.wait_dma2 semaphore(%arg14 : memref<!tpu.dma_semaphore, #tpu.memory_space<semaphore_mem>>) src(%dma_wait3A_642 : memref<32xf32, #tpu.memory_space<hbm>>) dst(%dma_wait3A_639 : memref<32xf32, #tpu.memory_space<vmem>>)
      %dma_wait3A_643 = arith.constant 8 : i32
      %dma_wait3A_644 = arith.constant 8 : i32
      %dma_wait3A_645 = arith.constant 0 : i32
      %dma_wait3A_646 = tpu.memref_slice %arg9[%dma_wait3A_644, %dma_wait3A_645] : memref<32x32xf32, #tpu.memory_space<vmem>> -> memref<1x32xf32, #tpu.memory_space<vmem>>
      %dma_wait3A_647 = tpu.memref_squeeze %dma_wait3A_646 : memref<1x32xf32, #tpu.memory_space<vmem>> -> memref<32xf32, #tpu.memory_space<vmem>>
      %dma_wait3A_648 = arith.constant 0 : i32
      %dma_wait3A_649 = tpu.memref_slice %arg3[%dma_wait3A_643, %add3A_84, %dma_wait3A_648] : memref<32x128x32xf32, #tpu.memory_space<hbm>> -> memref<1x1x32xf32, #tpu.memory_space<hbm>>
      %dma_wait3A_650 = tpu.memref_squeeze %dma_wait3A_649 : memref<1x1x32xf32, #tpu.memory_space<hbm>> -> memref<32xf32, #tpu.memory_space<hbm>>
      %dma_wait3A_651 = arith.constant 0 : i32
      %dma_wait3A_652 = tpu.memref_slice %arg9[%dma_wait3A_644, %dma_wait3A_651] : memref<32x32xf32, #tpu.memory_space<vmem>> -> memref<1x32xf32, #tpu.memory_space<vmem>>
      %dma_wait3A_653 = tpu.memref_squeeze %dma_wait3A_652 : memref<1x32xf32, #tpu.memory_space<vmem>> -> memref<32xf32, #tpu.memory_space<vmem>>
      %dma_wait3A_654 = arith.constant 0 : i32
      %dma_wait3A_655 = tpu.memref_slice %arg3[%dma_wait3A_643, %add3A_84, %dma_wait3A_654] : memref<32x128x32xf32, #tpu.memory_space<hbm>> -> memref<1x1x32xf32, #tpu.memory_space<hbm>>
      %dma_wait3A_656 = tpu.memref_squeeze %dma_wait3A_655 : memref<1x1x32xf32, #tpu.memory_space<hbm>> -> memref<32xf32, #tpu.memory_space<hbm>>
      tpu.wait_dma2 semaphore(%arg14 : memref<!tpu.dma_semaphore, #tpu.memory_space<semaphore_mem>>) src(%dma_wait3A_656 : memref<32xf32, #tpu.memory_space<hbm>>) dst(%dma_wait3A_653 : memref<32xf32, #tpu.memory_space<vmem>>)
      %dma_wait3A_657 = arith.constant 9 : i32
      %dma_wait3A_658 = arith.constant 9 : i32
      %dma_wait3A_659 = arith.constant 0 : i32
      %dma_wait3A_660 = tpu.memref_slice %arg9[%dma_wait3A_658, %dma_wait3A_659] : memref<32x32xf32, #tpu.memory_space<vmem>> -> memref<1x32xf32, #tpu.memory_space<vmem>>
      %dma_wait3A_661 = tpu.memref_squeeze %dma_wait3A_660 : memref<1x32xf32, #tpu.memory_space<vmem>> -> memref<32xf32, #tpu.memory_space<vmem>>
      %dma_wait3A_662 = arith.constant 0 : i32
      %dma_wait3A_663 = tpu.memref_slice %arg3[%dma_wait3A_657, %add3A_84, %dma_wait3A_662] : memref<32x128x32xf32, #tpu.memory_space<hbm>> -> memref<1x1x32xf32, #tpu.memory_space<hbm>>
      %dma_wait3A_664 = tpu.memref_squeeze %dma_wait3A_663 : memref<1x1x32xf32, #tpu.memory_space<hbm>> -> memref<32xf32, #tpu.memory_space<hbm>>
      %dma_wait3A_665 = arith.constant 0 : i32
      %dma_wait3A_666 = tpu.memref_slice %arg9[%dma_wait3A_658, %dma_wait3A_665] : memref<32x32xf32, #tpu.memory_space<vmem>> -> memref<1x32xf32, #tpu.memory_space<vmem>>
      %dma_wait3A_667 = tpu.memref_squeeze %dma_wait3A_666 : memref<1x32xf32, #tpu.memory_space<vmem>> -> memref<32xf32, #tpu.memory_space<vmem>>
      %dma_wait3A_668 = arith.constant 0 : i32
      %dma_wait3A_669 = tpu.memref_slice %arg3[%dma_wait3A_657, %add3A_84, %dma_wait3A_668] : memref<32x128x32xf32, #tpu.memory_space<hbm>> -> memref<1x1x32xf32, #tpu.memory_space<hbm>>
      %dma_wait3A_670 = tpu.memref_squeeze %dma_wait3A_669 : memref<1x1x32xf32, #tpu.memory_space<hbm>> -> memref<32xf32, #tpu.memory_space<hbm>>
      tpu.wait_dma2 semaphore(%arg14 : memref<!tpu.dma_semaphore, #tpu.memory_space<semaphore_mem>>) src(%dma_wait3A_670 : memref<32xf32, #tpu.memory_space<hbm>>) dst(%dma_wait3A_667 : memref<32xf32, #tpu.memory_space<vmem>>)
      %dma_wait3A_671 = arith.constant 10 : i32
      %dma_wait3A_672 = arith.constant 10 : i32
      %dma_wait3A_673 = arith.constant 0 : i32
      %dma_wait3A_674 = tpu.memref_slice %arg9[%dma_wait3A_672, %dma_wait3A_673] : memref<32x32xf32, #tpu.memory_space<vmem>> -> memref<1x32xf32, #tpu.memory_space<vmem>>
      %dma_wait3A_675 = tpu.memref_squeeze %dma_wait3A_674 : memref<1x32xf32, #tpu.memory_space<vmem>> -> memref<32xf32, #tpu.memory_space<vmem>>
      %dma_wait3A_676 = arith.constant 0 : i32
      %dma_wait3A_677 = tpu.memref_slice %arg3[%dma_wait3A_671, %add3A_84, %dma_wait3A_676] : memref<32x128x32xf32, #tpu.memory_space<hbm>> -> memref<1x1x32xf32, #tpu.memory_space<hbm>>
      %dma_wait3A_678 = tpu.memref_squeeze %dma_wait3A_677 : memref<1x1x32xf32, #tpu.memory_space<hbm>> -> memref<32xf32, #tpu.memory_space<hbm>>
      %dma_wait3A_679 = arith.constant 0 : i32
      %dma_wait3A_680 = tpu.memref_slice %arg9[%dma_wait3A_672, %dma_wait3A_679] : memref<32x32xf32, #tpu.memory_space<vmem>> -> memref<1x32xf32, #tpu.memory_space<vmem>>
      %dma_wait3A_681 = tpu.memref_squeeze %dma_wait3A_680 : memref<1x32xf32, #tpu.memory_space<vmem>> -> memref<32xf32, #tpu.memory_space<vmem>>
      %dma_wait3A_682 = arith.constant 0 : i32
      %dma_wait3A_683 = tpu.memref_slice %arg3[%dma_wait3A_671, %add3A_84, %dma_wait3A_682] : memref<32x128x32xf32, #tpu.memory_space<hbm>> -> memref<1x1x32xf32, #tpu.memory_space<hbm>>
      %dma_wait3A_684 = tpu.memref_squeeze %dma_wait3A_683 : memref<1x1x32xf32, #tpu.memory_space<hbm>> -> memref<32xf32, #tpu.memory_space<hbm>>
      tpu.wait_dma2 semaphore(%arg14 : memref<!tpu.dma_semaphore, #tpu.memory_space<semaphore_mem>>) src(%dma_wait3A_684 : memref<32xf32, #tpu.memory_space<hbm>>) dst(%dma_wait3A_681 : memref<32xf32, #tpu.memory_space<vmem>>)
      %dma_wait3A_685 = arith.constant 11 : i32
      %dma_wait3A_686 = arith.constant 11 : i32
      %dma_wait3A_687 = arith.constant 0 : i32
      %dma_wait3A_688 = tpu.memref_slice %arg9[%dma_wait3A_686, %dma_wait3A_687] : memref<32x32xf32, #tpu.memory_space<vmem>> -> memref<1x32xf32, #tpu.memory_space<vmem>>
      %dma_wait3A_689 = tpu.memref_squeeze %dma_wait3A_688 : memref<1x32xf32, #tpu.memory_space<vmem>> -> memref<32xf32, #tpu.memory_space<vmem>>
      %dma_wait3A_690 = arith.constant 0 : i32
      %dma_wait3A_691 = tpu.memref_slice %arg3[%dma_wait3A_685, %add3A_84, %dma_wait3A_690] : memref<32x128x32xf32, #tpu.memory_space<hbm>> -> memref<1x1x32xf32, #tpu.memory_space<hbm>>
      %dma_wait3A_692 = tpu.memref_squeeze %dma_wait3A_691 : memref<1x1x32xf32, #tpu.memory_space<hbm>> -> memref<32xf32, #tpu.memory_space<hbm>>
      %dma_wait3A_693 = arith.constant 0 : i32
      %dma_wait3A_694 = tpu.memref_slice %arg9[%dma_wait3A_686, %dma_wait3A_693] : memref<32x32xf32, #tpu.memory_space<vmem>> -> memref<1x32xf32, #tpu.memory_space<vmem>>
      %dma_wait3A_695 = tpu.memref_squeeze %dma_wait3A_694 : memref<1x32xf32, #tpu.memory_space<vmem>> -> memref<32xf32, #tpu.memory_space<vmem>>
      %dma_wait3A_696 = arith.constant 0 : i32
      %dma_wait3A_697 = tpu.memref_slice %arg3[%dma_wait3A_685, %add3A_84, %dma_wait3A_696] : memref<32x128x32xf32, #tpu.memory_space<hbm>> -> memref<1x1x32xf32, #tpu.memory_space<hbm>>
      %dma_wait3A_698 = tpu.memref_squeeze %dma_wait3A_697 : memref<1x1x32xf32, #tpu.memory_space<hbm>> -> memref<32xf32, #tpu.memory_space<hbm>>
      tpu.wait_dma2 semaphore(%arg14 : memref<!tpu.dma_semaphore, #tpu.memory_space<semaphore_mem>>) src(%dma_wait3A_698 : memref<32xf32, #tpu.memory_space<hbm>>) dst(%dma_wait3A_695 : memref<32xf32, #tpu.memory_space<vmem>>)
      %dma_wait3A_699 = arith.constant 12 : i32
      %dma_wait3A_700 = arith.constant 12 : i32
      %dma_wait3A_701 = arith.constant 0 : i32
      %dma_wait3A_702 = tpu.memref_slice %arg9[%dma_wait3A_700, %dma_wait3A_701] : memref<32x32xf32, #tpu.memory_space<vmem>> -> memref<1x32xf32, #tpu.memory_space<vmem>>
      %dma_wait3A_703 = tpu.memref_squeeze %dma_wait3A_702 : memref<1x32xf32, #tpu.memory_space<vmem>> -> memref<32xf32, #tpu.memory_space<vmem>>
      %dma_wait3A_704 = arith.constant 0 : i32
      %dma_wait3A_705 = tpu.memref_slice %arg3[%dma_wait3A_699, %add3A_84, %dma_wait3A_704] : memref<32x128x32xf32, #tpu.memory_space<hbm>> -> memref<1x1x32xf32, #tpu.memory_space<hbm>>
      %dma_wait3A_706 = tpu.memref_squeeze %dma_wait3A_705 : memref<1x1x32xf32, #tpu.memory_space<hbm>> -> memref<32xf32, #tpu.memory_space<hbm>>
      %dma_wait3A_707 = arith.constant 0 : i32
      %dma_wait3A_708 = tpu.memref_slice %arg9[%dma_wait3A_700, %dma_wait3A_707] : memref<32x32xf32, #tpu.memory_space<vmem>> -> memref<1x32xf32, #tpu.memory_space<vmem>>
      %dma_wait3A_709 = tpu.memref_squeeze %dma_wait3A_708 : memref<1x32xf32, #tpu.memory_space<vmem>> -> memref<32xf32, #tpu.memory_space<vmem>>
      %dma_wait3A_710 = arith.constant 0 : i32
      %dma_wait3A_711 = tpu.memref_slice %arg3[%dma_wait3A_699, %add3A_84, %dma_wait3A_710] : memref<32x128x32xf32, #tpu.memory_space<hbm>> -> memref<1x1x32xf32, #tpu.memory_space<hbm>>
      %dma_wait3A_712 = tpu.memref_squeeze %dma_wait3A_711 : memref<1x1x32xf32, #tpu.memory_space<hbm>> -> memref<32xf32, #tpu.memory_space<hbm>>
      tpu.wait_dma2 semaphore(%arg14 : memref<!tpu.dma_semaphore, #tpu.memory_space<semaphore_mem>>) src(%dma_wait3A_712 : memref<32xf32, #tpu.memory_space<hbm>>) dst(%dma_wait3A_709 : memref<32xf32, #tpu.memory_space<vmem>>)
      %dma_wait3A_713 = arith.constant 13 : i32
      %dma_wait3A_714 = arith.constant 13 : i32
      %dma_wait3A_715 = arith.constant 0 : i32
      %dma_wait3A_716 = tpu.memref_slice %arg9[%dma_wait3A_714, %dma_wait3A_715] : memref<32x32xf32, #tpu.memory_space<vmem>> -> memref<1x32xf32, #tpu.memory_space<vmem>>
      %dma_wait3A_717 = tpu.memref_squeeze %dma_wait3A_716 : memref<1x32xf32, #tpu.memory_space<vmem>> -> memref<32xf32, #tpu.memory_space<vmem>>
      %dma_wait3A_718 = arith.constant 0 : i32
      %dma_wait3A_719 = tpu.memref_slice %arg3[%dma_wait3A_713, %add3A_84, %dma_wait3A_718] : memref<32x128x32xf32, #tpu.memory_space<hbm>> -> memref<1x1x32xf32, #tpu.memory_space<hbm>>
      %dma_wait3A_720 = tpu.memref_squeeze %dma_wait3A_719 : memref<1x1x32xf32, #tpu.memory_space<hbm>> -> memref<32xf32, #tpu.memory_space<hbm>>
      %dma_wait3A_721 = arith.constant 0 : i32
      %dma_wait3A_722 = tpu.memref_slice %arg9[%dma_wait3A_714, %dma_wait3A_721] : memref<32x32xf32, #tpu.memory_space<vmem>> -> memref<1x32xf32, #tpu.memory_space<vmem>>
      %dma_wait3A_723 = tpu.memref_squeeze %dma_wait3A_722 : memref<1x32xf32, #tpu.memory_space<vmem>> -> memref<32xf32, #tpu.memory_space<vmem>>
      %dma_wait3A_724 = arith.constant 0 : i32
      %dma_wait3A_725 = tpu.memref_slice %arg3[%dma_wait3A_713, %add3A_84, %dma_wait3A_724] : memref<32x128x32xf32, #tpu.memory_space<hbm>> -> memref<1x1x32xf32, #tpu.memory_space<hbm>>
      %dma_wait3A_726 = tpu.memref_squeeze %dma_wait3A_725 : memref<1x1x32xf32, #tpu.memory_space<hbm>> -> memref<32xf32, #tpu.memory_space<hbm>>
      tpu.wait_dma2 semaphore(%arg14 : memref<!tpu.dma_semaphore, #tpu.memory_space<semaphore_mem>>) src(%dma_wait3A_726 : memref<32xf32, #tpu.memory_space<hbm>>) dst(%dma_wait3A_723 : memref<32xf32, #tpu.memory_space<vmem>>)
      %dma_wait3A_727 = arith.constant 14 : i32
      %dma_wait3A_728 = arith.constant 14 : i32
      %dma_wait3A_729 = arith.constant 0 : i32
      %dma_wait3A_730 = tpu.memref_slice %arg9[%dma_wait3A_728, %dma_wait3A_729] : memref<32x32xf32, #tpu.memory_space<vmem>> -> memref<1x32xf32, #tpu.memory_space<vmem>>
      %dma_wait3A_731 = tpu.memref_squeeze %dma_wait3A_730 : memref<1x32xf32, #tpu.memory_space<vmem>> -> memref<32xf32, #tpu.memory_space<vmem>>
      %dma_wait3A_732 = arith.constant 0 : i32
      %dma_wait3A_733 = tpu.memref_slice %arg3[%dma_wait3A_727, %add3A_84, %dma_wait3A_732] : memref<32x128x32xf32, #tpu.memory_space<hbm>> -> memref<1x1x32xf32, #tpu.memory_space<hbm>>
      %dma_wait3A_734 = tpu.memref_squeeze %dma_wait3A_733 : memref<1x1x32xf32, #tpu.memory_space<hbm>> -> memref<32xf32, #tpu.memory_space<hbm>>
      %dma_wait3A_735 = arith.constant 0 : i32
      %dma_wait3A_736 = tpu.memref_slice %arg9[%dma_wait3A_728, %dma_wait3A_735] : memref<32x32xf32, #tpu.memory_space<vmem>> -> memref<1x32xf32, #tpu.memory_space<vmem>>
      %dma_wait3A_737 = tpu.memref_squeeze %dma_wait3A_736 : memref<1x32xf32, #tpu.memory_space<vmem>> -> memref<32xf32, #tpu.memory_space<vmem>>
      %dma_wait3A_738 = arith.constant 0 : i32
      %dma_wait3A_739 = tpu.memref_slice %arg3[%dma_wait3A_727, %add3A_84, %dma_wait3A_738] : memref<32x128x32xf32, #tpu.memory_space<hbm>> -> memref<1x1x32xf32, #tpu.memory_space<hbm>>
      %dma_wait3A_740 = tpu.memref_squeeze %dma_wait3A_739 : memref<1x1x32xf32, #tpu.memory_space<hbm>> -> memref<32xf32, #tpu.memory_space<hbm>>
      tpu.wait_dma2 semaphore(%arg14 : memref<!tpu.dma_semaphore, #tpu.memory_space<semaphore_mem>>) src(%dma_wait3A_740 : memref<32xf32, #tpu.memory_space<hbm>>) dst(%dma_wait3A_737 : memref<32xf32, #tpu.memory_space<vmem>>)
      %dma_wait3A_741 = arith.constant 15 : i32
      %dma_wait3A_742 = arith.constant 15 : i32
      %dma_wait3A_743 = arith.constant 0 : i32
      %dma_wait3A_744 = tpu.memref_slice %arg9[%dma_wait3A_742, %dma_wait3A_743] : memref<32x32xf32, #tpu.memory_space<vmem>> -> memref<1x32xf32, #tpu.memory_space<vmem>>
      %dma_wait3A_745 = tpu.memref_squeeze %dma_wait3A_744 : memref<1x32xf32, #tpu.memory_space<vmem>> -> memref<32xf32, #tpu.memory_space<vmem>>
      %dma_wait3A_746 = arith.constant 0 : i32
      %dma_wait3A_747 = tpu.memref_slice %arg3[%dma_wait3A_741, %add3A_84, %dma_wait3A_746] : memref<32x128x32xf32, #tpu.memory_space<hbm>> -> memref<1x1x32xf32, #tpu.memory_space<hbm>>
      %dma_wait3A_748 = tpu.memref_squeeze %dma_wait3A_747 : memref<1x1x32xf32, #tpu.memory_space<hbm>> -> memref<32xf32, #tpu.memory_space<hbm>>
      %dma_wait3A_749 = arith.constant 0 : i32
      %dma_wait3A_750 = tpu.memref_slice %arg9[%dma_wait3A_742, %dma_wait3A_749] : memref<32x32xf32, #tpu.memory_space<vmem>> -> memref<1x32xf32, #tpu.memory_space<vmem>>
      %dma_wait3A_751 = tpu.memref_squeeze %dma_wait3A_750 : memref<1x32xf32, #tpu.memory_space<vmem>> -> memref<32xf32, #tpu.memory_space<vmem>>
      %dma_wait3A_752 = arith.constant 0 : i32
      %dma_wait3A_753 = tpu.memref_slice %arg3[%dma_wait3A_741, %add3A_84, %dma_wait3A_752] : memref<32x128x32xf32, #tpu.memory_space<hbm>> -> memref<1x1x32xf32, #tpu.memory_space<hbm>>
      %dma_wait3A_754 = tpu.memref_squeeze %dma_wait3A_753 : memref<1x1x32xf32, #tpu.memory_space<hbm>> -> memref<32xf32, #tpu.memory_space<hbm>>
      tpu.wait_dma2 semaphore(%arg14 : memref<!tpu.dma_semaphore, #tpu.memory_space<semaphore_mem>>) src(%dma_wait3A_754 : memref<32xf32, #tpu.memory_space<hbm>>) dst(%dma_wait3A_751 : memref<32xf32, #tpu.memory_space<vmem>>)
      %dma_wait3A_755 = arith.constant 16 : i32
      %dma_wait3A_756 = arith.constant 16 : i32
      %dma_wait3A_757 = arith.constant 0 : i32
      %dma_wait3A_758 = tpu.memref_slice %arg9[%dma_wait3A_756, %dma_wait3A_757] : memref<32x32xf32, #tpu.memory_space<vmem>> -> memref<1x32xf32, #tpu.memory_space<vmem>>
      %dma_wait3A_759 = tpu.memref_squeeze %dma_wait3A_758 : memref<1x32xf32, #tpu.memory_space<vmem>> -> memref<32xf32, #tpu.memory_space<vmem>>
      %dma_wait3A_760 = arith.constant 0 : i32
      %dma_wait3A_761 = tpu.memref_slice %arg3[%dma_wait3A_755, %add3A_84, %dma_wait3A_760] : memref<32x128x32xf32, #tpu.memory_space<hbm>> -> memref<1x1x32xf32, #tpu.memory_space<hbm>>
      %dma_wait3A_762 = tpu.memref_squeeze %dma_wait3A_761 : memref<1x1x32xf32, #tpu.memory_space<hbm>> -> memref<32xf32, #tpu.memory_space<hbm>>
      %dma_wait3A_763 = arith.constant 0 : i32
      %dma_wait3A_764 = tpu.memref_slice %arg9[%dma_wait3A_756, %dma_wait3A_763] : memref<32x32xf32, #tpu.memory_space<vmem>> -> memref<1x32xf32, #tpu.memory_space<vmem>>
      %dma_wait3A_765 = tpu.memref_squeeze %dma_wait3A_764 : memref<1x32xf32, #tpu.memory_space<vmem>> -> memref<32xf32, #tpu.memory_space<vmem>>
      %dma_wait3A_766 = arith.constant 0 : i32
      %dma_wait3A_767 = tpu.memref_slice %arg3[%dma_wait3A_755, %add3A_84, %dma_wait3A_766] : memref<32x128x32xf32, #tpu.memory_space<hbm>> -> memref<1x1x32xf32, #tpu.memory_space<hbm>>
      %dma_wait3A_768 = tpu.memref_squeeze %dma_wait3A_767 : memref<1x1x32xf32, #tpu.memory_space<hbm>> -> memref<32xf32, #tpu.memory_space<hbm>>
      tpu.wait_dma2 semaphore(%arg14 : memref<!tpu.dma_semaphore, #tpu.memory_space<semaphore_mem>>) src(%dma_wait3A_768 : memref<32xf32, #tpu.memory_space<hbm>>) dst(%dma_wait3A_765 : memref<32xf32, #tpu.memory_space<vmem>>)
      %dma_wait3A_769 = arith.constant 17 : i32
      %dma_wait3A_770 = arith.constant 17 : i32
      %dma_wait3A_771 = arith.constant 0 : i32
      %dma_wait3A_772 = tpu.memref_slice %arg9[%dma_wait3A_770, %dma_wait3A_771] : memref<32x32xf32, #tpu.memory_space<vmem>> -> memref<1x32xf32, #tpu.memory_space<vmem>>
      %dma_wait3A_773 = tpu.memref_squeeze %dma_wait3A_772 : memref<1x32xf32, #tpu.memory_space<vmem>> -> memref<32xf32, #tpu.memory_space<vmem>>
      %dma_wait3A_774 = arith.constant 0 : i32
      %dma_wait3A_775 = tpu.memref_slice %arg3[%dma_wait3A_769, %add3A_84, %dma_wait3A_774] : memref<32x128x32xf32, #tpu.memory_space<hbm>> -> memref<1x1x32xf32, #tpu.memory_space<hbm>>
      %dma_wait3A_776 = tpu.memref_squeeze %dma_wait3A_775 : memref<1x1x32xf32, #tpu.memory_space<hbm>> -> memref<32xf32, #tpu.memory_space<hbm>>
      %dma_wait3A_777 = arith.constant 0 : i32
      %dma_wait3A_778 = tpu.memref_slice %arg9[%dma_wait3A_770, %dma_wait3A_777] : memref<32x32xf32, #tpu.memory_space<vmem>> -> memref<1x32xf32, #tpu.memory_space<vmem>>
      %dma_wait3A_779 = tpu.memref_squeeze %dma_wait3A_778 : memref<1x32xf32, #tpu.memory_space<vmem>> -> memref<32xf32, #tpu.memory_space<vmem>>
      %dma_wait3A_780 = arith.constant 0 : i32
      %dma_wait3A_781 = tpu.memref_slice %arg3[%dma_wait3A_769, %add3A_84, %dma_wait3A_780] : memref<32x128x32xf32, #tpu.memory_space<hbm>> -> memref<1x1x32xf32, #tpu.memory_space<hbm>>
      %dma_wait3A_782 = tpu.memref_squeeze %dma_wait3A_781 : memref<1x1x32xf32, #tpu.memory_space<hbm>> -> memref<32xf32, #tpu.memory_space<hbm>>
      tpu.wait_dma2 semaphore(%arg14 : memref<!tpu.dma_semaphore, #tpu.memory_space<semaphore_mem>>) src(%dma_wait3A_782 : memref<32xf32, #tpu.memory_space<hbm>>) dst(%dma_wait3A_779 : memref<32xf32, #tpu.memory_space<vmem>>)
      %dma_wait3A_783 = arith.constant 18 : i32
      %dma_wait3A_784 = arith.constant 18 : i32
      %dma_wait3A_785 = arith.constant 0 : i32
      %dma_wait3A_786 = tpu.memref_slice %arg9[%dma_wait3A_784, %dma_wait3A_785] : memref<32x32xf32, #tpu.memory_space<vmem>> -> memref<1x32xf32, #tpu.memory_space<vmem>>
      %dma_wait3A_787 = tpu.memref_squeeze %dma_wait3A_786 : memref<1x32xf32, #tpu.memory_space<vmem>> -> memref<32xf32, #tpu.memory_space<vmem>>
      %dma_wait3A_788 = arith.constant 0 : i32
      %dma_wait3A_789 = tpu.memref_slice %arg3[%dma_wait3A_783, %add3A_84, %dma_wait3A_788] : memref<32x128x32xf32, #tpu.memory_space<hbm>> -> memref<1x1x32xf32, #tpu.memory_space<hbm>>
      %dma_wait3A_790 = tpu.memref_squeeze %dma_wait3A_789 : memref<1x1x32xf32, #tpu.memory_space<hbm>> -> memref<32xf32, #tpu.memory_space<hbm>>
      %dma_wait3A_791 = arith.constant 0 : i32
      %dma_wait3A_792 = tpu.memref_slice %arg9[%dma_wait3A_784, %dma_wait3A_791] : memref<32x32xf32, #tpu.memory_space<vmem>> -> memref<1x32xf32, #tpu.memory_space<vmem>>
      %dma_wait3A_793 = tpu.memref_squeeze %dma_wait3A_792 : memref<1x32xf32, #tpu.memory_space<vmem>> -> memref<32xf32, #tpu.memory_space<vmem>>
      %dma_wait3A_794 = arith.constant 0 : i32
      %dma_wait3A_795 = tpu.memref_slice %arg3[%dma_wait3A_783, %add3A_84, %dma_wait3A_794] : memref<32x128x32xf32, #tpu.memory_space<hbm>> -> memref<1x1x32xf32, #tpu.memory_space<hbm>>
      %dma_wait3A_796 = tpu.memref_squeeze %dma_wait3A_795 : memref<1x1x32xf32, #tpu.memory_space<hbm>> -> memref<32xf32, #tpu.memory_space<hbm>>
      tpu.wait_dma2 semaphore(%arg14 : memref<!tpu.dma_semaphore, #tpu.memory_space<semaphore_mem>>) src(%dma_wait3A_796 : memref<32xf32, #tpu.memory_space<hbm>>) dst(%dma_wait3A_793 : memref<32xf32, #tpu.memory_space<vmem>>)
      %dma_wait3A_797 = arith.constant 19 : i32
      %dma_wait3A_798 = arith.constant 19 : i32
      %dma_wait3A_799 = arith.constant 0 : i32
      %dma_wait3A_800 = tpu.memref_slice %arg9[%dma_wait3A_798, %dma_wait3A_799] : memref<32x32xf32, #tpu.memory_space<vmem>> -> memref<1x32xf32, #tpu.memory_space<vmem>>
      %dma_wait3A_801 = tpu.memref_squeeze %dma_wait3A_800 : memref<1x32xf32, #tpu.memory_space<vmem>> -> memref<32xf32, #tpu.memory_space<vmem>>
      %dma_wait3A_802 = arith.constant 0 : i32
      %dma_wait3A_803 = tpu.memref_slice %arg3[%dma_wait3A_797, %add3A_84, %dma_wait3A_802] : memref<32x128x32xf32, #tpu.memory_space<hbm>> -> memref<1x1x32xf32, #tpu.memory_space<hbm>>
      %dma_wait3A_804 = tpu.memref_squeeze %dma_wait3A_803 : memref<1x1x32xf32, #tpu.memory_space<hbm>> -> memref<32xf32, #tpu.memory_space<hbm>>
      %dma_wait3A_805 = arith.constant 0 : i32
      %dma_wait3A_806 = tpu.memref_slice %arg9[%dma_wait3A_798, %dma_wait3A_805] : memref<32x32xf32, #tpu.memory_space<vmem>> -> memref<1x32xf32, #tpu.memory_space<vmem>>
      %dma_wait3A_807 = tpu.memref_squeeze %dma_wait3A_806 : memref<1x32xf32, #tpu.memory_space<vmem>> -> memref<32xf32, #tpu.memory_space<vmem>>
      %dma_wait3A_808 = arith.constant 0 : i32
      %dma_wait3A_809 = tpu.memref_slice %arg3[%dma_wait3A_797, %add3A_84, %dma_wait3A_808] : memref<32x128x32xf32, #tpu.memory_space<hbm>> -> memref<1x1x32xf32, #tpu.memory_space<hbm>>
      %dma_wait3A_810 = tpu.memref_squeeze %dma_wait3A_809 : memref<1x1x32xf32, #tpu.memory_space<hbm>> -> memref<32xf32, #tpu.memory_space<hbm>>
      tpu.wait_dma2 semaphore(%arg14 : memref<!tpu.dma_semaphore, #tpu.memory_space<semaphore_mem>>) src(%dma_wait3A_810 : memref<32xf32, #tpu.memory_space<hbm>>) dst(%dma_wait3A_807 : memref<32xf32, #tpu.memory_space<vmem>>)
      %dma_wait3A_811 = arith.constant 20 : i32
      %dma_wait3A_812 = arith.constant 20 : i32
      %dma_wait3A_813 = arith.constant 0 : i32
      %dma_wait3A_814 = tpu.memref_slice %arg9[%dma_wait3A_812, %dma_wait3A_813] : memref<32x32xf32, #tpu.memory_space<vmem>> -> memref<1x32xf32, #tpu.memory_space<vmem>>
      %dma_wait3A_815 = tpu.memref_squeeze %dma_wait3A_814 : memref<1x32xf32, #tpu.memory_space<vmem>> -> memref<32xf32, #tpu.memory_space<vmem>>
      %dma_wait3A_816 = arith.constant 0 : i32
      %dma_wait3A_817 = tpu.memref_slice %arg3[%dma_wait3A_811, %add3A_84, %dma_wait3A_816] : memref<32x128x32xf32, #tpu.memory_space<hbm>> -> memref<1x1x32xf32, #tpu.memory_space<hbm>>
      %dma_wait3A_818 = tpu.memref_squeeze %dma_wait3A_817 : memref<1x1x32xf32, #tpu.memory_space<hbm>> -> memref<32xf32, #tpu.memory_space<hbm>>
      %dma_wait3A_819 = arith.constant 0 : i32
      %dma_wait3A_820 = tpu.memref_slice %arg9[%dma_wait3A_812, %dma_wait3A_819] : memref<32x32xf32, #tpu.memory_space<vmem>> -> memref<1x32xf32, #tpu.memory_space<vmem>>
      %dma_wait3A_821 = tpu.memref_squeeze %dma_wait3A_820 : memref<1x32xf32, #tpu.memory_space<vmem>> -> memref<32xf32, #tpu.memory_space<vmem>>
      %dma_wait3A_822 = arith.constant 0 : i32
      %dma_wait3A_823 = tpu.memref_slice %arg3[%dma_wait3A_811, %add3A_84, %dma_wait3A_822] : memref<32x128x32xf32, #tpu.memory_space<hbm>> -> memref<1x1x32xf32, #tpu.memory_space<hbm>>
      %dma_wait3A_824 = tpu.memref_squeeze %dma_wait3A_823 : memref<1x1x32xf32, #tpu.memory_space<hbm>> -> memref<32xf32, #tpu.memory_space<hbm>>
      tpu.wait_dma2 semaphore(%arg14 : memref<!tpu.dma_semaphore, #tpu.memory_space<semaphore_mem>>) src(%dma_wait3A_824 : memref<32xf32, #tpu.memory_space<hbm>>) dst(%dma_wait3A_821 : memref<32xf32, #tpu.memory_space<vmem>>)
      %dma_wait3A_825 = arith.constant 21 : i32
      %dma_wait3A_826 = arith.constant 21 : i32
      %dma_wait3A_827 = arith.constant 0 : i32
      %dma_wait3A_828 = tpu.memref_slice %arg9[%dma_wait3A_826, %dma_wait3A_827] : memref<32x32xf32, #tpu.memory_space<vmem>> -> memref<1x32xf32, #tpu.memory_space<vmem>>
      %dma_wait3A_829 = tpu.memref_squeeze %dma_wait3A_828 : memref<1x32xf32, #tpu.memory_space<vmem>> -> memref<32xf32, #tpu.memory_space<vmem>>
      %dma_wait3A_830 = arith.constant 0 : i32
      %dma_wait3A_831 = tpu.memref_slice %arg3[%dma_wait3A_825, %add3A_84, %dma_wait3A_830] : memref<32x128x32xf32, #tpu.memory_space<hbm>> -> memref<1x1x32xf32, #tpu.memory_space<hbm>>
      %dma_wait3A_832 = tpu.memref_squeeze %dma_wait3A_831 : memref<1x1x32xf32, #tpu.memory_space<hbm>> -> memref<32xf32, #tpu.memory_space<hbm>>
      %dma_wait3A_833 = arith.constant 0 : i32
      %dma_wait3A_834 = tpu.memref_slice %arg9[%dma_wait3A_826, %dma_wait3A_833] : memref<32x32xf32, #tpu.memory_space<vmem>> -> memref<1x32xf32, #tpu.memory_space<vmem>>
      %dma_wait3A_835 = tpu.memref_squeeze %dma_wait3A_834 : memref<1x32xf32, #tpu.memory_space<vmem>> -> memref<32xf32, #tpu.memory_space<vmem>>
      %dma_wait3A_836 = arith.constant 0 : i32
      %dma_wait3A_837 = tpu.memref_slice %arg3[%dma_wait3A_825, %add3A_84, %dma_wait3A_836] : memref<32x128x32xf32, #tpu.memory_space<hbm>> -> memref<1x1x32xf32, #tpu.memory_space<hbm>>
      %dma_wait3A_838 = tpu.memref_squeeze %dma_wait3A_837 : memref<1x1x32xf32, #tpu.memory_space<hbm>> -> memref<32xf32, #tpu.memory_space<hbm>>
      tpu.wait_dma2 semaphore(%arg14 : memref<!tpu.dma_semaphore, #tpu.memory_space<semaphore_mem>>) src(%dma_wait3A_838 : memref<32xf32, #tpu.memory_space<hbm>>) dst(%dma_wait3A_835 : memref<32xf32, #tpu.memory_space<vmem>>)
      %dma_wait3A_839 = arith.constant 22 : i32
      %dma_wait3A_840 = arith.constant 22 : i32
      %dma_wait3A_841 = arith.constant 0 : i32
      %dma_wait3A_842 = tpu.memref_slice %arg9[%dma_wait3A_840, %dma_wait3A_841] : memref<32x32xf32, #tpu.memory_space<vmem>> -> memref<1x32xf32, #tpu.memory_space<vmem>>
      %dma_wait3A_843 = tpu.memref_squeeze %dma_wait3A_842 : memref<1x32xf32, #tpu.memory_space<vmem>> -> memref<32xf32, #tpu.memory_space<vmem>>
      %dma_wait3A_844 = arith.constant 0 : i32
      %dma_wait3A_845 = tpu.memref_slice %arg3[%dma_wait3A_839, %add3A_84, %dma_wait3A_844] : memref<32x128x32xf32, #tpu.memory_space<hbm>> -> memref<1x1x32xf32, #tpu.memory_space<hbm>>
      %dma_wait3A_846 = tpu.memref_squeeze %dma_wait3A_845 : memref<1x1x32xf32, #tpu.memory_space<hbm>> -> memref<32xf32, #tpu.memory_space<hbm>>
      %dma_wait3A_847 = arith.constant 0 : i32
      %dma_wait3A_848 = tpu.memref_slice %arg9[%dma_wait3A_840, %dma_wait3A_847] : memref<32x32xf32, #tpu.memory_space<vmem>> -> memref<1x32xf32, #tpu.memory_space<vmem>>
      %dma_wait3A_849 = tpu.memref_squeeze %dma_wait3A_848 : memref<1x32xf32, #tpu.memory_space<vmem>> -> memref<32xf32, #tpu.memory_space<vmem>>
      %dma_wait3A_850 = arith.constant 0 : i32
      %dma_wait3A_851 = tpu.memref_slice %arg3[%dma_wait3A_839, %add3A_84, %dma_wait3A_850] : memref<32x128x32xf32, #tpu.memory_space<hbm>> -> memref<1x1x32xf32, #tpu.memory_space<hbm>>
      %dma_wait3A_852 = tpu.memref_squeeze %dma_wait3A_851 : memref<1x1x32xf32, #tpu.memory_space<hbm>> -> memref<32xf32, #tpu.memory_space<hbm>>
      tpu.wait_dma2 semaphore(%arg14 : memref<!tpu.dma_semaphore, #tpu.memory_space<semaphore_mem>>) src(%dma_wait3A_852 : memref<32xf32, #tpu.memory_space<hbm>>) dst(%dma_wait3A_849 : memref<32xf32, #tpu.memory_space<vmem>>)
      %dma_wait3A_853 = arith.constant 23 : i32
      %dma_wait3A_854 = arith.constant 23 : i32
      %dma_wait3A_855 = arith.constant 0 : i32
      %dma_wait3A_856 = tpu.memref_slice %arg9[%dma_wait3A_854, %dma_wait3A_855] : memref<32x32xf32, #tpu.memory_space<vmem>> -> memref<1x32xf32, #tpu.memory_space<vmem>>
      %dma_wait3A_857 = tpu.memref_squeeze %dma_wait3A_856 : memref<1x32xf32, #tpu.memory_space<vmem>> -> memref<32xf32, #tpu.memory_space<vmem>>
      %dma_wait3A_858 = arith.constant 0 : i32
      %dma_wait3A_859 = tpu.memref_slice %arg3[%dma_wait3A_853, %add3A_84, %dma_wait3A_858] : memref<32x128x32xf32, #tpu.memory_space<hbm>> -> memref<1x1x32xf32, #tpu.memory_space<hbm>>
      %dma_wait3A_860 = tpu.memref_squeeze %dma_wait3A_859 : memref<1x1x32xf32, #tpu.memory_space<hbm>> -> memref<32xf32, #tpu.memory_space<hbm>>
      %dma_wait3A_861 = arith.constant 0 : i32
      %dma_wait3A_862 = tpu.memref_slice %arg9[%dma_wait3A_854, %dma_wait3A_861] : memref<32x32xf32, #tpu.memory_space<vmem>> -> memref<1x32xf32, #tpu.memory_space<vmem>>
      %dma_wait3A_863 = tpu.memref_squeeze %dma_wait3A_862 : memref<1x32xf32, #tpu.memory_space<vmem>> -> memref<32xf32, #tpu.memory_space<vmem>>
      %dma_wait3A_864 = arith.constant 0 : i32
      %dma_wait3A_865 = tpu.memref_slice %arg3[%dma_wait3A_853, %add3A_84, %dma_wait3A_864] : memref<32x128x32xf32, #tpu.memory_space<hbm>> -> memref<1x1x32xf32, #tpu.memory_space<hbm>>
      %dma_wait3A_866 = tpu.memref_squeeze %dma_wait3A_865 : memref<1x1x32xf32, #tpu.memory_space<hbm>> -> memref<32xf32, #tpu.memory_space<hbm>>
      tpu.wait_dma2 semaphore(%arg14 : memref<!tpu.dma_semaphore, #tpu.memory_space<semaphore_mem>>) src(%dma_wait3A_866 : memref<32xf32, #tpu.memory_space<hbm>>) dst(%dma_wait3A_863 : memref<32xf32, #tpu.memory_space<vmem>>)
      %dma_wait3A_867 = arith.constant 24 : i32
      %dma_wait3A_868 = arith.constant 24 : i32
      %dma_wait3A_869 = arith.constant 0 : i32
      %dma_wait3A_870 = tpu.memref_slice %arg9[%dma_wait3A_868, %dma_wait3A_869] : memref<32x32xf32, #tpu.memory_space<vmem>> -> memref<1x32xf32, #tpu.memory_space<vmem>>
      %dma_wait3A_871 = tpu.memref_squeeze %dma_wait3A_870 : memref<1x32xf32, #tpu.memory_space<vmem>> -> memref<32xf32, #tpu.memory_space<vmem>>
      %dma_wait3A_872 = arith.constant 0 : i32
      %dma_wait3A_873 = tpu.memref_slice %arg3[%dma_wait3A_867, %add3A_84, %dma_wait3A_872] : memref<32x128x32xf32, #tpu.memory_space<hbm>> -> memref<1x1x32xf32, #tpu.memory_space<hbm>>
      %dma_wait3A_874 = tpu.memref_squeeze %dma_wait3A_873 : memref<1x1x32xf32, #tpu.memory_space<hbm>> -> memref<32xf32, #tpu.memory_space<hbm>>
      %dma_wait3A_875 = arith.constant 0 : i32
      %dma_wait3A_876 = tpu.memref_slice %arg9[%dma_wait3A_868, %dma_wait3A_875] : memref<32x32xf32, #tpu.memory_space<vmem>> -> memref<1x32xf32, #tpu.memory_space<vmem>>
      %dma_wait3A_877 = tpu.memref_squeeze %dma_wait3A_876 : memref<1x32xf32, #tpu.memory_space<vmem>> -> memref<32xf32, #tpu.memory_space<vmem>>
      %dma_wait3A_878 = arith.constant 0 : i32
      %dma_wait3A_879 = tpu.memref_slice %arg3[%dma_wait3A_867, %add3A_84, %dma_wait3A_878] : memref<32x128x32xf32, #tpu.memory_space<hbm>> -> memref<1x1x32xf32, #tpu.memory_space<hbm>>
      %dma_wait3A_880 = tpu.memref_squeeze %dma_wait3A_879 : memref<1x1x32xf32, #tpu.memory_space<hbm>> -> memref<32xf32, #tpu.memory_space<hbm>>
      tpu.wait_dma2 semaphore(%arg14 : memref<!tpu.dma_semaphore, #tpu.memory_space<semaphore_mem>>) src(%dma_wait3A_880 : memref<32xf32, #tpu.memory_space<hbm>>) dst(%dma_wait3A_877 : memref<32xf32, #tpu.memory_space<vmem>>)
      %dma_wait3A_881 = arith.constant 25 : i32
      %dma_wait3A_882 = arith.constant 25 : i32
      %dma_wait3A_883 = arith.constant 0 : i32
      %dma_wait3A_884 = tpu.memref_slice %arg9[%dma_wait3A_882, %dma_wait3A_883] : memref<32x32xf32, #tpu.memory_space<vmem>> -> memref<1x32xf32, #tpu.memory_space<vmem>>
      %dma_wait3A_885 = tpu.memref_squeeze %dma_wait3A_884 : memref<1x32xf32, #tpu.memory_space<vmem>> -> memref<32xf32, #tpu.memory_space<vmem>>
      %dma_wait3A_886 = arith.constant 0 : i32
      %dma_wait3A_887 = tpu.memref_slice %arg3[%dma_wait3A_881, %add3A_84, %dma_wait3A_886] : memref<32x128x32xf32, #tpu.memory_space<hbm>> -> memref<1x1x32xf32, #tpu.memory_space<hbm>>
      %dma_wait3A_888 = tpu.memref_squeeze %dma_wait3A_887 : memref<1x1x32xf32, #tpu.memory_space<hbm>> -> memref<32xf32, #tpu.memory_space<hbm>>
      %dma_wait3A_889 = arith.constant 0 : i32
      %dma_wait3A_890 = tpu.memref_slice %arg9[%dma_wait3A_882, %dma_wait3A_889] : memref<32x32xf32, #tpu.memory_space<vmem>> -> memref<1x32xf32, #tpu.memory_space<vmem>>
      %dma_wait3A_891 = tpu.memref_squeeze %dma_wait3A_890 : memref<1x32xf32, #tpu.memory_space<vmem>> -> memref<32xf32, #tpu.memory_space<vmem>>
      %dma_wait3A_892 = arith.constant 0 : i32
      %dma_wait3A_893 = tpu.memref_slice %arg3[%dma_wait3A_881, %add3A_84, %dma_wait3A_892] : memref<32x128x32xf32, #tpu.memory_space<hbm>> -> memref<1x1x32xf32, #tpu.memory_space<hbm>>
      %dma_wait3A_894 = tpu.memref_squeeze %dma_wait3A_893 : memref<1x1x32xf32, #tpu.memory_space<hbm>> -> memref<32xf32, #tpu.memory_space<hbm>>
      tpu.wait_dma2 semaphore(%arg14 : memref<!tpu.dma_semaphore, #tpu.memory_space<semaphore_mem>>) src(%dma_wait3A_894 : memref<32xf32, #tpu.memory_space<hbm>>) dst(%dma_wait3A_891 : memref<32xf32, #tpu.memory_space<vmem>>)
      %dma_wait3A_895 = arith.constant 26 : i32
      %dma_wait3A_896 = arith.constant 26 : i32
      %dma_wait3A_897 = arith.constant 0 : i32
      %dma_wait3A_898 = tpu.memref_slice %arg9[%dma_wait3A_896, %dma_wait3A_897] : memref<32x32xf32, #tpu.memory_space<vmem>> -> memref<1x32xf32, #tpu.memory_space<vmem>>
      %dma_wait3A_899 = tpu.memref_squeeze %dma_wait3A_898 : memref<1x32xf32, #tpu.memory_space<vmem>> -> memref<32xf32, #tpu.memory_space<vmem>>
      %dma_wait3A_900 = arith.constant 0 : i32
      %dma_wait3A_901 = tpu.memref_slice %arg3[%dma_wait3A_895, %add3A_84, %dma_wait3A_900] : memref<32x128x32xf32, #tpu.memory_space<hbm>> -> memref<1x1x32xf32, #tpu.memory_space<hbm>>
      %dma_wait3A_902 = tpu.memref_squeeze %dma_wait3A_901 : memref<1x1x32xf32, #tpu.memory_space<hbm>> -> memref<32xf32, #tpu.memory_space<hbm>>
      %dma_wait3A_903 = arith.constant 0 : i32
      %dma_wait3A_904 = tpu.memref_slice %arg9[%dma_wait3A_896, %dma_wait3A_903] : memref<32x32xf32, #tpu.memory_space<vmem>> -> memref<1x32xf32, #tpu.memory_space<vmem>>
      %dma_wait3A_905 = tpu.memref_squeeze %dma_wait3A_904 : memref<1x32xf32, #tpu.memory_space<vmem>> -> memref<32xf32, #tpu.memory_space<vmem>>
      %dma_wait3A_906 = arith.constant 0 : i32
      %dma_wait3A_907 = tpu.memref_slice %arg3[%dma_wait3A_895, %add3A_84, %dma_wait3A_906] : memref<32x128x32xf32, #tpu.memory_space<hbm>> -> memref<1x1x32xf32, #tpu.memory_space<hbm>>
      %dma_wait3A_908 = tpu.memref_squeeze %dma_wait3A_907 : memref<1x1x32xf32, #tpu.memory_space<hbm>> -> memref<32xf32, #tpu.memory_space<hbm>>
      tpu.wait_dma2 semaphore(%arg14 : memref<!tpu.dma_semaphore, #tpu.memory_space<semaphore_mem>>) src(%dma_wait3A_908 : memref<32xf32, #tpu.memory_space<hbm>>) dst(%dma_wait3A_905 : memref<32xf32, #tpu.memory_space<vmem>>)
      %dma_wait3A_909 = arith.constant 27 : i32
      %dma_wait3A_910 = arith.constant 27 : i32
      %dma_wait3A_911 = arith.constant 0 : i32
      %dma_wait3A_912 = tpu.memref_slice %arg9[%dma_wait3A_910, %dma_wait3A_911] : memref<32x32xf32, #tpu.memory_space<vmem>> -> memref<1x32xf32, #tpu.memory_space<vmem>>
      %dma_wait3A_913 = tpu.memref_squeeze %dma_wait3A_912 : memref<1x32xf32, #tpu.memory_space<vmem>> -> memref<32xf32, #tpu.memory_space<vmem>>
      %dma_wait3A_914 = arith.constant 0 : i32
      %dma_wait3A_915 = tpu.memref_slice %arg3[%dma_wait3A_909, %add3A_84, %dma_wait3A_914] : memref<32x128x32xf32, #tpu.memory_space<hbm>> -> memref<1x1x32xf32, #tpu.memory_space<hbm>>
      %dma_wait3A_916 = tpu.memref_squeeze %dma_wait3A_915 : memref<1x1x32xf32, #tpu.memory_space<hbm>> -> memref<32xf32, #tpu.memory_space<hbm>>
      %dma_wait3A_917 = arith.constant 0 : i32
      %dma_wait3A_918 = tpu.memref_slice %arg9[%dma_wait3A_910, %dma_wait3A_917] : memref<32x32xf32, #tpu.memory_space<vmem>> -> memref<1x32xf32, #tpu.memory_space<vmem>>
      %dma_wait3A_919 = tpu.memref_squeeze %dma_wait3A_918 : memref<1x32xf32, #tpu.memory_space<vmem>> -> memref<32xf32, #tpu.memory_space<vmem>>
      %dma_wait3A_920 = arith.constant 0 : i32
      %dma_wait3A_921 = tpu.memref_slice %arg3[%dma_wait3A_909, %add3A_84, %dma_wait3A_920] : memref<32x128x32xf32, #tpu.memory_space<hbm>> -> memref<1x1x32xf32, #tpu.memory_space<hbm>>
      %dma_wait3A_922 = tpu.memref_squeeze %dma_wait3A_921 : memref<1x1x32xf32, #tpu.memory_space<hbm>> -> memref<32xf32, #tpu.memory_space<hbm>>
      tpu.wait_dma2 semaphore(%arg14 : memref<!tpu.dma_semaphore, #tpu.memory_space<semaphore_mem>>) src(%dma_wait3A_922 : memref<32xf32, #tpu.memory_space<hbm>>) dst(%dma_wait3A_919 : memref<32xf32, #tpu.memory_space<vmem>>)
      %dma_wait3A_923 = arith.constant 28 : i32
      %dma_wait3A_924 = arith.constant 28 : i32
      %dma_wait3A_925 = arith.constant 0 : i32
      %dma_wait3A_926 = tpu.memref_slice %arg9[%dma_wait3A_924, %dma_wait3A_925] : memref<32x32xf32, #tpu.memory_space<vmem>> -> memref<1x32xf32, #tpu.memory_space<vmem>>
      %dma_wait3A_927 = tpu.memref_squeeze %dma_wait3A_926 : memref<1x32xf32, #tpu.memory_space<vmem>> -> memref<32xf32, #tpu.memory_space<vmem>>
      %dma_wait3A_928 = arith.constant 0 : i32
      %dma_wait3A_929 = tpu.memref_slice %arg3[%dma_wait3A_923, %add3A_84, %dma_wait3A_928] : memref<32x128x32xf32, #tpu.memory_space<hbm>> -> memref<1x1x32xf32, #tpu.memory_space<hbm>>
      %dma_wait3A_930 = tpu.memref_squeeze %dma_wait3A_929 : memref<1x1x32xf32, #tpu.memory_space<hbm>> -> memref<32xf32, #tpu.memory_space<hbm>>
      %dma_wait3A_931 = arith.constant 0 : i32
      %dma_wait3A_932 = tpu.memref_slice %arg9[%dma_wait3A_924, %dma_wait3A_931] : memref<32x32xf32, #tpu.memory_space<vmem>> -> memref<1x32xf32, #tpu.memory_space<vmem>>
      %dma_wait3A_933 = tpu.memref_squeeze %dma_wait3A_932 : memref<1x32xf32, #tpu.memory_space<vmem>> -> memref<32xf32, #tpu.memory_space<vmem>>
      %dma_wait3A_934 = arith.constant 0 : i32
      %dma_wait3A_935 = tpu.memref_slice %arg3[%dma_wait3A_923, %add3A_84, %dma_wait3A_934] : memref<32x128x32xf32, #tpu.memory_space<hbm>> -> memref<1x1x32xf32, #tpu.memory_space<hbm>>
      %dma_wait3A_936 = tpu.memref_squeeze %dma_wait3A_935 : memref<1x1x32xf32, #tpu.memory_space<hbm>> -> memref<32xf32, #tpu.memory_space<hbm>>
      tpu.wait_dma2 semaphore(%arg14 : memref<!tpu.dma_semaphore, #tpu.memory_space<semaphore_mem>>) src(%dma_wait3A_936 : memref<32xf32, #tpu.memory_space<hbm>>) dst(%dma_wait3A_933 : memref<32xf32, #tpu.memory_space<vmem>>)
      %dma_wait3A_937 = arith.constant 29 : i32
      %dma_wait3A_938 = arith.constant 29 : i32
      %dma_wait3A_939 = arith.constant 0 : i32
      %dma_wait3A_940 = tpu.memref_slice %arg9[%dma_wait3A_938, %dma_wait3A_939] : memref<32x32xf32, #tpu.memory_space<vmem>> -> memref<1x32xf32, #tpu.memory_space<vmem>>
      %dma_wait3A_941 = tpu.memref_squeeze %dma_wait3A_940 : memref<1x32xf32, #tpu.memory_space<vmem>> -> memref<32xf32, #tpu.memory_space<vmem>>
      %dma_wait3A_942 = arith.constant 0 : i32
      %dma_wait3A_943 = tpu.memref_slice %arg3[%dma_wait3A_937, %add3A_84, %dma_wait3A_942] : memref<32x128x32xf32, #tpu.memory_space<hbm>> -> memref<1x1x32xf32, #tpu.memory_space<hbm>>
      %dma_wait3A_944 = tpu.memref_squeeze %dma_wait3A_943 : memref<1x1x32xf32, #tpu.memory_space<hbm>> -> memref<32xf32, #tpu.memory_space<hbm>>
      %dma_wait3A_945 = arith.constant 0 : i32
      %dma_wait3A_946 = tpu.memref_slice %arg9[%dma_wait3A_938, %dma_wait3A_945] : memref<32x32xf32, #tpu.memory_space<vmem>> -> memref<1x32xf32, #tpu.memory_space<vmem>>
      %dma_wait3A_947 = tpu.memref_squeeze %dma_wait3A_946 : memref<1x32xf32, #tpu.memory_space<vmem>> -> memref<32xf32, #tpu.memory_space<vmem>>
      %dma_wait3A_948 = arith.constant 0 : i32
      %dma_wait3A_949 = tpu.memref_slice %arg3[%dma_wait3A_937, %add3A_84, %dma_wait3A_948] : memref<32x128x32xf32, #tpu.memory_space<hbm>> -> memref<1x1x32xf32, #tpu.memory_space<hbm>>
      %dma_wait3A_950 = tpu.memref_squeeze %dma_wait3A_949 : memref<1x1x32xf32, #tpu.memory_space<hbm>> -> memref<32xf32, #tpu.memory_space<hbm>>
      tpu.wait_dma2 semaphore(%arg14 : memref<!tpu.dma_semaphore, #tpu.memory_space<semaphore_mem>>) src(%dma_wait3A_950 : memref<32xf32, #tpu.memory_space<hbm>>) dst(%dma_wait3A_947 : memref<32xf32, #tpu.memory_space<vmem>>)
      %dma_wait3A_951 = arith.constant 30 : i32
      %dma_wait3A_952 = arith.constant 30 : i32
      %dma_wait3A_953 = arith.constant 0 : i32
      %dma_wait3A_954 = tpu.memref_slice %arg9[%dma_wait3A_952, %dma_wait3A_953] : memref<32x32xf32, #tpu.memory_space<vmem>> -> memref<1x32xf32, #tpu.memory_space<vmem>>
      %dma_wait3A_955 = tpu.memref_squeeze %dma_wait3A_954 : memref<1x32xf32, #tpu.memory_space<vmem>> -> memref<32xf32, #tpu.memory_space<vmem>>
      %dma_wait3A_956 = arith.constant 0 : i32
      %dma_wait3A_957 = tpu.memref_slice %arg3[%dma_wait3A_951, %add3A_84, %dma_wait3A_956] : memref<32x128x32xf32, #tpu.memory_space<hbm>> -> memref<1x1x32xf32, #tpu.memory_space<hbm>>
      %dma_wait3A_958 = tpu.memref_squeeze %dma_wait3A_957 : memref<1x1x32xf32, #tpu.memory_space<hbm>> -> memref<32xf32, #tpu.memory_space<hbm>>
      %dma_wait3A_959 = arith.constant 0 : i32
      %dma_wait3A_960 = tpu.memref_slice %arg9[%dma_wait3A_952, %dma_wait3A_959] : memref<32x32xf32, #tpu.memory_space<vmem>> -> memref<1x32xf32, #tpu.memory_space<vmem>>
      %dma_wait3A_961 = tpu.memref_squeeze %dma_wait3A_960 : memref<1x32xf32, #tpu.memory_space<vmem>> -> memref<32xf32, #tpu.memory_space<vmem>>
      %dma_wait3A_962 = arith.constant 0 : i32
      %dma_wait3A_963 = tpu.memref_slice %arg3[%dma_wait3A_951, %add3A_84, %dma_wait3A_962] : memref<32x128x32xf32, #tpu.memory_space<hbm>> -> memref<1x1x32xf32, #tpu.memory_space<hbm>>
      %dma_wait3A_964 = tpu.memref_squeeze %dma_wait3A_963 : memref<1x1x32xf32, #tpu.memory_space<hbm>> -> memref<32xf32, #tpu.memory_space<hbm>>
      tpu.wait_dma2 semaphore(%arg14 : memref<!tpu.dma_semaphore, #tpu.memory_space<semaphore_mem>>) src(%dma_wait3A_964 : memref<32xf32, #tpu.memory_space<hbm>>) dst(%dma_wait3A_961 : memref<32xf32, #tpu.memory_space<vmem>>)
      %dma_wait3A_965 = arith.constant 31 : i32
      %dma_wait3A_966 = arith.constant 31 : i32
      %dma_wait3A_967 = arith.constant 0 : i32
      %dma_wait3A_968 = tpu.memref_slice %arg9[%dma_wait3A_966, %dma_wait3A_967] : memref<32x32xf32, #tpu.memory_space<vmem>> -> memref<1x32xf32, #tpu.memory_space<vmem>>
      %dma_wait3A_969 = tpu.memref_squeeze %dma_wait3A_968 : memref<1x32xf32, #tpu.memory_space<vmem>> -> memref<32xf32, #tpu.memory_space<vmem>>
      %dma_wait3A_970 = arith.constant 0 : i32
      %dma_wait3A_971 = tpu.memref_slice %arg3[%dma_wait3A_965, %add3A_84, %dma_wait3A_970] : memref<32x128x32xf32, #tpu.memory_space<hbm>> -> memref<1x1x32xf32, #tpu.memory_space<hbm>>
      %dma_wait3A_972 = tpu.memref_squeeze %dma_wait3A_971 : memref<1x1x32xf32, #tpu.memory_space<hbm>> -> memref<32xf32, #tpu.memory_space<hbm>>
      %dma_wait3A_973 = arith.constant 0 : i32
      %dma_wait3A_974 = tpu.memref_slice %arg9[%dma_wait3A_966, %dma_wait3A_973] : memref<32x32xf32, #tpu.memory_space<vmem>> -> memref<1x32xf32, #tpu.memory_space<vmem>>
      %dma_wait3A_975 = tpu.memref_squeeze %dma_wait3A_974 : memref<1x32xf32, #tpu.memory_space<vmem>> -> memref<32xf32, #tpu.memory_space<vmem>>
      %dma_wait3A_976 = arith.constant 0 : i32
      %dma_wait3A_977 = tpu.memref_slice %arg3[%dma_wait3A_965, %add3A_84, %dma_wait3A_976] : memref<32x128x32xf32, #tpu.memory_space<hbm>> -> memref<1x1x32xf32, #tpu.memory_space<hbm>>
      %dma_wait3A_978 = tpu.memref_squeeze %dma_wait3A_977 : memref<1x1x32xf32, #tpu.memory_space<hbm>> -> memref<32xf32, #tpu.memory_space<hbm>>
      tpu.wait_dma2 semaphore(%arg14 : memref<!tpu.dma_semaphore, #tpu.memory_space<semaphore_mem>>) src(%dma_wait3A_978 : memref<32xf32, #tpu.memory_space<hbm>>) dst(%dma_wait3A_975 : memref<32xf32, #tpu.memory_space<vmem>>)
      %get3A = arith.constant 0 : i32
      %get3A_979 = arith.index_cast %get3A : i32 to index
      %get3A_980 = arith.constant 0 : index
      %get3A_981 = tpu.vector_load %arg9[%get3A_979, %get3A_980] {strides = array<i32>} : memref<32x32xf32, #tpu.memory_space<vmem>>, vector<16xf32>,
      %get3A_982 = arith.constant 0 : i32
      %get3A_983 = arith.index_cast %get3A_982 : i32 to index
      %get3A_984 = arith.constant 16 : index
      %get3A_985 = tpu.vector_load %arg9[%get3A_983, %get3A_984] {strides = array<i32>} : memref<32x32xf32, #tpu.memory_space<vmem>>, vector<16xf32>,
      %scan3A_986 = arith.constant 1 : i32
      %scan3A_987 = arith.constant 31 : i32
      %scan3A_988 = arith.addi %scan3A_986, %scan3A_987 : i32
      %scan3A_989 = arith.constant 1 : i32
      %scan3A_990:2 = scf.for %scan3A_1051 = %scan3A_986 to %scan3A_988 step %scan3A_989 iter_args(%scan3A_1052 = %get3A_981, %scan3A_1053 = %get3A_985) -> (vector<16xf32>, vector<16xf32>)  : i32 {
        %get3A_1054 = arith.index_cast %scan3A_1051 : i32 to index
        %get3A_1055 = arith.constant 0 : index
        %get3A_1056 = tpu.vector_load %arg9[%get3A_1054, %get3A_1055] {strides = array<i32>} : memref<32x32xf32, #tpu.memory_space<vmem>>, vector<16xf32>,
        %get3A_1057 = arith.index_cast %scan3A_1051 : i32 to index
        %get3A_1058 = arith.constant 16 : index
        %get3A_1059 = tpu.vector_load %arg9[%get3A_1057, %get3A_1058] {strides = array<i32>} : memref<32x32xf32, #tpu.memory_space<vmem>>, vector<16xf32>,
        %rev3A = arith.constant 15 : i32
        %rev3A_1060 = vector.broadcast %rev3A : i32 to vector<16xi32>
        %rev3A_1061 = tpu.iota {dimensions = array<i32: 0>} : vector<16xi32>
        %rev3A_1062 = arith.subi %rev3A_1060, %rev3A_1061 : vector<16xi32>
        %rev3A_1063 = tpu.dynamic_gather %get3A_1059[%rev3A_1062] in [0] : vector<16xf32>, vector<16xi32> -> vector<16xf32>
        %max3A_1064 = arith.maximumf %scan3A_1052, %rev3A_1063 : vector<16xf32>
        %rev3A_1065 = arith.constant 15 : i32
        %rev3A_1066 = vector.broadcast %rev3A_1065 : i32 to vector<16xi32>
        %rev3A_1067 = tpu.iota {dimensions = array<i32: 0>} : vector<16xi32>
        %rev3A_1068 = arith.subi %rev3A_1066, %rev3A_1067 : vector<16xi32>
        %rev3A_1069 = tpu.dynamic_gather %get3A_1056[%rev3A_1068] in [0] : vector<16xf32>, vector<16xi32> -> vector<16xf32>
        %max3A_1070 = arith.maximumf %scan3A_1053, %rev3A_1069 : vector<16xf32>
        %max3A_1071 = arith.maximumf %max3A_1064, %max3A_1070 : vector<16xf32>
        %masked_sort3A = arith.constant dense<true> : vector<16xi1>
        %masked_sort3A_1072, %masked_sort3A_1073, %masked_sort3A_1074 = tpu.sort %max3A_1071, %max3A_1071 masked %masked_sort3A {descending = true} : (vector<16xf32>, vector<16xf32>, vector<16xi1>) -> (vector<16xi1>, vector<16xf32>, vector<16xf32>)
        %min3A = arith.minimumf %max3A_1064, %max3A_1070 : vector<16xf32>
        %masked_sort3A_1075 = arith.constant dense<true> : vector<16xi1>
        %masked_sort3A_1076, %masked_sort3A_1077, %masked_sort3A_1078 = tpu.sort %min3A, %min3A masked %masked_sort3A_1075 {descending = true} : (vector<16xf32>, vector<16xf32>, vector<16xi1>) -> (vector<16xi1>, vector<16xf32>, vector<16xf32>)
        scf.yield %masked_sort3A_1073, %masked_sort3A_1077 : vector<16xf32>, vector<16xf32>
      }
      %scan3A_991 = arith.constant 31 : i32
      %swap3A_992 = arith.index_cast %scan3A_82 : i32 to index
      %swap3A_993 = arith.constant 0 : index
      %swap3A_994 = tpu.vector_load %arg11[%swap3A_992, %swap3A_993] {strides = array<i32>} : memref<4x32xf32, #tpu.memory_space<vmem>>, vector<16xf32>,
      tpu.vector_store %arg11[%swap3A_992, %swap3A_993], %scan3A_990#0 {strides = array<i32>} : memref<4x32xf32, #tpu.memory_space<vmem>>, vector<16xf32>,
      %swap3A_995 = arith.index_cast %scan3A_82 : i32 to index
      %swap3A_996 = arith.constant 16 : index
      %swap3A_997 = tpu.vector_load %arg11[%swap3A_995, %swap3A_996] {strides = array<i32>} : memref<4x32xf32, #tpu.memory_space<vmem>>, vector<16xf32>,
      tpu.vector_store %arg11[%swap3A_995, %swap3A_996], %scan3A_990#1 {strides = array<i32>} : memref<4x32xf32, #tpu.memory_space<vmem>>, vector<16xf32>,
      %swap3A_998 = arith.constant 0 : index
      %swap3A_999 = tpu.vector_load %arg12[%swap3A_998] {strides = array<i32>} : memref<16xf32, #tpu.memory_space<vmem>>, vector<16xf32>,
      tpu.vector_store %arg12[%swap3A_998], %scan3A_990#1 {strides = array<i32>} : memref<16xf32, #tpu.memory_space<vmem>>, vector<16xf32>,
      %broadcast_in_dim3A_1000 = arith.constant 15 : i32
      %broadcast_in_dim3A_1001 = vector.broadcast %broadcast_in_dim3A_1000 : i32 to vector<16xi32>
      %gather3A = tpu.vector_load_idx %arg12[%broadcast_in_dim3A_1001] : memref<16xf32, #tpu.memory_space<vmem>>[vector<16xi32>], vector<16xf32>,
      %broadcast_in_dim3A_1002 = arith.constant 0 : i32
      %broadcast_in_dim3A_1003 = vector.broadcast %broadcast_in_dim3A_1002 : i32 to vector<16xi32>
      %add3A_1004 = vector.broadcast %add3A_84 : i32 to vector<16xi32>
      %add3A_1005 = arith.addi %broadcast_in_dim3A_1003, %add3A_1004 : vector<16xi32>
      %broadcast_in_dim3A_1006 = arith.constant -1.000000e+30 : f32
      %broadcast_in_dim3A_1007 = vector.broadcast %broadcast_in_dim3A_1006 : f32 to vector<16xf32>
      %gather3A_1008 = tpu.vector_load_idx %arg10[%add3A_5, %add3A_1005] : memref<256x128xf32, #tpu.memory_space<vmem>>[vector<16xi32>, vector<16xi32>], vector<16xf32>,
      %max3A = arith.maximumf %broadcast_in_dim3A_1007, %gather3A_1008 : vector<16xf32>
      %gather3A_1009 = tpu.vector_load_idx %arg10[%add3A_9, %add3A_1005] : memref<256x128xf32, #tpu.memory_space<vmem>>[vector<16xi32>, vector<16xi32>], vector<16xf32>,
      %max3A_1010 = arith.maximumf %max3A, %gather3A_1009 : vector<16xf32>
      %gather3A_1011 = tpu.vector_load_idx %arg10[%add3A_13, %add3A_1005] : memref<256x128xf32, #tpu.memory_space<vmem>>[vector<16xi32>, vector<16xi32>], vector<16xf32>,
      %max3A_1012 = arith.maximumf %max3A_1010, %gather3A_1011 : vector<16xf32>
      %gather3A_1013 = tpu.vector_load_idx %arg10[%add3A_17, %add3A_1005] : memref<256x128xf32, #tpu.memory_space<vmem>>[vector<16xi32>, vector<16xi32>], vector<16xf32>,
      %max3A_1014 = arith.maximumf %max3A_1012, %gather3A_1013 : vector<16xf32>
      %gather3A_1015 = tpu.vector_load_idx %arg10[%add3A_21, %add3A_1005] : memref<256x128xf32, #tpu.memory_space<vmem>>[vector<16xi32>, vector<16xi32>], vector<16xf32>,
      %max3A_1016 = arith.maximumf %max3A_1014, %gather3A_1015 : vector<16xf32>
      %gather3A_1017 = tpu.vector_load_idx %arg10[%add3A_25, %add3A_1005] : memref<256x128xf32, #tpu.memory_space<vmem>>[vector<16xi32>, vector<16xi32>], vector<16xf32>,
      %max3A_1018 = arith.maximumf %max3A_1016, %gather3A_1017 : vector<16xf32>
      %gather3A_1019 = tpu.vector_load_idx %arg10[%add3A_29, %add3A_1005] : memref<256x128xf32, #tpu.memory_space<vmem>>[vector<16xi32>, vector<16xi32>], vector<16xf32>,
      %max3A_1020 = arith.maximumf %max3A_1018, %gather3A_1019 : vector<16xf32>
      %gather3A_1021 = tpu.vector_load_idx %arg10[%add3A_33, %add3A_1005] : memref<256x128xf32, #tpu.memory_space<vmem>>[vector<16xi32>, vector<16xi32>], vector<16xf32>,
      %max3A_1022 = arith.maximumf %max3A_1020, %gather3A_1021 : vector<16xf32>
      %gather3A_1023 = tpu.vector_load_idx %arg10[%add3A_37, %add3A_1005] : memref<256x128xf32, #tpu.memory_space<vmem>>[vector<16xi32>, vector<16xi32>], vector<16xf32>,
      %max3A_1024 = arith.maximumf %max3A_1022, %gather3A_1023 : vector<16xf32>
      %gather3A_1025 = tpu.vector_load_idx %arg10[%add3A_41, %add3A_1005] : memref<256x128xf32, #tpu.memory_space<vmem>>[vector<16xi32>, vector<16xi32>], vector<16xf32>,
      %max3A_1026 = arith.maximumf %max3A_1024, %gather3A_1025 : vector<16xf32>
      %gather3A_1027 = tpu.vector_load_idx %arg10[%add3A_45, %add3A_1005] : memref<256x128xf32, #tpu.memory_space<vmem>>[vector<16xi32>, vector<16xi32>], vector<16xf32>,
      %max3A_1028 = arith.maximumf %max3A_1026, %gather3A_1027 : vector<16xf32>
      %gather3A_1029 = tpu.vector_load_idx %arg10[%add3A_49, %add3A_1005] : memref<256x128xf32, #tpu.memory_space<vmem>>[vector<16xi32>, vector<16xi32>], vector<16xf32>,
      %max3A_1030 = arith.maximumf %max3A_1028, %gather3A_1029 : vector<16xf32>
      %gather3A_1031 = tpu.vector_load_idx %arg10[%add3A_53, %add3A_1005] : memref<256x128xf32, #tpu.memory_space<vmem>>[vector<16xi32>, vector<16xi32>], vector<16xf32>,
      %max3A_1032 = arith.maximumf %max3A_1030, %gather3A_1031 : vector<16xf32>
      %gather3A_1033 = tpu.vector_load_idx %arg10[%add3A_57, %add3A_1005] : memref<256x128xf32, #tpu.memory_space<vmem>>[vector<16xi32>, vector<16xi32>], vector<16xf32>,
      %max3A_1034 = arith.maximumf %max3A_1032, %gather3A_1033 : vector<16xf32>
      %gather3A_1035 = tpu.vector_load_idx %arg10[%add3A_61, %add3A_1005] : memref<256x128xf32, #tpu.memory_space<vmem>>[vector<16xi32>, vector<16xi32>], vector<16xf32>,
      %max3A_1036 = arith.maximumf %max3A_1034, %gather3A_1035 : vector<16xf32>
      %gather3A_1037 = tpu.vector_load_idx %arg10[%add3A_65, %add3A_1005] : memref<256x128xf32, #tpu.memory_space<vmem>>[vector<16xi32>, vector<16xi32>], vector<16xf32>,
      %max3A_1038 = arith.maximumf %max3A_1036, %gather3A_1037 : vector<16xf32>
      %ge3A = arith.cmpf oge, %max3A_1038, %gather3A : vector<16xf32>
      %gt3A = arith.constant -1.000000e+29 : f32
      %gt3A_1039 = vector.broadcast %gt3A : f32 to vector<16xf32>
      %gt3A_1040 = arith.cmpf ogt, %gather3A, %gt3A_1039 : vector<16xf32>
      %and3A = arith.andi %ge3A, %gt3A_1040 : vector<16xi1>
      %convert_element_type3A = arith.extui %and3A : vector<16xi1> to vector<16xi32>
      %reduce_max3A = arith.constant true
      %reduce_max3A_1041 = vector.broadcast %reduce_max3A : i1 to vector<16xi1>
      %reduce_max3A_1042 = arith.constant -2147483648 : i32
      %reduce_max3A_1043 = vector.broadcast %reduce_max3A_1042 : i32 to vector<16xi32>
      %reduce_max3A_1044 = arith.xori %convert_element_type3A, %reduce_max3A_1043 : vector<16xi32>
      %reduce_max3A_1045 = tpu.scan <max>, %reduce_max3A_1044 masked %reduce_max3A_1041 : vector<16xi32>, vector<16xi1> -> vector<16xi32>
      %reduce_max3A_1046 = arith.xori %reduce_max3A_1045, %reduce_max3A_1043 : vector<16xi32>
      %reduce_max3A_1047 = vector.extract %reduce_max3A_1046[15] : i32 from vector<16xi32>
      %lt3A = arith.constant 100 : i32
      %lt3A_1048 = arith.cmpi slt, %add3A_84, %lt3A : i32
      %convert_element_type3A_1049 = arith.extui %lt3A_1048 : i1 to i32
      %mul3A_1050 = arith.muli %reduce_max3A_1047, %convert_element_type3A_1049 : i32
      %or3A = arith.ori %scan3A_83, %mul3A_1050 : i32
      scf.yield %or3A : i32
    }
    %scan3A_77 = arith.constant 4 : i32
    "tpu.region"() ({
      %run_scoped3A = tpu.sem_alloc : memref<!tpu.dma_semaphore, #tpu.memory_space<semaphore_mem>>
      %dma_start3A = arith.constant 0 : i32
      %dma_start3A_82 = tpu.memref_slice %arg7[%mul3A_2, %dma_start3A] : memref<128x32xf32, #tpu.memory_space<hbm>> -> memref<4x32xf32, #tpu.memory_space<hbm>>
      %dma_start3A_83 = arith.constant 0 : i32
      %dma_start3A_84 = tpu.memref_slice %arg7[%mul3A_2, %dma_start3A_83] : memref<128x32xf32, #tpu.memory_space<hbm>> -> memref<4x32xf32, #tpu.memory_space<hbm>>
      tpu.enqueue_dma source(%arg11 : memref<4x32xf32, #tpu.memory_space<vmem>>) target(%dma_start3A_84 : memref<4x32xf32, #tpu.memory_space<hbm>>) target_semaphore(%run_scoped3A : memref<!tpu.dma_semaphore, #tpu.memory_space<semaphore_mem>>)
      %dma_wait3A = arith.constant 0 : i32
      %dma_wait3A_85 = tpu.memref_slice %arg7[%mul3A_2, %dma_wait3A] : memref<128x32xf32, #tpu.memory_space<hbm>> -> memref<4x32xf32, #tpu.memory_space<hbm>>
      %dma_wait3A_86 = arith.constant 0 : i32
      %dma_wait3A_87 = tpu.memref_slice %arg7[%mul3A_2, %dma_wait3A_86] : memref<128x32xf32, #tpu.memory_space<hbm>> -> memref<4x32xf32, #tpu.memory_space<hbm>>
      tpu.wait_dma2 semaphore(%run_scoped3A : memref<!tpu.dma_semaphore, #tpu.memory_space<semaphore_mem>>) src(%arg11 : memref<4x32xf32, #tpu.memory_space<vmem>>) dst(%dma_wait3A_87 : memref<4x32xf32, #tpu.memory_space<hbm>>)
      tpu.yield
    }) : () -> ()
    %broadcast_in_dim3A = arith.constant 0 : i32
    %broadcast_in_dim3A_78 = vector.broadcast %broadcast_in_dim3A : i32 to vector<16xi32>
    %add3A_79 = vector.broadcast %scan3A_76 : i32 to vector<16xi32>
    %add3A_80 = arith.addi %broadcast_in_dim3A_78, %add3A_79 : vector<16xi32>
    %swap3A = arith.constant 0 : index
    %swap3A_81 = tpu.vector_load %arg13[%swap3A] {strides = array<i32>} : memref<16xi32, #tpu.memory_space<vmem>>, vector<16xi32>,
    tpu.vector_store %arg13[%swap3A], %add3A_80 {strides = array<i32>} : memref<16xi32, #tpu.memory_space<vmem>>, vector<16xi32>,
    "tpu.region"() ({
      %run_scoped3A = tpu.sem_alloc : memref<!tpu.dma_semaphore, #tpu.memory_space<semaphore_mem>>
      %dma_start3A = arith.constant 0 : i32
      %dma_start3A_82 = tpu.memref_slice %arg8[%add3A, %dma_start3A] : memref<32x16xi32, #tpu.memory_space<hbm>> -> memref<1x16xi32, #tpu.memory_space<hbm>>
      %dma_start3A_83 = tpu.memref_squeeze %dma_start3A_82 : memref<1x16xi32, #tpu.memory_space<hbm>> -> memref<16xi32, #tpu.memory_space<hbm>>
      %dma_start3A_84 = arith.constant 0 : i32
      %dma_start3A_85 = tpu.memref_slice %arg8[%add3A, %dma_start3A_84] : memref<32x16xi32, #tpu.memory_space<hbm>> -> memref<1x16xi32, #tpu.memory_space<hbm>>
      %dma_start3A_86 = tpu.memref_squeeze %dma_start3A_85 : memref<1x16xi32, #tpu.memory_space<hbm>> -> memref<16xi32, #tpu.memory_space<hbm>>
      tpu.enqueue_dma source(%arg13 : memref<16xi32, #tpu.memory_space<vmem>>) target(%dma_start3A_86 : memref<16xi32, #tpu.memory_space<hbm>>) target_semaphore(%run_scoped3A : memref<!tpu.dma_semaphore, #tpu.memory_space<semaphore_mem>>)
      %dma_wait3A = arith.constant 0 : i32
      %dma_wait3A_87 = tpu.memref_slice %arg8[%add3A, %dma_wait3A] : memref<32x16xi32, #tpu.memory_space<hbm>> -> memref<1x16xi32, #tpu.memory_space<hbm>>
      %dma_wait3A_88 = tpu.memref_squeeze %dma_wait3A_87 : memref<1x16xi32, #tpu.memory_space<hbm>> -> memref<16xi32, #tpu.memory_space<hbm>>
      %dma_wait3A_89 = arith.constant 0 : i32
      %dma_wait3A_90 = tpu.memref_slice %arg8[%add3A, %dma_wait3A_89] : memref<32x16xi32, #tpu.memory_space<hbm>> -> memref<1x16xi32, #tpu.memory_space<hbm>>
      %dma_wait3A_91 = tpu.memref_squeeze %dma_wait3A_90 : memref<1x16xi32, #tpu.memory_space<hbm>> -> memref<16xi32, #tpu.memory_space<hbm>>
      tpu.wait_dma2 semaphore(%run_scoped3A : memref<!tpu.dma_semaphore, #tpu.memory_space<semaphore_mem>>) src(%arg13 : memref<16xi32, #tpu.memory_space<vmem>>) dst(%dma_wait3A_91 : memref<16xi32, #tpu.memory_space<hbm>>)
      tpu.yield
    }) : () -> ()
    return
  }
}

module attributes {stable_mosaic.version = 14 : i64} {
  func.func @_tc_a_body(%arg0: i32, %arg1: i32, %arg2: memref<256x64xf32, #tpu.memory_space<vmem>>, %arg3: memref<256x1xi32, #tpu.memory_space<vmem>>, %arg4: memref<256x1xi32, #tpu.memory_space<vmem>>, %arg5: memref<1536x128xf32, #tpu.memory_space<vmem>>, %arg6: memref<1536x128xf32, #tpu.memory_space<vmem>>, %arg7: memref<256x128xf32, #tpu.memory_space<vmem>>, %arg8: memref<256x128xf32, #tpu.memory_space<vmem>>, %arg9: memref<64x128xf32, #tpu.memory_space<vmem>>, %arg10: memref<1x128xf32, #tpu.memory_space<vmem>>, %arg11: memref<64x128xf32, #tpu.memory_space<vmem>>, %arg12: memref<1x128xf32, #tpu.memory_space<vmem>>, %arg13: memref<64x128xf32, #tpu.memory_space<vmem>>, %arg14: memref<1x128xf32, #tpu.memory_space<vmem>>, %arg15: memref<256x128xf32, #tpu.memory_space<vmem>>, %arg16: memref<256x128xf32, #tpu.memory_space<vmem>>, %arg17: memref<1536x128xf32, #tpu.memory_space<vmem>>, %arg18: memref<1536x128xf32, #tpu.memory_space<vmem>>) attributes {dimension_semantics = [#tpu.dimension_semantics<arbitrary>, #tpu.dimension_semantics<arbitrary>], iteration_bounds = array<i64: 2, 256>, scalar_prefetch = 0 : i64, scratch_operands = 8 : i64, tpu.core_type = #tpu.core_type<tc>, window_params = [{transform_indices = @transform_0, window_bounds = array<i64: 256, 64>}, {transform_indices = @transform_1, window_bounds = array<i64: 256, 1>}, {transform_indices = @transform_2, window_bounds = array<i64: 256, 1>}, {pipeline_mode = #tpu.pipeline_mode<synchronous>, transform_indices = @transform_3, window_bounds = array<i64: 1536, 128>}, {pipeline_mode = #tpu.pipeline_mode<synchronous>, transform_indices = @transform_4, window_bounds = array<i64: 1536, 128>}, {pipeline_mode = #tpu.pipeline_mode<synchronous>, transform_indices = @transform_5, window_bounds = array<i64: 256, 128>}, {pipeline_mode = #tpu.pipeline_mode<synchronous>, transform_indices = @transform_6, window_bounds = array<i64: 256, 128>}, {pipeline_mode = #tpu.pipeline_mode<synchronous>, transform_indices = @transform_7, window_bounds = array<i64: 64, 128>}, {pipeline_mode = #tpu.pipeline_mode<synchronous>, transform_indices = @transform_8, window_bounds = array<i64: 1, 128>}]} {
    %iota3A = tpu.iota {dimensions = array<i32: 1>} : vector<1x128xi32>
    %eq3A = arith.constant 0 : i32
    %eq3A_0 = arith.cmpi eq, %arg0, %eq3A : i32
    %eq3A_1 = arith.constant 0 : i32
    %eq3A_2 = arith.cmpi eq, %arg1, %eq3A_1 : i32
    %and3A = arith.andi %eq3A_0, %eq3A_2 : i1
    %convert_element_type3A = arith.extui %and3A : i1 to i32
    %cond3A = arith.constant 0 : i32
    %cond3A_3 = arith.cmpi ne, %convert_element_type3A, %cond3A : i32
    scf.if %cond3A_3 {
      %broadcast_in_dim3A = arith.constant 0.000000e+00 : f32
      %broadcast_in_dim3A_30 = vector.broadcast %broadcast_in_dim3A : f32 to vector<64x128xf32>
      %swap3A = arith.constant 0 : index
      %swap3A_31 = arith.constant 0 : index
      %swap3A_32 = vector.load %arg11[%swap3A, %swap3A_31] : memref<64x128xf32, #tpu.memory_space<vmem>>, vector<64x128xf32>
      tpu.vector_store %arg11[%swap3A, %swap3A_31], %broadcast_in_dim3A_30 {strides = array<i32>} : memref<64x128xf32, #tpu.memory_space<vmem>>, vector<64x128xf32>,
      %broadcast_in_dim3A_33 = arith.constant 0.000000e+00 : f32
      %broadcast_in_dim3A_34 = vector.broadcast %broadcast_in_dim3A_33 : f32 to vector<1x128xf32>
      %swap3A_35 = arith.constant 0 : index
      %swap3A_36 = arith.constant 0 : index
      %swap3A_37 = vector.load %arg12[%swap3A_35, %swap3A_36] : memref<1x128xf32, #tpu.memory_space<vmem>>, vector<1x128xf32>
      tpu.vector_store %arg12[%swap3A_35, %swap3A_36], %broadcast_in_dim3A_34 {strides = array<i32>} : memref<1x128xf32, #tpu.memory_space<vmem>>, vector<1x128xf32>,
    } else {
    }
    %eq3A_4 = arith.constant 0 : i32
    %eq3A_5 = arith.cmpi eq, %arg0, %eq3A_4 : i32
    %convert_element_type3A_6 = arith.extui %eq3A_5 : i1 to i32
    %cond3A_7 = arith.constant 0 : i32
    %cond3A_8 = arith.cmpi ne, %convert_element_type3A_6, %cond3A_7 : i32
    scf.if %cond3A_8 {
      %get3A = arith.constant 0 : index
      %get3A_30 = arith.constant 0 : index
      %get3A_31 = vector.load %arg3[%get3A, %get3A_30] : memref<256x1xi32, #tpu.memory_space<vmem>>, vector<256x1xi32>
      %eq3A_32 = vector.broadcast %get3A_31 : vector<256x1xi32> to vector<256x128xi32>
      %eq3A_33 = vector.broadcast %iota3A : vector<1x128xi32> to vector<256x128xi32>
      %eq3A_34 = arith.cmpi eq, %eq3A_32, %eq3A_33 : vector<256x128xi32>
      %convert_element_type3A_35 = arith.extui %eq3A_34 : vector<256x128xi1> to vector<256x128xi32>
      %convert_element_type3A_36 = arith.sitofp %convert_element_type3A_35 : vector<256x128xi32> to vector<256x128xf32>
      %get3A_37 = arith.constant 0 : index
      %get3A_38 = arith.constant 0 : index
      %get3A_39 = vector.load %arg11[%get3A_37, %get3A_38] : memref<64x128xf32, #tpu.memory_space<vmem>>, vector<64x128xf32>
      %get3A_40 = arith.constant 0 : index
      %get3A_41 = arith.constant 0 : index
      %get3A_42 = vector.load %arg2[%get3A_40, %get3A_41] : memref<256x64xf32, #tpu.memory_space<vmem>>, vector<256x64xf32>
      %dot_general3A = arith.constant dense<0.000000e+00> : vector<64x128xf32>
      %dot_general3A_43 = tpu.matmul %get3A_42, %convert_element_type3A_36, %dot_general3A {dimension_numbers = #tpu.dot_dimension_numbers<[0], [0], [1], [1], [0, 1, 1, 1], [], []>, transpose_lhs_hint = false} : vector<256x64xf32>, vector<256x128xf32>, vector<64x128xf32> -> vector<64x128xf32>
      %add3A = arith.addf %get3A_39, %dot_general3A_43 : vector<64x128xf32>
      %swap3A = arith.constant 0 : index
      %swap3A_44 = arith.constant 0 : index
      %swap3A_45 = vector.load %arg11[%swap3A, %swap3A_44] : memref<64x128xf32, #tpu.memory_space<vmem>>, vector<64x128xf32>
      tpu.vector_store %arg11[%swap3A, %swap3A_44], %add3A {strides = array<i32>} : memref<64x128xf32, #tpu.memory_space<vmem>>, vector<64x128xf32>,
      %get3A_46 = arith.constant 0 : index
      %get3A_47 = arith.constant 0 : index
      %get3A_48 = vector.load %arg12[%get3A_46, %get3A_47] : memref<1x128xf32, #tpu.memory_space<vmem>>, vector<1x128xf32>
      %reduce_sum3A = arith.constant dense<0.000000e+00> : vector<128xf32>
      %reduce_sum3A_49 = vector.multi_reduction <add>, %convert_element_type3A_36, %reduce_sum3A [0] : vector<256x128xf32> to vector<128xf32>
      %broadcast_in_dim3A = vector.shape_cast %reduce_sum3A_49 : vector<128xf32> to vector<1x128xf32>
      %add3A_50 = arith.addf %get3A_48, %broadcast_in_dim3A : vector<1x128xf32>
      %swap3A_51 = arith.constant 0 : index
      %swap3A_52 = arith.constant 0 : index
      %swap3A_53 = vector.load %arg12[%swap3A_51, %swap3A_52] : memref<1x128xf32, #tpu.memory_space<vmem>>, vector<1x128xf32>
      tpu.vector_store %arg12[%swap3A_51, %swap3A_52], %add3A_50 {strides = array<i32>} : memref<1x128xf32, #tpu.memory_space<vmem>>, vector<1x128xf32>,
    } else {
    }
    %eq3A_9 = arith.constant 1 : i32
    %eq3A_10 = arith.cmpi eq, %arg0, %eq3A_9 : i32
    %eq3A_11 = arith.constant 0 : i32
    %eq3A_12 = arith.cmpi eq, %arg1, %eq3A_11 : i32
    %and3A_13 = arith.andi %eq3A_10, %eq3A_12 : i1
    %convert_element_type3A_14 = arith.extui %and3A_13 : i1 to i32
    %cond3A_15 = arith.constant 0 : i32
    %cond3A_16 = arith.cmpi ne, %convert_element_type3A_14, %cond3A_15 : i32
    scf.if %cond3A_16 {
      %get3A = arith.constant 0 : index
      %get3A_30 = arith.constant 0 : index
      %get3A_31 = vector.load %arg11[%get3A, %get3A_30] : memref<64x128xf32, #tpu.memory_space<vmem>>, vector<64x128xf32>
      %get3A_32 = arith.constant 0 : index
      %get3A_33 = arith.constant 0 : index
      %get3A_34 = vector.load %arg12[%get3A_32, %get3A_33] : memref<1x128xf32, #tpu.memory_space<vmem>>, vector<1x128xf32>
      %div3A = vector.broadcast %get3A_34 : vector<1x128xf32> to vector<64x128xf32>
      %div3A_35 = arith.divf %get3A_31, %div3A : vector<64x128xf32>
      %add3A = arith.constant 9.99999997E-7 : f32
      %add3A_36 = vector.broadcast %add3A : f32 to vector<64x128xf32>
      %add3A_37 = arith.addf %div3A_35, %add3A_36 : vector<64x128xf32>
      %swap3A = arith.constant 0 : index
      %swap3A_38 = arith.constant 0 : index
      %swap3A_39 = vector.load %arg13[%swap3A, %swap3A_38] : memref<64x128xf32, #tpu.memory_space<vmem>>, vector<64x128xf32>
      tpu.vector_store %arg13[%swap3A, %swap3A_38], %add3A_37 {strides = array<i32>} : memref<64x128xf32, #tpu.memory_space<vmem>>, vector<64x128xf32>,
      %mul3A = arith.mulf %add3A_37, %add3A_37 : vector<64x128xf32>
      %reduce_sum3A = arith.constant dense<0.000000e+00> : vector<128xf32>
      %reduce_sum3A_40 = vector.multi_reduction <add>, %mul3A, %reduce_sum3A [0] : vector<64x128xf32> to vector<128xf32>
      %broadcast_in_dim3A = vector.shape_cast %reduce_sum3A_40 : vector<128xf32> to vector<1x128xf32>
      %swap3A_41 = arith.constant 0 : index
      %swap3A_42 = arith.constant 0 : index
      %swap3A_43 = vector.load %arg14[%swap3A_41, %swap3A_42] : memref<1x128xf32, #tpu.memory_space<vmem>>, vector<1x128xf32>
      tpu.vector_store %arg14[%swap3A_41, %swap3A_42], %broadcast_in_dim3A {strides = array<i32>} : memref<1x128xf32, #tpu.memory_space<vmem>>, vector<1x128xf32>,
      %swap3A_44 = arith.constant 0 : index
      %swap3A_45 = arith.constant 0 : index
      %swap3A_46 = vector.load %arg9[%swap3A_44, %swap3A_45] : memref<64x128xf32, #tpu.memory_space<vmem>>, vector<64x128xf32>
      tpu.vector_store %arg9[%swap3A_44, %swap3A_45], %add3A_37 {strides = array<i32>} : memref<64x128xf32, #tpu.memory_space<vmem>>, vector<64x128xf32>,
      %swap3A_47 = arith.constant 0 : index
      %swap3A_48 = arith.constant 0 : index
      %swap3A_49 = vector.load %arg10[%swap3A_47, %swap3A_48] : memref<1x128xf32, #tpu.memory_space<vmem>>, vector<1x128xf32>
      tpu.vector_store %arg10[%swap3A_47, %swap3A_48], %broadcast_in_dim3A {strides = array<i32>} : memref<1x128xf32, #tpu.memory_space<vmem>>, vector<1x128xf32>,
    } else {
    }
    %eq3A_17 = arith.constant 1 : i32
    %eq3A_18 = arith.cmpi eq, %arg0, %eq3A_17 : i32
    %convert_element_type3A_19 = arith.extui %eq3A_18 : i1 to i32
    %cond3A_20 = arith.constant 0 : i32
    %cond3A_21 = arith.cmpi ne, %convert_element_type3A_19, %cond3A_20 : i32
    scf.if %cond3A_21 {
      %get3A = arith.constant 0 : index
      %get3A_30 = arith.constant 0 : index
      %get3A_31 = vector.load %arg2[%get3A, %get3A_30] : memref<256x64xf32, #tpu.memory_space<vmem>>, vector<256x64xf32>
      %get3A_32 = arith.constant 0 : index
      %get3A_33 = arith.constant 0 : index
      %get3A_34 = vector.load %arg13[%get3A_32, %get3A_33] : memref<64x128xf32, #tpu.memory_space<vmem>>, vector<64x128xf32>
      %dot_general3A = arith.constant dense<0.000000e+00> : vector<256x128xf32>
      %dot_general3A_35 = tpu.matmul %get3A_31, %get3A_34, %dot_general3A {dimension_numbers = #tpu.dot_dimension_numbers<[1], [0], [0], [1], [0, 0, 1, 1], [], []>, transpose_lhs_hint = false} : vector<256x64xf32>, vector<64x128xf32>, vector<256x128xf32> -> vector<256x128xf32>
      %mul3A = arith.mulf %get3A_31, %get3A_31 : vector<256x64xf32>
      %reduce_sum3A = arith.constant dense<0.000000e+00> : vector<256xf32>
      %reduce_sum3A_36 = vector.multi_reduction <add>, %mul3A, %reduce_sum3A [1] : vector<256x64xf32> to vector<256xf32>
      %broadcast_in_dim3A = vector.shape_cast %reduce_sum3A_36 : vector<256xf32> to vector<256x1xf32>
      %get3A_37 = arith.constant 0 : index
      %get3A_38 = arith.constant 0 : index
      %get3A_39 = vector.load %arg14[%get3A_37, %get3A_38] : memref<1x128xf32, #tpu.memory_space<vmem>>, vector<1x128xf32>
      %mul3A_40 = arith.constant 2.000000e+00 : f32
      %mul3A_41 = vector.broadcast %mul3A_40 : f32 to vector<256x128xf32>
      %mul3A_42 = arith.mulf %mul3A_41, %dot_general3A_35 : vector<256x128xf32>
      %sub3A = vector.broadcast %get3A_39 : vector<1x128xf32> to vector<256x128xf32>
      %sub3A_43 = arith.subf %sub3A, %mul3A_42 : vector<256x128xf32>
      %add3A = vector.broadcast %broadcast_in_dim3A : vector<256x1xf32> to vector<256x128xf32>
      %add3A_44 = arith.addf %sub3A_43, %add3A : vector<256x128xf32>
      %max3A = arith.constant 0.000000e+00 : f32
      %max3A_45 = vector.broadcast %max3A : f32 to vector<256x128xf32>
      %max3A_46 = arith.maximumf %add3A_44, %max3A_45 : vector<256x128xf32>
      %get3A_47 = arith.constant 0 : index
      %get3A_48 = arith.constant 0 : index
      %get3A_49 = vector.load %arg3[%get3A_47, %get3A_48] : memref<256x1xi32, #tpu.memory_space<vmem>>, vector<256x1xi32>
      %eq3A_50 = vector.broadcast %get3A_49 : vector<256x1xi32> to vector<256x128xi32>
      %eq3A_51 = vector.broadcast %iota3A : vector<1x128xi32> to vector<256x128xi32>
      %eq3A_52 = arith.cmpi eq, %eq3A_50, %eq3A_51 : vector<256x128xi32>
      %jit3A = arith.constant -1.000000e+30 : f32
      %broadcast_in_dim3A_53 = vector.broadcast %jit3A : f32 to vector<256x128xf32>
      %select_n3A = arith.select %eq3A_52, %max3A_46, %broadcast_in_dim3A_53 : vector<256x128xi1>, vector<256x128xf32>
      %get3A_54 = arith.constant 0 : index
      %get3A_55 = arith.constant 0 : index
      %get3A_56 = vector.load %arg4[%get3A_54, %get3A_55] : memref<256x1xi32, #tpu.memory_space<vmem>>, vector<256x1xi32>
      %ne3A = vector.broadcast %get3A_56 : vector<256x1xi32> to vector<256x128xi32>
      %ne3A_57 = vector.broadcast %iota3A : vector<1x128xi32> to vector<256x128xi32>
      %ne3A_58 = arith.cmpi ne, %ne3A, %ne3A_57 : vector<256x128xi32>
      %neg3A = arith.constant 0.000000e+00 : f32
      %neg3A_59 = vector.broadcast %neg3A : f32 to vector<256x128xf32>
      %neg3A_60 = arith.subf %neg3A_59, %max3A_46 : vector<256x128xf32>
      %jit3A_61 = arith.constant -1.000000e+30 : f32
      %broadcast_in_dim3A_62 = vector.broadcast %jit3A_61 : f32 to vector<256x128xf32>
      %select_n3A_63 = arith.select %ne3A_58, %neg3A_60, %broadcast_in_dim3A_62 : vector<256x128xi1>, vector<256x128xf32>
      %broadcast_in_dim3A_64 = arith.constant -1.000000e+30 : f32
      %broadcast_in_dim3A_65 = vector.broadcast %broadcast_in_dim3A_64 : f32 to vector<1x128xf32>
      %scan3A = arith.constant 0 : i32
      %scan3A_66 = arith.constant 6 : i32
      %scan3A_67 = arith.addi %scan3A, %scan3A_66 : i32
      %scan3A_68 = arith.constant 1 : i32
      %scan3A_69:2 = scf.for %scan3A_84 = %scan3A to %scan3A_67 step %scan3A_68 iter_args(%scan3A_85 = %select_n3A, %scan3A_86 = %broadcast_in_dim3A_65) -> (vector<256x128xf32>, vector<1x128xf32>)  : i32 {
        %reduce_max3A = arith.constant dense<0xFF800000> : vector<128xf32>
        %reduce_max3A_87 = vector.multi_reduction <maximumf>, %scan3A_85, %reduce_max3A [0] : vector<256x128xf32> to vector<128xf32>
        %broadcast_in_dim3A_88 = vector.shape_cast %reduce_max3A_87 : vector<128xf32> to vector<1x128xf32>
        %mul3A_89 = arith.constant 6 : i32
        %mul3A_90 = arith.muli %arg1, %mul3A_89 : i32
        %add3A_91 = arith.addi %mul3A_90, %scan3A_84 : i32
        %swap3A_92 = arith.index_cast %add3A_91 : i32 to index
        %swap3A_93 = arith.constant 0 : index
        %swap3A_94 = vector.load %arg17[%swap3A_92, %swap3A_93] : memref<1536x128xf32, #tpu.memory_space<vmem>>, vector<1x128xf32>
        tpu.vector_store %arg17[%swap3A_92, %swap3A_93], %broadcast_in_dim3A_88 {strides = array<i32>} : memref<1536x128xf32, #tpu.memory_space<vmem>>, vector<1x128xf32>,
        %eq3A_95 = vector.broadcast %broadcast_in_dim3A_88 : vector<1x128xf32> to vector<256x128xf32>
        %eq3A_96 = arith.cmpf oeq, %scan3A_85, %eq3A_95 : vector<256x128xf32>
        %jit3A_97 = arith.constant -1.000000e+30 : f32
        %broadcast_in_dim3A_98 = vector.broadcast %jit3A_97 : f32 to vector<256x128xf32>
        %select_n3A_99 = arith.select %eq3A_96, %broadcast_in_dim3A_98, %scan3A_85 : vector<256x128xi1>, vector<256x128xf32>
        scf.yield %select_n3A_99, %broadcast_in_dim3A_88 : vector<256x128xf32>, vector<1x128xf32>
      }
      %scan3A_70 = arith.constant 6 : i32
      %swap3A = arith.index_cast %arg1 : i32 to index
      %swap3A_71 = arith.constant 0 : index
      %swap3A_72 = vector.load %arg15[%swap3A, %swap3A_71] : memref<256x128xf32, #tpu.memory_space<vmem>>, vector<1x128xf32>
      tpu.vector_store %arg15[%swap3A, %swap3A_71], %scan3A_69#1 {strides = array<i32>} : memref<256x128xf32, #tpu.memory_space<vmem>>, vector<1x128xf32>,
      %broadcast_in_dim3A_73 = arith.constant -1.000000e+30 : f32
      %broadcast_in_dim3A_74 = vector.broadcast %broadcast_in_dim3A_73 : f32 to vector<1x128xf32>
      %scan3A_75 = arith.constant 0 : i32
      %scan3A_76 = arith.constant 6 : i32
      %scan3A_77 = arith.addi %scan3A_75, %scan3A_76 : i32
      %scan3A_78 = arith.constant 1 : i32
      %scan3A_79:2 = scf.for %scan3A_84 = %scan3A_75 to %scan3A_77 step %scan3A_78 iter_args(%scan3A_85 = %select_n3A_63, %scan3A_86 = %broadcast_in_dim3A_74) -> (vector<256x128xf32>, vector<1x128xf32>)  : i32 {
        %reduce_max3A = arith.constant dense<0xFF800000> : vector<128xf32>
        %reduce_max3A_87 = vector.multi_reduction <maximumf>, %scan3A_85, %reduce_max3A [0] : vector<256x128xf32> to vector<128xf32>
        %broadcast_in_dim3A_88 = vector.shape_cast %reduce_max3A_87 : vector<128xf32> to vector<1x128xf32>
        %mul3A_89 = arith.constant 6 : i32
        %mul3A_90 = arith.muli %arg1, %mul3A_89 : i32
        %add3A_91 = arith.addi %mul3A_90, %scan3A_84 : i32
        %swap3A_92 = arith.index_cast %add3A_91 : i32 to index
        %swap3A_93 = arith.constant 0 : index
        %swap3A_94 = vector.load %arg18[%swap3A_92, %swap3A_93] : memref<1536x128xf32, #tpu.memory_space<vmem>>, vector<1x128xf32>
        tpu.vector_store %arg18[%swap3A_92, %swap3A_93], %broadcast_in_dim3A_88 {strides = array<i32>} : memref<1536x128xf32, #tpu.memory_space<vmem>>, vector<1x128xf32>,
        %eq3A_95 = vector.broadcast %broadcast_in_dim3A_88 : vector<1x128xf32> to vector<256x128xf32>
        %eq3A_96 = arith.cmpf oeq, %scan3A_85, %eq3A_95 : vector<256x128xf32>
        %jit3A_97 = arith.constant -1.000000e+30 : f32
        %broadcast_in_dim3A_98 = vector.broadcast %jit3A_97 : f32 to vector<256x128xf32>
        %select_n3A_99 = arith.select %eq3A_96, %broadcast_in_dim3A_98, %scan3A_85 : vector<256x128xi1>, vector<256x128xf32>
        scf.yield %select_n3A_99, %broadcast_in_dim3A_88 : vector<256x128xf32>, vector<1x128xf32>
      }
      %scan3A_80 = arith.constant 6 : i32
      %swap3A_81 = arith.index_cast %arg1 : i32 to index
      %swap3A_82 = arith.constant 0 : index
      %swap3A_83 = vector.load %arg16[%swap3A_81, %swap3A_82] : memref<256x128xf32, #tpu.memory_space<vmem>>, vector<1x128xf32>
      tpu.vector_store %arg16[%swap3A_81, %swap3A_82], %scan3A_79#1 {strides = array<i32>} : memref<256x128xf32, #tpu.memory_space<vmem>>, vector<1x128xf32>,
    } else {
    }
    %eq3A_22 = arith.constant 1 : i32
    %eq3A_23 = arith.cmpi eq, %arg0, %eq3A_22 : i32
    %eq3A_24 = arith.constant 255 : i32
    %eq3A_25 = arith.cmpi eq, %arg1, %eq3A_24 : i32
    %and3A_26 = arith.andi %eq3A_23, %eq3A_25 : i1
    %convert_element_type3A_27 = arith.extui %and3A_26 : i1 to i32
    %cond3A_28 = arith.constant 0 : i32
    %cond3A_29 = arith.cmpi ne, %convert_element_type3A_27, %cond3A_28 : i32
    scf.if %cond3A_29 {
      %get3A = arith.constant 0 : index
      %get3A_30 = arith.constant 0 : index
      %get3A_31 = vector.load %arg15[%get3A, %get3A_30] : memref<256x128xf32, #tpu.memory_space<vmem>>, vector<256x128xf32>
      %swap3A = arith.constant 0 : index
      %swap3A_32 = arith.constant 0 : index
      %swap3A_33 = vector.load %arg7[%swap3A, %swap3A_32] : memref<256x128xf32, #tpu.memory_space<vmem>>, vector<256x128xf32>
      tpu.vector_store %arg7[%swap3A, %swap3A_32], %get3A_31 {strides = array<i32>} : memref<256x128xf32, #tpu.memory_space<vmem>>, vector<256x128xf32>,
      %get3A_34 = arith.constant 0 : index
      %get3A_35 = arith.constant 0 : index
      %get3A_36 = vector.load %arg16[%get3A_34, %get3A_35] : memref<256x128xf32, #tpu.memory_space<vmem>>, vector<256x128xf32>
      %swap3A_37 = arith.constant 0 : index
      %swap3A_38 = arith.constant 0 : index
      %swap3A_39 = vector.load %arg8[%swap3A_37, %swap3A_38] : memref<256x128xf32, #tpu.memory_space<vmem>>, vector<256x128xf32>
      tpu.vector_store %arg8[%swap3A_37, %swap3A_38], %get3A_36 {strides = array<i32>} : memref<256x128xf32, #tpu.memory_space<vmem>>, vector<256x128xf32>,
      %get3A_40 = arith.constant 0 : index
      %get3A_41 = arith.constant 0 : index
      %get3A_42 = vector.load %arg17[%get3A_40, %get3A_41] : memref<1536x128xf32, #tpu.memory_space<vmem>>, vector<1536x128xf32>
      %swap3A_43 = arith.constant 0 : index
      %swap3A_44 = arith.constant 0 : index
      %swap3A_45 = vector.load %arg5[%swap3A_43, %swap3A_44] : memref<1536x128xf32, #tpu.memory_space<vmem>>, vector<1536x128xf32>
      tpu.vector_store %arg5[%swap3A_43, %swap3A_44], %get3A_42 {strides = array<i32>} : memref<1536x128xf32, #tpu.memory_space<vmem>>, vector<1536x128xf32>,
      %get3A_46 = arith.constant 0 : index
      %get3A_47 = arith.constant 0 : index
      %get3A_48 = vector.load %arg18[%get3A_46, %get3A_47] : memref<1536x128xf32, #tpu.memory_space<vmem>>, vector<1536x128xf32>
      %swap3A_49 = arith.constant 0 : index
      %swap3A_50 = arith.constant 0 : index
      %swap3A_51 = vector.load %arg6[%swap3A_49, %swap3A_50] : memref<1536x128xf32, #tpu.memory_space<vmem>>, vector<1536x128xf32>
      tpu.vector_store %arg6[%swap3A_49, %swap3A_50], %get3A_48 {strides = array<i32>} : memref<1536x128xf32, #tpu.memory_space<vmem>>, vector<1536x128xf32>,
    } else {
    }
    return
  }
  func.func @transform_0(%arg0: i32, %arg1: i32) -> (i32, i32) {
    %c0_i32 = arith.constant 0 : i32
    %c0_i32_0 = arith.constant 0 : i32
    return %arg1, %c0_i32 : i32, i32
  }
  func.func @transform_1(%arg0: i32, %arg1: i32) -> (i32, i32) {
    %c0_i32 = arith.constant 0 : i32
    %c0_i32_0 = arith.constant 0 : i32
    return %arg1, %c0_i32 : i32, i32
  }
  func.func @transform_2(%arg0: i32, %arg1: i32) -> (i32, i32) {
    %c0_i32 = arith.constant 0 : i32
    %c0_i32_0 = arith.constant 0 : i32
    return %arg1, %c0_i32 : i32, i32
  }
  func.func @transform_3(%arg0: i32, %arg1: i32) -> (i32, i32) {
    %c0_i32 = arith.constant 0 : i32
    %c0_i32_0 = arith.constant 0 : i32
    %c0_i32_1 = arith.constant 0 : i32
    return %c0_i32, %c0_i32_0 : i32, i32
  }
  func.func @transform_4(%arg0: i32, %arg1: i32) -> (i32, i32) {
    %c0_i32 = arith.constant 0 : i32
    %c0_i32_0 = arith.constant 0 : i32
    %c0_i32_1 = arith.constant 0 : i32
    return %c0_i32, %c0_i32_0 : i32, i32
  }
  func.func @transform_5(%arg0: i32, %arg1: i32) -> (i32, i32) {
    %c0_i32 = arith.constant 0 : i32
    %c0_i32_0 = arith.constant 0 : i32
    %c0_i32_1 = arith.constant 0 : i32
    return %c0_i32, %c0_i32_0 : i32, i32
  }
  func.func @transform_6(%arg0: i32, %arg1: i32) -> (i32, i32) {
    %c0_i32 = arith.constant 0 : i32
    %c0_i32_0 = arith.constant 0 : i32
    %c0_i32_1 = arith.constant 0 : i32
    return %c0_i32, %c0_i32_0 : i32, i32
  }
  func.func @transform_7(%arg0: i32, %arg1: i32) -> (i32, i32) {
    %c0_i32 = arith.constant 0 : i32
    %c0_i32_0 = arith.constant 0 : i32
    %c0_i32_1 = arith.constant 0 : i32
    return %c0_i32, %c0_i32_0 : i32, i32
  }
  func.func @transform_8(%arg0: i32, %arg1: i32) -> (i32, i32) {
    %c0_i32 = arith.constant 0 : i32
    %c0_i32_0 = arith.constant 0 : i32
    %c0_i32_1 = arith.constant 0 : i32
    return %c0_i32, %c0_i32_0 : i32, i32
  }
}

module attributes {stable_mosaic.version = 14 : i64} {
  func.func @_tc_c_body(%arg0: i32, %arg1: memref<256x64xf32, #tpu.memory_space<vmem>>, %arg2: memref<256x1xi32, #tpu.memory_space<vmem>>, %arg3: memref<256x1xi32, #tpu.memory_space<vmem>>, %arg4: memref<128x32xf32, #tpu.memory_space<vmem>>, %arg5: memref<128x32xf32, #tpu.memory_space<vmem>>, %arg6: memref<32x16xi32, #tpu.memory_space<vmem>>, %arg7: memref<64x128xf32, #tpu.memory_space<vmem>>, %arg8: memref<1x128xf32, #tpu.memory_space<vmem>>, %arg9: memref<1x1xf32, #tpu.memory_space<vmem>>, %arg10: memref<8192x128xf32, #tpu.memory_space<vmem>>, %arg11: memref<8192x128xf32, #tpu.memory_space<vmem>>, %arg12: memref<32x128xf32, #tpu.memory_space<vmem>>, %arg13: memref<32x128xf32, #tpu.memory_space<vmem>>, %arg14: memref<1xi32, #tpu.memory_space<smem>>) attributes {dimension_semantics = [#tpu.dimension_semantics<arbitrary>], iteration_bounds = array<i64: 256>, scalar_prefetch = 0 : i64, scratch_operands = 5 : i64, tpu.core_type = #tpu.core_type<tc>, window_params = [{transform_indices = @transform_0, window_bounds = array<i64: 256, 64>}, {transform_indices = @transform_1, window_bounds = array<i64: 256, 1>}, {transform_indices = @transform_2, window_bounds = array<i64: 256, 1>}, {pipeline_mode = #tpu.pipeline_mode<synchronous>, transform_indices = @transform_3, window_bounds = array<i64: 128, 32>}, {pipeline_mode = #tpu.pipeline_mode<synchronous>, transform_indices = @transform_4, window_bounds = array<i64: 128, 32>}, {pipeline_mode = #tpu.pipeline_mode<synchronous>, transform_indices = @transform_5, window_bounds = array<i64: 32, 16>}, {pipeline_mode = #tpu.pipeline_mode<synchronous>, transform_indices = @transform_6, window_bounds = array<i64: 64, 128>}, {pipeline_mode = #tpu.pipeline_mode<synchronous>, transform_indices = @transform_7, window_bounds = array<i64: 1, 128>}, {pipeline_mode = #tpu.pipeline_mode<synchronous>, transform_indices = @transform_8, window_bounds = array<i64: 1, 1>}]} {
    %iota3A = tpu.iota {dimensions = array<i32: 1>} : vector<1x128xi32>
    %eq3A = arith.constant 0 : i32
    %eq3A_0 = arith.cmpi eq, %arg0, %eq3A : i32
    %convert_element_type3A = arith.extui %eq3A_0 : i1 to i32
    %cond3A = arith.constant 0 : i32
    %cond3A_1 = arith.cmpi ne, %convert_element_type3A, %cond3A : i32
    scf.if %cond3A_1 {
      %get3A_16 = arith.constant 0 : index
      %get3A_17 = arith.constant 0 : index
      %get3A_18 = vector.load %arg6[%get3A_16, %get3A_17] : memref<32x16xi32, #tpu.memory_space<vmem>>, vector<32x16xi32>
      %reduce_sum3A = vector.shape_cast %get3A_18 : vector<32x16xi32> to vector<1x32x16xi32>
      %reduce_sum3A_19 = arith.constant dense<0> : vector<1xi32>
      %reduce_sum3A_20 = vector.multi_reduction <add>, %reduce_sum3A, %reduce_sum3A_19 [1, 2] : vector<1x32x16xi32> to vector<1xi32>
      %reduce_sum3A_21 = vector.shape_cast %reduce_sum3A_20 : vector<1xi32> to vector<1x1x1xi32>
      %reduce_sum3A_22 = vector.extract %reduce_sum3A_21[0, 0, 0] : i32 from vector<1x1x1xi32>
      %gt3A = arith.constant 0 : i32
      %gt3A_23 = arith.cmpi sgt, %reduce_sum3A_22, %gt3A : i32
      %convert_element_type3A_24 = arith.extui %gt3A_23 : i1 to i32
      %swap3A = arith.constant 0 : index
      %swap3A_25 = memref.load %arg14[%swap3A] : memref<1xi32, #tpu.memory_space<smem>>
      memref.store %convert_element_type3A_24, %arg14[%swap3A] : memref<1xi32, #tpu.memory_space<smem>>
      %get3A_26 = arith.constant 0 : index
      %get3A_27 = arith.constant 0 : index
      %get3A_28 = vector.load %arg4[%get3A_26, %get3A_27] : memref<128x32xf32, #tpu.memory_space<vmem>>, vector<128x32xf32>
      %max3A = arith.constant 0.000000e+00 : f32
      %max3A_29 = vector.broadcast %max3A : f32 to vector<128x32xf32>
      %max3A_30 = arith.maximumf %get3A_28, %max3A_29 : vector<128x32xf32>
      %sqrt3A = math.sqrt %max3A_30 : vector<128x32xf32>
      %get3A_31 = arith.constant 0 : index
      %get3A_32 = arith.constant 0 : index
      %get3A_33 = vector.load %arg5[%get3A_31, %get3A_32] : memref<128x32xf32, #tpu.memory_space<vmem>>, vector<128x32xf32>
      %neg3A = arith.constant 0.000000e+00 : f32
      %neg3A_34 = vector.broadcast %neg3A : f32 to vector<128x32xf32>
      %neg3A_35 = arith.subf %neg3A_34, %get3A_33 : vector<128x32xf32>
      %max3A_36 = arith.constant 0.000000e+00 : f32
      %max3A_37 = vector.broadcast %max3A_36 : f32 to vector<128x32xf32>
      %max3A_38 = arith.maximumf %neg3A_35, %max3A_37 : vector<128x32xf32>
      %sqrt3A_39 = math.sqrt %max3A_38 : vector<128x32xf32>
      %sub3A = arith.subf %sqrt3A, %sqrt3A_39 : vector<128x32xf32>
      %add3A = arith.constant 1.000000e+00 : f32
      %add3A_40 = vector.broadcast %add3A : f32 to vector<128x32xf32>
      %add3A_41 = arith.addf %sub3A, %add3A_40 : vector<128x32xf32>
      %max3A_42 = arith.constant 0.000000e+00 : f32
      %max3A_43 = vector.broadcast %max3A_42 : f32 to vector<128x32xf32>
      %max3A_44 = arith.maximumf %add3A_41, %max3A_43 : vector<128x32xf32>
      %reduce_sum3A_45 = arith.constant dense<0.000000e+00> : vector<128xf32>
      %reduce_sum3A_46 = vector.multi_reduction <add>, %max3A_44, %reduce_sum3A_45 [1] : vector<128x32xf32> to vector<128xf32>
      %broadcast_in_dim3A = vector.shape_cast %reduce_sum3A_46 : vector<128xf32> to vector<128x1xf32>
      %div3A = arith.constant 3.200000e+01 : f32
      %div3A_47 = vector.broadcast %div3A : f32 to vector<128x1xf32>
      %div3A_48 = arith.divf %broadcast_in_dim3A, %div3A_47 : vector<128x1xf32>
      %get3A_49 = arith.constant 0 : index
      %get3A_50 = arith.constant 0 : index
      %get3A_51 = vector.load %arg4[%get3A_49, %get3A_50] : memref<128x32xf32, #tpu.memory_space<vmem>>, vector<128x32xf32>
      %slice3A = vector.extract_strided_slice %get3A_51 {offsets = [0, 0], sizes = [128, 1], strides = [1, 1]} : vector<128x32xf32> to vector<128x1xf32>
      %gt3A_52 = arith.constant -1.000000e+29 : f32
      %gt3A_53 = vector.broadcast %gt3A_52 : f32 to vector<128x1xf32>
      %gt3A_54 = arith.cmpf ogt, %slice3A, %gt3A_53 : vector<128x1xf32>
      %jit3A = arith.constant 0.000000e+00 : f32
      %broadcast_in_dim3A_55 = vector.broadcast %jit3A : f32 to vector<128x1xf32>
      %select_n3A = arith.select %gt3A_54, %div3A_48, %broadcast_in_dim3A_55 : vector<128x1xi1>, vector<128x1xf32>
      %convert_element_type3A_56 = arith.extui %gt3A_54 : vector<128x1xi1> to vector<128x1xi32>
      %convert_element_type3A_57 = arith.sitofp %convert_element_type3A_56 : vector<128x1xi32> to vector<128x1xf32>
      %reduce_sum3A_58 = vector.shape_cast %convert_element_type3A_57 : vector<128x1xf32> to vector<1x128x1xf32>
      %reduce_sum3A_59 = arith.constant dense<0.000000e+00> : vector<1xf32>
      %reduce_sum3A_60 = vector.multi_reduction <add>, %reduce_sum3A_58, %reduce_sum3A_59 [1, 2] : vector<1x128x1xf32> to vector<1xf32>
      %reduce_sum3A_61 = vector.shape_cast %reduce_sum3A_60 : vector<1xf32> to vector<1x1x1xf32>
      %reduce_sum3A_62 = vector.extract %reduce_sum3A_61[0, 0, 0] : f32 from vector<1x1x1xf32>
      %reduce_sum3A_63 = arith.constant dense<0.000000e+00> : vector<1xf32>
      %reduce_sum3A_64 = vector.multi_reduction <add>, %select_n3A, %reduce_sum3A_63 [0] : vector<128x1xf32> to vector<1xf32>
      %broadcast_in_dim3A_65 = vector.shape_cast %reduce_sum3A_64 : vector<1xf32> to vector<1x1xf32>
      %div3A_66 = vector.broadcast %reduce_sum3A_62 : f32 to vector<1x1xf32>
      %div3A_67 = arith.divf %broadcast_in_dim3A_65, %div3A_66 : vector<1x1xf32>
      %swap3A_68 = arith.constant 0 : index
      %swap3A_69 = arith.constant 0 : index
      %swap3A_70 = vector.load %arg9[%swap3A_68, %swap3A_69] : memref<1x1xf32, #tpu.memory_space<vmem>>, vector<1x1xf32>
      tpu.vector_store %arg9[%swap3A_68, %swap3A_69], %div3A_67 {strides = array<i32>} : memref<1x1xf32, #tpu.memory_space<vmem>>, vector<1x1xf32>,
    } else {
    }
    %get3A = arith.constant 0 : index
    %get3A_2 = memref.load %arg14[%get3A] : memref<1xi32, #tpu.memory_space<smem>>
    %ne3A = arith.constant 0 : i32
    %ne3A_3 = arith.cmpi ne, %get3A_2, %ne3A : i32
    %convert_element_type3A_4 = arith.extui %ne3A_3 : i1 to i32
    %cond3A_5 = arith.constant 0 : i32
    %cond3A_6 = arith.cmpi ne, %convert_element_type3A_4, %cond3A_5 : i32
    scf.if %cond3A_6 {
      %get3A_16 = arith.constant 0 : index
      %get3A_17 = arith.constant 0 : index
      %get3A_18 = vector.load %arg1[%get3A_16, %get3A_17] : memref<256x64xf32, #tpu.memory_space<vmem>>, vector<256x64xf32>
      %get3A_19 = arith.constant 0 : index
      %get3A_20 = arith.constant 0 : index
      %get3A_21 = vector.load %arg7[%get3A_19, %get3A_20] : memref<64x128xf32, #tpu.memory_space<vmem>>, vector<64x128xf32>
      %dot_general3A = arith.constant dense<0.000000e+00> : vector<256x128xf32>
      %dot_general3A_22 = tpu.matmul %get3A_18, %get3A_21, %dot_general3A {dimension_numbers = #tpu.dot_dimension_numbers<[1], [0], [0], [1], [0, 0, 1, 1], [], []>, transpose_lhs_hint = false} : vector<256x64xf32>, vector<64x128xf32>, vector<256x128xf32> -> vector<256x128xf32>
      %mul3A = arith.mulf %get3A_18, %get3A_18 : vector<256x64xf32>
      %reduce_sum3A = arith.constant dense<0.000000e+00> : vector<256xf32>
      %reduce_sum3A_23 = vector.multi_reduction <add>, %mul3A, %reduce_sum3A [1] : vector<256x64xf32> to vector<256xf32>
      %broadcast_in_dim3A = vector.shape_cast %reduce_sum3A_23 : vector<256xf32> to vector<256x1xf32>
      %get3A_24 = arith.constant 0 : index
      %get3A_25 = arith.constant 0 : index
      %get3A_26 = vector.load %arg8[%get3A_24, %get3A_25] : memref<1x128xf32, #tpu.memory_space<vmem>>, vector<1x128xf32>
      %mul3A_27 = arith.constant 2.000000e+00 : f32
      %mul3A_28 = vector.broadcast %mul3A_27 : f32 to vector<256x128xf32>
      %mul3A_29 = arith.mulf %mul3A_28, %dot_general3A_22 : vector<256x128xf32>
      %sub3A = vector.broadcast %get3A_26 : vector<1x128xf32> to vector<256x128xf32>
      %sub3A_30 = arith.subf %sub3A, %mul3A_29 : vector<256x128xf32>
      %add3A = vector.broadcast %broadcast_in_dim3A : vector<256x1xf32> to vector<256x128xf32>
      %add3A_31 = arith.addf %sub3A_30, %add3A : vector<256x128xf32>
      %max3A = arith.constant 0.000000e+00 : f32
      %max3A_32 = vector.broadcast %max3A : f32 to vector<256x128xf32>
      %max3A_33 = arith.maximumf %add3A_31, %max3A_32 : vector<256x128xf32>
      %get3A_34 = arith.constant 0 : index
      %get3A_35 = arith.constant 0 : index
      %get3A_36 = vector.load %arg2[%get3A_34, %get3A_35] : memref<256x1xi32, #tpu.memory_space<vmem>>, vector<256x1xi32>
      %eq3A_37 = vector.broadcast %get3A_36 : vector<256x1xi32> to vector<256x128xi32>
      %eq3A_38 = vector.broadcast %iota3A : vector<1x128xi32> to vector<256x128xi32>
      %eq3A_39 = arith.cmpi eq, %eq3A_37, %eq3A_38 : vector<256x128xi32>
      %jit3A = arith.constant -1.000000e+30 : f32
      %broadcast_in_dim3A_40 = vector.broadcast %jit3A : f32 to vector<256x128xf32>
      %select_n3A = arith.select %eq3A_39, %max3A_33, %broadcast_in_dim3A_40 : vector<256x128xi1>, vector<256x128xf32>
      %get3A_41 = arith.constant 0 : index
      %get3A_42 = arith.constant 0 : index
      %get3A_43 = vector.load %arg3[%get3A_41, %get3A_42] : memref<256x1xi32, #tpu.memory_space<vmem>>, vector<256x1xi32>
      %ne3A_44 = vector.broadcast %get3A_43 : vector<256x1xi32> to vector<256x128xi32>
      %ne3A_45 = vector.broadcast %iota3A : vector<1x128xi32> to vector<256x128xi32>
      %ne3A_46 = arith.cmpi ne, %ne3A_44, %ne3A_45 : vector<256x128xi32>
      %neg3A = arith.constant 0.000000e+00 : f32
      %neg3A_47 = vector.broadcast %neg3A : f32 to vector<256x128xf32>
      %neg3A_48 = arith.subf %neg3A_47, %max3A_33 : vector<256x128xf32>
      %jit3A_49 = arith.constant -1.000000e+30 : f32
      %broadcast_in_dim3A_50 = vector.broadcast %jit3A_49 : f32 to vector<256x128xf32>
      %select_n3A_51 = arith.select %ne3A_46, %neg3A_48, %broadcast_in_dim3A_50 : vector<256x128xi1>, vector<256x128xf32>
      %mul3A_52 = arith.constant 32 : i32
      %mul3A_53 = arith.muli %arg0, %mul3A_52 : i32
      %scan3A = arith.constant 0 : i32
      %scan3A_54 = arith.constant 32 : i32
      %scan3A_55 = arith.addi %scan3A, %scan3A_54 : i32
      %scan3A_56 = arith.constant 1 : i32
      %scan3A_57 = scf.for %scan3A_67 = %scan3A to %scan3A_55 step %scan3A_56 iter_args(%scan3A_68 = %select_n3A) -> (vector<256x128xf32>)  : i32 {
        %reduce_max3A = arith.constant dense<0xFF800000> : vector<128xf32>
        %reduce_max3A_69 = vector.multi_reduction <maximumf>, %scan3A_68, %reduce_max3A [0] : vector<256x128xf32> to vector<128xf32>
        %broadcast_in_dim3A_70 = vector.shape_cast %reduce_max3A_69 : vector<128xf32> to vector<1x128xf32>
        %add3A_71 = arith.addi %mul3A_53, %scan3A_67 : i32
        %swap3A = arith.index_cast %add3A_71 : i32 to index
        %swap3A_72 = arith.constant 0 : index
        %swap3A_73 = vector.load %arg10[%swap3A, %swap3A_72] : memref<8192x128xf32, #tpu.memory_space<vmem>>, vector<1x128xf32>
        tpu.vector_store %arg10[%swap3A, %swap3A_72], %broadcast_in_dim3A_70 {strides = array<i32>} : memref<8192x128xf32, #tpu.memory_space<vmem>>, vector<1x128xf32>,
        %eq3A_74 = vector.broadcast %broadcast_in_dim3A_70 : vector<1x128xf32> to vector<256x128xf32>
        %eq3A_75 = arith.cmpf oeq, %scan3A_68, %eq3A_74 : vector<256x128xf32>
        %jit3A_76 = arith.constant -1.000000e+30 : f32
        %broadcast_in_dim3A_77 = vector.broadcast %jit3A_76 : f32 to vector<256x128xf32>
        %select_n3A_78 = arith.select %eq3A_75, %broadcast_in_dim3A_77, %scan3A_68 : vector<256x128xi1>, vector<256x128xf32>
        scf.yield %select_n3A_78 : vector<256x128xf32>
      }
      %scan3A_58 = arith.constant 32 : i32
      %mul3A_59 = arith.constant 32 : i32
      %mul3A_60 = arith.muli %arg0, %mul3A_59 : i32
      %scan3A_61 = arith.constant 0 : i32
      %scan3A_62 = arith.constant 32 : i32
      %scan3A_63 = arith.addi %scan3A_61, %scan3A_62 : i32
      %scan3A_64 = arith.constant 1 : i32
      %scan3A_65 = scf.for %scan3A_67 = %scan3A_61 to %scan3A_63 step %scan3A_64 iter_args(%scan3A_68 = %select_n3A_51) -> (vector<256x128xf32>)  : i32 {
        %reduce_max3A = arith.constant dense<0xFF800000> : vector<128xf32>
        %reduce_max3A_69 = vector.multi_reduction <maximumf>, %scan3A_68, %reduce_max3A [0] : vector<256x128xf32> to vector<128xf32>
        %broadcast_in_dim3A_70 = vector.shape_cast %reduce_max3A_69 : vector<128xf32> to vector<1x128xf32>
        %add3A_71 = arith.addi %mul3A_60, %scan3A_67 : i32
        %swap3A = arith.index_cast %add3A_71 : i32 to index
        %swap3A_72 = arith.constant 0 : index
        %swap3A_73 = vector.load %arg11[%swap3A, %swap3A_72] : memref<8192x128xf32, #tpu.memory_space<vmem>>, vector<1x128xf32>
        tpu.vector_store %arg11[%swap3A, %swap3A_72], %broadcast_in_dim3A_70 {strides = array<i32>} : memref<8192x128xf32, #tpu.memory_space<vmem>>, vector<1x128xf32>,
        %eq3A_74 = vector.broadcast %broadcast_in_dim3A_70 : vector<1x128xf32> to vector<256x128xf32>
        %eq3A_75 = arith.cmpf oeq, %scan3A_68, %eq3A_74 : vector<256x128xf32>
        %jit3A_76 = arith.constant -1.000000e+30 : f32
        %broadcast_in_dim3A_77 = vector.broadcast %jit3A_76 : f32 to vector<256x128xf32>
        %select_n3A_78 = arith.select %eq3A_75, %broadcast_in_dim3A_77, %scan3A_68 : vector<256x128xi1>, vector<256x128xf32>
        scf.yield %select_n3A_78 : vector<256x128xf32>
      }
      %scan3A_66 = arith.constant 32 : i32
    } else {
    }
    %eq3A_7 = arith.constant 255 : i32
    %eq3A_8 = arith.cmpi eq, %arg0, %eq3A_7 : i32
    %get3A_9 = arith.constant 0 : index
    %get3A_10 = memref.load %arg14[%get3A_9] : memref<1xi32, #tpu.memory_space<smem>>
    %ne3A_11 = arith.constant 0 : i32
    %ne3A_12 = arith.cmpi ne, %get3A_10, %ne3A_11 : i32
    %and3A = arith.andi %eq3A_8, %ne3A_12 : i1
    %convert_element_type3A_13 = arith.extui %and3A : i1 to i32
    %cond3A_14 = arith.constant 0 : i32
    %cond3A_15 = arith.cmpi ne, %convert_element_type3A_13, %cond3A_14 : i32
    scf.if %cond3A_15 {
      %scan3A = arith.constant 0 : i32
      %scan3A_16 = arith.constant 32 : i32
      %scan3A_17 = arith.addi %scan3A, %scan3A_16 : i32
      %scan3A_18 = arith.constant 1 : i32
      scf.for %scan3A_67 = %scan3A to %scan3A_17 step %scan3A_18  : i32 {
        %broadcast_in_dim3A_68 = arith.constant -1.000000e+30 : f32
        %broadcast_in_dim3A_69 = vector.broadcast %broadcast_in_dim3A_68 : f32 to vector<1x128xf32>
        %scan3A_70 = arith.constant 0 : i32
        %scan3A_71 = arith.constant 32 : i32
        %scan3A_72 = arith.addi %scan3A_70, %scan3A_71 : i32
        %scan3A_73 = arith.constant 1 : i32
        %scan3A_74 = scf.for %scan3A_84 = %scan3A_70 to %scan3A_72 step %scan3A_73 iter_args(%scan3A_85 = %broadcast_in_dim3A_69) -> (vector<1x128xf32>)  : i32 {
          %mul3A = arith.constant 256 : i32
          %mul3A_86 = arith.muli %scan3A_84, %mul3A : i32
          %get3A_87 = arith.index_cast %mul3A_86 : i32 to index
          %get3A_88 = arith.constant 0 : index
          %get3A_89 = vector.load %arg10[%get3A_87, %get3A_88] : memref<8192x128xf32, #tpu.memory_space<vmem>>, vector<256x128xf32>
          %reduce_max3A = arith.constant dense<0xFF800000> : vector<128xf32>
          %reduce_max3A_90 = vector.multi_reduction <maximumf>, %get3A_89, %reduce_max3A [0] : vector<256x128xf32> to vector<128xf32>
          %broadcast_in_dim3A_91 = vector.shape_cast %reduce_max3A_90 : vector<128xf32> to vector<1x128xf32>
          %max3A_92 = arith.maximumf %scan3A_85, %broadcast_in_dim3A_91 : vector<1x128xf32>
          scf.yield %max3A_92 : vector<1x128xf32>
        }
        %scan3A_75 = arith.constant 32 : i32
        %swap3A_76 = arith.index_cast %scan3A_67 : i32 to index
        %swap3A_77 = arith.constant 0 : index
        %swap3A_78 = vector.load %arg12[%swap3A_76, %swap3A_77] : memref<32x128xf32, #tpu.memory_space<vmem>>, vector<1x128xf32>
        tpu.vector_store %arg12[%swap3A_76, %swap3A_77], %scan3A_74 {strides = array<i32>} : memref<32x128xf32, #tpu.memory_space<vmem>>, vector<1x128xf32>,
        %scan3A_79 = arith.constant 0 : i32
        %scan3A_80 = arith.constant 32 : i32
        %scan3A_81 = arith.addi %scan3A_79, %scan3A_80 : i32
        %scan3A_82 = arith.constant 1 : i32
        scf.for %scan3A_84 = %scan3A_79 to %scan3A_81 step %scan3A_82  : i32 {
          %mul3A = arith.constant 256 : i32
          %mul3A_85 = arith.muli %scan3A_84, %mul3A : i32
          %get3A_86 = arith.index_cast %mul3A_85 : i32 to index
          %get3A_87 = arith.constant 0 : index
          %get3A_88 = vector.load %arg10[%get3A_86, %get3A_87] : memref<8192x128xf32, #tpu.memory_space<vmem>>, vector<256x128xf32>
          %eq3A_89 = vector.broadcast %scan3A_74 : vector<1x128xf32> to vector<256x128xf32>
          %eq3A_90 = arith.cmpf oeq, %get3A_88, %eq3A_89 : vector<256x128xf32>
          %jit3A_91 = arith.constant -1.000000e+30 : f32
          %broadcast_in_dim3A_92 = vector.broadcast %jit3A_91 : f32 to vector<256x128xf32>
          %select_n3A_93 = arith.select %eq3A_90, %broadcast_in_dim3A_92, %get3A_88 : vector<256x128xi1>, vector<256x128xf32>
          %mul3A_94 = arith.constant 256 : i32
          %mul3A_95 = arith.muli %scan3A_84, %mul3A_94 : i32
          %swap3A_96 = arith.index_cast %mul3A_95 : i32 to index
          %swap3A_97 = arith.constant 0 : index
          %swap3A_98 = vector.load %arg10[%swap3A_96, %swap3A_97] : memref<8192x128xf32, #tpu.memory_space<vmem>>, vector<256x128xf32>
          tpu.vector_store %arg10[%swap3A_96, %swap3A_97], %select_n3A_93 {strides = array<i32>} : memref<8192x128xf32, #tpu.memory_space<vmem>>, vector<256x128xf32>,
        }
        %scan3A_83 = arith.constant 32 : i32
      }
      %scan3A_19 = arith.constant 32 : i32
      %scan3A_20 = arith.constant 0 : i32
      %scan3A_21 = arith.constant 32 : i32
      %scan3A_22 = arith.addi %scan3A_20, %scan3A_21 : i32
      %scan3A_23 = arith.constant 1 : i32
      scf.for %scan3A_67 = %scan3A_20 to %scan3A_22 step %scan3A_23  : i32 {
        %broadcast_in_dim3A_68 = arith.constant -1.000000e+30 : f32
        %broadcast_in_dim3A_69 = vector.broadcast %broadcast_in_dim3A_68 : f32 to vector<1x128xf32>
        %scan3A_70 = arith.constant 0 : i32
        %scan3A_71 = arith.constant 32 : i32
        %scan3A_72 = arith.addi %scan3A_70, %scan3A_71 : i32
        %scan3A_73 = arith.constant 1 : i32
        %scan3A_74 = scf.for %scan3A_84 = %scan3A_70 to %scan3A_72 step %scan3A_73 iter_args(%scan3A_85 = %broadcast_in_dim3A_69) -> (vector<1x128xf32>)  : i32 {
          %mul3A = arith.constant 256 : i32
          %mul3A_86 = arith.muli %scan3A_84, %mul3A : i32
          %get3A_87 = arith.index_cast %mul3A_86 : i32 to index
          %get3A_88 = arith.constant 0 : index
          %get3A_89 = vector.load %arg11[%get3A_87, %get3A_88] : memref<8192x128xf32, #tpu.memory_space<vmem>>, vector<256x128xf32>
          %reduce_max3A = arith.constant dense<0xFF800000> : vector<128xf32>
          %reduce_max3A_90 = vector.multi_reduction <maximumf>, %get3A_89, %reduce_max3A [0] : vector<256x128xf32> to vector<128xf32>
          %broadcast_in_dim3A_91 = vector.shape_cast %reduce_max3A_90 : vector<128xf32> to vector<1x128xf32>
          %max3A_92 = arith.maximumf %scan3A_85, %broadcast_in_dim3A_91 : vector<1x128xf32>
          scf.yield %max3A_92 : vector<1x128xf32>
        }
        %scan3A_75 = arith.constant 32 : i32
        %swap3A_76 = arith.index_cast %scan3A_67 : i32 to index
        %swap3A_77 = arith.constant 0 : index
        %swap3A_78 = vector.load %arg13[%swap3A_76, %swap3A_77] : memref<32x128xf32, #tpu.memory_space<vmem>>, vector<1x128xf32>
        tpu.vector_store %arg13[%swap3A_76, %swap3A_77], %scan3A_74 {strides = array<i32>} : memref<32x128xf32, #tpu.memory_space<vmem>>, vector<1x128xf32>,
        %scan3A_79 = arith.constant 0 : i32
        %scan3A_80 = arith.constant 32 : i32
        %scan3A_81 = arith.addi %scan3A_79, %scan3A_80 : i32
        %scan3A_82 = arith.constant 1 : i32
        scf.for %scan3A_84 = %scan3A_79 to %scan3A_81 step %scan3A_82  : i32 {
          %mul3A = arith.constant 256 : i32
          %mul3A_85 = arith.muli %scan3A_84, %mul3A : i32
          %get3A_86 = arith.index_cast %mul3A_85 : i32 to index
          %get3A_87 = arith.constant 0 : index
          %get3A_88 = vector.load %arg11[%get3A_86, %get3A_87] : memref<8192x128xf32, #tpu.memory_space<vmem>>, vector<256x128xf32>
          %eq3A_89 = vector.broadcast %scan3A_74 : vector<1x128xf32> to vector<256x128xf32>
          %eq3A_90 = arith.cmpf oeq, %get3A_88, %eq3A_89 : vector<256x128xf32>
          %jit3A_91 = arith.constant -1.000000e+30 : f32
          %broadcast_in_dim3A_92 = vector.broadcast %jit3A_91 : f32 to vector<256x128xf32>
          %select_n3A_93 = arith.select %eq3A_90, %broadcast_in_dim3A_92, %get3A_88 : vector<256x128xi1>, vector<256x128xf32>
          %mul3A_94 = arith.constant 256 : i32
          %mul3A_95 = arith.muli %scan3A_84, %mul3A_94 : i32
          %swap3A_96 = arith.index_cast %mul3A_95 : i32 to index
          %swap3A_97 = arith.constant 0 : index
          %swap3A_98 = vector.load %arg11[%swap3A_96, %swap3A_97] : memref<8192x128xf32, #tpu.memory_space<vmem>>, vector<256x128xf32>
          tpu.vector_store %arg11[%swap3A_96, %swap3A_97], %select_n3A_93 {strides = array<i32>} : memref<8192x128xf32, #tpu.memory_space<vmem>>, vector<256x128xf32>,
        }
        %scan3A_83 = arith.constant 32 : i32
      }
      %scan3A_24 = arith.constant 32 : i32
      %get3A_25 = arith.constant 0 : index
      %get3A_26 = arith.constant 0 : index
      %get3A_27 = vector.load %arg12[%get3A_25, %get3A_26] : memref<32x128xf32, #tpu.memory_space<vmem>>, vector<32x128xf32>
      %max3A = arith.constant 0.000000e+00 : f32
      %max3A_28 = vector.broadcast %max3A : f32 to vector<32x128xf32>
      %max3A_29 = arith.maximumf %get3A_27, %max3A_28 : vector<32x128xf32>
      %sqrt3A = math.sqrt %max3A_29 : vector<32x128xf32>
      %get3A_30 = arith.constant 0 : index
      %get3A_31 = arith.constant 0 : index
      %get3A_32 = vector.load %arg13[%get3A_30, %get3A_31] : memref<32x128xf32, #tpu.memory_space<vmem>>, vector<32x128xf32>
      %neg3A = arith.constant 0.000000e+00 : f32
      %neg3A_33 = vector.broadcast %neg3A : f32 to vector<32x128xf32>
      %neg3A_34 = arith.subf %neg3A_33, %get3A_32 : vector<32x128xf32>
      %max3A_35 = arith.constant 0.000000e+00 : f32
      %max3A_36 = vector.broadcast %max3A_35 : f32 to vector<32x128xf32>
      %max3A_37 = arith.maximumf %neg3A_34, %max3A_36 : vector<32x128xf32>
      %sqrt3A_38 = math.sqrt %max3A_37 : vector<32x128xf32>
      %sub3A = arith.subf %sqrt3A, %sqrt3A_38 : vector<32x128xf32>
      %add3A = arith.constant 1.000000e+00 : f32
      %add3A_39 = vector.broadcast %add3A : f32 to vector<32x128xf32>
      %add3A_40 = arith.addf %sub3A, %add3A_39 : vector<32x128xf32>
      %max3A_41 = arith.constant 0.000000e+00 : f32
      %max3A_42 = vector.broadcast %max3A_41 : f32 to vector<32x128xf32>
      %max3A_43 = arith.maximumf %add3A_40, %max3A_42 : vector<32x128xf32>
      %reduce_sum3A = arith.constant dense<0.000000e+00> : vector<128xf32>
      %reduce_sum3A_44 = vector.multi_reduction <add>, %max3A_43, %reduce_sum3A [0] : vector<32x128xf32> to vector<128xf32>
      %broadcast_in_dim3A = vector.shape_cast %reduce_sum3A_44 : vector<128xf32> to vector<1x128xf32>
      %div3A = arith.constant 3.200000e+01 : f32
      %div3A_45 = vector.broadcast %div3A : f32 to vector<1x128xf32>
      %div3A_46 = arith.divf %broadcast_in_dim3A, %div3A_45 : vector<1x128xf32>
      %get3A_47 = arith.constant 0 : index
      %get3A_48 = arith.constant 0 : index
      %get3A_49 = vector.load %arg12[%get3A_47, %get3A_48] : memref<32x128xf32, #tpu.memory_space<vmem>>, vector<32x128xf32>
      %slice3A = vector.extract_strided_slice %get3A_49 {offsets = [0, 0], sizes = [1, 128], strides = [1, 1]} : vector<32x128xf32> to vector<1x128xf32>
      %gt3A = arith.constant -1.000000e+29 : f32
      %gt3A_50 = vector.broadcast %gt3A : f32 to vector<1x128xf32>
      %gt3A_51 = arith.cmpf ogt, %slice3A, %gt3A_50 : vector<1x128xf32>
      %jit3A = arith.constant 0.000000e+00 : f32
      %broadcast_in_dim3A_52 = vector.broadcast %jit3A : f32 to vector<1x128xf32>
      %select_n3A = arith.select %gt3A_51, %div3A_46, %broadcast_in_dim3A_52 : vector<1x128xi1>, vector<1x128xf32>
      %convert_element_type3A_53 = arith.extui %gt3A_51 : vector<1x128xi1> to vector<1x128xi32>
      %convert_element_type3A_54 = arith.sitofp %convert_element_type3A_53 : vector<1x128xi32> to vector<1x128xf32>
      %reduce_sum3A_55 = vector.shape_cast %convert_element_type3A_54 : vector<1x128xf32> to vector<1x1x128xf32>
      %reduce_sum3A_56 = arith.constant dense<0.000000e+00> : vector<1xf32>
      %reduce_sum3A_57 = vector.multi_reduction <add>, %reduce_sum3A_55, %reduce_sum3A_56 [1, 2] : vector<1x1x128xf32> to vector<1xf32>
      %reduce_sum3A_58 = vector.shape_cast %reduce_sum3A_57 : vector<1xf32> to vector<1x1x1xf32>
      %reduce_sum3A_59 = vector.extract %reduce_sum3A_58[0, 0, 0] : f32 from vector<1x1x1xf32>
      %reduce_sum3A_60 = arith.constant dense<0.000000e+00> : vector<1xf32>
      %reduce_sum3A_61 = vector.multi_reduction <add>, %select_n3A, %reduce_sum3A_60 [1] : vector<1x128xf32> to vector<1xf32>
      %broadcast_in_dim3A_62 = vector.shape_cast %reduce_sum3A_61 : vector<1xf32> to vector<1x1xf32>
      %div3A_63 = vector.broadcast %reduce_sum3A_59 : f32 to vector<1x1xf32>
      %div3A_64 = arith.divf %broadcast_in_dim3A_62, %div3A_63 : vector<1x1xf32>
      %swap3A = arith.constant 0 : index
      %swap3A_65 = arith.constant 0 : index
      %swap3A_66 = vector.load %arg9[%swap3A, %swap3A_65] : memref<1x1xf32, #tpu.memory_space<vmem>>, vector<1x1xf32>
      tpu.vector_store %arg9[%swap3A, %swap3A_65], %div3A_64 {strides = array<i32>} : memref<1x1xf32, #tpu.memory_space<vmem>>, vector<1x1xf32>,
    } else {
    }
    return
  }
  func.func @transform_0(%arg0: i32) -> (i32, i32) {
    %c0_i32 = arith.constant 0 : i32
    %c0_i32_0 = arith.constant 0 : i32
    return %arg0, %c0_i32 : i32, i32
  }
  func.func @transform_1(%arg0: i32) -> (i32, i32) {
    %c0_i32 = arith.constant 0 : i32
    %c0_i32_0 = arith.constant 0 : i32
    return %arg0, %c0_i32 : i32, i32
  }
  func.func @transform_2(%arg0: i32) -> (i32, i32) {
    %c0_i32 = arith.constant 0 : i32
    %c0_i32_0 = arith.constant 0 : i32
    return %arg0, %c0_i32 : i32, i32
  }
  func.func @transform_3(%arg0: i32) -> (i32, i32) {
    %c0_i32 = arith.constant 0 : i32
    %c0_i32_0 = arith.constant 0 : i32
    %c0_i32_1 = arith.constant 0 : i32
    return %c0_i32, %c0_i32_0 : i32, i32
  }
  func.func @transform_4(%arg0: i32) -> (i32, i32) {
    %c0_i32 = arith.constant 0 : i32
    %c0_i32_0 = arith.constant 0 : i32
    %c0_i32_1 = arith.constant 0 : i32
    return %c0_i32, %c0_i32_0 : i32, i32
  }
  func.func @transform_5(%arg0: i32) -> (i32, i32) {
    %c0_i32 = arith.constant 0 : i32
    %c0_i32_0 = arith.constant 0 : i32
    %c0_i32_1 = arith.constant 0 : i32
    return %c0_i32, %c0_i32_0 : i32, i32
  }
  func.func @transform_6(%arg0: i32) -> (i32, i32) {
    %c0_i32 = arith.constant 0 : i32
    %c0_i32_0 = arith.constant 0 : i32
    %c0_i32_1 = arith.constant 0 : i32
    return %c0_i32, %c0_i32_0 : i32, i32
  }
  func.func @transform_7(%arg0: i32) -> (i32, i32) {
    %c0_i32 = arith.constant 0 : i32
    %c0_i32_0 = arith.constant 0 : i32
    %c0_i32_1 = arith.constant 0 : i32
    return %c0_i32, %c0_i32_0 : i32, i32
  }
  func.func @transform_8(%arg0: i32) -> (i32, i32) {
    %c0_i32 = arith.constant 0 : i32
    %c0_i32_0 = arith.constant 0 : i32
    %c0_i32_1 = arith.constant 0 : i32
    return %c0_i32, %c0_i32_0 : i32, i32
  }
}

</mosaic_0001>

<sc_bundles>
// kernel: kernel.6.cloned.1.call-start
scs
__scs_entry_jumppad:
0x0: {  	(pc) =	sbr.rel $0x88, $3  }
0x1: {  	(tag) =	ssettag $0x0;
	lr =	simm.s32 $0x1  }
0x2: {  	[smem:$0x3F9F] =	sst lr;
	_ =	strace $0xD0000000  }
0x3: {  	_ = 	snop  }
0x4: {  	_ = 	snop  }
0x5: {  	_ = 	snop  }
0x6: {  	_ = 	snop  }
0x7: {  	_ = 	snop  }
__scs_overlays_trampoline_lowered:
0x8: {  	[smem:$0x3FAE] =	sst s0  }
0x9: {  	[smem:$0x3FAF] =	sst s1  }
0xa: {  	[smem:$0x3FB0] =	sst s2  }
0xb: {  	[smem:$0x3FB1] =	sst s3  }
0xc: {  	[smem:$0x3FB2] =	sst s4  }
0xd: {  	[smem:$0x3FB3] =	sst s5  }
0xe: {  	[smem:$0x3FB4] =	sst s6  }
0xf: {  	[smem:$0x3FB5] =	sst s7  }
0x10: {  	[smem:$0x3FB6] =	sst s8  }
0x11: {  	[smem:$0x3FB7] =	sst s9;
	s0 =	simm.s32 @!p0 $0x0  }
0x12: {  	s1 =	sld [smem:$0x3F9D];
	s0 =	simm.s32 @p0 $0x1  }
0x13: {  	[smem:$0x3FB8] =	sst s0;
	s0 =	simm.s32 @!p1 $0x0  }
0x14: {  	s2 =	sld [smem:$0x3F9C];
	s0 =	simm.s32 @p1 $0x1  }
0x15: {  	[smem:$0x3FB9] =	sst s0;
	s0 =	simm.s32 @!p2 $0x0  }
0x16: {  	s3 =	sld [smem:$0x3FDB];
	s0 =	simm.s32 @p2 $0x1  }
0x17: {  	s4 =	simm.s32 $0x1BF5;
	[smem:$0x3FBB] =	sst s0  }
0x18: {  	s0 =	sld [smem:$0x3F9E];
	_ =	swait.ge [sflag:s4], $0x0  }
0x19: {  	s7 =	sld [smem:$0x3F9F]  }
0x1a: {  	s8 =	sadd.s32 $0xFFFFE003, lr  }
0x1b: {  	s9 =	sadd.s32 $0xFFFFFEF7, lr;
	s5 =	simm.s32 $0xFFFFFFFF;
	p2 =	slt.u32 s8, $0xFFFFF086  }
0x1c: {  	p1 =	slt.u32 s9, $0xF7A;
	s5 =	simm.s32 @!p2 $0x0  }
0x1d: {  	s5 =	simm.s32 @p1 $0x1;
	p0 =	seq.s32 s7, s2  }
0x1e: {  	s7 =	smul.u32 @!p0 $0xF7A, s2;
	p2 =	seq.s32 @!p0 s5, $0x0  }
0x1f: {  	s9 =	smul.u32 $0xF7A, s1;
	s8 =	simm.s32 @!p0 $0x1BF5;
	p2 =	por !p2, p0  }
0x20: {  	[sflag:s8] =	ssyncset.s32 @!p0 $0xFFFFF086;
	s6 =	sadd.s32 @!p0 s3, s7;
	s7 =	simm.s32 @!p0 $0x108  }
0x21: {  	s3 =	sadd.s32 s3, s9;
	s6 =	sadd.s32 @!p0 $0x88, s6;
	s7 =	simm.s32 @p2 $0x1082  }
0x22: {  	[simem:s7], [sflag:s8] =	dma.local @!p0 [hbm:s6], $0xF7A  }
0x23: {  	s9 =	sor.u32 $0xD0000000, s2;
	s6 =	simm.s32 $0x108;
	_ =	swait.ge @!p0 [sflag:s8], $0x0  }
0x24: {  	s3 =	sadd.s32 $0x88, s3;
	s6 =	simm.s32 @!p1 $0x1082;
	[sflag:s4] =	ssyncset.s32 $0xFFFFF086  }
0x25: {  	[simem:s6], [sflag:s4] =	dma.local [hbm:s3], $0xF7A  }
0x26: {  	[smem:$0x3F9F] =	sst s1;
	(tag) =	ssettag s2;
	_ =	strace s9  }
0x27: {  	s1 =	sld [smem:$0x3FAF]  }
0x28: {  	s2 =	sld [smem:$0x3FB0]  }
0x29: {  	s4 =	sld [smem:$0x3FB2]  }
0x2a: {  	p0 =	seq.s32 s5, $0x0;
	s5 =	sld [smem:$0x3FB3]  }
0x2b: {  	s6 =	sld [smem:$0x3FB4]  }
0x2c: {  	s7 =	sld [smem:$0x3FB5]  }
0x2d: {  	s3 =	simm.s32 $0x108;
	s8 =	sld [smem:$0x3FB6]  }
0x2e: {  	s3 =	simm.s32 @!p0 $0x1082;
	s9 =	sld [smem:$0x3FB7]  }
0x2f: {  	lr =	sadd.s32 s0, s3;
	s0 =	sld [smem:$0x3FAE]  }
0x30: {  	s3 =	sld [smem:$0x3FB1]  }
0x31: {  	[smem:$0x3FBA] =	sst s10  }
0x32: {  	s10 =	sld [smem:$0x3FB8];
	_ =	sdelay $0x3  }
0x33: {  	p0 =	seq.s32 s10, $0x1;
	s10 =	sld [smem:$0x3FBA];
	_ =	sdelay $0x3  }
0x34: {  	[smem:$0x3FBA] =	sst s10  }
0x35: {  	s10 =	sld [smem:$0x3FB9];
	_ =	sdelay $0x3  }
0x36: {  	p1 =	seq.s32 s10, $0x1;
	s10 =	sld [smem:$0x3FBA];
	_ =	sdelay $0x3  }
0x37: {  	[smem:$0x3FBA] =	sst s10  }
0x38: {  	s10 =	sld [smem:$0x3FBB]  }
0x39: {  	_ = 	snop;
	(pc) =	sbr.ind lr, $3  }
0x3a: {  	_ = 	snop  }
0x3b: {  	_ = 	snop  }
0x3c: {  	p2 =	seq.s32 s10, $0x1;
	s10 =	sld [smem:$0x3FBA]  }
0x3d: {  	_ =	shalt  }
0x3e: {  	_ =	shalt  }
0x3f: {  	_ =	shalt  }
0x40: {  	_ =	shalt  }
0x41: {  	_ =	shalt  }
0x42: {  	_ =	shalt  }
0x43: {  	_ =	shalt  }
0x44: {  	_ =	shalt  }
0x45: {  	_ =	shalt  }
0x46: {  	_ =	shalt  }
0x47: {  	_ =	shalt  }
0x48: {  	_ =	shalt  }
0x49: {  	_ =	shalt  }
0x4a: {  	_ =	shalt  }
0x4b: {  	_ =	shalt  }
0x4c: {  	_ =	shalt  }
0x4d: {  	_ =	shalt  }
0x4e: {  	_ =	shalt  }
0x4f: {  	_ =	shalt  }
0x50: {  	_ =	shalt  }
0x51: {  	_ =	shalt  }
0x52: {  	_ =	shalt  }
0x53: {  	_ =	shalt  }
0x54: {  	_ =	shalt  }
0x55: {  	_ =	shalt  }
0x56: {  	_ =	shalt  }
0x57: {  	_ =	shalt  }
0x58: {  	_ =	shalt  }
0x59: {  	_ =	shalt  }
0x5a: {  	_ =	shalt  }
0x5b: {  	_ =	shalt  }
0x5c: {  	_ =	shalt  }
0x5d: {  	_ =	shalt  }
0x5e: {  	_ =	shalt  }
0x5f: {  	_ =	shalt  }
0x60: {  	_ =	shalt  }
0x61: {  	_ =	shalt  }
0x62: {  	_ =	shalt  }
0x63: {  	_ =	shalt  }
0x64: {  	_ =	shalt  }
0x65: {  	_ =	shalt  }
0x66: {  	_ =	shalt  }
0x67: {  	_ =	shalt  }
0x68: {  	_ =	shalt  }
0x69: {  	_ =	shalt  }
0x6a: {  	_ =	shalt  }
0x6b: {  	_ =	shalt  }
0x6c: {  	_ =	shalt  }
0x6d: {  	_ =	shalt  }
0x6e: {  	_ =	shalt  }
0x6f: {  	_ =	shalt  }
0x70: {  	_ =	shalt  }
0x71: {  	_ =	shalt  }
0x72: {  	_ =	shalt  }
0x73: {  	_ =	shalt  }
0x74: {  	_ =	shalt  }
0x75: {  	_ =	shalt  }
0x76: {  	_ =	shalt  }
0x77: {  	_ =	shalt  }
0x78: {  	_ =	shalt  }
0x79: {  	_ =	shalt  }
0x7a: {  	_ =	shalt  }
0x7b: {  	_ =	shalt  }
0x7c: {  	_ =	shalt  }
0x7d: {  	_ =	shalt  }
0x7e: {  	_ =	shalt  }
0x7f: {  	_ =	shalt  }
0x80: {  	_ =	shalt  }
0x81: {  	_ =	shalt  }
0x82: {  	_ =	shalt  }
0x83: {  	_ =	shalt  }
0x84: {  	_ =	shalt  }
0x85: {  	_ =	shalt  }
0x86: {  	_ =	shalt  }
0x87: {  	_ =	shalt  }
.Lfunc_end0:
.L_simem_size_0:
called_computation_lowered:
.L_overlay_start_0:
0x88: {  	s2 =	sld [smem:$0x3FD9]  }
0x89: {  	s3 =	sld [smem:$0x3FFE];
	_ =	sdelay $0x1  }
0x8a: {  	s1 =	srdreg.scid  }
0x8b: {  	s0 =	sand.u32 $0x1, s1  }
0x8c: {  	s16 =	sshll.u32 s0, $0xA;
	s2 =	sadd.s32 s3, s2  }
0x8d: {  	s2 =	sadd.s32 s2, s16  }
0x8e: {  	[smem:$0x3FC6] =	sst s2  }
0x8f: {  	_ = 	snop  }
0x90: {  	(tm) =	ssettm $0x1  }
0x91: {  	s17 =	sld [smem:$0x3FFB];
	_ =	sdelay $0x3  }
0x92: {  	_ =	strace s17  }
0x93: {  	s2 =	sld [smem:$0x3FFC];
	_ =	sdelay $0x3  }
0x94: {  	_ =	strace s2  }
0x95: {  	s2 =	sld [smem:$0x3FFD];
	_ =	sdelay $0x3  }
0x96: {  	_ =	strace s2  }
0x97: {  	_ =	strace $0x8FFFFFFF  }
0x98: {  	s18 =	sld [smem:$0x3FDB];
	_ =	sdelay $0x1  }
0x99: {  	s19 =	simm.s32 $_scs_section_size  }
0x9a: {  	s4 =	simm.s32 $_size__tile_overlayer_lowered;
	s5 =	simm.s32 $_tile_overlayer_lowered  }
0x9b: {  	s22 =	simm.s32 $0x1BFF;
	s21 =	sshll.u32 s5, $0x1;
	s2 =	sadd.s32 s19, s18  }
0x9c: {  	s6 =	simm.s32 $0x0;
	s20 =	sshll.u32 s4, $0x1;
	s4 =	sadd.s32 s21, s2  }
0x9d: {  	[timem:s6], [sflag:s22] =	dma.local [hbm:s4], s20  }
0x9e: {  	_ =	swait.ge [sflag:s22], s20  }
0x9f: {  	s3 =	ssub.s32 $0x0, s20;
	[sflag:s22] =	ssyncset.done $0x0  }
0xa0: {  	[sflag:s22] =	ssyncadd.s32 s3;
	_ =	sdelay $0x1  }
0xa1: {  	s23 =	simm.s32 $0x1B8B  }
0xa2: {  	_ =	swait.ge [sflag:s23], $0x1  }
0xa3: {  	[sflag:s23] =	ssyncset.done $0x0  }
0xa4: {  	s25 =	simm.s32 $0x1B8E;
	s24 =	sld [smem:$0x3FFE];
	[sflag:s23] =	ssyncadd.s32 $0xFFFFFFFF  }
0xa5: {  	s26 =	simm.s32 $execute0_lowered;
	[smem:$0x3FD2] =	sst s25  }
0xa6: {  	s4 =	sshll.u32 s26, $0x1;
	_ =	strace $0x80000046;
	[dreg:$0x1] =	wrdreg $0xFFFFFFFF  }
0xa7: {  	s28 =	simm.s32 $_size_execute0_lowered;
	s2 =	sadd.s32 s2, s4;
	[dreg:$0x0] =	wrdreg $0x0  }
0xa8: {  	s4 =	sshll.u32 s28, $0x1;
	[dreg:$0x2] =	wrdreg s2  }
0xa9: {  	[dreg:$0x3] =	wrdreg s4  }
0xaa: {  	[dreg:$0x4] =	wrdreg $0xC0  }
0xab: {  	_ =	task [dreg:s6], $0x5FFFF  }
0xac: {  	[dreg:$0x1] =	wrdreg $0xFFFFFFFF  }
0xad: {  	[dreg:$0x0] =	wrdreg $0x60  }
0xae: {  	[dreg:$0x2] =	wrdreg s24  }
0xaf: {  	[dreg:$0x3] =	wrdreg $0x9  }
0xb0: {  	_ =	task.clear_ibuf [dreg:s6], $0x4FFFF;
	_ =	strace $0x90000046  }
0xb1: {  	s29 =	simm.s32 $0x9;
	_ =	strace $0x80000048  }
0xb2: {  	_ =	swait.ge [sflag:s29], $0x1  }
0xb3: {  	[sflag:s29] =	ssyncadd.s32 $0xFFFFFFFF  }
0xb4: {  	_ =	strace $0x90000048  }
0xb5: {  	_ =	sfence  }
0xb6: {  	s30 =	sld [smem:$0x0];
	_ =	sdelay $0x2  }
0xb7: {  	s31 =	sshll.u32 s1, $0xD;
	s1 =	sshrl.u32 s1, $0x2  }
0xb8: {  	s3 =	sand.u32 $0x4000, s31;
	s1 =	sadd.s32 s1, s30  }
0xb9: {  	s0 =	sor.u32 s3, s0;
	s1 =	sshll.u32 s1, $0x11  }
0xba: {  	s0 =	sor.u32 s1, s0  }
0xbb: {  	s0 =	sadd.s32 $0x8F2B, s0  }
0xbc: {  	[sflag:s0] =	ssyncadd.remote.s32 $0x1  }
0xbd: {  	_ =	sfence.sel $0xFFFF  }
0xbe: {  	[dreg:$0x0] =	wrdreg $0xFFFFFFFF;
	(pc) =	sbr.abs _section_cstart, $3  }
0xbf: {  	[dreg:$0x1] =	wrdreg $0xFFFFFFFF  }
0xc0: {  	_ =	task.clear_ibuf [dreg:s6], $0x2FFFF;
	_ =	strace $0x9FFFFFFF  }
0xc1: {  	(tm) =	ssettm $0x7FFFFFFF  }
tec
execute0_lowered:
.L_overlay_start_1:
0x0: {  	(tag) =	ssettag $0x1  }
0x1: {  	s0 =	srdreg.scid  }
0x2: {  	s4 =	rddreg [dreg:$0x0];
	s1 =	stileid.u32;
	s3 =	sand.u32 $0x1, s0  }
0x3: {  	s2 =	simm.s32 $0x0;
	s9 =	simm.s32 $0x1800;
	s5 =	sshll.u32 s3, $0x4  }
0x4: {  	s10 =	simm.s32 $0x0;
	s0 =	rddreg [dreg:$0x1];
	s5 =	sor.u32 s1, s5  }
0x5: {  	v0 =	vlaneseq.u32;
	[smem:$0x7FF] =	sst s2;
	s7 =	ssub.s32 $0x2, s3;
	s6 =	smul.u32 $0x300, s5  }
0x6: {  	v1 =	vmul.u32 $0xFFFFFFFF, v0;
	_ =	strace $0x80000047;
	s31 =	sshrl.u32 s7, $0x1;
	s5 =	sshll.u32 s5, $0xB  }
0x7: {  	v4 =	vimm.f32 $-1.000000020e+30;
	v0 =	vmul.u32 $0x80, v0;
	s7 =	ssub.s32 s7, s31;
	s8 =	sadd.s32 s5, s4;
	s6 =	sadd.s32 s6, s4  }
0x8: {  	v1 =	vadd.s32 $0xF, v1;
	s7 =	smax.u32 s7, $0x1;
	s4 =	sadd.s32 $0x311200, s8;
	s3 =	sadd.s32 $0x303200, s6  }
0x9: {  	v2 =	vor.u32 $0x800, v0;
	v3 =	vor.u32 $0x1000, v0;
	v4 =	vperm.xlane v4, v1;
	s5 =	sadd.s32 $0x309200, s6;
	s6 =	sadd.s32 $0x321200, s8;
	s8 =	simm.s32 $0x1  }
.LBB2_1:
0xa: {  	v5 =	vmov s2  }
0xb: {  	v5 =	vand.u32 $0x7F, v5  }
0xc: {  	v5 =	vbroadcast v5, $0x0;
	_ =	sdelay $0x1  }
0xd: {  	v6 =	vor.u32 v2, v5  }
0xe: {  	[tilespmem:s2], [sflag:$0x1] =	stream.linear.gather [hbm4b:s3+s2], $0x1800, $0x38;
	[tilespmem:$0x5800] =	vst v63  }
0xf: {  	_ =	swait.ge [sflag:s8], $0x1800;
	v7 =	vor.u32 v0, v5  }
0x10: {  	[sflag:s8] =	ssyncset.done $0x0  }
0x11: {  	[sflag:s8] =	ssyncadd.s32 $0xFFFFE800  }
0x12: {  	v6 =	vld.idx.msk [tilespmem:v6+s2+$0x0], $0xffff;
	_ =	sdelay $0x1  }
0x13: {  	v7 =	vld.idx.msk [tilespmem:v7+s2+$0x0], $0xffff;
	_ =	sdelay $0x2  }
0x14: {  	(xrf1) =	vsort.dscd.msk.f32 $0xffff, v6, v6;
	_ =	sdelay $0x1  }
0x15: {  	(xrf1) =	vsort.dscd.msk.f32 $0xffff, v7, v7;
	_ =	sdelay $0x5  }
0x16: {  	v5 =	vor.u32 v3, v5;
	_ =	sdelay $0x4  }
0x17: {  	v5 =	vld.idx.msk [tilespmem:v5+s2+$0x0], $0xffff  }
0x18: {  	v6, _, _ =	vpop (xrf1)  }
0x19: {  	v6 =	vperm.xlane v6, v1  }
0x1a: {  	v7, _, _ =	vpop (xrf1)  }
0x1b: {  	v7 =	vmax.f32 v7, v4;
	v6 =	vmax.f32 v6, $-1.000000020e+30  }
0x1c: {  	(xrf1) =	vsort.dscd.msk.f32 $0xffff, v5, v5;
	v8 =	vmax.f32 v7, v6  }
0x1d: {  	v5 =	vmin.f32 v7, v6;
	(xrf1) =	vsort.dscd.msk.f32 $0xffff, v8, v8  }
0x1e: {  	(xrf1) =	vsort.dscd.msk.f32 $0xffff, v5, v5;
	_ =	sdelay $0xb  }
0x1f: {  	v5, _, _ =	vpop (xrf1)  }
0x20: {  	v5 =	vperm.xlane v5, v1;
	v6, _, _ =	vpop (xrf1)  }
0x21: {  	v7, _, _ =	vpop (xrf1)  }
0x22: {  	v6 =	vmax.f32 v6, v4;
	v5 =	vmax.f32 v7, v5  }
0x23: {  	v7 =	vmin.f32 v6, v5  }
0x24: {  	v5 =	vmax.f32 v6, v5;
	(xrf1) =	vsort.dscd.msk.f32 $0xffff, v7, v7  }
0x25: {  	(xrf1) =	vsort.dscd.msk.f32 $0xffff, v5, v5;
	_ =	sdelay $0x5  }
0x26: {  	s11 =	simm.s32 $0x1  }
0x27: {  	v5 =	vmov s11  }
0x28: {  	v5 =	vand.u32 $0x7F, v5  }
0x29: {  	v5 =	vbroadcast v5, $0x0;
	_ =	sdelay $0x1  }
0x2a: {  	v6 =	vor.u32 v2, v5;
	_ =	sdelay $0x1  }
0x2b: {  	s11 =	simm.s32 $0x1810;
	v7 =	vor.u32 v0, v5;
	v61, _, _ =	vpop (xrf1)  }
0x2c: {  	[tilespmem:s11+$0x0] =	vst v61;
	v62, _, _ =	vpop (xrf1)  }
0x2d: {  	[tilespmem:s11+$0xFFFFFFF0] =	vst v62  }
0x2e: {  	v6 =	vld.idx.msk [tilespmem:v6+s2+$0x0], $0xffff;
	_ =	sdelay $0x1  }
0x2f: {  	v7 =	vld.idx.msk [tilespmem:v7+s2+$0x0], $0xffff;
	_ =	sdelay $0x2  }
0x30: {  	(xrf1) =	vsort.dscd.msk.f32 $0xffff, v6, v6;
	_ =	sdelay $0x1  }
0x31: {  	(xrf1) =	vsort.dscd.msk.f32 $0xffff, v7, v7;
	_ =	sdelay $0x5  }
0x32: {  	v5 =	vor.u32 v3, v5;
	_ =	sdelay $0x4  }
0x33: {  	v5 =	vld.idx.msk [tilespmem:v5+s2+$0x0], $0xffff  }
0x34: {  	v6, _, _ =	vpop (xrf1)  }
0x35: {  	v6 =	vperm.xlane v6, v1  }
0x36: {  	v7, _, _ =	vpop (xrf1)  }
0x37: {  	v7 =	vmax.f32 v7, v4;
	v6 =	vmax.f32 v6, $-1.000000020e+30  }
0x38: {  	(xrf1) =	vsort.dscd.msk.f32 $0xffff, v5, v5;
	v63 =	vmax.f32 v7, v6  }
0x39: {  	v5 =	vmin.f32 v7, v6;
	(xrf1) =	vsort.dscd.msk.f32 $0xffff, v63, v63  }
0x3a: {  	(xrf1) =	vsort.dscd.msk.f32 $0xffff, v5, v5;
	_ =	sdelay $0xb  }
0x3b: {  	v5, _, _ =	vpop (xrf1)  }
0x3c: {  	v5 =	vperm.xlane v5, v1;
	v6, _, _ =	vpop (xrf1)  }
0x3d: {  	v7, _, _ =	vpop (xrf1)  }
0x3e: {  	v6 =	vmax.f32 v6, v4;
	v5 =	vmax.f32 v7, v5  }
0x3f: {  	v7 =	vmin.f32 v6, v5  }
0x40: {  	v5 =	vmax.f32 v6, v5;
	(xrf1) =	vsort.dscd.msk.f32 $0xffff, v7, v7  }
0x41: {  	(xrf1) =	vsort.dscd.msk.f32 $0xffff, v5, v5;
	_ =	sdelay $0x5  }
0x42: {  	s12 =	simm.s32 $0x2  }
0x43: {  	v6 =	vmov s12  }
0x44: {  	s12 =	simm.s32 $0x3;
	v5 =	vand.u32 $0x7F, v6  }
.LBB2_2:
0x45: {  	p0 =	sne.s32 s12, $0x7F;
	v5 =	vbroadcast v5, $0x0;
	_ =	sdelay $0x1  }
0x46: {  	v6 =	vor.u32 v2, v5  }
0x47: {  	v7 =	vor.u32 v3, v5  }
0x48: {  	s11 =	sadd.s32 $0x80, s11;
	v5 =	vor.u32 v0, v5;
	v8, _, _ =	vpop (xrf1)  }
0x49: {  	[tilespmem:s11+$0x0] =	vst v8;
	v8, _, _ =	vpop (xrf1)  }
0x4a: {  	[tilespmem:s11+$0xFFFFFFF0] =	vst v8  }
0x4b: {  	v6 =	vld.idx.msk [tilespmem:v6+s2+$0x0], $0xffff  }
0x4c: {  	v7 =	vld.idx.msk [tilespmem:v7+s2+$0x0], $0xffff  }
0x4d: {  	v5 =	vld.idx.msk [tilespmem:v5+s2+$0x0], $0xffff;
	_ =	sdelay $0x3  }
0x4e: {  	(xrf1) =	vsort.dscd.msk.f32 $0xffff, v6, v6;
	_ =	sdelay $0x1  }
0x4f: {  	(xrf1) =	vsort.dscd.msk.f32 $0xffff, v5, v5;
	_ =	sdelay $0xb  }
0x50: {  	v5, _, _ =	vpop (xrf1)  }
0x51: {  	v5 =	vperm.xlane v5, v1  }
0x52: {  	v6, _, _ =	vpop (xrf1)  }
0x53: {  	v6 =	vmax.f32 v6, v4;
	v5 =	vmax.f32 v5, $-1.000000020e+30  }
0x54: {  	v8 =	vmax.f32 v6, v5;
	(xrf1) =	vsort.dscd.msk.f32 $0xffff, v7, v7  }
0x55: {  	v5 =	vmin.f32 v6, v5;
	(xrf1) =	vsort.dscd.msk.f32 $0xffff, v8, v8  }
0x56: {  	(xrf1) =	vsort.dscd.msk.f32 $0xffff, v5, v5;
	_ =	sdelay $0xb  }
0x57: {  	v5, _, _ =	vpop (xrf1)  }
0x58: {  	v5 =	vperm.xlane v5, v1;
	v6, _, _ =	vpop (xrf1)  }
0x59: {  	v7, _, _ =	vpop (xrf1)  }
0x5a: {  	v6 =	vmax.f32 v6, v4;
	v5 =	vmax.f32 v7, v5  }
0x5b: {  	v7 =	vmax.f32 v6, v5;
	v5 =	vmin.f32 v6, v5  }
0x5c: {  	(xrf1) =	vsort.dscd.msk.f32 $0xffff, v5, v5  }
0x5d: {  	(xrf1) =	vsort.dscd.msk.f32 $0xffff, v7, v7;
	_ =	sdelay $0x3  }
.Ltmp0:
0x5e: {  	(pc) =	sbr.rel @p0 .LBB2_2-.Ltmp0, $3  }
0x5f: {  	_ =	sdelay $0x1  }
0x60: {  	v5 =	vmov s12  }
0x61: {  	s12 =	sadd.s32 $0x1, s12;
	v5 =	vand.u32 $0x7F, v5  }
0x62: {  	v5 =	vbroadcast v5, $0x0;
	_ =	sdelay $0x1  }
0x63: {  	v6 =	vor.u32 v2, v5;
	_ =	sdelay $0x1  }
0x64: {  	s11 =	sadd.s32 $0x80, s11;
	v7 =	vor.u32 v0, v5;
	v8, _, _ =	vpop (xrf1)  }
0x65: {  	[tilespmem:s11+$0x0] =	vst v8;
	v58, _, _ =	vpop (xrf1)  }
0x66: {  	[tilespmem:s11+$0xFFFFFFF0] =	vst v58  }
0x67: {  	v6 =	vld.idx.msk [tilespmem:v6+s2+$0x0], $0xffff;
	_ =	sdelay $0x1  }
0x68: {  	v7 =	vld.idx.msk [tilespmem:v7+s2+$0x0], $0xffff;
	_ =	sdelay $0x2  }
0x69: {  	(xrf1) =	vsort.dscd.msk.f32 $0xffff, v6, v6;
	_ =	sdelay $0x1  }
0x6a: {  	(xrf1) =	vsort.dscd.msk.f32 $0xffff, v7, v7;
	_ =	sdelay $0x5  }
0x6b: {  	v5 =	vor.u32 v3, v5;
	_ =	sdelay $0x4  }
0x6c: {  	v5 =	vld.idx.msk [tilespmem:v5+s2+$0x0], $0xffff  }
0x6d: {  	v6, _, _ =	vpop (xrf1)  }
0x6e: {  	v6 =	vperm.xlane v6, v1  }
0x6f: {  	v7, _, _ =	vpop (xrf1)  }
0x70: {  	v7 =	vmax.f32 v7, v4;
	v6 =	vmax.f32 v6, $-1.000000020e+30  }
0x71: {  	(xrf1) =	vsort.dscd.msk.f32 $0xffff, v5, v5;
	v59 =	vmax.f32 v7, v6  }
0x72: {  	v5 =	vmin.f32 v7, v6;
	(xrf1) =	vsort.dscd.msk.f32 $0xffff, v59, v59  }
0x73: {  	(xrf1) =	vsort.dscd.msk.f32 $0xffff, v5, v5;
	_ =	sdelay $0xb  }
0x74: {  	v5, _, _ =	vpop (xrf1)  }
0x75: {  	v5 =	vperm.xlane v5, v1;
	v6, _, _ =	vpop (xrf1)  }
0x76: {  	v7, _, _ =	vpop (xrf1)  }
0x77: {  	v6 =	vmax.f32 v6, v4;
	v5 =	vmax.f32 v7, v5  }
0x78: {  	v7 =	vmin.f32 v6, v5  }
0x79: {  	v5 =	vmax.f32 v6, v5;
	(xrf1) =	vsort.dscd.msk.f32 $0xffff, v7, v7  }
0x7a: {  	(xrf1) =	vsort.dscd.msk.f32 $0xffff, v5, v5;
	_ =	sdelay $0xc  }
0x7b: {  	s11 =	sadd.s32 $0x80, s11;
	v5, _, _ =	vpop (xrf1)  }
0x7c: {  	s12 =	simm.s32 $0x0;
	[tilespmem:s11+$0x0] =	vst v5;
	v5, _, _ =	vpop (xrf1)  }
0x7d: {  	[tilespmem:s11+$0xFFFFFFF0] =	vst v5;
	v5 =	vmov s12  }
0x7e: {  	[hbm4b:s4+s12] =	stream.linear.scatter [tilespmem:s9], [sflag:$0x1], $0x4000, $0x38;
	v5 =	vand.u32 $0x7F, v5;
	[tilespmem:$0x5800] =	vst v63  }
0x7f: {  	_ =	swait.ge [sflag:s8], $0x4000;
	v5 =	vbroadcast v5, $0x0  }
0x80: {  	[sflag:s8] =	ssyncset.done $0x0  }
0x81: {  	[sflag:s8] =	ssyncadd.s32 $0xFFFFC000;
	v6 =	vor.u32 v2, v5  }
0x82: {  	[tilespmem:s12], [sflag:$0x1] =	stream.linear.gather [hbm4b:s5+s12], $0x1800, $0x38;
	[tilespmem:$0x5800] =	vst v63  }
0x83: {  	v7 =	vor.u32 v0, v5;
	_ =	swait.ge [sflag:s8], $0x1800  }
0x84: {  	[sflag:s8] =	ssyncset.done $0x0  }
0x85: {  	[sflag:s8] =	ssyncadd.s32 $0xFFFFE800  }
0x86: {  	v6 =	vld.idx.msk [tilespmem:v6+s2+$0x0], $0xffff;
	_ =	sdelay $0x1  }
0x87: {  	v7 =	vld.idx.msk [tilespmem:v7+s2+$0x0], $0xffff;
	_ =	sdelay $0x2  }
0x88: {  	(xrf1) =	vsort.dscd.msk.f32 $0xffff, v6, v6;
	_ =	sdelay $0x1  }
0x89: {  	(xrf1) =	vsort.dscd.msk.f32 $0xffff, v7, v7;
	_ =	sdelay $0x5  }
0x8a: {  	v5 =	vor.u32 v3, v5;
	_ =	sdelay $0x4  }
0x8b: {  	v5 =	vld.idx.msk [tilespmem:v5+s2+$0x0], $0xffff  }
0x8c: {  	v6, _, _ =	vpop (xrf1)  }
0x8d: {  	v6 =	vperm.xlane v6, v1  }
0x8e: {  	v7, _, _ =	vpop (xrf1)  }
0x8f: {  	v7 =	vmax.f32 v7, v4;
	v6 =	vmax.f32 v6, $-1.000000020e+30  }
0x90: {  	(xrf1) =	vsort.dscd.msk.f32 $0xffff, v5, v5;
	v60 =	vmax.f32 v7, v6  }
0x91: {  	v5 =	vmin.f32 v7, v6;
	(xrf1) =	vsort.dscd.msk.f32 $0xffff, v60, v60  }
0x92: {  	(xrf1) =	vsort.dscd.msk.f32 $0xffff, v5, v5;
	_ =	sdelay $0xb  }
0x93: {  	v5, _, _ =	vpop (xrf1)  }
0x94: {  	v5 =	vperm.xlane v5, v1;
	v6, _, _ =	vpop (xrf1)  }
0x95: {  	v7, _, _ =	vpop (xrf1)  }
0x96: {  	v6 =	vmax.f32 v6, v4;
	v5 =	vmax.f32 v7, v5  }
0x97: {  	v7 =	vmin.f32 v6, v5  }
0x98: {  	v5 =	vmax.f32 v6, v5;
	(xrf1) =	vsort.dscd.msk.f32 $0xffff, v7, v7  }
0x99: {  	(xrf1) =	vsort.dscd.msk.f32 $0xffff, v5, v5;
	_ =	sdelay $0x5  }
0x9a: {  	s30 =	simm.s32 $0x1  }
0x9b: {  	v5 =	vmov s30  }
0x9c: {  	v5 =	vand.u32 $0x7F, v5  }
0x9d: {  	v5 =	vbroadcast v5, $0x0;
	_ =	sdelay $0x1  }
0x9e: {  	v6 =	vor.u32 v2, v5;
	_ =	sdelay $0x1  }
0x9f: {  	s11 =	simm.s32 $0x1810;
	v7 =	vor.u32 v0, v5;
	v61, _, _ =	vpop (xrf1)  }
0xa0: {  	[tilespmem:s11+$0x0] =	vst v61;
	v62, _, _ =	vpop (xrf1)  }
0xa1: {  	[tilespmem:s11+$0xFFFFFFF0] =	vst v62  }
0xa2: {  	v6 =	vld.idx.msk [tilespmem:v6+s2+$0x0], $0xffff;
	_ =	sdelay $0x1  }
0xa3: {  	v7 =	vld.idx.msk [tilespmem:v7+s2+$0x0], $0xffff;
	_ =	sdelay $0x2  }
0xa4: {  	(xrf1) =	vsort.dscd.msk.f32 $0xffff, v6, v6;
	_ =	sdelay $0x1  }
0xa5: {  	(xrf1) =	vsort.dscd.msk.f32 $0xffff, v7, v7;
	_ =	sdelay $0x5  }
0xa6: {  	v5 =	vor.u32 v3, v5;
	_ =	sdelay $0x4  }
0xa7: {  	v5 =	vld.idx.msk [tilespmem:v5+s2+$0x0], $0xffff  }
0xa8: {  	v6, _, _ =	vpop (xrf1)  }
0xa9: {  	v6 =	vperm.xlane v6, v1  }
0xaa: {  	v7, _, _ =	vpop (xrf1)  }
0xab: {  	v7 =	vmax.f32 v7, v4;
	v6 =	vmax.f32 v6, $-1.000000020e+30  }
0xac: {  	(xrf1) =	vsort.dscd.msk.f32 $0xffff, v5, v5;
	v63 =	vmax.f32 v7, v6  }
0xad: {  	v5 =	vmin.f32 v7, v6;
	(xrf1) =	vsort.dscd.msk.f32 $0xffff, v63, v63  }
0xae: {  	(xrf1) =	vsort.dscd.msk.f32 $0xffff, v5, v5;
	_ =	sdelay $0xb  }
0xaf: {  	v5, _, _ =	vpop (xrf1)  }
0xb0: {  	v5 =	vperm.xlane v5, v1;
	v6, _, _ =	vpop (xrf1)  }
0xb1: {  	v7, _, _ =	vpop (xrf1)  }
0xb2: {  	v6 =	vmax.f32 v6, v4;
	v5 =	vmax.f32 v7, v5  }
0xb3: {  	v7 =	vmin.f32 v6, v5  }
0xb4: {  	v5 =	vmax.f32 v6, v5;
	(xrf1) =	vsort.dscd.msk.f32 $0xffff, v7, v7  }
0xb5: {  	(xrf1) =	vsort.dscd.msk.f32 $0xffff, v5, v5;
	_ =	sdelay $0x5  }
0xb6: {  	s31 =	simm.s32 $0x2  }
0xb7: {  	v6 =	vmov s31  }
0xb8: {  	s12 =	simm.s32 $0x3;
	v5 =	vand.u32 $0x7F, v6  }
.LBB2_4:
0xb9: {  	p0 =	sne.s32 s12, $0x7F;
	v5 =	vbroadcast v5, $0x0;
	_ =	sdelay $0x1  }
0xba: {  	v6 =	vor.u32 v2, v5  }
0xbb: {  	v7 =	vor.u32 v3, v5  }
0xbc: {  	s11 =	sadd.s32 $0x80, s11;
	v5 =	vor.u32 v0, v5;
	v8, _, _ =	vpop (xrf1)  }
0xbd: {  	[tilespmem:s11+$0x0] =	vst v8;
	v8, _, _ =	vpop (xrf1)  }
0xbe: {  	[tilespmem:s11+$0xFFFFFFF0] =	vst v8  }
0xbf: {  	v6 =	vld.idx.msk [tilespmem:v6+s2+$0x0], $0xffff  }
0xc0: {  	v7 =	vld.idx.msk [tilespmem:v7+s2+$0x0], $0xffff  }
0xc1: {  	v5 =	vld.idx.msk [tilespmem:v5+s2+$0x0], $0xffff;
	_ =	sdelay $0x3  }
0xc2: {  	(xrf1) =	vsort.dscd.msk.f32 $0xffff, v6, v6;
	_ =	sdelay $0x1  }
0xc3: {  	(xrf1) =	vsort.dscd.msk.f32 $0xffff, v5, v5;
	_ =	sdelay $0xb  }
0xc4: {  	v5, _, _ =	vpop (xrf1)  }
0xc5: {  	v5 =	vperm.xlane v5, v1  }
0xc6: {  	v6, _, _ =	vpop (xrf1)  }
0xc7: {  	v6 =	vmax.f32 v6, v4;
	v5 =	vmax.f32 v5, $-1.000000020e+30  }
0xc8: {  	v8 =	vmax.f32 v6, v5;
	(xrf1) =	vsort.dscd.msk.f32 $0xffff, v7, v7  }
0xc9: {  	v5 =	vmin.f32 v6, v5;
	(xrf1) =	vsort.dscd.msk.f32 $0xffff, v8, v8  }
0xca: {  	(xrf1) =	vsort.dscd.msk.f32 $0xffff, v5, v5;
	_ =	sdelay $0xb  }
0xcb: {  	v5, _, _ =	vpop (xrf1)  }
0xcc: {  	v5 =	vperm.xlane v5, v1;
	v6, _, _ =	vpop (xrf1)  }
0xcd: {  	v7, _, _ =	vpop (xrf1)  }
0xce: {  	v6 =	vmax.f32 v6, v4;
	v5 =	vmax.f32 v7, v5  }
0xcf: {  	v7 =	vmax.f32 v6, v5;
	v5 =	vmin.f32 v6, v5  }
0xd0: {  	(xrf1) =	vsort.dscd.msk.f32 $0xffff, v5, v5  }
0xd1: {  	(xrf1) =	vsort.dscd.msk.f32 $0xffff, v7, v7;
	_ =	sdelay $0x3  }
.Ltmp1:
0xd2: {  	(pc) =	sbr.rel @p0 .LBB2_4-.Ltmp1, $3  }
0xd3: {  	_ =	sdelay $0x1  }
0xd4: {  	v5 =	vmov s12  }
0xd5: {  	s12 =	sadd.s32 $0x1, s12;
	v5 =	vand.u32 $0x7F, v5  }
0xd6: {  	v5 =	vbroadcast v5, $0x0;
	_ =	sdelay $0x1  }
0xd7: {  	v6 =	vor.u32 v2, v5;
	_ =	sdelay $0x1  }
0xd8: {  	s11 =	sadd.s32 $0x80, s11;
	v7 =	vor.u32 v0, v5;
	v8, _, _ =	vpop (xrf1)  }
0xd9: {  	[tilespmem:s11+$0x0] =	vst v8;
	v62, _, _ =	vpop (xrf1)  }
0xda: {  	[tilespmem:s11+$0xFFFFFFF0] =	vst v62  }
0xdb: {  	v6 =	vld.idx.msk [tilespmem:v6+s2+$0x0], $0xffff;
	_ =	sdelay $0x1  }
0xdc: {  	v7 =	vld.idx.msk [tilespmem:v7+s2+$0x0], $0xffff;
	_ =	sdelay $0x2  }
0xdd: {  	(xrf1) =	vsort.dscd.msk.f32 $0xffff, v6, v6;
	_ =	sdelay $0x1  }
0xde: {  	(xrf1) =	vsort.dscd.msk.f32 $0xffff, v7, v7;
	_ =	sdelay $0x5  }
0xdf: {  	v5 =	vor.u32 v3, v5;
	_ =	sdelay $0x4  }
0xe0: {  	v5 =	vld.idx.msk [tilespmem:v5+s2+$0x0], $0xffff  }
0xe1: {  	v6, _, _ =	vpop (xrf1)  }
0xe2: {  	v6 =	vperm.xlane v6, v1  }
0xe3: {  	v7, _, _ =	vpop (xrf1)  }
0xe4: {  	v7 =	vmax.f32 v7, v4;
	v6 =	vmax.f32 v6, $-1.000000020e+30  }
0xe5: {  	(xrf1) =	vsort.dscd.msk.f32 $0xffff, v5, v5;
	v63 =	vmax.f32 v7, v6  }
0xe6: {  	v5 =	vmin.f32 v7, v6;
	(xrf1) =	vsort.dscd.msk.f32 $0xffff, v63, v63  }
0xe7: {  	(xrf1) =	vsort.dscd.msk.f32 $0xffff, v5, v5;
	_ =	sdelay $0xb  }
0xe8: {  	v5, _, _ =	vpop (xrf1)  }
0xe9: {  	v5 =	vperm.xlane v5, v1;
	v6, _, _ =	vpop (xrf1)  }
0xea: {  	v7, _, _ =	vpop (xrf1)  }
0xeb: {  	v6 =	vmax.f32 v6, v4;
	v5 =	vmax.f32 v7, v5  }
0xec: {  	v7 =	vmin.f32 v6, v5  }
0xed: {  	v5 =	vmax.f32 v6, v5;
	(xrf1) =	vsort.dscd.msk.f32 $0xffff, v7, v7  }
0xee: {  	(xrf1) =	vsort.dscd.msk.f32 $0xffff, v5, v5;
	_ =	sdelay $0xc  }
0xef: {  	s10 =	sadd.s32 $0x1, s10;
	s11 =	sadd.s32 $0x80, s11;
	v5, _, _ =	vpop (xrf1)  }
0xf0: {  	p0 =	sne.s32 s10, s7;
	[tilespmem:s11+$0x0] =	vst v5;
	v5, _, _ =	vpop (xrf1)  }
.Ltmp2:
0xf1: {  	[tilespmem:s11+$0xFFFFFFF0] =	vst v5;
	(pc) =	sbr.rel @p0 .LBB2_1-.Ltmp2, $4  }
0xf2: {  	[hbm4b:s6+s2] =	stream.linear.scatter [tilespmem:s9], [sflag:$0x1], $0x4000, $0x38;
	[tilespmem:$0x5800] =	vst v63  }
0xf3: {  	_ =	swait.ge [sflag:s8], $0x4000  }
0xf4: {  	[sflag:s8] =	ssyncset.done $0x0  }
0xf5: {  	[sflag:s8] =	ssyncadd.s32 $0xFFFFC000  }
0xf6: {  	_ =	sfence.sel $0x180000  }
0xf7: {  	[bflag:$0x0] =	sbarrier.arrive $0xFFFF  }
0xf8: {  	p0 =	sne.s32 s1, $0x0;
	_ =	strace $0x90000047  }
0xf9: {  	s0 =	sadd.s32 @!p0 $0x100000, s0;
	[bflag:$0x2] =	sbarrier.arrive $0xFFFF  }
0xfa: {  	[sflag:s0] =	ssyncadd.tile.s32 @!p0 $0x1;
	_ =	shalt  }
.Lfunc_end2:
_tile_overlayer_lowered:
.L_overlay_start_2:
0xfb: {  	(tag) =	ssettag $0x2  }
0xfc: {  	s0 =	rddreg [dreg:$0x0];
	s2 =	stileid.u32  }
0xfd: {  	s1 =	rddreg [dreg:$0x1];
	p0 =	sne.s32 s2, $0x0  }
0xfe: {  	s3 =	rddreg [dreg:$0x2];
	[bflag:$0x3] =	sbarrier.arrive $0xFFFF;
	s2 =	simm.s32 @!p0 $0x1C01  }
0xff: {  	[timem:s3], [sflag:s2] =	dma.local @!p0 [hbm:s0], s1  }
0x100: {  	s0 =	simm.s32 @!p0 $0x1  }
0x101: {  	_ =	swait.ge @!p0 [sflag:s0], s1  }
0x102: {  	s1 =	ssub.s32 @!p0 $0x0, s1;
	[sflag:s0] =	ssyncset.done @!p0 $0x0  }
0x103: {  	[sflag:s0] =	ssyncadd.s32 @!p0 s1  }
0x104: {  	[bflag:$0x3] =	sbarrier.arrive $0xFFFF  }
0x105: {  	_ =	shalt  }

// kernel: kernel.9.cloned.1.call-start
scs
__scs_entry_jumppad:
0x0: {  	(pc) =	sbr.rel $0x88, $3  }
0x1: {  	(tag) =	ssettag $0x0;
	lr =	simm.s32 $0x1  }
0x2: {  	[smem:$0x3F9F] =	sst lr;
	_ =	strace $0xD0000000  }
0x3: {  	_ = 	snop  }
0x4: {  	_ = 	snop  }
0x5: {  	_ = 	snop  }
0x6: {  	_ = 	snop  }
0x7: {  	_ = 	snop  }
__scs_overlays_trampoline_lowered:
0x8: {  	[smem:$0x3FAE] =	sst s0  }
0x9: {  	[smem:$0x3FAF] =	sst s1  }
0xa: {  	[smem:$0x3FB0] =	sst s2  }
0xb: {  	[smem:$0x3FB1] =	sst s3  }
0xc: {  	[smem:$0x3FB2] =	sst s4  }
0xd: {  	[smem:$0x3FB3] =	sst s5  }
0xe: {  	[smem:$0x3FB4] =	sst s6  }
0xf: {  	[smem:$0x3FB5] =	sst s7  }
0x10: {  	[smem:$0x3FB6] =	sst s8  }
0x11: {  	[smem:$0x3FB7] =	sst s9;
	s0 =	simm.s32 @!p0 $0x0  }
0x12: {  	s1 =	sld [smem:$0x3F9D];
	s0 =	simm.s32 @p0 $0x1  }
0x13: {  	[smem:$0x3FB8] =	sst s0;
	s0 =	simm.s32 @!p1 $0x0  }
0x14: {  	s2 =	sld [smem:$0x3F9C];
	s0 =	simm.s32 @p1 $0x1  }
0x15: {  	[smem:$0x3FB9] =	sst s0;
	s0 =	simm.s32 @!p2 $0x0  }
0x16: {  	s3 =	sld [smem:$0x3FDB];
	s0 =	simm.s32 @p2 $0x1  }
0x17: {  	s4 =	simm.s32 $0x1BF5;
	[smem:$0x3FBB] =	sst s0  }
0x18: {  	s0 =	sld [smem:$0x3F9E];
	_ =	swait.ge [sflag:s4], $0x0  }
0x19: {  	s7 =	sld [smem:$0x3F9F]  }
0x1a: {  	s8 =	sadd.s32 $0xFFFFE003, lr  }
0x1b: {  	s9 =	sadd.s32 $0xFFFFFEF7, lr;
	s5 =	simm.s32 $0xFFFFFFFF;
	p2 =	slt.u32 s8, $0xFFFFF086  }
0x1c: {  	p1 =	slt.u32 s9, $0xF7A;
	s5 =	simm.s32 @!p2 $0x0  }
0x1d: {  	s5 =	simm.s32 @p1 $0x1;
	p0 =	seq.s32 s7, s2  }
0x1e: {  	s7 =	smul.u32 @!p0 $0xF7A, s2;
	p2 =	seq.s32 @!p0 s5, $0x0  }
0x1f: {  	s9 =	smul.u32 $0xF7A, s1;
	s8 =	simm.s32 @!p0 $0x1BF5;
	p2 =	por !p2, p0  }
0x20: {  	[sflag:s8] =	ssyncset.s32 @!p0 $0xFFFFF086;
	s6 =	sadd.s32 @!p0 s3, s7;
	s7 =	simm.s32 @!p0 $0x108  }
0x21: {  	s3 =	sadd.s32 s3, s9;
	s6 =	sadd.s32 @!p0 $0x88, s6;
	s7 =	simm.s32 @p2 $0x1082  }
0x22: {  	[simem:s7], [sflag:s8] =	dma.local @!p0 [hbm:s6], $0xF7A  }
0x23: {  	s9 =	sor.u32 $0xD0000000, s2;
	s6 =	simm.s32 $0x108;
	_ =	swait.ge @!p0 [sflag:s8], $0x0  }
0x24: {  	s3 =	sadd.s32 $0x88, s3;
	s6 =	simm.s32 @!p1 $0x1082;
	[sflag:s4] =	ssyncset.s32 $0xFFFFF086  }
0x25: {  	[simem:s6], [sflag:s4] =	dma.local [hbm:s3], $0xF7A  }
0x26: {  	[smem:$0x3F9F] =	sst s1;
	(tag) =	ssettag s2;
	_ =	strace s9  }
0x27: {  	s1 =	sld [smem:$0x3FAF]  }
0x28: {  	s2 =	sld [smem:$0x3FB0]  }
0x29: {  	s4 =	sld [smem:$0x3FB2]  }
0x2a: {  	p0 =	seq.s32 s5, $0x0;
	s5 =	sld [smem:$0x3FB3]  }
0x2b: {  	s6 =	sld [smem:$0x3FB4]  }
0x2c: {  	s7 =	sld [smem:$0x3FB5]  }
0x2d: {  	s3 =	simm.s32 $0x108;
	s8 =	sld [smem:$0x3FB6]  }
0x2e: {  	s3 =	simm.s32 @!p0 $0x1082;
	s9 =	sld [smem:$0x3FB7]  }
0x2f: {  	lr =	sadd.s32 s0, s3;
	s0 =	sld [smem:$0x3FAE]  }
0x30: {  	s3 =	sld [smem:$0x3FB1]  }
0x31: {  	[smem:$0x3FBA] =	sst s10  }
0x32: {  	s10 =	sld [smem:$0x3FB8];
	_ =	sdelay $0x3  }
0x33: {  	p0 =	seq.s32 s10, $0x1;
	s10 =	sld [smem:$0x3FBA];
	_ =	sdelay $0x3  }
0x34: {  	[smem:$0x3FBA] =	sst s10  }
0x35: {  	s10 =	sld [smem:$0x3FB9];
	_ =	sdelay $0x3  }
0x36: {  	p1 =	seq.s32 s10, $0x1;
	s10 =	sld [smem:$0x3FBA];
	_ =	sdelay $0x3  }
0x37: {  	[smem:$0x3FBA] =	sst s10  }
0x38: {  	s10 =	sld [smem:$0x3FBB]  }
0x39: {  	_ = 	snop;
	(pc) =	sbr.ind lr, $3  }
0x3a: {  	_ = 	snop  }
0x3b: {  	_ = 	snop  }
0x3c: {  	p2 =	seq.s32 s10, $0x1;
	s10 =	sld [smem:$0x3FBA]  }
0x3d: {  	_ =	shalt  }
0x3e: {  	_ =	shalt  }
0x3f: {  	_ =	shalt  }
0x40: {  	_ =	shalt  }
0x41: {  	_ =	shalt  }
0x42: {  	_ =	shalt  }
0x43: {  	_ =	shalt  }
0x44: {  	_ =	shalt  }
0x45: {  	_ =	shalt  }
0x46: {  	_ =	shalt  }
0x47: {  	_ =	shalt  }
0x48: {  	_ =	shalt  }
0x49: {  	_ =	shalt  }
0x4a: {  	_ =	shalt  }
0x4b: {  	_ =	shalt  }
0x4c: {  	_ =	shalt  }
0x4d: {  	_ =	shalt  }
0x4e: {  	_ =	shalt  }
0x4f: {  	_ =	shalt  }
0x50: {  	_ =	shalt  }
0x51: {  	_ =	shalt  }
0x52: {  	_ =	shalt  }
0x53: {  	_ =	shalt  }
0x54: {  	_ =	shalt  }
0x55: {  	_ =	shalt  }
0x56: {  	_ =	shalt  }
0x57: {  	_ =	shalt  }
0x58: {  	_ =	shalt  }
0x59: {  	_ =	shalt  }
0x5a: {  	_ =	shalt  }
0x5b: {  	_ =	shalt  }
0x5c: {  	_ =	shalt  }
0x5d: {  	_ =	shalt  }
0x5e: {  	_ =	shalt  }
0x5f: {  	_ =	shalt  }
0x60: {  	_ =	shalt  }
0x61: {  	_ =	shalt  }
0x62: {  	_ =	shalt  }
0x63: {  	_ =	shalt  }
0x64: {  	_ =	shalt  }
0x65: {  	_ =	shalt  }
0x66: {  	_ =	shalt  }
0x67: {  	_ =	shalt  }
0x68: {  	_ =	shalt  }
0x69: {  	_ =	shalt  }
0x6a: {  	_ =	shalt  }
0x6b: {  	_ =	shalt  }
0x6c: {  	_ =	shalt  }
0x6d: {  	_ =	shalt  }
0x6e: {  	_ =	shalt  }
0x6f: {  	_ =	shalt  }
0x70: {  	_ =	shalt  }
0x71: {  	_ =	shalt  }
0x72: {  	_ =	shalt  }
0x73: {  	_ =	shalt  }
0x74: {  	_ =	shalt  }
0x75: {  	_ =	shalt  }
0x76: {  	_ =	shalt  }
0x77: {  	_ =	shalt  }
0x78: {  	_ =	shalt  }
0x79: {  	_ =	shalt  }
0x7a: {  	_ =	shalt  }
0x7b: {  	_ =	shalt  }
0x7c: {  	_ =	shalt  }
0x7d: {  	_ =	shalt  }
0x7e: {  	_ =	shalt  }
0x7f: {  	_ =	shalt  }
0x80: {  	_ =	shalt  }
0x81: {  	_ =	shalt  }
0x82: {  	_ =	shalt  }
0x83: {  	_ =	shalt  }
0x84: {  	_ =	shalt  }
0x85: {  	_ =	shalt  }
0x86: {  	_ =	shalt  }
0x87: {  	_ =	shalt  }
.Lfunc_end0:
.L_simem_size_0:
called_computation.1_lowered:
.L_overlay_start_0:
0x88: {  	s2 =	sld [smem:$0x3FD9]  }
0x89: {  	s3 =	sld [smem:$0x3FFE];
	_ =	sdelay $0x1  }
0x8a: {  	s1 =	srdreg.scid  }
0x8b: {  	s0 =	sand.u32 $0x1, s1  }
0x8c: {  	s16 =	sshll.u32 s0, $0xA;
	s2 =	sadd.s32 s3, s2  }
0x8d: {  	s2 =	sadd.s32 s2, s16  }
0x8e: {  	[smem:$0x3FC6] =	sst s2  }
0x8f: {  	_ = 	snop  }
0x90: {  	(tm) =	ssettm $0x1  }
0x91: {  	s17 =	sld [smem:$0x3FFB];
	_ =	sdelay $0x3  }
0x92: {  	_ =	strace s17  }
0x93: {  	s2 =	sld [smem:$0x3FFC];
	_ =	sdelay $0x3  }
0x94: {  	_ =	strace s2  }
0x95: {  	s2 =	sld [smem:$0x3FFD];
	_ =	sdelay $0x3  }
0x96: {  	_ =	strace s2  }
0x97: {  	_ =	strace $0x8FFFFFFF  }
0x98: {  	s18 =	sld [smem:$0x3FDB];
	_ =	sdelay $0x1  }
0x99: {  	s19 =	simm.s32 $_scs_section_size  }
0x9a: {  	s4 =	simm.s32 $_size__tile_overlayer_lowered;
	s5 =	simm.s32 $_tile_overlayer_lowered  }
0x9b: {  	s22 =	simm.s32 $0x1BFF;
	s21 =	sshll.u32 s5, $0x1;
	s2 =	sadd.s32 s19, s18  }
0x9c: {  	s6 =	simm.s32 $0x0;
	s20 =	sshll.u32 s4, $0x1;
	s4 =	sadd.s32 s21, s2  }
0x9d: {  	[timem:s6], [sflag:s22] =	dma.local [hbm:s4], s20  }
0x9e: {  	_ =	swait.ge [sflag:s22], s20  }
0x9f: {  	s3 =	ssub.s32 $0x0, s20;
	[sflag:s22] =	ssyncset.done $0x0  }
0xa0: {  	[sflag:s22] =	ssyncadd.s32 s3;
	_ =	sdelay $0x1  }
0xa1: {  	s23 =	simm.s32 $0x1B8B  }
0xa2: {  	_ =	swait.ge [sflag:s23], $0x1  }
0xa3: {  	[sflag:s23] =	ssyncset.done $0x0  }
0xa4: {  	s25 =	simm.s32 $0x1B8E;
	s24 =	sld [smem:$0x3FFE];
	[sflag:s23] =	ssyncadd.s32 $0xFFFFFFFF  }
0xa5: {  	s26 =	simm.s32 $execute0_lowered;
	[smem:$0x3FD2] =	sst s25  }
0xa6: {  	s4 =	sshll.u32 s26, $0x1;
	_ =	strace $0x80000049;
	[dreg:$0x1] =	wrdreg $0xFFFFFFFF  }
0xa7: {  	s28 =	simm.s32 $_size_execute0_lowered;
	s2 =	sadd.s32 s2, s4;
	[dreg:$0x0] =	wrdreg $0x0  }
0xa8: {  	s4 =	sshll.u32 s28, $0x1;
	[dreg:$0x2] =	wrdreg s2  }
0xa9: {  	[dreg:$0x3] =	wrdreg s4  }
0xaa: {  	[dreg:$0x4] =	wrdreg $0xC0  }
0xab: {  	_ =	task [dreg:s6], $0x5FFFF  }
0xac: {  	[dreg:$0x1] =	wrdreg $0xFFFFFFFF  }
0xad: {  	[dreg:$0x0] =	wrdreg $0x60  }
0xae: {  	[dreg:$0x2] =	wrdreg s24  }
0xaf: {  	[dreg:$0x3] =	wrdreg $0x9  }
0xb0: {  	_ =	task.clear_ibuf [dreg:s6], $0x4FFFF;
	_ =	strace $0x90000049  }
0xb1: {  	s29 =	simm.s32 $0x9;
	_ =	strace $0x8000004B  }
0xb2: {  	_ =	swait.ge [sflag:s29], $0x1  }
0xb3: {  	[sflag:s29] =	ssyncadd.s32 $0xFFFFFFFF  }
0xb4: {  	_ =	strace $0x9000004B  }
0xb5: {  	_ =	sfence  }
0xb6: {  	s30 =	sld [smem:$0x0];
	_ =	sdelay $0x2  }
0xb7: {  	s31 =	sshll.u32 s1, $0xD;
	s1 =	sshrl.u32 s1, $0x2  }
0xb8: {  	s3 =	sand.u32 $0x4000, s31;
	s1 =	sadd.s32 s1, s30  }
0xb9: {  	s0 =	sor.u32 s3, s0;
	s1 =	sshll.u32 s1, $0x11  }
0xba: {  	s0 =	sor.u32 s1, s0  }
0xbb: {  	s0 =	sadd.s32 $0x8F2B, s0  }
0xbc: {  	[sflag:s0] =	ssyncadd.remote.s32 $0x1  }
0xbd: {  	_ =	sfence.sel $0xFFFF  }
0xbe: {  	[dreg:$0x0] =	wrdreg $0xFFFFFFFF;
	(pc) =	sbr.abs _section_cstart, $3  }
0xbf: {  	[dreg:$0x1] =	wrdreg $0xFFFFFFFF  }
0xc0: {  	_ =	task.clear_ibuf [dreg:s6], $0x2FFFF;
	_ =	strace $0x9FFFFFFF  }
0xc1: {  	(tm) =	ssettm $0x7FFFFFFF  }
tec
execute0_lowered:
.L_overlay_start_1:
0x0: {  	(tag) =	ssettag $0x1  }
0x1: {  	s0 =	rddreg [dreg:$0x0];
	s16 =	simm.s32 $0x0  }
0x2: {  	[smem:$0x7FF] =	sst s16;
	s9 =	sadd.s32 $0x311200, s0  }
0x3: {  	s2 =	sadd.s32 $0x321200, s0;
	_ =	strace $0x8000004A;
	[dreg:$0x2] =	wrdreg s9  }
0x4: {  	s11 =	sadd.s32 $0x30F200, s0;
	[dreg:$0x3] =	wrdreg s2  }
0x5: {  	s12 =	sadd.s32 $0x310200, s0;
	[dreg:$0x4] =	wrdreg s11  }
0x6: {  	s14 =	sadd.s32 $0x311A00, s0;
	[dreg:$0x5] =	wrdreg s12  }
0x7: {  	s15 =	sadd.s32 $0x312200, s0;
	[dreg:$0x7] =	wrdreg s14  }
0x8: {  	s17 =	sadd.s32 $0x312A00, s0;
	[dreg:$0x8] =	wrdreg s15  }
0x9: {  	s18 =	sadd.s32 $0x313200, s0;
	[dreg:$0x9] =	wrdreg s17  }
0xa: {  	s19 =	sadd.s32 $0x313A00, s0;
	[dreg:$0xa] =	wrdreg s18  }
0xb: {  	s20 =	sadd.s32 $0x314200, s0;
	[dreg:$0xb] =	wrdreg s19  }
0xc: {  	s22 =	sadd.s32 $0x315200, s0;
	[dreg:$0xc] =	wrdreg s20  }
0xd: {  	s23 =	sadd.s32 $0x315A00, s0;
	[dreg:$0xe] =	wrdreg s22  }
0xe: {  	s24 =	sadd.s32 $0x316200, s0;
	[dreg:$0xf] =	wrdreg s23  }
0xf: {  	s26 =	sadd.s32 $0x316A00, s0;
	[dreg:$0x10] =	wrdreg s24  }
0x10: {  	s8 =	sadd.s32 $0x317200, s0;
	[dreg:$0x12] =	wrdreg s26  }
0x11: {  	[dreg:$0x13] =	wrdreg s8;
	s9 =	sadd.s32 $0x317A00, s0  }
0x12: {  	s11 =	sadd.s32 $0x318A00, s0;
	[dreg:$0x14] =	wrdreg s9  }
0x13: {  	s12 =	sadd.s32 $0x319200, s0;
	[dreg:$0x16] =	wrdreg s11  }
0x14: {  	s14 =	sadd.s32 $0x31A200, s0;
	[dreg:$0x17] =	wrdreg s12  }
0x15: {  	s15 =	sadd.s32 $0x31AA00, s0;
	[dreg:$0x19] =	wrdreg s14  }
0x16: {  	s17 =	sadd.s32 $0x31B200, s0;
	[dreg:$0x1a] =	wrdreg s15  }
0x17: {  	s18 =	sadd.s32 $0x31BA00, s0;
	[dreg:$0x1b] =	wrdreg s17  }
0x18: {  	s19 =	sadd.s32 $0x31C200, s0;
	[dreg:$0x1c] =	wrdreg s18  }
0x19: {  	s20 =	sadd.s32 $0x31CA00, s0;
	[dreg:$0x1d] =	wrdreg s19  }
0x1a: {  	s22 =	sadd.s32 $0x31DA00, s0;
	[dreg:$0x1e] =	wrdreg s20  }
0x1b: {  	s1 =	srdreg.scid;
	s23 =	sadd.s32 $0x31E200, s0;
	[smem:$0x7D4] =	sst s22  }
0x1c: {  	s5 =	stileid.u32;
	s24 =	sadd.s32 $0x31EA00, s0;
	[smem:$0x7D5] =	sst s23  }
0x1d: {  	s3 =	sand.u32 $0x1, s1;
	s26 =	sadd.s32 $0x31FA00, s0;
	[smem:$0x7D6] =	sst s24  }
0x1e: {  	s10 =	sshll.u32 s3, $0x4;
	s8 =	sadd.s32 $0x320200, s0;
	[smem:$0x7D8] =	sst s26  }
0x1f: {  	s1 =	sor.u32 s5, s10;
	s10 =	sadd.s32 $0x318200, s0;
	[smem:$0x7D9] =	sst s8  }
0x20: {  	s6 =	sadd.s32 $0x314A00, s0;
	s9 =	sadd.s32 $0x320A00, s0;
	[dreg:$0x15] =	wrdreg s10  }
0x21: {  	s11 =	sadd.s32 $0x322200, s0;
	[smem:$0x7DA] =	sst s9  }
0x22: {  	s12 =	sadd.s32 $0x322A00, s0;
	[smem:$0x7DC] =	sst s11  }
0x23: {  	s14 =	sadd.s32 $0x323A00, s0;
	[smem:$0x7DD] =	sst s12  }
0x24: {  	s15 =	sadd.s32 $0x324200, s0;
	[smem:$0x7DF] =	sst s14  }
0x25: {  	s17 =	sadd.s32 $0x324A00, s0;
	[smem:$0x7E0] =	sst s15  }
0x26: {  	s18 =	sadd.s32 $0x325200, s0;
	[smem:$0x7E1] =	sst s17  }
0x27: {  	s19 =	sadd.s32 $0x325A00, s0;
	[smem:$0x7E2] =	sst s18  }
0x28: {  	s20 =	sadd.s32 $0x326200, s0;
	[smem:$0x7E3] =	sst s19  }
0x29: {  	s28 =	simm.s32 $0x880;
	s22 =	sadd.s32 $0x327200, s0;
	[smem:$0x7E4] =	sst s20  }
0x2a: {  	s29 =	simm.s32 $0x900;
	s23 =	sadd.s32 $0x327A00, s0;
	[smem:$0x7E6] =	sst s22  }
0x2b: {  	s30 =	simm.s32 $0x980;
	s24 =	sadd.s32 $0x328200, s0;
	[smem:$0x7E7] =	sst s23  }
0x2c: {  	s31 =	simm.s32 $0xA00;
	s26 =	sadd.s32 $0x329200, s0;
	[smem:$0x7E8] =	sst s24  }
0x2d: {  	s4 =	sshll.u32 s5, $0x4;
	s8 =	sadd.s32 $0x329A00, s0;
	[smem:$0x7EA] =	sst s26  }
0x2e: {  	s2 =	sand.u32 $0x70, s4;
	s10 =	sadd.s32 $0x321A00, s0;
	[smem:$0x7EB] =	sst s8  }
0x2f: {  	[dreg:$0xd] =	wrdreg s6;
	s9 =	sadd.s32 $0x32A200, s0;
	s8 =	sadd.s32 $0x32AA00, s0  }
0x30: {  	s3 =	ssub.s32 $0x2, s3;
	s11 =	sadd.s32 $0x32B200, s0;
	[smem:$0x7DB] =	sst s10  }
0x31: {  	s6 =	simm.s32 $0xC00;
	s12 =	sadd.s32 $0x32BA00, s0;
	[smem:$0x7EC] =	sst s9  }
0x32: {  	s5 =	sshll.u32 s5, $0x9;
	s14 =	sadd.s32 $0x32CA00, s0;
	[smem:$0x7ED] =	sst s8  }
0x33: {  	s2 =	sadd.s32 s2, s0;
	s15 =	sadd.s32 $0x32D200, s0;
	[smem:$0x7EE] =	sst s11  }
0x34: {  	s13 =	sshll.u32 s1, $0x9;
	s17 =	sadd.s32 $0x32DA00, s0;
	[smem:$0x7EF] =	sst s12  }
0x35: {  	s21 =	sshll.u32 s1, $0x6;
	s18 =	sadd.s32 $0x32E200, s0;
	[smem:$0x7F1] =	sst s14  }
0x36: {  	s25 =	sshll.u32 s1, $0x4;
	s19 =	sadd.s32 $0x32EA00, s0;
	[smem:$0x7F2] =	sst s15  }
0x37: {  	s5 =	sand.u32 $0x200, s5;
	s20 =	sadd.s32 $0x32F200, s0;
	[smem:$0x7F3] =	sst s17  }
0x38: {  	s22 =	sadd.s32 $0x330200, s0;
	s7 =	sand.u32 $0x3C00, s13;
	[smem:$0x7F4] =	sst s18  }
0x39: {  	s4 =	sand.u32 $0x780, s21;
	s13 =	sadd.s32 $0x319A00, s0;
	[smem:$0x7F5] =	sst s19  }
0x3a: {  	s21 =	sadd.s32 $0x31D200, s0;
	s10 =	sshrl.u32 s3, $0x1;
	[smem:$0x7F6] =	sst s20  }
0x3b: {  	[smem:$0x7F8] =	sst s22;
	s9 =	sshll.u32 s1, $0x2;
	s17 =	simm.s32 $0x2  }
0x3c: {  	s22 =	simm.s32 $0x600;
	s1 =	simm.s32 $0xC80;
	[dreg:$0x11] =	wrdreg s4  }
0x3d: {  	s8 =	simm.s32 $0xE80;
	s11 =	simm.s32 $0xF00;
	[dreg:$0x18] =	wrdreg s13  }
0x3e: {  	s12 =	simm.s32 $0xF80;
	s4 =	sand.u32 $0x180, s25;
	[dreg:$0x1f] =	wrdreg s21  }
0x3f: {  	s25 =	sadd.s32 $0x31F200, s0;
	s13 =	sadd.s32 $0x323200, s0;
	[dreg:$0x6] =	wrdreg s7  }
0x40: {  	s14 =	simm.s32 $0x9200;
	s21 =	sadd.s32 $0x326A00, s0;
	[smem:$0x7D7] =	sst s25  }
0x41: {  	s3 =	ssub.s32 s3, s10;
	s5 =	sor.u32 s5, s7;
	[smem:$0x7DE] =	sst s13  }
0x42: {  	s10 =	simm.s32 $0x1000;
	s7 =	simm.s32 $0xE00;
	[smem:$0x7E5] =	sst s21  }
0x43: {  	s18 =	simm.s32 $0x0;
	s25 =	sadd.s32 $0x328A00, s0;
	s13 =	sadd.s32 $0x32C200, s0  }
0x44: {  	v0 =	vlaneseq.u32;
	s5 =	sshrl.u32 s5, $0x3;
	s21 =	sadd.s32 $0x32FA00, s0;
	[smem:$0x7E9] =	sst s25  }
0x45: {  	v1 =	vmul.u32 $0xFFFFFFFF, v0;
	v0 =	vmul.u32 $0x80, v0;
	s2 =	sadd.s32 s4, s2;
	s26 =	smax.u32 s3, $0x1;
	[smem:$0x7F0] =	sst s13  }
0x46: {  	s3 =	simm.s32 $0xD00;
	s4 =	simm.s32 $0xD80;
	[smem:$0x7F7] =	sst s21  }
0x47: {  	v2 =	vimm.s32 $0xF;
	v1 =	vadd.s32 $0xF, v1;
	v3 =	vor.u32 $0x800, v0;
	s5 =	sadd.s32 s5, s0;
	s0 =	sadd.s32 $0x330A00, s0;
	s25 =	sadd.s32 $0x304200, s2  }
0x48: {  	v4 =	vor.u32 $0x1000, v0;
	v5 =	vor.u32 $0x1800, v0;
	v6 =	vor.u32 $0x2000, v0;
	[smem:$0x7FD] =	sst s26;
	s26 =	simm.s32 $0x800;
	s2 =	simm.s32 $0xB00  }
0x49: {  	v7 =	vor.u32 $0x2800, v0;
	v8 =	vor.u32 $0x3000, v0;
	v9 =	vor.u32 $0x3800, v0;
	s13 =	simm.s32 $0x1;
	[smem:$0x7F9] =	sst s0;
	s23 =	sadd.s32 $0x303200, s5  }
0x4a: {  	v18 =	vimm.s32 $0x0;
	v10 =	vor.u32 $0x4000, v0;
	v11 =	vor.u32 $0x4800, v0;
	s24 =	sadd.s32 $0x303A00, s5;
	[smem:$0x7FC] =	sst s25;
	s25 =	simm.s32 $0x780  }
0x4b: {  	v12 =	vor.u32 $0x5000, v0;
	v13 =	vor.u32 $0x5800, v0;
	v14 =	vor.u32 $0x6000, v0;
	s0 =	simm.s32 $0xA80;
	s5 =	simm.s32 $0xB80;
	[smem:$0x7FA] =	sst s23  }
0x4c: {  	v15 =	vor.u32 $0x6800, v0;
	v16 =	vor.u32 $0x7000, v0;
	v17 =	vor.u32 $0x7800, v0;
	[smem:$0x7FB] =	sst s24;
	s23 =	simm.s32 $0x680;
	s24 =	simm.s32 $0x700  }
.LBB2_1:
0x4d: {  	[smem:$0x7D3] =	sst s18  }
0x4e: {  	s15 =	rddreg [dreg:$0x4]  }
0x4f: {  	[tilespmem:s10], [sflag:$0x2] =	stream.linear.gather [hbm4b:s15+s16], $0x8000, $0x38;
	[tilespmem:$0x9300] =	vst v63  }
0x50: {  	_ =	swait.ge [sflag:s17], $0x8000  }
0x51: {  	[sflag:s17] =	ssyncset.done $0x0  }
0x52: {  	s15 =	simm.s32 $0x0;
	s16 =	simm.s32 $0x0;
	[sflag:s17] =	ssyncadd.s32 $0xFFFF8000  }
.LBB2_2:
0x53: {  	s17 =	sor.u32 s9, s16  }
0x54: {  	s18 =	sshll.u32 s17, $0x4  }
0x55: {  	s19 =	rddreg [dreg:$0x11];
	s18 =	sand.u32 $0x70, s18  }
0x56: {  	s20 =	rddreg [dreg:$0x2];
	s18 =	sor.u32 s19, s18  }
0x57: {  	s21 =	rddreg [dreg:$0x7];
	s19 =	simm.s32 $0x0;
	s20 =	sadd.s32 s20, s18  }
0x58: {  	[tilespmem:s19], [sflag:$0x1] =	stream.linear.gather [hbm4b:s20+s19], $0x80, $0x38;
	[tilespmem:$0x9300] =	vst v63  }
0x59: {  	s20 =	sadd.s32 s18, s21;
	s21 =	simm.s32 $0x80  }
0x5a: {  	[tilespmem:s21], [sflag:$0x1] =	stream.linear.gather [hbm4b:s20+s19], $0x80, $0x38;
	[tilespmem:$0x9300] =	vst v63  }
0x5b: {  	s21 =	rddreg [dreg:$0x8]  }
0x5c: {  	s20 =	sadd.s32 s18, s21;
	s21 =	simm.s32 $0x100  }
0x5d: {  	[tilespmem:s21], [sflag:$0x1] =	stream.linear.gather [hbm4b:s20+s19], $0x80, $0x38;
	[tilespmem:$0x9300] =	vst v63  }
0x5e: {  	s21 =	rddreg [dreg:$0x9]  }
0x5f: {  	s20 =	sadd.s32 s18, s21;
	s21 =	simm.s32 $0x180  }
0x60: {  	[tilespmem:s21], [sflag:$0x1] =	stream.linear.gather [hbm4b:s20+s19], $0x80, $0x38;
	[tilespmem:$0x9300] =	vst v63  }
0x61: {  	s21 =	rddreg [dreg:$0xa]  }
0x62: {  	s20 =	sadd.s32 s18, s21;
	s21 =	simm.s32 $0x200  }
0x63: {  	[tilespmem:s21], [sflag:$0x1] =	stream.linear.gather [hbm4b:s20+s19], $0x80, $0x38;
	[tilespmem:$0x9300] =	vst v63  }
0x64: {  	s21 =	rddreg [dreg:$0xb]  }
0x65: {  	s20 =	sadd.s32 s18, s21;
	s21 =	simm.s32 $0x280  }
0x66: {  	[tilespmem:s21], [sflag:$0x1] =	stream.linear.gather [hbm4b:s20+s19], $0x80, $0x38;
	[tilespmem:$0x9300] =	vst v63  }
0x67: {  	s21 =	rddreg [dreg:$0xc]  }
0x68: {  	s20 =	sadd.s32 s18, s21;
	s21 =	simm.s32 $0x300  }
0x69: {  	[tilespmem:s21], [sflag:$0x1] =	stream.linear.gather [hbm4b:s20+s19], $0x80, $0x38;
	[tilespmem:$0x9300] =	vst v63  }
0x6a: {  	s21 =	rddreg [dreg:$0xd]  }
0x6b: {  	s20 =	sadd.s32 s18, s21;
	s21 =	simm.s32 $0x380  }
0x6c: {  	[tilespmem:s21], [sflag:$0x1] =	stream.linear.gather [hbm4b:s20+s19], $0x80, $0x38;
	[tilespmem:$0x9300] =	vst v63  }
0x6d: {  	s21 =	rddreg [dreg:$0xe]  }
0x6e: {  	s20 =	sadd.s32 s18, s21;
	s21 =	simm.s32 $0x400  }
0x6f: {  	[tilespmem:s21], [sflag:$0x1] =	stream.linear.gather [hbm4b:s20+s19], $0x80, $0x38;
	[tilespmem:$0x9300] =	vst v63  }
0x70: {  	s21 =	rddreg [dreg:$0xf]  }
0x71: {  	s20 =	sadd.s32 s18, s21;
	s21 =	simm.s32 $0x480  }
0x72: {  	[tilespmem:s21], [sflag:$0x1] =	stream.linear.gather [hbm4b:s20+s19], $0x80, $0x38;
	[tilespmem:$0x9300] =	vst v63  }
0x73: {  	s21 =	rddreg [dreg:$0x10]  }
0x74: {  	s20 =	sadd.s32 s18, s21;
	s21 =	simm.s32 $0x500  }
0x75: {  	[tilespmem:s21], [sflag:$0x1] =	stream.linear.gather [hbm4b:s20+s19], $0x80, $0x38;
	[tilespmem:$0x9300] =	vst v63  }
0x76: {  	s21 =	rddreg [dreg:$0x12]  }
0x77: {  	s20 =	sadd.s32 s18, s21;
	s21 =	simm.s32 $0x580  }
0x78: {  	[tilespmem:s21], [sflag:$0x1] =	stream.linear.gather [hbm4b:s20+s19], $0x80, $0x38;
	[tilespmem:$0x9300] =	vst v63  }
0x79: {  	s21 =	rddreg [dreg:$0x13]  }
0x7a: {  	s20 =	sadd.s32 s18, s21;
	s21 =	rddreg [dreg:$0x14]  }
0x7b: {  	[tilespmem:s22], [sflag:$0x1] =	stream.linear.gather [hbm4b:s20+s19], $0x80, $0x38;
	[tilespmem:$0x9300] =	vst v63  }
0x7c: {  	s20 =	sadd.s32 s18, s21;
	s21 =	rddreg [dreg:$0x15]  }
0x7d: {  	[tilespmem:s23], [sflag:$0x1] =	stream.linear.gather [hbm4b:s20+s19], $0x80, $0x38;
	[tilespmem:$0x9300] =	vst v63  }
0x7e: {  	s20 =	sadd.s32 s18, s21;
	s21 =	rddreg [dreg:$0x16]  }
0x7f: {  	[tilespmem:s24], [sflag:$0x1] =	stream.linear.gather [hbm4b:s20+s19], $0x80, $0x38;
	[tilespmem:$0x9300] =	vst v63  }
0x80: {  	s20 =	sadd.s32 s18, s21;
	s21 =	rddreg [dreg:$0x17]  }
0x81: {  	[tilespmem:s25], [sflag:$0x1] =	stream.linear.gather [hbm4b:s20+s19], $0x80, $0x38;
	[tilespmem:$0x9300] =	vst v63  }
0x82: {  	s20 =	sadd.s32 s18, s21;
	s21 =	rddreg [dreg:$0x18]  }
0x83: {  	[tilespmem:s26], [sflag:$0x1] =	stream.linear.gather [hbm4b:s20+s19], $0x80, $0x38;
	[tilespmem:$0x9300] =	vst v63  }
0x84: {  	s20 =	sadd.s32 s18, s21;
	s21 =	rddreg [dreg:$0x19]  }
0x85: {  	[tilespmem:s28], [sflag:$0x1] =	stream.linear.gather [hbm4b:s20+s19], $0x80, $0x38;
	[tilespmem:$0x9300] =	vst v63  }
0x86: {  	s20 =	sadd.s32 s18, s21;
	s21 =	rddreg [dreg:$0x1a]  }
0x87: {  	[tilespmem:s29], [sflag:$0x1] =	stream.linear.gather [hbm4b:s20+s19], $0x80, $0x38;
	[tilespmem:$0x9300] =	vst v63  }
0x88: {  	s20 =	sadd.s32 s18, s21;
	s21 =	rddreg [dreg:$0x1b]  }
0x89: {  	[tilespmem:s30], [sflag:$0x1] =	stream.linear.gather [hbm4b:s20+s19], $0x80, $0x38;
	[tilespmem:$0x9300] =	vst v63  }
0x8a: {  	s20 =	sadd.s32 s18, s21;
	s21 =	rddreg [dreg:$0x1c]  }
0x8b: {  	[tilespmem:s31], [sflag:$0x1] =	stream.linear.gather [hbm4b:s20+s19], $0x80, $0x38;
	[tilespmem:$0x9300] =	vst v63  }
0x8c: {  	s20 =	sadd.s32 s18, s21;
	s21 =	rddreg [dreg:$0x1d]  }
0x8d: {  	[tilespmem:s0], [sflag:$0x1] =	stream.linear.gather [hbm4b:s20+s19], $0x80, $0x38;
	[tilespmem:$0x9300] =	vst v63  }
0x8e: {  	s20 =	sadd.s32 s18, s21;
	s21 =	rddreg [dreg:$0x1e]  }
0x8f: {  	[tilespmem:s2], [sflag:$0x1] =	stream.linear.gather [hbm4b:s20+s19], $0x80, $0x38;
	[tilespmem:$0x9300] =	vst v63  }
0x90: {  	s20 =	sadd.s32 s18, s21;
	s21 =	rddreg [dreg:$0x1f]  }
0x91: {  	[tilespmem:s5], [sflag:$0x1] =	stream.linear.gather [hbm4b:s20+s19], $0x80, $0x38;
	[tilespmem:$0x9300] =	vst v63  }
0x92: {  	s20 =	sadd.s32 s18, s21;
	s21 =	sld [smem:$0x7D4];
	_ =	sdelay $0x1  }
0x93: {  	[tilespmem:s6], [sflag:$0x1] =	stream.linear.gather [hbm4b:s20+s19], $0x80, $0x38;
	[tilespmem:$0x9300] =	vst v63  }
0x94: {  	s20 =	sadd.s32 s18, s21;
	s21 =	sld [smem:$0x7D5];
	_ =	sdelay $0x1  }
0x95: {  	[tilespmem:s1], [sflag:$0x1] =	stream.linear.gather [hbm4b:s20+s19], $0x80, $0x38;
	[tilespmem:$0x9300] =	vst v63  }
0x96: {  	s20 =	sadd.s32 s18, s21;
	s21 =	sld [smem:$0x7D6];
	_ =	sdelay $0x1  }
0x97: {  	[tilespmem:s3], [sflag:$0x1] =	stream.linear.gather [hbm4b:s20+s19], $0x80, $0x38;
	[tilespmem:$0x9300] =	vst v63  }
0x98: {  	s20 =	sadd.s32 s18, s21;
	s21 =	sld [smem:$0x7D7];
	_ =	sdelay $0x1  }
0x99: {  	[tilespmem:s4], [sflag:$0x1] =	stream.linear.gather [hbm4b:s20+s19], $0x80, $0x38;
	[tilespmem:$0x9300] =	vst v63  }
0x9a: {  	s20 =	sadd.s32 s18, s21;
	s21 =	sld [smem:$0x7D8];
	_ =	sdelay $0x1  }
0x9b: {  	[tilespmem:s7], [sflag:$0x1] =	stream.linear.gather [hbm4b:s20+s19], $0x80, $0x38;
	[tilespmem:$0x9300] =	vst v63  }
0x9c: {  	s20 =	sadd.s32 s18, s21;
	s21 =	sld [smem:$0x7D9];
	_ =	sdelay $0x1  }
0x9d: {  	[tilespmem:s8], [sflag:$0x1] =	stream.linear.gather [hbm4b:s20+s19], $0x80, $0x38;
	[tilespmem:$0x9300] =	vst v63  }
0x9e: {  	s20 =	sadd.s32 s18, s21;
	s21 =	sld [smem:$0x7DA];
	_ =	sdelay $0x1  }
0x9f: {  	[tilespmem:s11], [sflag:$0x1] =	stream.linear.gather [hbm4b:s20+s19], $0x80, $0x38;
	[tilespmem:$0x9300] =	vst v63  }
0xa0: {  	s18 =	sadd.s32 s18, s21  }
0xa1: {  	[tilespmem:s12], [sflag:$0x1] =	stream.linear.gather [hbm4b:s18+s19], $0x80, $0x38;
	[tilespmem:$0x9300] =	vst v63  }
0xa2: {  	_ =	swait.ge [sflag:s13], $0x80  }
0xa3: {  	[sflag:s13] =	ssyncset.done $0x0  }
0xa4: {  	[sflag:s13] =	ssyncadd.s32 $0xFFFFFF80  }
0xa5: {  	_ =	swait.ge [sflag:s13], $0x80  }
0xa6: {  	[sflag:s13] =	ssyncset.done $0x0  }
0xa7: {  	[sflag:s13] =	ssyncadd.s32 $0xFFFFFF80  }
0xa8: {  	_ =	swait.ge [sflag:s13], $0x80  }
0xa9: {  	[sflag:s13] =	ssyncset.done $0x0  }
0xaa: {  	[sflag:s13] =	ssyncadd.s32 $0xFFFFFF80  }
0xab: {  	_ =	swait.ge [sflag:s13], $0x80  }
0xac: {  	[sflag:s13] =	ssyncset.done $0x0  }
0xad: {  	[sflag:s13] =	ssyncadd.s32 $0xFFFFFF80  }
0xae: {  	_ =	swait.ge [sflag:s13], $0x80  }
0xaf: {  	[sflag:s13] =	ssyncset.done $0x0  }
0xb0: {  	[sflag:s13] =	ssyncadd.s32 $0xFFFFFF80  }
0xb1: {  	_ =	swait.ge [sflag:s13], $0x80  }
0xb2: {  	[sflag:s13] =	ssyncset.done $0x0  }
0xb3: {  	[sflag:s13] =	ssyncadd.s32 $0xFFFFFF80  }
0xb4: {  	_ =	swait.ge [sflag:s13], $0x80  }
0xb5: {  	[sflag:s13] =	ssyncset.done $0x0  }
0xb6: {  	[sflag:s13] =	ssyncadd.s32 $0xFFFFFF80  }
0xb7: {  	_ =	swait.ge [sflag:s13], $0x80  }
0xb8: {  	[sflag:s13] =	ssyncset.done $0x0  }
0xb9: {  	[sflag:s13] =	ssyncadd.s32 $0xFFFFFF80  }
0xba: {  	_ =	swait.ge [sflag:s13], $0x80  }
0xbb: {  	[sflag:s13] =	ssyncset.done $0x0  }
0xbc: {  	[sflag:s13] =	ssyncadd.s32 $0xFFFFFF80  }
0xbd: {  	_ =	swait.ge [sflag:s13], $0x80  }
0xbe: {  	[sflag:s13] =	ssyncset.done $0x0  }
0xbf: {  	[sflag:s13] =	ssyncadd.s32 $0xFFFFFF80  }
0xc0: {  	_ =	swait.ge [sflag:s13], $0x80  }
0xc1: {  	[sflag:s13] =	ssyncset.done $0x0  }
0xc2: {  	[sflag:s13] =	ssyncadd.s32 $0xFFFFFF80  }
0xc3: {  	_ =	swait.ge [sflag:s13], $0x80  }
0xc4: {  	[sflag:s13] =	ssyncset.done $0x0  }
0xc5: {  	[sflag:s13] =	ssyncadd.s32 $0xFFFFFF80  }
0xc6: {  	_ =	swait.ge [sflag:s13], $0x80  }
0xc7: {  	[sflag:s13] =	ssyncset.done $0x0  }
0xc8: {  	[sflag:s13] =	ssyncadd.s32 $0xFFFFFF80  }
0xc9: {  	_ =	swait.ge [sflag:s13], $0x80  }
0xca: {  	[sflag:s13] =	ssyncset.done $0x0  }
0xcb: {  	[sflag:s13] =	ssyncadd.s32 $0xFFFFFF80  }
0xcc: {  	_ =	swait.ge [sflag:s13], $0x80  }
0xcd: {  	[sflag:s13] =	ssyncset.done $0x0  }
0xce: {  	[sflag:s13] =	ssyncadd.s32 $0xFFFFFF80  }
0xcf: {  	_ =	swait.ge [sflag:s13], $0x80  }
0xd0: {  	[sflag:s13] =	ssyncset.done $0x0  }
0xd1: {  	[sflag:s13] =	ssyncadd.s32 $0xFFFFFF80  }
0xd2: {  	_ =	swait.ge [sflag:s13], $0x80  }
0xd3: {  	[sflag:s13] =	ssyncset.done $0x0  }
0xd4: {  	[sflag:s13] =	ssyncadd.s32 $0xFFFFFF80  }
0xd5: {  	_ =	swait.ge [sflag:s13], $0x80  }
0xd6: {  	[sflag:s13] =	ssyncset.done $0x0  }
0xd7: {  	[sflag:s13] =	ssyncadd.s32 $0xFFFFFF80  }
0xd8: {  	_ =	swait.ge [sflag:s13], $0x80  }
0xd9: {  	[sflag:s13] =	ssyncset.done $0x0  }
0xda: {  	[sflag:s13] =	ssyncadd.s32 $0xFFFFFF80  }
0xdb: {  	_ =	swait.ge [sflag:s13], $0x80  }
0xdc: {  	[sflag:s13] =	ssyncset.done $0x0  }
0xdd: {  	[sflag:s13] =	ssyncadd.s32 $0xFFFFFF80  }
0xde: {  	_ =	swait.ge [sflag:s13], $0x80  }
0xdf: {  	[sflag:s13] =	ssyncset.done $0x0  }
0xe0: {  	[sflag:s13] =	ssyncadd.s32 $0xFFFFFF80  }
0xe1: {  	_ =	swait.ge [sflag:s13], $0x80  }
0xe2: {  	[sflag:s13] =	ssyncset.done $0x0  }
0xe3: {  	[sflag:s13] =	ssyncadd.s32 $0xFFFFFF80  }
0xe4: {  	_ =	swait.ge [sflag:s13], $0x80  }
0xe5: {  	[sflag:s13] =	ssyncset.done $0x0  }
0xe6: {  	[sflag:s13] =	ssyncadd.s32 $0xFFFFFF80  }
0xe7: {  	_ =	swait.ge [sflag:s13], $0x80  }
0xe8: {  	[sflag:s13] =	ssyncset.done $0x0  }
0xe9: {  	[sflag:s13] =	ssyncadd.s32 $0xFFFFFF80  }
0xea: {  	_ =	swait.ge [sflag:s13], $0x80  }
0xeb: {  	[sflag:s13] =	ssyncset.done $0x0  }
0xec: {  	[sflag:s13] =	ssyncadd.s32 $0xFFFFFF80  }
0xed: {  	_ =	swait.ge [sflag:s13], $0x80  }
0xee: {  	[sflag:s13] =	ssyncset.done $0x0  }
0xef: {  	[sflag:s13] =	ssyncadd.s32 $0xFFFFFF80  }
0xf0: {  	_ =	swait.ge [sflag:s13], $0x80  }
0xf1: {  	[sflag:s13] =	ssyncset.done $0x0  }
0xf2: {  	[sflag:s13] =	ssyncadd.s32 $0xFFFFFF80  }
0xf3: {  	_ =	swait.ge [sflag:s13], $0x80  }
0xf4: {  	[sflag:s13] =	ssyncset.done $0x0  }
0xf5: {  	[sflag:s13] =	ssyncadd.s32 $0xFFFFFF80  }
0xf6: {  	_ =	swait.ge [sflag:s13], $0x80  }
0xf7: {  	[sflag:s13] =	ssyncset.done $0x0  }
0xf8: {  	[sflag:s13] =	ssyncadd.s32 $0xFFFFFF80  }
0xf9: {  	_ =	swait.ge [sflag:s13], $0x80  }
0xfa: {  	[sflag:s13] =	ssyncset.done $0x0  }
0xfb: {  	[sflag:s13] =	ssyncadd.s32 $0xFFFFFF80  }
0xfc: {  	_ =	swait.ge [sflag:s13], $0x80  }
0xfd: {  	[sflag:s13] =	ssyncset.done $0x0  }
0xfe: {  	[sflag:s13] =	ssyncadd.s32 $0xFFFFFF80  }
0xff: {  	_ =	swait.ge [sflag:s13], $0x80  }
0x100: {  	[sflag:s13] =	ssyncset.done $0x0  }
0x101: {  	s21 =	simm.s32 $0x0;
	[sflag:s13] =	ssyncadd.s32 $0xFFFFFF80  }
0x102: {  	v19 =	vld [tilespmem:s21+$0x80]  }
0x103: {  	v20 =	vld [tilespmem:s21+$0x90]  }
0x104: {  	v21 =	vld [tilespmem:$0x0]  }
0x105: {  	v22 =	vld [tilespmem:$0x10];
	_ =	sdelay $0x2  }
0x106: {  	v20 =	vperm.xlane v20, v1;
	v19 =	vperm.xlane v19, v1;
	_ =	sdelay $0x1  }
0x107: {  	v20 =	vmax.f32 v21, v20;
	v19 =	vmax.f32 v22, v19  }
0x108: {  	v21 =	vmin.f32 v20, v19  }
0x109: {  	v19 =	vmax.f32 v20, v19;
	(xrf1) =	vsort.dscd.msk.f32 $0xffff, v21, v21  }
0x10a: {  	(xrf1) =	vsort.dscd.msk.f32 $0xffff, v19, v19;
	_ =	sdelay $0x5  }
0x10b: {  	s19 =	simm.s32 $0x80  }
0x10c: {  	s18 =	simm.s32 $0x400;
	v19 =	vld [tilespmem:s19+$0x80]  }
.LBB2_3:
0x10d: {  	p0 =	sne.s32 s18, $0x3C00;
	v20 =	vld [tilespmem:s19+$0x90];
	_ =	sdelay $0x4  }
0x10e: {  	v19 =	vperm.xlane v19, v1;
	v20 =	vperm.xlane v20, v1;
	v21, _, _ =	vpop (xrf1)  }
0x10f: {  	v22, _, _ =	vpop (xrf1)  }
0x110: {  	v19 =	vmax.f32 v21, v19;
	v20 =	vmax.f32 v22, v20  }
0x111: {  	v21 =	vmax.f32 v20, v19;
	v19 =	vmin.f32 v20, v19  }
0x112: {  	(xrf1) =	vsort.dscd.msk.f32 $0xffff, v19, v19  }
0x113: {  	(xrf1) =	vsort.dscd.msk.f32 $0xffff, v21, v21;
	_ =	sdelay $0x2  }
.Ltmp0:
0x114: {  	(pc) =	sbr.rel @p0 .LBB2_3-.Ltmp0, $3  }
0x115: {  	_ =	sdelay $0x1  }
0x116: {  	s19 =	sshra.s32 s18, $0x2  }
0x117: {  	s18 =	sadd.s32 $0x200, s18;
	v19 =	vld [tilespmem:s19+$0x80]  }
0x118: {  	v20 =	vld [tilespmem:s19+$0x90];
	_ =	sdelay $0x4  }
0x119: {  	v19 =	vperm.xlane v19, v1;
	v20 =	vperm.xlane v20, v1;
	v21, _, _ =	vpop (xrf1)  }
0x11a: {  	v22, _, _ =	vpop (xrf1)  }
0x11b: {  	v19 =	vmax.f32 v21, v19;
	v20 =	vmax.f32 v22, v20  }
0x11c: {  	v21 =	vmin.f32 v20, v19  }
0x11d: {  	v19 =	vmax.f32 v20, v19;
	(xrf1) =	vsort.dscd.msk.f32 $0xffff, v21, v21  }
0x11e: {  	(xrf1) =	vsort.dscd.msk.f32 $0xffff, v19, v19;
	_ =	sdelay $0x9  }
0x11f: {  	v19 =	vmov s17  }
0x120: {  	v19 =	vand.u32 $0x7FFFFFFF, v19  }
0x121: {  	s18 =	sshll.u32 s16, $0x7;
	v47 =	vadd.s32 v0, v19  }
0x122: {  	s18 =	sand.u32 $0x3FFFFF80, s18;
	v23 =	vadd.s32 v3, v19;
	v20, _, _ =	vpop (xrf1)  }
0x123: {  	v49 =	vadd.s32 v4, v19;
	v48, _, _ =	vpop (xrf1);
	[tilespmem:s18+$0x9010] =	vst v20  }
0x124: {  	v24 =	vadd.s32 v5, v19;
	[tilespmem:s18+$0x9000] =	vst v48  }
0x125: {  	[tilespmem:$0x9200] =	vst v20;
	v20 =	vadd.s32 v6, v19  }
0x126: {  	v25 =	vadd.s32 v7, v19;
	v21 =	vld.idx.msk [tilespmem:v47+s10+$0x0], $0xffff  }
0x127: {  	v26 =	vadd.s32 v8, v19;
	v23 =	vld.idx.msk [tilespmem:v23+s10+$0x0], $0xffff  }
0x128: {  	v27 =	vadd.s32 v9, v19;
	v22 =	vld.idx.msk [tilespmem:v49+s10+$0x0], $0xffff  }
0x129: {  	v28 =	vadd.s32 v10, v19;
	v24 =	vld.idx.msk [tilespmem:v24+s10+$0x0], $0xffff  }
0x12a: {  	v29 =	vadd.s32 v11, v19;
	v20 =	vld.idx.msk [tilespmem:v20+s10+$0x0], $0xffff  }
0x12b: {  	v30 =	vadd.s32 v12, v19;
	v25 =	vld.idx.msk [tilespmem:v25+s10+$0x0], $0xffff;
	v21 =	vmax.f32 v21, $-1.000000020e+30  }
0x12c: {  	v51 =	vadd.s32 v13, v19;
	v50 =	vld.idx.msk [tilespmem:v26+s10+$0x0], $0xffff;
	v21 =	vmax.f32 v21, v23  }
0x12d: {  	v53 =	vadd.s32 v14, v19;
	v52 =	vld.idx.msk [tilespmem:v27+s10+$0x0], $0xffff;
	v21 =	vmax.f32 v21, v22  }
0x12e: {  	v55 =	vadd.s32 v15, v19;
	v54 =	vld.idx.msk [tilespmem:v28+s10+$0x0], $0xffff;
	v21 =	vmax.f32 v21, v24  }
0x12f: {  	v57 =	vadd.s32 v16, v19;
	v56 =	vld.idx.msk [tilespmem:v29+s10+$0x0], $0xffff;
	v20 =	vmax.f32 v21, v20  }
0x130: {  	v19 =	vadd.s32 v17, v19;
	v58 =	vld.idx.msk [tilespmem:v30+s10+$0x0], $0xffff;
	v20 =	vmax.f32 v20, v25  }
0x131: {  	v59 =	vld.idx.msk [tilespmem:v51+s10+$0x0], $0xffff;
	v20 =	vmax.f32 v20, v50  }
0x132: {  	v60 =	vld.idx.msk [tilespmem:v53+s10+$0x0], $0xffff;
	v20 =	vmax.f32 v20, v52  }
0x133: {  	v61 =	vld.idx.msk [tilespmem:v55+s10+$0x0], $0xffff;
	v20 =	vmax.f32 v20, v54  }
0x134: {  	v62 =	vld.idx.msk [tilespmem:v57+s10+$0x0], $0xffff;
	v20 =	vmax.f32 v20, v56  }
0x135: {  	v19 =	vld.idx.msk [tilespmem:v19+s10+$0x0], $0xffff;
	v20 =	vmax.f32 v20, v58  }
0x136: {  	v63 =	vld.idx.msk [tilespmem:v2+s14+$0x0], $0xffff;
	v20 =	vmax.f32 v20, v59  }
0x137: {  	v20 =	vmax.f32 v20, v60  }
0x138: {  	v20 =	vmax.f32 v20, v61  }
0x139: {  	v20 =	vmax.f32 v20, v62  }
0x13a: {  	v19 =	vmax.f32 v20, v19  }
0x13b: {  	vm1 =	vgt.f32 v63, $-1.000000020e+29;
	vm0 =	vge.f32 v19, v63  }
0x13c: {  	vm0 =	vmand vm1, vm0  }
0x13d: {  	v19 =	vsel vm0, $0x1, v18  }
0x13e: {  	v19 =	vor.u32 $0x80000000, v19  }
0x13f: {  	(xrf0) =	vmax.scan.msk.u32 $0xffff, v19;
	_ =	sdelay $0x5  }
0x140: {  	v19, _, _ =	vpop (xrf0)  }
0x141: {  	(v2sf) =	vpush v19, $0xF;
	_ =	sdelay $0xe  }
0x142: {  	s21 =	spop (v2sf)  }
0x143: {  	p0 =	slt.u32 s17, $0x64;
	s16 =	sadd.s32 $0x1, s16;
	s18 =	sxor.u32 $0x80000000, s21  }
0x144: {  	s18 =	simm.s32 @!p0 $0x0;
	p0 =	sne.s32 s16, $0x4  }
.Ltmp1:
0x145: {  	_ = 	snop;
	(pc) =	sbr.rel @p0 .LBB2_2-.Ltmp1, $2  }
0x146: {  	_ =	sdelay $0x2  }
0x147: {  	s15 =	sor.u32 s15, s18  }
0x148: {  	s17 =	sld [smem:$0x7FA];
	_ =	sdelay $0x1  }
0x149: {  	s16 =	simm.s32 $0x0;
	s18 =	simm.s32 $0x9000;
	s20 =	simm.s32 $0x2  }
0x14a: {  	[hbm4b:s17+s16] =	stream.linear.scatter [tilespmem:s18], [sflag:$0x2], $0x200, $0x38;
	[tilespmem:$0x9300] =	vst v63  }
0x14b: {  	_ =	swait.ge [sflag:s20], $0x200  }
0x14c: {  	[sflag:s20] =	ssyncset.done $0x0  }
0x14d: {  	s21 =	rddreg [dreg:$0x5];
	[sflag:s20] =	ssyncadd.s32 $0xFFFFFE00  }
0x14e: {  	[tilespmem:s10], [sflag:$0x2] =	stream.linear.gather [hbm4b:s21+s16], $0x8000, $0x38;
	[tilespmem:$0x9300] =	vst v63  }
0x14f: {  	_ =	swait.ge [sflag:s20], $0x8000  }
0x150: {  	[sflag:s20] =	ssyncset.done $0x0  }
0x151: {  	s17 =	simm.s32 $0x0;
	[sflag:s20] =	ssyncadd.s32 $0xFFFF8000  }
.LBB2_6:
0x152: {  	s18 =	sor.u32 s9, s17  }
0x153: {  	s19 =	sshll.u32 s18, $0x7  }
0x154: {  	s20 =	rddreg [dreg:$0x6];
	s19 =	sand.u32 $0x380, s19  }
0x155: {  	s19 =	sor.u32 s20, s19  }
0x156: {  	s21 =	rddreg [dreg:$0x3];
	s19 =	sshrl.u32 s19, $0x3  }
0x157: {  	s20 =	sadd.s32 s21, s19;
	s21 =	sld [smem:$0x7DB];
	_ =	sdelay $0x1  }
0x158: {  	[tilespmem:s16], [sflag:$0x1] =	stream.linear.gather [hbm4b:s20+s16], $0x80, $0x38;
	[tilespmem:$0x9300] =	vst v63  }
0x159: {  	s20 =	sadd.s32 s19, s21;
	s21 =	simm.s32 $0x80  }
0x15a: {  	[tilespmem:s21], [sflag:$0x1] =	stream.linear.gather [hbm4b:s20+s16], $0x80, $0x38;
	[tilespmem:$0x9300] =	vst v63  }
0x15b: {  	s21 =	sld [smem:$0x7DC];
	_ =	sdelay $0x2  }
0x15c: {  	s20 =	sadd.s32 s19, s21;
	s21 =	simm.s32 $0x100  }
0x15d: {  	[tilespmem:s21], [sflag:$0x1] =	stream.linear.gather [hbm4b:s20+s16], $0x80, $0x38;
	[tilespmem:$0x9300] =	vst v63  }
0x15e: {  	s21 =	sld [smem:$0x7DD];
	_ =	sdelay $0x2  }
0x15f: {  	s20 =	sadd.s32 s19, s21;
	s21 =	simm.s32 $0x180  }
0x160: {  	[tilespmem:s21], [sflag:$0x1] =	stream.linear.gather [hbm4b:s20+s16], $0x80, $0x38;
	[tilespmem:$0x9300] =	vst v63  }
0x161: {  	s21 =	sld [smem:$0x7DE];
	_ =	sdelay $0x2  }
0x162: {  	s20 =	sadd.s32 s19, s21;
	s21 =	simm.s32 $0x200  }
0x163: {  	[tilespmem:s21], [sflag:$0x1] =	stream.linear.gather [hbm4b:s20+s16], $0x80, $0x38;
	[tilespmem:$0x9300] =	vst v63  }
0x164: {  	s21 =	sld [smem:$0x7DF];
	_ =	sdelay $0x2  }
0x165: {  	s20 =	sadd.s32 s19, s21;
	s21 =	simm.s32 $0x280  }
0x166: {  	[tilespmem:s21], [sflag:$0x1] =	stream.linear.gather [hbm4b:s20+s16], $0x80, $0x38;
	[tilespmem:$0x9300] =	vst v63  }
0x167: {  	s21 =	sld [smem:$0x7E0];
	_ =	sdelay $0x2  }
0x168: {  	s20 =	sadd.s32 s19, s21;
	s21 =	simm.s32 $0x300  }
0x169: {  	[tilespmem:s21], [sflag:$0x1] =	stream.linear.gather [hbm4b:s20+s16], $0x80, $0x38;
	[tilespmem:$0x9300] =	vst v63  }
0x16a: {  	s21 =	sld [smem:$0x7E1];
	_ =	sdelay $0x2  }
0x16b: {  	s20 =	sadd.s32 s19, s21;
	s21 =	simm.s32 $0x380  }
0x16c: {  	[tilespmem:s21], [sflag:$0x1] =	stream.linear.gather [hbm4b:s20+s16], $0x80, $0x38;
	[tilespmem:$0x9300] =	vst v63  }
0x16d: {  	s21 =	sld [smem:$0x7E2];
	_ =	sdelay $0x2  }
0x16e: {  	s20 =	sadd.s32 s19, s21;
	s21 =	simm.s32 $0x400  }
0x16f: {  	[tilespmem:s21], [sflag:$0x1] =	stream.linear.gather [hbm4b:s20+s16], $0x80, $0x38;
	[tilespmem:$0x9300] =	vst v63  }
0x170: {  	s21 =	sld [smem:$0x7E3];
	_ =	sdelay $0x2  }
0x171: {  	s20 =	sadd.s32 s19, s21;
	s21 =	simm.s32 $0x480  }
0x172: {  	[tilespmem:s21], [sflag:$0x1] =	stream.linear.gather [hbm4b:s20+s16], $0x80, $0x38;
	[tilespmem:$0x9300] =	vst v63  }
0x173: {  	s21 =	sld [smem:$0x7E4];
	_ =	sdelay $0x2  }
0x174: {  	s20 =	sadd.s32 s19, s21;
	s21 =	simm.s32 $0x500  }
0x175: {  	[tilespmem:s21], [sflag:$0x1] =	stream.linear.gather [hbm4b:s20+s16], $0x80, $0x38;
	[tilespmem:$0x9300] =	vst v63  }
0x176: {  	s21 =	sld [smem:$0x7E5];
	_ =	sdelay $0x2  }
0x177: {  	s20 =	sadd.s32 s19, s21;
	s21 =	simm.s32 $0x580  }
0x178: {  	[tilespmem:s21], [sflag:$0x1] =	stream.linear.gather [hbm4b:s20+s16], $0x80, $0x38;
	[tilespmem:$0x9300] =	vst v63  }
0x179: {  	s21 =	sld [smem:$0x7E6];
	_ =	sdelay $0x2  }
0x17a: {  	s20 =	sadd.s32 s19, s21;
	s21 =	sld [smem:$0x7E7];
	_ =	sdelay $0x1  }
0x17b: {  	[tilespmem:s22], [sflag:$0x1] =	stream.linear.gather [hbm4b:s20+s16], $0x80, $0x38;
	[tilespmem:$0x9300] =	vst v63  }
0x17c: {  	s20 =	sadd.s32 s19, s21;
	s21 =	sld [smem:$0x7E8];
	_ =	sdelay $0x1  }
0x17d: {  	[tilespmem:s23], [sflag:$0x1] =	stream.linear.gather [hbm4b:s20+s16], $0x80, $0x38;
	[tilespmem:$0x9300] =	vst v63  }
0x17e: {  	s20 =	sadd.s32 s19, s21;
	s21 =	sld [smem:$0x7E9];
	_ =	sdelay $0x1  }
0x17f: {  	[tilespmem:s24], [sflag:$0x1] =	stream.linear.gather [hbm4b:s20+s16], $0x80, $0x38;
	[tilespmem:$0x9300] =	vst v63  }
0x180: {  	s20 =	sadd.s32 s19, s21;
	s21 =	sld [smem:$0x7EA];
	_ =	sdelay $0x1  }
0x181: {  	[tilespmem:s25], [sflag:$0x1] =	stream.linear.gather [hbm4b:s20+s16], $0x80, $0x38;
	[tilespmem:$0x9300] =	vst v63  }
0x182: {  	s20 =	sadd.s32 s19, s21;
	s21 =	sld [smem:$0x7EB];
	_ =	sdelay $0x1  }
0x183: {  	[tilespmem:s26], [sflag:$0x1] =	stream.linear.gather [hbm4b:s20+s16], $0x80, $0x38;
	[tilespmem:$0x9300] =	vst v63  }
0x184: {  	s20 =	sadd.s32 s19, s21;
	s21 =	sld [smem:$0x7EC];
	_ =	sdelay $0x1  }
0x185: {  	[tilespmem:s28], [sflag:$0x1] =	stream.linear.gather [hbm4b:s20+s16], $0x80, $0x38;
	[tilespmem:$0x9300] =	vst v63  }
0x186: {  	s20 =	sadd.s32 s19, s21;
	s21 =	sld [smem:$0x7ED];
	_ =	sdelay $0x1  }
0x187: {  	[tilespmem:s29], [sflag:$0x1] =	stream.linear.gather [hbm4b:s20+s16], $0x80, $0x38;
	[tilespmem:$0x9300] =	vst v63  }
0x188: {  	s20 =	sadd.s32 s19, s21;
	s21 =	sld [smem:$0x7EE];
	_ =	sdelay $0x1  }
0x189: {  	[tilespmem:s30], [sflag:$0x1] =	stream.linear.gather [hbm4b:s20+s16], $0x80, $0x38;
	[tilespmem:$0x9300] =	vst v63  }
0x18a: {  	s20 =	sadd.s32 s19, s21;
	s21 =	sld [smem:$0x7EF];
	_ =	sdelay $0x1  }
0x18b: {  	[tilespmem:s31], [sflag:$0x1] =	stream.linear.gather [hbm4b:s20+s16], $0x80, $0x38;
	[tilespmem:$0x9300] =	vst v63  }
0x18c: {  	s20 =	sadd.s32 s19, s21;
	s21 =	sld [smem:$0x7F0];
	_ =	sdelay $0x1  }
0x18d: {  	[tilespmem:s0], [sflag:$0x1] =	stream.linear.gather [hbm4b:s20+s16], $0x80, $0x38;
	[tilespmem:$0x9300] =	vst v63  }
0x18e: {  	s20 =	sadd.s32 s19, s21;
	s21 =	sld [smem:$0x7F1];
	_ =	sdelay $0x1  }
0x18f: {  	[tilespmem:s2], [sflag:$0x1] =	stream.linear.gather [hbm4b:s20+s16], $0x80, $0x38;
	[tilespmem:$0x9300] =	vst v63  }
0x190: {  	s20 =	sadd.s32 s19, s21;
	s21 =	sld [smem:$0x7F2];
	_ =	sdelay $0x1  }
0x191: {  	[tilespmem:s5], [sflag:$0x1] =	stream.linear.gather [hbm4b:s20+s16], $0x80, $0x38;
	[tilespmem:$0x9300] =	vst v63  }
0x192: {  	s20 =	sadd.s32 s19, s21;
	s21 =	sld [smem:$0x7F3];
	_ =	sdelay $0x1  }
0x193: {  	[tilespmem:s6], [sflag:$0x1] =	stream.linear.gather [hbm4b:s20+s16], $0x80, $0x38;
	[tilespmem:$0x9300] =	vst v63  }
0x194: {  	s20 =	sadd.s32 s19, s21;
	s21 =	sld [smem:$0x7F4];
	_ =	sdelay $0x1  }
0x195: {  	[tilespmem:s1], [sflag:$0x1] =	stream.linear.gather [hbm4b:s20+s16], $0x80, $0x38;
	[tilespmem:$0x9300] =	vst v63  }
0x196: {  	s20 =	sadd.s32 s19, s21;
	s21 =	sld [smem:$0x7F5];
	_ =	sdelay $0x1  }
0x197: {  	[tilespmem:s3], [sflag:$0x1] =	stream.linear.gather [hbm4b:s20+s16], $0x80, $0x38;
	[tilespmem:$0x9300] =	vst v63  }
0x198: {  	s20 =	sadd.s32 s19, s21;
	s21 =	sld [smem:$0x7F6];
	_ =	sdelay $0x1  }
0x199: {  	[tilespmem:s4], [sflag:$0x1] =	stream.linear.gather [hbm4b:s20+s16], $0x80, $0x38;
	[tilespmem:$0x9300] =	vst v63  }
0x19a: {  	s20 =	sadd.s32 s19, s21;
	s21 =	sld [smem:$0x7F7];
	_ =	sdelay $0x1  }
0x19b: {  	[tilespmem:s7], [sflag:$0x1] =	stream.linear.gather [hbm4b:s20+s16], $0x80, $0x38;
	[tilespmem:$0x9300] =	vst v63  }
0x19c: {  	s20 =	sadd.s32 s19, s21;
	s21 =	sld [smem:$0x7F8];
	_ =	sdelay $0x1  }
0x19d: {  	[tilespmem:s8], [sflag:$0x1] =	stream.linear.gather [hbm4b:s20+s16], $0x80, $0x38;
	[tilespmem:$0x9300] =	vst v63  }
0x19e: {  	s20 =	sadd.s32 s19, s21;
	s21 =	sld [smem:$0x7F9];
	_ =	sdelay $0x1  }
0x19f: {  	[tilespmem:s11], [sflag:$0x1] =	stream.linear.gather [hbm4b:s20+s16], $0x80, $0x38;
	[tilespmem:$0x9300] =	vst v63  }
0x1a0: {  	s19 =	sadd.s32 s19, s21  }
0x1a1: {  	[tilespmem:s12], [sflag:$0x1] =	stream.linear.gather [hbm4b:s19+s16], $0x80, $0x38;
	[tilespmem:$0x9300] =	vst v63  }
0x1a2: {  	_ =	swait.ge [sflag:s13], $0x80  }
0x1a3: {  	[sflag:s13] =	ssyncset.done $0x0  }
0x1a4: {  	[sflag:s13] =	ssyncadd.s32 $0xFFFFFF80  }
0x1a5: {  	_ =	swait.ge [sflag:s13], $0x80  }
0x1a6: {  	[sflag:s13] =	ssyncset.done $0x0  }
0x1a7: {  	[sflag:s13] =	ssyncadd.s32 $0xFFFFFF80  }
0x1a8: {  	_ =	swait.ge [sflag:s13], $0x80  }
0x1a9: {  	[sflag:s13] =	ssyncset.done $0x0  }
0x1aa: {  	[sflag:s13] =	ssyncadd.s32 $0xFFFFFF80  }
0x1ab: {  	_ =	swait.ge [sflag:s13], $0x80  }
0x1ac: {  	[sflag:s13] =	ssyncset.done $0x0  }
0x1ad: {  	[sflag:s13] =	ssyncadd.s32 $0xFFFFFF80  }
0x1ae: {  	_ =	swait.ge [sflag:s13], $0x80  }
0x1af: {  	[sflag:s13] =	ssyncset.done $0x0  }
0x1b0: {  	[sflag:s13] =	ssyncadd.s32 $0xFFFFFF80  }
0x1b1: {  	_ =	swait.ge [sflag:s13], $0x80  }
0x1b2: {  	[sflag:s13] =	ssyncset.done $0x0  }
0x1b3: {  	[sflag:s13] =	ssyncadd.s32 $0xFFFFFF80  }
0x1b4: {  	_ =	swait.ge [sflag:s13], $0x80  }
0x1b5: {  	[sflag:s13] =	ssyncset.done $0x0  }
0x1b6: {  	[sflag:s13] =	ssyncadd.s32 $0xFFFFFF80  }
0x1b7: {  	_ =	swait.ge [sflag:s13], $0x80  }
0x1b8: {  	[sflag:s13] =	ssyncset.done $0x0  }
0x1b9: {  	[sflag:s13] =	ssyncadd.s32 $0xFFFFFF80  }
0x1ba: {  	_ =	swait.ge [sflag:s13], $0x80  }
0x1bb: {  	[sflag:s13] =	ssyncset.done $0x0  }
0x1bc: {  	[sflag:s13] =	ssyncadd.s32 $0xFFFFFF80  }
0x1bd: {  	_ =	swait.ge [sflag:s13], $0x80  }
0x1be: {  	[sflag:s13] =	ssyncset.done $0x0  }
0x1bf: {  	[sflag:s13] =	ssyncadd.s32 $0xFFFFFF80  }
0x1c0: {  	_ =	swait.ge [sflag:s13], $0x80  }
0x1c1: {  	[sflag:s13] =	ssyncset.done $0x0  }
0x1c2: {  	[sflag:s13] =	ssyncadd.s32 $0xFFFFFF80  }
0x1c3: {  	_ =	swait.ge [sflag:s13], $0x80  }
0x1c4: {  	[sflag:s13] =	ssyncset.done $0x0  }
0x1c5: {  	[sflag:s13] =	ssyncadd.s32 $0xFFFFFF80  }
0x1c6: {  	_ =	swait.ge [sflag:s13], $0x80  }
0x1c7: {  	[sflag:s13] =	ssyncset.done $0x0  }
0x1c8: {  	[sflag:s13] =	ssyncadd.s32 $0xFFFFFF80  }
0x1c9: {  	_ =	swait.ge [sflag:s13], $0x80  }
0x1ca: {  	[sflag:s13] =	ssyncset.done $0x0  }
0x1cb: {  	[sflag:s13] =	ssyncadd.s32 $0xFFFFFF80  }
0x1cc: {  	_ =	swait.ge [sflag:s13], $0x80  }
0x1cd: {  	[sflag:s13] =	ssyncset.done $0x0  }
0x1ce: {  	[sflag:s13] =	ssyncadd.s32 $0xFFFFFF80  }
0x1cf: {  	_ =	swait.ge [sflag:s13], $0x80  }
0x1d0: {  	[sflag:s13] =	ssyncset.done $0x0  }
0x1d1: {  	[sflag:s13] =	ssyncadd.s32 $0xFFFFFF80  }
0x1d2: {  	_ =	swait.ge [sflag:s13], $0x80  }
0x1d3: {  	[sflag:s13] =	ssyncset.done $0x0  }
0x1d4: {  	[sflag:s13] =	ssyncadd.s32 $0xFFFFFF80  }
0x1d5: {  	_ =	swait.ge [sflag:s13], $0x80  }
0x1d6: {  	[sflag:s13] =	ssyncset.done $0x0  }
0x1d7: {  	[sflag:s13] =	ssyncadd.s32 $0xFFFFFF80  }
0x1d8: {  	_ =	swait.ge [sflag:s13], $0x80  }
0x1d9: {  	[sflag:s13] =	ssyncset.done $0x0  }
0x1da: {  	[sflag:s13] =	ssyncadd.s32 $0xFFFFFF80  }
0x1db: {  	_ =	swait.ge [sflag:s13], $0x80  }
0x1dc: {  	[sflag:s13] =	ssyncset.done $0x0  }
0x1dd: {  	[sflag:s13] =	ssyncadd.s32 $0xFFFFFF80  }
0x1de: {  	_ =	swait.ge [sflag:s13], $0x80  }
0x1df: {  	[sflag:s13] =	ssyncset.done $0x0  }
0x1e0: {  	[sflag:s13] =	ssyncadd.s32 $0xFFFFFF80  }
0x1e1: {  	_ =	swait.ge [sflag:s13], $0x80  }
0x1e2: {  	[sflag:s13] =	ssyncset.done $0x0  }
0x1e3: {  	[sflag:s13] =	ssyncadd.s32 $0xFFFFFF80  }
0x1e4: {  	_ =	swait.ge [sflag:s13], $0x80  }
0x1e5: {  	[sflag:s13] =	ssyncset.done $0x0  }
0x1e6: {  	[sflag:s13] =	ssyncadd.s32 $0xFFFFFF80  }
0x1e7: {  	_ =	swait.ge [sflag:s13], $0x80  }
0x1e8: {  	[sflag:s13] =	ssyncset.done $0x0  }
0x1e9: {  	[sflag:s13] =	ssyncadd.s32 $0xFFFFFF80  }
0x1ea: {  	_ =	swait.ge [sflag:s13], $0x80  }
0x1eb: {  	[sflag:s13] =	ssyncset.done $0x0  }
0x1ec: {  	[sflag:s13] =	ssyncadd.s32 $0xFFFFFF80  }
0x1ed: {  	_ =	swait.ge [sflag:s13], $0x80  }
0x1ee: {  	[sflag:s13] =	ssyncset.done $0x0  }
0x1ef: {  	[sflag:s13] =	ssyncadd.s32 $0xFFFFFF80  }
0x1f0: {  	_ =	swait.ge [sflag:s13], $0x80  }
0x1f1: {  	[sflag:s13] =	ssyncset.done $0x0  }
0x1f2: {  	[sflag:s13] =	ssyncadd.s32 $0xFFFFFF80  }
0x1f3: {  	_ =	swait.ge [sflag:s13], $0x80  }
0x1f4: {  	[sflag:s13] =	ssyncset.done $0x0  }
0x1f5: {  	[sflag:s13] =	ssyncadd.s32 $0xFFFFFF80  }
0x1f6: {  	_ =	swait.ge [sflag:s13], $0x80  }
0x1f7: {  	[sflag:s13] =	ssyncset.done $0x0  }
0x1f8: {  	[sflag:s13] =	ssyncadd.s32 $0xFFFFFF80  }
0x1f9: {  	_ =	swait.ge [sflag:s13], $0x80  }
0x1fa: {  	[sflag:s13] =	ssyncset.done $0x0  }
0x1fb: {  	[sflag:s13] =	ssyncadd.s32 $0xFFFFFF80  }
0x1fc: {  	_ =	swait.ge [sflag:s13], $0x80  }
0x1fd: {  	[sflag:s13] =	ssyncset.done $0x0  }
0x1fe: {  	[sflag:s13] =	ssyncadd.s32 $0xFFFFFF80  }
0x1ff: {  	_ =	swait.ge [sflag:s13], $0x80  }
0x200: {  	[sflag:s13] =	ssyncset.done $0x0  }
0x201: {  	s21 =	simm.s32 $0x0;
	[sflag:s13] =	ssyncadd.s32 $0xFFFFFF80  }
0x202: {  	v19 =	vld [tilespmem:s21+$0x80]  }
0x203: {  	v20 =	vld [tilespmem:s21+$0x90]  }
0x204: {  	v21 =	vld [tilespmem:$0x0]  }
0x205: {  	v22 =	vld [tilespmem:$0x10];
	_ =	sdelay $0x2  }
0x206: {  	v20 =	vperm.xlane v20, v1;
	v19 =	vperm.xlane v19, v1;
	_ =	sdelay $0x1  }
0x207: {  	v20 =	vmax.f32 v21, v20;
	v19 =	vmax.f32 v22, v19  }
0x208: {  	v21 =	vmin.f32 v20, v19  }
0x209: {  	v19 =	vmax.f32 v20, v19;
	(xrf1) =	vsort.dscd.msk.f32 $0xffff, v21, v21  }
0x20a: {  	(xrf1) =	vsort.dscd.msk.f32 $0xffff, v19, v19;
	_ =	sdelay $0x5  }
0x20b: {  	s20 =	simm.s32 $0x80  }
0x20c: {  	s19 =	simm.s32 $0x400;
	v19 =	vld [tilespmem:s20+$0x80]  }
.LBB2_7:
0x20d: {  	p0 =	sne.s32 s19, $0x3C00;
	v20 =	vld [tilespmem:s20+$0x90];
	_ =	sdelay $0x4  }
0x20e: {  	v19 =	vperm.xlane v19, v1;
	v20 =	vperm.xlane v20, v1;
	v21, _, _ =	vpop (xrf1)  }
0x20f: {  	v22, _, _ =	vpop (xrf1)  }
0x210: {  	v19 =	vmax.f32 v21, v19;
	v20 =	vmax.f32 v22, v20  }
0x211: {  	v21 =	vmax.f32 v20, v19;
	v19 =	vmin.f32 v20, v19  }
0x212: {  	(xrf1) =	vsort.dscd.msk.f32 $0xffff, v19, v19  }
0x213: {  	(xrf1) =	vsort.dscd.msk.f32 $0xffff, v21, v21;
	_ =	sdelay $0x2  }
.Ltmp2:
0x214: {  	(pc) =	sbr.rel @p0 .LBB2_7-.Ltmp2, $3  }
0x215: {  	_ =	sdelay $0x1  }
0x216: {  	s20 =	sshra.s32 s19, $0x2  }
0x217: {  	s19 =	sadd.s32 $0x200, s19;
	v19 =	vld [tilespmem:s20+$0x80]  }
0x218: {  	v20 =	vld [tilespmem:s20+$0x90];
	_ =	sdelay $0x4  }
0x219: {  	v19 =	vperm.xlane v19, v1;
	v20 =	vperm.xlane v20, v1;
	v21, _, _ =	vpop (xrf1)  }
0x21a: {  	v22, _, _ =	vpop (xrf1)  }
0x21b: {  	v19 =	vmax.f32 v21, v19;
	v20 =	vmax.f32 v22, v20  }
0x21c: {  	v21 =	vmin.f32 v20, v19  }
0x21d: {  	v19 =	vmax.f32 v20, v19;
	(xrf1) =	vsort.dscd.msk.f32 $0xffff, v21, v21  }
0x21e: {  	(xrf1) =	vsort.dscd.msk.f32 $0xffff, v19, v19;
	_ =	sdelay $0x9  }
0x21f: {  	v19 =	vmov s18  }
0x220: {  	v19 =	vand.u32 $0x7FFFFFFF, v19  }
0x221: {  	s19 =	sshll.u32 s17, $0x7;
	v47 =	vadd.s32 v0, v19  }
0x222: {  	s19 =	sand.u32 $0x3FFFFF80, s19;
	v23 =	vadd.s32 v3, v19;
	v20, _, _ =	vpop (xrf1)  }
0x223: {  	v49 =	vadd.s32 v4, v19;
	v48, _, _ =	vpop (xrf1);
	[tilespmem:s19+$0x9010] =	vst v20  }
0x224: {  	v24 =	vadd.s32 v5, v19;
	[tilespmem:s19+$0x9000] =	vst v48  }
0x225: {  	[tilespmem:$0x9200] =	vst v20;
	v20 =	vadd.s32 v6, v19  }
0x226: {  	v25 =	vadd.s32 v7, v19;
	v21 =	vld.idx.msk [tilespmem:v47+s10+$0x0], $0xffff  }
0x227: {  	v26 =	vadd.s32 v8, v19;
	v23 =	vld.idx.msk [tilespmem:v23+s10+$0x0], $0xffff  }
0x228: {  	v27 =	vadd.s32 v9, v19;
	v22 =	vld.idx.msk [tilespmem:v49+s10+$0x0], $0xffff  }
0x229: {  	v28 =	vadd.s32 v10, v19;
	v24 =	vld.idx.msk [tilespmem:v24+s10+$0x0], $0xffff  }
0x22a: {  	v29 =	vadd.s32 v11, v19;
	v20 =	vld.idx.msk [tilespmem:v20+s10+$0x0], $0xffff  }
0x22b: {  	v30 =	vadd.s32 v12, v19;
	v25 =	vld.idx.msk [tilespmem:v25+s10+$0x0], $0xffff;
	v21 =	vmax.f32 v21, $-1.000000020e+30  }
0x22c: {  	v51 =	vadd.s32 v13, v19;
	v50 =	vld.idx.msk [tilespmem:v26+s10+$0x0], $0xffff;
	v21 =	vmax.f32 v21, v23  }
0x22d: {  	v53 =	vadd.s32 v14, v19;
	v52 =	vld.idx.msk [tilespmem:v27+s10+$0x0], $0xffff;
	v21 =	vmax.f32 v21, v22  }
0x22e: {  	v55 =	vadd.s32 v15, v19;
	v54 =	vld.idx.msk [tilespmem:v28+s10+$0x0], $0xffff;
	v21 =	vmax.f32 v21, v24  }
0x22f: {  	v57 =	vadd.s32 v16, v19;
	v56 =	vld.idx.msk [tilespmem:v29+s10+$0x0], $0xffff;
	v20 =	vmax.f32 v21, v20  }
0x230: {  	v19 =	vadd.s32 v17, v19;
	v58 =	vld.idx.msk [tilespmem:v30+s10+$0x0], $0xffff;
	v20 =	vmax.f32 v20, v25  }
0x231: {  	v59 =	vld.idx.msk [tilespmem:v51+s10+$0x0], $0xffff;
	v20 =	vmax.f32 v20, v50  }
0x232: {  	v60 =	vld.idx.msk [tilespmem:v53+s10+$0x0], $0xffff;
	v20 =	vmax.f32 v20, v52  }
0x233: {  	v61 =	vld.idx.msk [tilespmem:v55+s10+$0x0], $0xffff;
	v20 =	vmax.f32 v20, v54  }
0x234: {  	v62 =	vld.idx.msk [tilespmem:v57+s10+$0x0], $0xffff;
	v20 =	vmax.f32 v20, v56  }
0x235: {  	v19 =	vld.idx.msk [tilespmem:v19+s10+$0x0], $0xffff;
	v20 =	vmax.f32 v20, v58  }
0x236: {  	v63 =	vld.idx.msk [tilespmem:v2+s14+$0x0], $0xffff;
	v20 =	vmax.f32 v20, v59  }
0x237: {  	v20 =	vmax.f32 v20, v60  }
0x238: {  	v20 =	vmax.f32 v20, v61  }
0x239: {  	v20 =	vmax.f32 v20, v62  }
0x23a: {  	v19 =	vmax.f32 v20, v19  }
0x23b: {  	vm1 =	vgt.f32 v63, $-1.000000020e+29;
	vm0 =	vge.f32 v19, v63  }
0x23c: {  	vm0 =	vmand vm1, vm0  }
0x23d: {  	v19 =	vsel vm0, $0x1, v18  }
0x23e: {  	v19 =	vor.u32 $0x80000000, v19  }
0x23f: {  	(xrf0) =	vmax.scan.msk.u32 $0xffff, v19;
	_ =	sdelay $0x5  }
0x240: {  	v19, _, _ =	vpop (xrf0)  }
0x241: {  	(v2sf) =	vpush v19, $0xF;
	_ =	sdelay $0xe  }
0x242: {  	s21 =	spop (v2sf)  }
0x243: {  	p0 =	slt.u32 s18, $0x64;
	s17 =	sadd.s32 $0x1, s17;
	s19 =	sxor.u32 $0x80000000, s21  }
0x244: {  	s19 =	simm.s32 @!p0 $0x0;
	p0 =	sne.s32 s17, $0x4  }
.Ltmp3:
0x245: {  	_ = 	snop;
	(pc) =	sbr.rel @p0 .LBB2_6-.Ltmp3, $2  }
0x246: {  	_ =	sdelay $0x2  }
0x247: {  	s15 =	sor.u32 s15, s19  }
0x248: {  	s17 =	sld [smem:$0x7FB];
	_ =	sdelay $0x1  }
0x249: {  	s16 =	simm.s32 $0x0;
	s18 =	simm.s32 $0x9000  }
0x24a: {  	[hbm4b:s17+s16] =	stream.linear.scatter [tilespmem:s18], [sflag:$0x2], $0x200, $0x38;
	[tilespmem:$0x9300] =	vst v63  }
0x24b: {  	s17 =	simm.s32 $0x2  }
0x24c: {  	_ =	swait.ge [sflag:s17], $0x200  }
0x24d: {  	[sflag:s17] =	ssyncset.done $0x0;
	s18 =	sld [smem:$0x7FC]  }
0x24e: {  	v19 =	vmov s15;
	[sflag:s17] =	ssyncadd.s32 $0xFFFFFE00  }
0x24f: {  	s19 =	simm.s32 $0x9280;
	[tilespmem:$0x9280] =	vst v19  }
0x250: {  	[hbm4b:s18+s16] =	stream.linear.scatter [tilespmem:s19], [sflag:$0x2], $0x80, $0x38;
	[tilespmem:$0x9300] =	vst v63  }
0x251: {  	_ =	swait.ge [sflag:s17], $0x80  }
0x252: {  	s20 =	sld [smem:$0x7D3]  }
0x253: {  	s21 =	sld [smem:$0x7FD];
	_ =	sdelay $0x1  }
0x254: {  	s18 =	sadd.s32 $0x1, s20  }
0x255: {  	p0 =	sne.s32 s18, s21  }
.Ltmp4:
0x256: {  	_ = 	snop;
	(pc) =	sbr.rel @p0 .LBB2_1-.Ltmp4, $3  }
0x257: {  	_ =	sdelay $0x1  }
0x258: {  	[sflag:s17] =	ssyncset.done $0x0  }
0x259: {  	[sflag:s17] =	ssyncadd.s32 $0xFFFFFF80  }
0x25a: {  	_ =	sfence.sel $0x180000  }
0x25b: {  	[bflag:$0x0] =	sbarrier.arrive $0xFFFF  }
0x25c: {  	_ =	strace $0x9000004A  }
0x25d: {  	s0 =	stileid.u32;
	[bflag:$0x2] =	sbarrier.arrive $0xFFFF  }
0x25e: {  	p0 =	sne.s32 s0, $0x0;
	s0 =	rddreg [dreg:$0x1]  }
0x25f: {  	s0 =	sadd.s32 @!p0 $0x100000, s0  }
0x260: {  	[sflag:s0] =	ssyncadd.tile.s32 @!p0 $0x1;
	_ =	shalt  }
.Lfunc_end2:
_tile_overlayer_lowered:
.L_overlay_start_2:
0x261: {  	(tag) =	ssettag $0x2  }
0x262: {  	s0 =	rddreg [dreg:$0x0];
	s2 =	stileid.u32  }
0x263: {  	s1 =	rddreg [dreg:$0x1];
	p0 =	sne.s32 s2, $0x0  }
0x264: {  	s3 =	rddreg [dreg:$0x2];
	[bflag:$0x3] =	sbarrier.arrive $0xFFFF;
	s2 =	simm.s32 @!p0 $0x1C02  }
0x265: {  	[timem:s3], [sflag:s2] =	dma.local @!p0 [hbm:s0], s1  }
0x266: {  	s0 =	simm.s32 @!p0 $0x2  }
0x267: {  	_ =	swait.ge @!p0 [sflag:s0], s1  }
0x268: {  	s1 =	ssub.s32 @!p0 $0x0, s1;
	[sflag:s0] =	ssyncset.done @!p0 $0x0  }
0x269: {  	[sflag:s0] =	ssyncadd.s32 @!p0 s1  }
0x26a: {  	[bflag:$0x3] =	sbarrier.arrive $0xFFFF  }
0x26b: {  	_ =	shalt  }

</sc_bundles>
